<compile_context>
chip_gen: v7x
topology: tpu7x:2x2x1
jax: 0.10.2.dev20260603
libtpu: 0.0.44.dev20260713+nightly
codegen_flags: <defaults>
</compile_context>

<pallas_src>
import functools

import jax
import jax.numpy as jnp
from jax import lax
from jax.experimental import pallas as pl
from jax.experimental.pallas import tpu as pltpu
from jax.experimental.pallas import tpu_sc as plsc

N = 10000
E = 320000
HEADS = 8
BASES = 4
IN_FEATURES = 128
HIDDEN = 128
OUT_ROUNDED = 352
OUT_TRUE = 349

NC = 2
NS = 16
NW = NC * NS
CH = 128
NPAD = 10240
EPW = NPAD
NCH = EPW // CH
EP = NW * EPW
RPW = NPAD // NS

@functools.cache
def _mesh():
    return plsc.VectorSubcoreMesh(
        core_axis_name="c", subcore_axis_name="s", num_cores=NC, num_subcores=NS
    )


@functools.cache
def _make_deg():
    @functools.partial(
        pl.kernel,
        mesh=_mesh(),
        compiler_params=pltpu.CompilerParams(use_tc_tiling_on_sc=False),
        out_type=jax.ShapeDtypeStruct((NC, NPAD), jnp.float32),
        scratch_types=[
            pltpu.VMEM((NCH, CH), jnp.int32),
            pltpu.VMEM((CH,), jnp.float32),
            pltpu.VMEM_SHARED((NPAD,), jnp.float32),
        ],
    )
    def _deg_kernel(dst_hbm, zeros_hbm, out_hbm, didx, ones_v, deg_sp):
        c = lax.axis_index("c")
        s = lax.axis_index("s")
        w = s * NC + c
        for k in range(CH // 16):
            ones_v[pl.ds(k * 16, 16)] = jnp.ones((16,), jnp.float32)
        pltpu.sync_copy(zeros_hbm.at[pl.ds(s * RPW, RPW)],
                        deg_sp.at[pl.ds(s * RPW, RPW)])
        pltpu.sync_copy(dst_hbm.at[w], didx)
        plsc.subcore_barrier()

        @pl.loop(0, NCH)
        def _edge_chunk(j):
            pltpu.sync_copy(ones_v, deg_sp.at[didx.at[j]], add=True)

        plsc.subcore_barrier()
        pltpu.sync_copy(deg_sp.at[pl.ds(s * RPW, RPW)],
                        out_hbm.at[c, pl.ds(s * RPW, RPW)])

    return _deg_kernel


NBUF = 4


@functools.cache
def _make_agg(width):
    @functools.partial(
        pl.kernel,
        mesh=_mesh(),
        compiler_params=pltpu.CompilerParams(use_tc_tiling_on_sc=False),
        out_type=jax.ShapeDtypeStruct((NC, NPAD, width), jnp.float32),
        scratch_types=[
            pltpu.VMEM((NCH, CH), jnp.int32),
            pltpu.VMEM((NCH, CH), jnp.int32),
        ]
        + [pltpu.VMEM((CH, width), jnp.float32) for _ in range(NBUF)]
        + [pltpu.SemaphoreType.DMA for _ in range(2 * NBUF)]
        + [pltpu.VMEM_SHARED((NPAD, width), jnp.float32)],
    )
    def _agg_kernel(bases_hbm, src_hbm, dst_hbm, out_hbm, sidx, didx, *rest):
        rows = rest[:NBUF]
        gsem = rest[NBUF:2 * NBUF]
        ssem = rest[2 * NBUF:3 * NBUF]
        agg_sp = rest[3 * NBUF]
        c = lax.axis_index("c")
        s = lax.axis_index("s")
        w = s * NC + c
        pltpu.sync_copy(bases_hbm.at[pl.ds(s * RPW, RPW)],
                        agg_sp.at[pl.ds(s * RPW, RPW)])
        pltpu.sync_copy(src_hbm.at[w], sidx)
        pltpu.sync_copy(dst_hbm.at[w], didx)
        plsc.subcore_barrier()

        for b in range(NBUF - 1):
            pltpu.async_copy(bases_hbm.at[sidx.at[b]], rows[b], gsem[b])

        @pl.loop(0, NCH, step=NBUF)
        def _edge_chunk(j):
            for b in range(NBUF):
                jb = j + b
                pltpu.make_async_copy(bases_hbm.at[sidx.at[jb]], rows[b],
                                      gsem[b]).wait()
                pltpu.async_copy(rows[b], agg_sp.at[didx.at[jb]], ssem[b],
                                 add=True)
                bp = (b - 1) % NBUF

                @pl.when(jb >= 1)
                def _drain_prev():
                    pltpu.make_async_copy(rows[bp], agg_sp.at[didx.at[jb - 1]],
                                          ssem[bp]).wait()

                bn = (b + NBUF - 1) % NBUF

                @pl.when(jb + NBUF - 1 < NCH)
                def _prefetch():
                    pltpu.async_copy(bases_hbm.at[sidx.at[jb + NBUF - 1]],
                                     rows[bn], gsem[bn])

        bl = (NCH - 1) % NBUF
        pltpu.make_async_copy(rows[bl], agg_sp.at[didx.at[NCH - 1]],
                              ssem[bl]).wait()
        plsc.subcore_barrier()
        pltpu.sync_copy(agg_sp.at[pl.ds(s * RPW, RPW)],
                        out_hbm.at[c, pl.ds(s * RPW, RPW)])

    return _agg_kernel


NCH1 = EP // NS // CH
BLK = 40


@functools.cache
def _make_agg_split(width):
    @functools.partial(
        pl.kernel,
        mesh=_mesh(),
        compiler_params=pltpu.CompilerParams(use_tc_tiling_on_sc=False),
        out_type=jax.ShapeDtypeStruct((NC, NPAD, width), jnp.float32),
        scratch_types=[
            pltpu.VMEM((2, BLK, CH), jnp.int32),
            pltpu.VMEM((2, BLK, CH), jnp.int32),
        ]
        + [pltpu.VMEM((CH, width), jnp.float32) for _ in range(NBUF)]
        + [pltpu.SemaphoreType.DMA for _ in range(2 * NBUF)]
        + [pltpu.SemaphoreType.DMA]
        + [pltpu.VMEM_SHARED((NPAD, width), jnp.float32)],
    )
    def _agg_kernel(bases_hbm2, src_hbm, dst_hbm, out_hbm, sidx, didx, *rest):
        rows = rest[:NBUF]
        gsem = rest[NBUF:2 * NBUF]
        ssem = rest[2 * NBUF:3 * NBUF]
        isem = rest[3 * NBUF]
        agg_sp = rest[3 * NBUF + 1]
        c = lax.axis_index("c")
        s = lax.axis_index("s")
        bases_hbm = bases_hbm2.at[c]

        def _sid(jb):
            return sidx.at[(jb // BLK) % 2, jb % BLK]

        def _did(jb):
            return didx.at[(jb // BLK) % 2, jb % BLK]

        pltpu.sync_copy(src_hbm.at[s, pl.ds(0, BLK)], sidx.at[0])
        pltpu.sync_copy(dst_hbm.at[s, pl.ds(0, BLK)], didx.at[0])
        pltpu.sync_copy(bases_hbm.at[pl.ds(s * RPW, RPW)],
                        agg_sp.at[pl.ds(s * RPW, RPW)])
        plsc.subcore_barrier()
        for b in range(NBUF - 1):
            pltpu.async_copy(bases_hbm.at[_sid(b)], rows[b], gsem[b])

        @pl.loop(0, NCH1, step=NBUF)
        def _edge_chunk(j):
            for b in range(NBUF):
                jb = j + b
                blk = jb // BLK
                off = jb - blk * BLK
                pltpu.make_async_copy(bases_hbm.at[_sid(jb)], rows[b],
                                      gsem[b]).wait()
                pltpu.async_copy(rows[b], agg_sp.at[_did(jb)], ssem[b],
                                 add=True)
                bp = (b - 1) % NBUF

                @pl.when(jb >= 1)
                def _drain_prev():
                    pltpu.make_async_copy(rows[bp], agg_sp.at[_did(jb - 1)],
                                          ssem[bp]).wait()

                @pl.when((off == 0) & (jb + BLK < NCH1))
                def _load_next_idx():
                    nb = (blk + 1) % 2
                    pltpu.async_copy(
                        src_hbm.at[s, pl.ds((blk + 1) * BLK, BLK)],
                        sidx.at[nb], isem)
                    pltpu.async_copy(
                        dst_hbm.at[s, pl.ds((blk + 1) * BLK, BLK)],
                        didx.at[nb], isem)

                @pl.when((off == BLK - NBUF) & (jb + NBUF < NCH1))
                def _wait_next_idx():
                    nb = (blk + 1) % 2
                    pltpu.make_async_copy(
                        src_hbm.at[s, pl.ds((blk + 1) * BLK, BLK)],
                        sidx.at[nb], isem).wait()
                    pltpu.make_async_copy(
                        dst_hbm.at[s, pl.ds((blk + 1) * BLK, BLK)],
                        didx.at[nb], isem).wait()

                bn = (b + NBUF - 1) % NBUF

                @pl.when(jb + NBUF - 1 < NCH1)
                def _prefetch():
                    pltpu.async_copy(bases_hbm.at[_sid(jb + NBUF - 1)],
                                     rows[bn], gsem[bn])

        bl = (NCH1 - 1) % NBUF
        pltpu.make_async_copy(rows[bl], agg_sp.at[_did(NCH1 - 1)],
                              ssem[bl]).wait()
        plsc.subcore_barrier()
        pltpu.sync_copy(agg_sp.at[pl.ds(s * RPW, RPW)],
                        out_hbm.at[c, pl.ds(s * RPW, RPW)])

    return _agg_kernel


ROWS = 512
GRID = NPAD // ROWS


def _dinv(deg_blk):
    return lax.rsqrt(1.0 + deg_blk[:, 0:1] + deg_blk[:, 1:2])


def _combine(wgt, agg, width):
    chead = width // BASES
    cols = []
    for h in range(HEADS):
        acc = wgt[:, h * BASES:h * BASES + 1] * agg[:, 0:chead]
        for b in range(1, BASES):
            acc = acc + (wgt[:, h * BASES + b:h * BASES + b + 1]
                         * agg[:, b * chead:(b + 1) * chead])
        cols.append(acc)
    return jnp.concatenate(cols, axis=1)


def _prep_body(x_ref, deg_ref, wcat_ref, bc_ref, bases_ref, wgt_ref, *, wout):
    dinv = _dinv(deg_ref[...])
    y = jnp.dot(x_ref[...], wcat_ref[...], preferred_element_type=jnp.float32)
    bases_ref[...] = y[:, :wout] * dinv
    wgt_ref[...] = y[:, wout:] + bc_ref[...]


def _mid_body(agg0_ref, agg1_ref, bases_ref, wgt_ref, deg_ref, bias_ref,
              wcat_ref, bc_ref, *out_refs, wprev, wnext, stacked=False):
    dinv = _dinv(deg_ref[...])
    agg = (agg0_ref[...] + agg1_ref[...] - bases_ref[...]) * dinv
    h = _combine(wgt_ref[...], agg, wprev) + bias_ref[...]
    h = jnp.maximum(h, 0.0)
    y = jnp.dot(h, wcat_ref[...], preferred_element_type=jnp.float32)
    off = 0
    if stacked:
        w = wnext[0]
        for i in range(len(wnext)):
            out_refs[0][i] = y[:, off:off + w] * dinv
            off += w
        out_refs[-1][...] = y[:, off:] + bc_ref[...]
        return
    for ref, w in zip(out_refs[:-1], wnext):
        ref[...] = y[:, off:off + w] * dinv
        off += w
    out_refs[-1][...] = y[:, off:] + bc_ref[...]


def _final_body(agga_ref, aggb_ref, wgt_ref, deg_ref, bias_ref, out_ref):
    dinv = _dinv(deg_ref[...])
    agg = jnp.concatenate([agga_ref[...], aggb_ref[:, :80]], axis=1) * dinv
    h = _combine(wgt_ref[...], agg, 176) + bias_ref[...]
    col = lax.broadcasted_iota(jnp.int32, (ROWS, OUT_ROUNDED), 1)
    hm = jnp.where(col < OUT_TRUE, h, -jnp.inf)
    m = jnp.max(hm, axis=1, keepdims=True)
    ssum = jnp.sum(jnp.exp(hm - m), axis=1, keepdims=True)
    out_ref[...] = (h - m) - jnp.log(ssum)


def _row_spec(width):
    return pl.BlockSpec((ROWS, width), lambda i: (i, 0))


def _full_spec(r, c):
    return pl.BlockSpec((r, c), lambda i: (0, 0))


def _tc_prep(xp, degT, wcat, bc, wout):
    return pl.pallas_call(
        functools.partial(_prep_body, wout=wout),
        grid=(GRID,),
        in_specs=[
            _row_spec(IN_FEATURES),
            _row_spec(2),
            _full_spec(*wcat.shape),
            _full_spec(1, HEADS * BASES),
        ],
        out_specs=[_row_spec(wout), _row_spec(HEADS * BASES)],
        out_shape=[
            jax.ShapeDtypeStruct((NPAD, wout), jnp.float32),
            jax.ShapeDtypeStruct((NPAD, HEADS * BASES), jnp.float32),
        ],
    )(xp, degT, wcat, bc)


def _tc_mid(agg0, agg1, bases, wgt, degT, bias, wcat, bc, wprev, cout, wnext,
            stacked=False):
    if stacked:
        out_specs = [pl.BlockSpec((len(wnext), ROWS, wnext[0]),
                                  lambda i: (0, i, 0)),
                     _row_spec(HEADS * BASES)]
        out_shape = [jax.ShapeDtypeStruct((len(wnext), NPAD, wnext[0]),
                                          jnp.float32),
                     jax.ShapeDtypeStruct((NPAD, HEADS * BASES), jnp.float32)]
    else:
        out_specs = [_row_spec(w) for w in wnext] + [_row_spec(HEADS * BASES)]
        out_shape = ([jax.ShapeDtypeStruct((NPAD, w), jnp.float32)
                      for w in wnext]
                     + [jax.ShapeDtypeStruct((NPAD, HEADS * BASES),
                                             jnp.float32)])
    return pl.pallas_call(
        functools.partial(_mid_body, wprev=wprev, wnext=wnext,
                          stacked=stacked),
        grid=(GRID,),
        in_specs=[
            _row_spec(wprev),
            _row_spec(wprev),
            _row_spec(wprev),
            _row_spec(HEADS * BASES),
            _row_spec(2),
            _full_spec(1, cout),
            _full_spec(*wcat.shape),
            _full_spec(1, HEADS * BASES),
        ],
        out_specs=out_specs,
        out_shape=out_shape,
    )(agg0, agg1, bases, wgt, degT, bias, wcat, bc)


def _tc_final(agga, aggb, wgt, degT, bias):
    return pl.pallas_call(
        _final_body,
        grid=(GRID,),
        in_specs=[
            _row_spec(96),
            _row_spec(96),
            _row_spec(HEADS * BASES),
            _row_spec(2),
            _full_spec(1, OUT_ROUNDED),
        ],
        out_specs=[_row_spec(OUT_ROUNDED)],
        out_shape=[jax.ShapeDtypeStruct((NPAD, OUT_ROUNDED), jnp.float32)],
    )(agga, aggb, wgt, degT, bias)[0]


def kernel(x, edge_index, Wb0, Wc0, bc0, b0, Wb1, Wc1, bc1, b1, Wb2, Wc2, bc2, b2):
    f32 = jnp.float32
    pad = N + (jnp.arange(EP - E, dtype=jnp.int32) % (NPAD - N))
    srcR = jnp.concatenate([edge_index[0], pad]).reshape(NW, NCH, CH)
    dstR = jnp.concatenate([edge_index[1], pad]).reshape(NW, NCH, CH)
    zeros1 = jnp.zeros((NPAD,), f32)
    xp = jnp.pad(x, ((0, NPAD - N), (0, 0)))

    deg = _make_deg()(dstR, zeros1)
    degT = jnp.transpose(deg)

    wcat0 = jnp.concatenate([Wb0, Wc0], axis=1)
    wcat1 = jnp.concatenate([Wb1, Wc1], axis=1)
    wcat2 = jnp.concatenate(
        [Wb2, jnp.zeros((HIDDEN, 16), f32), Wc2], axis=1)

    bases0, wgt0 = _tc_prep(xp, degT, wcat0, bc0.reshape(1, -1), 64)
    ag = _make_agg(64)(bases0, srcR, dstR)
    bases1, wgt1 = _tc_mid(ag[0], ag[1], bases0, wgt0, degT, b0.reshape(1, -1),
                           wcat1, bc1.reshape(1, -1), 64, HIDDEN, (64,))
    ag = _make_agg(64)(bases1, srcR, dstR)
    bases2, wgt2 = _tc_mid(
        ag[0], ag[1], bases1, wgt1, degT, b1.reshape(1, -1),
        wcat2, bc2.reshape(1, -1), 64, HIDDEN, (96, 96), stacked=True)
    srcR1 = srcR.reshape(NS, NCH1, CH)
    dstR1 = dstR.reshape(NS, NCH1, CH)
    ag2 = _make_agg_split(96)(bases2, srcR1, dstR1)
    out = _tc_final(ag2[0], ag2[1], wgt2, degT, b2.reshape(1, -1))
    return out[:N, :OUT_TRUE]

# --- scband reference (transcript-rebuilt; emitter-appended) ---
"""Pipeline reference for scband-egc-4398046511486 (READ-ONLY COPY).

The authoritative reference and input builder live on the scoring server;
editing this copy changes nothing except your own understanding.
"""

import jax, jax.numpy as jnp
import numpy as np

N = 10000
E = 320000
IN_FEATURES = 128
HIDDEN = 128
OUT_ROUNDED = 352
OUT_TRUE = 349
HEADS = 8
BASES = 4


def setup_inputs(seed: int = 0):
    key = jax.random.key(seed)
    ks = jax.random.split(key, 16)
    inp = {}
    inp["x"] = jax.random.normal(ks[0], (N, IN_FEATURES), dtype=jnp.float32)
    inp["edge_index"] = jax.random.randint(ks[1], (2, E), 0, N, dtype=jnp.int32)
    dims = [(IN_FEATURES, HIDDEN), (HIDDEN, HIDDEN), (HIDDEN, OUT_ROUNDED)]
    for i, (cin, cout) in enumerate(dims):
        inp[f"Wb{i}"] = jax.random.normal(ks[2 + 4 * i], (cin, (cout // HEADS) * BASES), dtype=jnp.float32) * 0.05
        inp[f"Wc{i}"] = jax.random.normal(ks[3 + 4 * i], (cin, HEADS * BASES), dtype=jnp.float32) * 0.05
        inp[f"bc{i}"] = jnp.zeros((HEADS * BASES,), dtype=jnp.float32)
        inp[f"b{i}"] = jnp.zeros((cout,), dtype=jnp.float32)
    return inp


def _egconv(x, src, dst, norm, Wb, Wc, bc, bias, cout):
    n = x.shape[0]
    bases = x @ Wb  # [N, (cout//H)*B]
    weightings = x @ Wc + bc  # [N, H*B] (single aggregator: symnorm)
    msg = jnp.take(bases, src, axis=0) * norm[:, None]
    agg = jnp.zeros((n, bases.shape[1]), bases.dtype).at[dst].add(msg)
    w = weightings.reshape(n, HEADS, BASES)
    a = agg.reshape(n, BASES, cout // HEADS)
    out = jnp.matmul(w, a).reshape(n, cout)
    return out + bias


def reference(x, edge_index, Wb0, Wc0, bc0, b0, Wb1, Wc1, bc1, b1, Wb2, Wc2, bc2, b2):
    n = x.shape[0]
    loop = jnp.arange(n, dtype=edge_index.dtype)
    src = jnp.concatenate([edge_index[0], loop])
    dst = jnp.concatenate([edge_index[1], loop])
    # gcn symnorm with self-loops (EGConv default add_self_loops=True, cached norm)
    deg = jnp.zeros((n,), jnp.float32).at[dst].add(1.0)
    dinv = jnp.where(deg > 0, 1.0 / jnp.sqrt(deg), 0.0)
    norm = dinv[src] * dinv[dst]
    h = _egconv(x, src, dst, norm, Wb0, Wc0, bc0, b0, HIDDEN)
    h = jax.nn.relu(h)  # dropout p=0.0 / eval mode -> identity
    h = _egconv(h, src, dst, norm, Wb1, Wc1, bc1, b1, HIDDEN)
    h = jax.nn.relu(h)
    h = _egconv(h, src, dst, norm, Wb2, Wc2, bc2, b2, OUT_ROUNDED)
    h = h[:, :OUT_TRUE]
    return jax.nn.log_softmax(h, axis=-1)

if __name__ == "__main__":
    import jax
    _d = setup_inputs()
    print(jax.jit(kernel)(*tuple(_d.values())))

</pallas_src>

<mosaic_0001>
#map = affine_map<(d0, d1) -> (0, 0, 0)>
#map1 = affine_map<(d0, d1) -> (0)>
#map2 = affine_map<(d0, d1) -> (0, 0)>
module attributes {stable_mosaic.version = 14 : i64} {
  func.func @_deg_kernel(%arg0: i32, %arg1: i32, %arg2: memref<32x80x128xi32, #tpu.memory_space<hbm>>, %arg3: memref<10240xf32, #tpu.memory_space<hbm>>, %arg4: memref<2x10240xf32, #tpu.memory_space<hbm>>, %arg5: memref<80x128xi32, #tpu.memory_space<vmem>>, %arg6: memref<128xf32, #tpu.memory_space<vmem>>, %arg7: memref<10240xf32, #tpu.memory_space<vmem_shared>>) attributes {dimension_semantics = [#tpu.dimension_semantics<core_parallel>, #tpu.dimension_semantics<subcore_parallel>], iteration_bounds = array<i64: 2, 16>, scalar_prefetch = 0 : i64, scratch_operands = 3 : i64, tpu.core_type = #tpu.core_type<sc_vector_subcore>, window_params = [{transform_indices = #map}, {transform_indices = #map1}, {transform_indices = #map2}]} {
    %mul3A = arith.constant 2 : i32
    %mul3A_0 = arith.muli %arg1, %mul3A : i32
    %add3A = arith.addi %mul3A_0, %arg0 : i32
    %broadcast_in_dim3A = arith.constant 1.000000e+00 : f32
    %broadcast_in_dim3A_1 = vector.broadcast %broadcast_in_dim3A : f32 to vector<16xf32>
    %swap3A = arith.constant 0 : index
    %swap3A_2 = tpu.vector_load %arg6[%swap3A] {strides = array<i32>} : memref<128xf32, #tpu.memory_space<vmem>>, vector<16xf32>,
    %swap3A_3 = vector.shape_cast %swap3A_2 : vector<16xf32> to vector<16xf32>
    %swap3A_4 = vector.shape_cast %broadcast_in_dim3A_1 : vector<16xf32> to vector<16xf32>
    tpu.vector_store %arg6[%swap3A], %swap3A_4 {strides = array<i32>} : memref<128xf32, #tpu.memory_space<vmem>>, vector<16xf32>,
    %broadcast_in_dim3A_5 = arith.constant 1.000000e+00 : f32
    %broadcast_in_dim3A_6 = vector.broadcast %broadcast_in_dim3A_5 : f32 to vector<16xf32>
    %swap3A_7 = arith.constant 16 : index
    %swap3A_8 = tpu.vector_load %arg6[%swap3A_7] {strides = array<i32>} : memref<128xf32, #tpu.memory_space<vmem>>, vector<16xf32>,
    %swap3A_9 = vector.shape_cast %swap3A_8 : vector<16xf32> to vector<16xf32>
    %swap3A_10 = vector.shape_cast %broadcast_in_dim3A_6 : vector<16xf32> to vector<16xf32>
    tpu.vector_store %arg6[%swap3A_7], %swap3A_10 {strides = array<i32>} : memref<128xf32, #tpu.memory_space<vmem>>, vector<16xf32>,
    %broadcast_in_dim3A_11 = arith.constant 1.000000e+00 : f32
    %broadcast_in_dim3A_12 = vector.broadcast %broadcast_in_dim3A_11 : f32 to vector<16xf32>
    %swap3A_13 = arith.constant 32 : index
    %swap3A_14 = tpu.vector_load %arg6[%swap3A_13] {strides = array<i32>} : memref<128xf32, #tpu.memory_space<vmem>>, vector<16xf32>,
    %swap3A_15 = vector.shape_cast %swap3A_14 : vector<16xf32> to vector<16xf32>
    %swap3A_16 = vector.shape_cast %broadcast_in_dim3A_12 : vector<16xf32> to vector<16xf32>
    tpu.vector_store %arg6[%swap3A_13], %swap3A_16 {strides = array<i32>} : memref<128xf32, #tpu.memory_space<vmem>>, vector<16xf32>,
    %broadcast_in_dim3A_17 = arith.constant 1.000000e+00 : f32
    %broadcast_in_dim3A_18 = vector.broadcast %broadcast_in_dim3A_17 : f32 to vector<16xf32>
    %swap3A_19 = arith.constant 48 : index
    %swap3A_20 = tpu.vector_load %arg6[%swap3A_19] {strides = array<i32>} : memref<128xf32, #tpu.memory_space<vmem>>, vector<16xf32>,
    %swap3A_21 = vector.shape_cast %swap3A_20 : vector<16xf32> to vector<16xf32>
    %swap3A_22 = vector.shape_cast %broadcast_in_dim3A_18 : vector<16xf32> to vector<16xf32>
    tpu.vector_store %arg6[%swap3A_19], %swap3A_22 {strides = array<i32>} : memref<128xf32, #tpu.memory_space<vmem>>, vector<16xf32>,
    %broadcast_in_dim3A_23 = arith.constant 1.000000e+00 : f32
    %broadcast_in_dim3A_24 = vector.broadcast %broadcast_in_dim3A_23 : f32 to vector<16xf32>
    %swap3A_25 = arith.constant 64 : index
    %swap3A_26 = tpu.vector_load %arg6[%swap3A_25] {strides = array<i32>} : memref<128xf32, #tpu.memory_space<vmem>>, vector<16xf32>,
    %swap3A_27 = vector.shape_cast %swap3A_26 : vector<16xf32> to vector<16xf32>
    %swap3A_28 = vector.shape_cast %broadcast_in_dim3A_24 : vector<16xf32> to vector<16xf32>
    tpu.vector_store %arg6[%swap3A_25], %swap3A_28 {strides = array<i32>} : memref<128xf32, #tpu.memory_space<vmem>>, vector<16xf32>,
    %broadcast_in_dim3A_29 = arith.constant 1.000000e+00 : f32
    %broadcast_in_dim3A_30 = vector.broadcast %broadcast_in_dim3A_29 : f32 to vector<16xf32>
    %swap3A_31 = arith.constant 80 : index
    %swap3A_32 = tpu.vector_load %arg6[%swap3A_31] {strides = array<i32>} : memref<128xf32, #tpu.memory_space<vmem>>, vector<16xf32>,
    %swap3A_33 = vector.shape_cast %swap3A_32 : vector<16xf32> to vector<16xf32>
    %swap3A_34 = vector.shape_cast %broadcast_in_dim3A_30 : vector<16xf32> to vector<16xf32>
    tpu.vector_store %arg6[%swap3A_31], %swap3A_34 {strides = array<i32>} : memref<128xf32, #tpu.memory_space<vmem>>, vector<16xf32>,
    %broadcast_in_dim3A_35 = arith.constant 1.000000e+00 : f32
    %broadcast_in_dim3A_36 = vector.broadcast %broadcast_in_dim3A_35 : f32 to vector<16xf32>
    %swap3A_37 = arith.constant 96 : index
    %swap3A_38 = tpu.vector_load %arg6[%swap3A_37] {strides = array<i32>} : memref<128xf32, #tpu.memory_space<vmem>>, vector<16xf32>,
    %swap3A_39 = vector.shape_cast %swap3A_38 : vector<16xf32> to vector<16xf32>
    %swap3A_40 = vector.shape_cast %broadcast_in_dim3A_36 : vector<16xf32> to vector<16xf32>
    tpu.vector_store %arg6[%swap3A_37], %swap3A_40 {strides = array<i32>} : memref<128xf32, #tpu.memory_space<vmem>>, vector<16xf32>,
    %broadcast_in_dim3A_41 = arith.constant 1.000000e+00 : f32
    %broadcast_in_dim3A_42 = vector.broadcast %broadcast_in_dim3A_41 : f32 to vector<16xf32>
    %swap3A_43 = arith.constant 112 : index
    %swap3A_44 = tpu.vector_load %arg6[%swap3A_43] {strides = array<i32>} : memref<128xf32, #tpu.memory_space<vmem>>, vector<16xf32>,
    %swap3A_45 = vector.shape_cast %swap3A_44 : vector<16xf32> to vector<16xf32>
    %swap3A_46 = vector.shape_cast %broadcast_in_dim3A_42 : vector<16xf32> to vector<16xf32>
    tpu.vector_store %arg6[%swap3A_43], %swap3A_46 {strides = array<i32>} : memref<128xf32, #tpu.memory_space<vmem>>, vector<16xf32>,
    %mul3A_47 = arith.constant 640 : i32
    %mul3A_48 = arith.muli %arg1, %mul3A_47 : i32
    %mul3A_49 = arith.constant 640 : i32
    %mul3A_50 = arith.muli %arg1, %mul3A_49 : i32
    "tpu.region"() ({
      %run_scoped3A = tpu.sem_alloc : memref<!tpu.dma_semaphore, #tpu.memory_space<semaphore_mem>>
      %dma_start3A = tpu.memref_slice %arg7[%mul3A_50] : memref<10240xf32, #tpu.memory_space<vmem_shared>> -> memref<640xf32, #tpu.memory_space<vmem_shared>>
      %dma_start3A_60 = tpu.memref_slice %arg3[%mul3A_48] : memref<10240xf32, #tpu.memory_space<hbm>> -> memref<640xf32, #tpu.memory_space<hbm>>
      tpu.enqueue_dma source(%dma_start3A_60 : memref<640xf32, #tpu.memory_space<hbm>>) target(%dma_start3A : memref<640xf32, #tpu.memory_space<vmem_shared>>) target_semaphore(%run_scoped3A : memref<!tpu.dma_semaphore, #tpu.memory_space<semaphore_mem>>)
      %dma_wait3A = tpu.memref_slice %arg7[%mul3A_50] : memref<10240xf32, #tpu.memory_space<vmem_shared>> -> memref<640xf32, #tpu.memory_space<vmem_shared>>
      %dma_wait3A_61 = tpu.memref_slice %arg3[%mul3A_48] : memref<10240xf32, #tpu.memory_space<hbm>> -> memref<640xf32, #tpu.memory_space<hbm>>
      tpu.wait_dma2 semaphore(%run_scoped3A : memref<!tpu.dma_semaphore, #tpu.memory_space<semaphore_mem>>) src(%dma_wait3A_61 : memref<640xf32, #tpu.memory_space<hbm>>) dst(%dma_wait3A : memref<640xf32, #tpu.memory_space<vmem_shared>>)
      tpu.yield
    }) : () -> ()
    "tpu.region"() ({
      %run_scoped3A = tpu.sem_alloc : memref<!tpu.dma_semaphore, #tpu.memory_space<semaphore_mem>>
      %dma_start3A = arith.constant 0 : i32
      %dma_start3A_60 = arith.constant 0 : i32
      %dma_start3A_61 = tpu.memref_slice %arg2[%add3A, %dma_start3A, %dma_start3A_60] : memref<32x80x128xi32, #tpu.memory_space<hbm>> -> memref<1x80x128xi32, #tpu.memory_space<hbm>>
      %dma_start3A_62 = tpu.memref_squeeze %dma_start3A_61 : memref<1x80x128xi32, #tpu.memory_space<hbm>> -> memref<80x128xi32, #tpu.memory_space<hbm>>
      %dma_start3A_63 = arith.constant 0 : i32
      %dma_start3A_64 = arith.constant 0 : i32
      %dma_start3A_65 = tpu.memref_slice %arg2[%add3A, %dma_start3A_63, %dma_start3A_64] : memref<32x80x128xi32, #tpu.memory_space<hbm>> -> memref<1x80x128xi32, #tpu.memory_space<hbm>>
      %dma_start3A_66 = tpu.memref_squeeze %dma_start3A_65 : memref<1x80x128xi32, #tpu.memory_space<hbm>> -> memref<80x128xi32, #tpu.memory_space<hbm>>
      tpu.enqueue_dma source(%dma_start3A_66 : memref<80x128xi32, #tpu.memory_space<hbm>>) target(%arg5 : memref<80x128xi32, #tpu.memory_space<vmem>>) target_semaphore(%run_scoped3A : memref<!tpu.dma_semaphore, #tpu.memory_space<semaphore_mem>>)
      %dma_wait3A = arith.constant 0 : i32
      %dma_wait3A_67 = arith.constant 0 : i32
      %dma_wait3A_68 = tpu.memref_slice %arg2[%add3A, %dma_wait3A, %dma_wait3A_67] : memref<32x80x128xi32, #tpu.memory_space<hbm>> -> memref<1x80x128xi32, #tpu.memory_space<hbm>>
      %dma_wait3A_69 = tpu.memref_squeeze %dma_wait3A_68 : memref<1x80x128xi32, #tpu.memory_space<hbm>> -> memref<80x128xi32, #tpu.memory_space<hbm>>
      %dma_wait3A_70 = arith.constant 0 : i32
      %dma_wait3A_71 = arith.constant 0 : i32
      %dma_wait3A_72 = tpu.memref_slice %arg2[%add3A, %dma_wait3A_70, %dma_wait3A_71] : memref<32x80x128xi32, #tpu.memory_space<hbm>> -> memref<1x80x128xi32, #tpu.memory_space<hbm>>
      %dma_wait3A_73 = tpu.memref_squeeze %dma_wait3A_72 : memref<1x80x128xi32, #tpu.memory_space<hbm>> -> memref<80x128xi32, #tpu.memory_space<hbm>>
      tpu.wait_dma2 semaphore(%run_scoped3A : memref<!tpu.dma_semaphore, #tpu.memory_space<semaphore_mem>>) src(%dma_wait3A_73 : memref<80x128xi32, #tpu.memory_space<hbm>>) dst(%arg5 : memref<80x128xi32, #tpu.memory_space<vmem>>)
      tpu.yield
    }) : () -> ()
    %barrier3A = arith.constant 0 : index
    tpu.barrier barrier_id(%barrier3A)
    %scan3A = arith.constant 0 : i32
    %scan3A_51 = arith.constant 80 : i32
    %scan3A_52 = arith.addi %scan3A, %scan3A_51 : i32
    %scan3A_53 = arith.constant 1 : i32
    scf.for %scan3A_60 = %scan3A to %scan3A_52 step %scan3A_53  : i32 {
      %mul3A_61 = arith.constant 1 : i32
      %mul3A_62 = arith.muli %scan3A_60, %mul3A_61 : i32
      %add3A_63 = arith.constant 0 : i32
      %add3A_64 = arith.addi %add3A_63, %mul3A_62 : i32
      "tpu.region"() ({
        %run_scoped3A = tpu.sem_alloc : memref<!tpu.dma_semaphore, #tpu.memory_space<semaphore_mem>>
        %dma_start3A = arith.constant 0 : i32
        %dma_start3A_65 = tpu.memref_slice %arg5[%add3A_64, %dma_start3A] : memref<80x128xi32, #tpu.memory_space<vmem>> -> memref<1x128xi32, #tpu.memory_space<vmem>>
        %dma_start3A_66 = tpu.memref_squeeze %dma_start3A_65 : memref<1x128xi32, #tpu.memory_space<vmem>> -> memref<128xi32, #tpu.memory_space<vmem>>
        %dma_start3A_67 = arith.constant 0 : i32
        %dma_start3A_68 = tpu.memref_slice %arg7[%dma_start3A_67] : memref<10240xf32, #tpu.memory_space<vmem_shared>> -> memref<10240xf32, #tpu.memory_space<vmem_shared>>
        tpu.enqueue_indirect_dma source(%arg6 : memref<128xf32, #tpu.memory_space<vmem>>) target(%dma_start3A_68 : memref<10240xf32, #tpu.memory_space<vmem_shared>>) offsets(%dma_start3A_66 : memref<128xi32, #tpu.memory_space<vmem>>) semaphore(%run_scoped3A : memref<!tpu.dma_semaphore, #tpu.memory_space<semaphore_mem>>) {add = true}
        %dma_wait3A = arith.constant 0 : i32
        %dma_wait3A_69 = tpu.memref_slice %arg5[%add3A_64, %dma_wait3A] : memref<80x128xi32, #tpu.memory_space<vmem>> -> memref<1x128xi32, #tpu.memory_space<vmem>>
        %dma_wait3A_70 = tpu.memref_squeeze %dma_wait3A_69 : memref<1x128xi32, #tpu.memory_space<vmem>> -> memref<128xi32, #tpu.memory_space<vmem>>
        %dma_wait3A_71 = arith.constant 0 : i32
        %dma_wait3A_72 = tpu.memref_slice %arg7[%dma_wait3A_71] : memref<10240xf32, #tpu.memory_space<vmem_shared>> -> memref<10240xf32, #tpu.memory_space<vmem_shared>>
        tpu.wait_indirect_dma semaphore(%run_scoped3A : memref<!tpu.dma_semaphore, #tpu.memory_space<semaphore_mem>>) src(%arg6 : memref<128xf32, #tpu.memory_space<vmem>>) dst(%dma_wait3A_72 : memref<10240xf32, #tpu.memory_space<vmem_shared>>)
        tpu.yield
      }) : () -> ()
    }
    %scan3A_54 = arith.constant 80 : i32
    %barrier3A_55 = arith.constant 0 : index
    tpu.barrier barrier_id(%barrier3A_55)
    %mul3A_56 = arith.constant 640 : i32
    %mul3A_57 = arith.muli %arg1, %mul3A_56 : i32
    %mul3A_58 = arith.constant 640 : i32
    %mul3A_59 = arith.muli %arg1, %mul3A_58 : i32
    "tpu.region"() ({
      %run_scoped3A = tpu.sem_alloc : memref<!tpu.dma_semaphore, #tpu.memory_space<semaphore_mem>>
      %dma_start3A = tpu.memref_slice %arg4[%arg0, %mul3A_59] : memref<2x10240xf32, #tpu.memory_space<hbm>> -> memref<1x640xf32, #tpu.memory_space<hbm>>
      %dma_start3A_60 = tpu.memref_squeeze %dma_start3A : memref<1x640xf32, #tpu.memory_space<hbm>> -> memref<640xf32, #tpu.memory_space<hbm>>
      %dma_start3A_61 = tpu.memref_slice %arg7[%mul3A_57] : memref<10240xf32, #tpu.memory_space<vmem_shared>> -> memref<640xf32, #tpu.memory_space<vmem_shared>>
      tpu.enqueue_dma source(%dma_start3A_61 : memref<640xf32, #tpu.memory_space<vmem_shared>>) target(%dma_start3A_60 : memref<640xf32, #tpu.memory_space<hbm>>) target_semaphore(%run_scoped3A : memref<!tpu.dma_semaphore, #tpu.memory_space<semaphore_mem>>)
      %dma_wait3A = tpu.memref_slice %arg4[%arg0, %mul3A_59] : memref<2x10240xf32, #tpu.memory_space<hbm>> -> memref<1x640xf32, #tpu.memory_space<hbm>>
      %dma_wait3A_62 = tpu.memref_squeeze %dma_wait3A : memref<1x640xf32, #tpu.memory_space<hbm>> -> memref<640xf32, #tpu.memory_space<hbm>>
      %dma_wait3A_63 = tpu.memref_slice %arg7[%mul3A_57] : memref<10240xf32, #tpu.memory_space<vmem_shared>> -> memref<640xf32, #tpu.memory_space<vmem_shared>>
      tpu.wait_dma2 semaphore(%run_scoped3A : memref<!tpu.dma_semaphore, #tpu.memory_space<semaphore_mem>>) src(%dma_wait3A_63 : memref<640xf32, #tpu.memory_space<vmem_shared>>) dst(%dma_wait3A_62 : memref<640xf32, #tpu.memory_space<hbm>>)
      tpu.yield
    }) : () -> ()
    return
  }
}

#map = affine_map<(d0, d1) -> (0, 0, 0)>
module attributes {stable_mosaic.version = 14 : i64} {
  func.func @_agg_kernel(%arg0: i32, %arg1: i32, %arg2: memref<2x10240x96xf32, #tpu.memory_space<hbm>>, %arg3: memref<16x160x128xi32, #tpu.memory_space<hbm>>, %arg4: memref<16x160x128xi32, #tpu.memory_space<hbm>>, %arg5: memref<2x10240x96xf32, #tpu.memory_space<hbm>>, %arg6: memref<2x40x128xi32, #tpu.memory_space<vmem>>, %arg7: memref<2x40x128xi32, #tpu.memory_space<vmem>>, %arg8: memref<128x96xf32, #tpu.memory_space<vmem>>, %arg9: memref<128x96xf32, #tpu.memory_space<vmem>>, %arg10: memref<128x96xf32, #tpu.memory_space<vmem>>, %arg11: memref<128x96xf32, #tpu.memory_space<vmem>>, %arg12: memref<!tpu.dma_semaphore, #tpu.memory_space<semaphore_mem>>, %arg13: memref<!tpu.dma_semaphore, #tpu.memory_space<semaphore_mem>>, %arg14: memref<!tpu.dma_semaphore, #tpu.memory_space<semaphore_mem>>, %arg15: memref<!tpu.dma_semaphore, #tpu.memory_space<semaphore_mem>>, %arg16: memref<!tpu.dma_semaphore, #tpu.memory_space<semaphore_mem>>, %arg17: memref<!tpu.dma_semaphore, #tpu.memory_space<semaphore_mem>>, %arg18: memref<!tpu.dma_semaphore, #tpu.memory_space<semaphore_mem>>, %arg19: memref<!tpu.dma_semaphore, #tpu.memory_space<semaphore_mem>>, %arg20: memref<!tpu.dma_semaphore, #tpu.memory_space<semaphore_mem>>, %arg21: memref<10240x96xf32, #tpu.memory_space<vmem_shared>>) attributes {dimension_semantics = [#tpu.dimension_semantics<core_parallel>, #tpu.dimension_semantics<subcore_parallel>], iteration_bounds = array<i64: 2, 16>, scalar_prefetch = 0 : i64, scratch_operands = 16 : i64, tpu.core_type = #tpu.core_type<sc_vector_subcore>, window_params = [{transform_indices = #map}, {transform_indices = #map}, {transform_indices = #map}, {transform_indices = #map}]} {
    %run_scoped3A = arith.constant 0 : i32
    "tpu.region"() ({
      %run_scoped3A_55 = tpu.sem_alloc : memref<!tpu.dma_semaphore, #tpu.memory_space<semaphore_mem>>
      %dma_start3A_56 = arith.constant 0 : i32
      %dma_start3A_57 = arith.constant 0 : i32
      %dma_start3A_58 = tpu.memref_slice %arg6[%run_scoped3A, %dma_start3A_56, %dma_start3A_57] : memref<2x40x128xi32, #tpu.memory_space<vmem>> -> memref<1x40x128xi32, #tpu.memory_space<vmem>>
      %dma_start3A_59 = tpu.memref_squeeze %dma_start3A_58 : memref<1x40x128xi32, #tpu.memory_space<vmem>> -> memref<40x128xi32, #tpu.memory_space<vmem>>
      %dma_start3A_60 = arith.constant 0 : i32
      %dma_start3A_61 = arith.constant 0 : i32
      %dma_start3A_62 = tpu.memref_slice %arg3[%arg1, %dma_start3A_60, %dma_start3A_61] : memref<16x160x128xi32, #tpu.memory_space<hbm>> -> memref<1x40x128xi32, #tpu.memory_space<hbm>>
      %dma_start3A_63 = tpu.memref_squeeze %dma_start3A_62 : memref<1x40x128xi32, #tpu.memory_space<hbm>> -> memref<40x128xi32, #tpu.memory_space<hbm>>
      %dma_start3A_64 = arith.constant 0 : i32
      %dma_start3A_65 = arith.constant 0 : i32
      %dma_start3A_66 = tpu.memref_slice %arg6[%run_scoped3A, %dma_start3A_64, %dma_start3A_65] : memref<2x40x128xi32, #tpu.memory_space<vmem>> -> memref<1x40x128xi32, #tpu.memory_space<vmem>>
      %dma_start3A_67 = tpu.memref_squeeze %dma_start3A_66 : memref<1x40x128xi32, #tpu.memory_space<vmem>> -> memref<40x128xi32, #tpu.memory_space<vmem>>
      %dma_start3A_68 = arith.constant 0 : i32
      %dma_start3A_69 = arith.constant 0 : i32
      %dma_start3A_70 = tpu.memref_slice %arg3[%arg1, %dma_start3A_68, %dma_start3A_69] : memref<16x160x128xi32, #tpu.memory_space<hbm>> -> memref<1x40x128xi32, #tpu.memory_space<hbm>>
      %dma_start3A_71 = tpu.memref_squeeze %dma_start3A_70 : memref<1x40x128xi32, #tpu.memory_space<hbm>> -> memref<40x128xi32, #tpu.memory_space<hbm>>
      tpu.enqueue_dma source(%dma_start3A_71 : memref<40x128xi32, #tpu.memory_space<hbm>>) target(%dma_start3A_67 : memref<40x128xi32, #tpu.memory_space<vmem>>) target_semaphore(%run_scoped3A_55 : memref<!tpu.dma_semaphore, #tpu.memory_space<semaphore_mem>>)
      %dma_wait3A_72 = arith.constant 0 : i32
      %dma_wait3A_73 = arith.constant 0 : i32
      %dma_wait3A_74 = tpu.memref_slice %arg6[%run_scoped3A, %dma_wait3A_72, %dma_wait3A_73] : memref<2x40x128xi32, #tpu.memory_space<vmem>> -> memref<1x40x128xi32, #tpu.memory_space<vmem>>
      %dma_wait3A_75 = tpu.memref_squeeze %dma_wait3A_74 : memref<1x40x128xi32, #tpu.memory_space<vmem>> -> memref<40x128xi32, #tpu.memory_space<vmem>>
      %dma_wait3A_76 = arith.constant 0 : i32
      %dma_wait3A_77 = arith.constant 0 : i32
      %dma_wait3A_78 = tpu.memref_slice %arg3[%arg1, %dma_wait3A_76, %dma_wait3A_77] : memref<16x160x128xi32, #tpu.memory_space<hbm>> -> memref<1x40x128xi32, #tpu.memory_space<hbm>>
      %dma_wait3A_79 = tpu.memref_squeeze %dma_wait3A_78 : memref<1x40x128xi32, #tpu.memory_space<hbm>> -> memref<40x128xi32, #tpu.memory_space<hbm>>
      %dma_wait3A_80 = arith.constant 0 : i32
      %dma_wait3A_81 = arith.constant 0 : i32
      %dma_wait3A_82 = tpu.memref_slice %arg6[%run_scoped3A, %dma_wait3A_80, %dma_wait3A_81] : memref<2x40x128xi32, #tpu.memory_space<vmem>> -> memref<1x40x128xi32, #tpu.memory_space<vmem>>
      %dma_wait3A_83 = tpu.memref_squeeze %dma_wait3A_82 : memref<1x40x128xi32, #tpu.memory_space<vmem>> -> memref<40x128xi32, #tpu.memory_space<vmem>>
      %dma_wait3A_84 = arith.constant 0 : i32
      %dma_wait3A_85 = arith.constant 0 : i32
      %dma_wait3A_86 = tpu.memref_slice %arg3[%arg1, %dma_wait3A_84, %dma_wait3A_85] : memref<16x160x128xi32, #tpu.memory_space<hbm>> -> memref<1x40x128xi32, #tpu.memory_space<hbm>>
      %dma_wait3A_87 = tpu.memref_squeeze %dma_wait3A_86 : memref<1x40x128xi32, #tpu.memory_space<hbm>> -> memref<40x128xi32, #tpu.memory_space<hbm>>
      tpu.wait_dma2 semaphore(%run_scoped3A_55 : memref<!tpu.dma_semaphore, #tpu.memory_space<semaphore_mem>>) src(%dma_wait3A_87 : memref<40x128xi32, #tpu.memory_space<hbm>>) dst(%dma_wait3A_83 : memref<40x128xi32, #tpu.memory_space<vmem>>)
      tpu.yield
    }) : () -> ()
    %run_scoped3A_0 = arith.constant 0 : i32
    "tpu.region"() ({
      %run_scoped3A_55 = tpu.sem_alloc : memref<!tpu.dma_semaphore, #tpu.memory_space<semaphore_mem>>
      %dma_start3A_56 = arith.constant 0 : i32
      %dma_start3A_57 = arith.constant 0 : i32
      %dma_start3A_58 = tpu.memref_slice %arg7[%run_scoped3A_0, %dma_start3A_56, %dma_start3A_57] : memref<2x40x128xi32, #tpu.memory_space<vmem>> -> memref<1x40x128xi32, #tpu.memory_space<vmem>>
      %dma_start3A_59 = tpu.memref_squeeze %dma_start3A_58 : memref<1x40x128xi32, #tpu.memory_space<vmem>> -> memref<40x128xi32, #tpu.memory_space<vmem>>
      %dma_start3A_60 = arith.constant 0 : i32
      %dma_start3A_61 = arith.constant 0 : i32
      %dma_start3A_62 = tpu.memref_slice %arg4[%arg1, %dma_start3A_60, %dma_start3A_61] : memref<16x160x128xi32, #tpu.memory_space<hbm>> -> memref<1x40x128xi32, #tpu.memory_space<hbm>>
      %dma_start3A_63 = tpu.memref_squeeze %dma_start3A_62 : memref<1x40x128xi32, #tpu.memory_space<hbm>> -> memref<40x128xi32, #tpu.memory_space<hbm>>
      %dma_start3A_64 = arith.constant 0 : i32
      %dma_start3A_65 = arith.constant 0 : i32
      %dma_start3A_66 = tpu.memref_slice %arg7[%run_scoped3A_0, %dma_start3A_64, %dma_start3A_65] : memref<2x40x128xi32, #tpu.memory_space<vmem>> -> memref<1x40x128xi32, #tpu.memory_space<vmem>>
      %dma_start3A_67 = tpu.memref_squeeze %dma_start3A_66 : memref<1x40x128xi32, #tpu.memory_space<vmem>> -> memref<40x128xi32, #tpu.memory_space<vmem>>
      %dma_start3A_68 = arith.constant 0 : i32
      %dma_start3A_69 = arith.constant 0 : i32
      %dma_start3A_70 = tpu.memref_slice %arg4[%arg1, %dma_start3A_68, %dma_start3A_69] : memref<16x160x128xi32, #tpu.memory_space<hbm>> -> memref<1x40x128xi32, #tpu.memory_space<hbm>>
      %dma_start3A_71 = tpu.memref_squeeze %dma_start3A_70 : memref<1x40x128xi32, #tpu.memory_space<hbm>> -> memref<40x128xi32, #tpu.memory_space<hbm>>
      tpu.enqueue_dma source(%dma_start3A_71 : memref<40x128xi32, #tpu.memory_space<hbm>>) target(%dma_start3A_67 : memref<40x128xi32, #tpu.memory_space<vmem>>) target_semaphore(%run_scoped3A_55 : memref<!tpu.dma_semaphore, #tpu.memory_space<semaphore_mem>>)
      %dma_wait3A_72 = arith.constant 0 : i32
      %dma_wait3A_73 = arith.constant 0 : i32
      %dma_wait3A_74 = tpu.memref_slice %arg7[%run_scoped3A_0, %dma_wait3A_72, %dma_wait3A_73] : memref<2x40x128xi32, #tpu.memory_space<vmem>> -> memref<1x40x128xi32, #tpu.memory_space<vmem>>
      %dma_wait3A_75 = tpu.memref_squeeze %dma_wait3A_74 : memref<1x40x128xi32, #tpu.memory_space<vmem>> -> memref<40x128xi32, #tpu.memory_space<vmem>>
      %dma_wait3A_76 = arith.constant 0 : i32
      %dma_wait3A_77 = arith.constant 0 : i32
      %dma_wait3A_78 = tpu.memref_slice %arg4[%arg1, %dma_wait3A_76, %dma_wait3A_77] : memref<16x160x128xi32, #tpu.memory_space<hbm>> -> memref<1x40x128xi32, #tpu.memory_space<hbm>>
      %dma_wait3A_79 = tpu.memref_squeeze %dma_wait3A_78 : memref<1x40x128xi32, #tpu.memory_space<hbm>> -> memref<40x128xi32, #tpu.memory_space<hbm>>
      %dma_wait3A_80 = arith.constant 0 : i32
      %dma_wait3A_81 = arith.constant 0 : i32
      %dma_wait3A_82 = tpu.memref_slice %arg7[%run_scoped3A_0, %dma_wait3A_80, %dma_wait3A_81] : memref<2x40x128xi32, #tpu.memory_space<vmem>> -> memref<1x40x128xi32, #tpu.memory_space<vmem>>
      %dma_wait3A_83 = tpu.memref_squeeze %dma_wait3A_82 : memref<1x40x128xi32, #tpu.memory_space<vmem>> -> memref<40x128xi32, #tpu.memory_space<vmem>>
      %dma_wait3A_84 = arith.constant 0 : i32
      %dma_wait3A_85 = arith.constant 0 : i32
      %dma_wait3A_86 = tpu.memref_slice %arg4[%arg1, %dma_wait3A_84, %dma_wait3A_85] : memref<16x160x128xi32, #tpu.memory_space<hbm>> -> memref<1x40x128xi32, #tpu.memory_space<hbm>>
      %dma_wait3A_87 = tpu.memref_squeeze %dma_wait3A_86 : memref<1x40x128xi32, #tpu.memory_space<hbm>> -> memref<40x128xi32, #tpu.memory_space<hbm>>
      tpu.wait_dma2 semaphore(%run_scoped3A_55 : memref<!tpu.dma_semaphore, #tpu.memory_space<semaphore_mem>>) src(%dma_wait3A_87 : memref<40x128xi32, #tpu.memory_space<hbm>>) dst(%dma_wait3A_83 : memref<40x128xi32, #tpu.memory_space<vmem>>)
      tpu.yield
    }) : () -> ()
    %mul3A = arith.constant 640 : i32
    %mul3A_1 = arith.muli %arg1, %mul3A : i32
    %mul3A_2 = arith.constant 640 : i32
    %mul3A_3 = arith.muli %arg1, %mul3A_2 : i32
    "tpu.region"() ({
      %run_scoped3A_55 = tpu.sem_alloc : memref<!tpu.dma_semaphore, #tpu.memory_space<semaphore_mem>>
      %dma_start3A_56 = arith.constant 0 : i32
      %dma_start3A_57 = tpu.memref_slice %arg21[%mul3A_3, %dma_start3A_56] : memref<10240x96xf32, #tpu.memory_space<vmem_shared>> -> memref<640x96xf32, #tpu.memory_space<vmem_shared>>
      %dma_start3A_58 = arith.constant 0 : i32
      %dma_start3A_59 = arith.constant 0 : i32
      %dma_start3A_60 = tpu.memref_slice %arg2[%arg0, %dma_start3A_58, %dma_start3A_59] : memref<2x10240x96xf32, #tpu.memory_space<hbm>> -> memref<1x10240x96xf32, #tpu.memory_space<hbm>>
      %dma_start3A_61 = tpu.memref_squeeze %dma_start3A_60 : memref<1x10240x96xf32, #tpu.memory_space<hbm>> -> memref<10240x96xf32, #tpu.memory_space<hbm>>
      %dma_start3A_62 = arith.constant 0 : i32
      %dma_start3A_63 = tpu.memref_slice %dma_start3A_61[%mul3A_1, %dma_start3A_62] : memref<10240x96xf32, #tpu.memory_space<hbm>> -> memref<640x96xf32, #tpu.memory_space<hbm>>
      tpu.enqueue_dma source(%dma_start3A_63 : memref<640x96xf32, #tpu.memory_space<hbm>>) target(%dma_start3A_57 : memref<640x96xf32, #tpu.memory_space<vmem_shared>>) target_semaphore(%run_scoped3A_55 : memref<!tpu.dma_semaphore, #tpu.memory_space<semaphore_mem>>)
      %dma_wait3A_64 = arith.constant 0 : i32
      %dma_wait3A_65 = tpu.memref_slice %arg21[%mul3A_3, %dma_wait3A_64] : memref<10240x96xf32, #tpu.memory_space<vmem_shared>> -> memref<640x96xf32, #tpu.memory_space<vmem_shared>>
      %dma_wait3A_66 = arith.constant 0 : i32
      %dma_wait3A_67 = arith.constant 0 : i32
      %dma_wait3A_68 = tpu.memref_slice %arg2[%arg0, %dma_wait3A_66, %dma_wait3A_67] : memref<2x10240x96xf32, #tpu.memory_space<hbm>> -> memref<1x10240x96xf32, #tpu.memory_space<hbm>>
      %dma_wait3A_69 = tpu.memref_squeeze %dma_wait3A_68 : memref<1x10240x96xf32, #tpu.memory_space<hbm>> -> memref<10240x96xf32, #tpu.memory_space<hbm>>
      %dma_wait3A_70 = arith.constant 0 : i32
      %dma_wait3A_71 = tpu.memref_slice %dma_wait3A_69[%mul3A_1, %dma_wait3A_70] : memref<10240x96xf32, #tpu.memory_space<hbm>> -> memref<640x96xf32, #tpu.memory_space<hbm>>
      tpu.wait_dma2 semaphore(%run_scoped3A_55 : memref<!tpu.dma_semaphore, #tpu.memory_space<semaphore_mem>>) src(%dma_wait3A_71 : memref<640x96xf32, #tpu.memory_space<hbm>>) dst(%dma_wait3A_65 : memref<640x96xf32, #tpu.memory_space<vmem_shared>>)
      tpu.yield
    }) : () -> ()
    %barrier3A = arith.constant 0 : index
    tpu.barrier barrier_id(%barrier3A)
    %dma_start3A = arith.constant 0 : i32
    %dma_start3A_4 = arith.constant 0 : i32
    %dma_start3A_5 = arith.constant 0 : i32
    %dma_start3A_6 = tpu.memref_slice %arg6[%dma_start3A, %dma_start3A_4, %dma_start3A_5] : memref<2x40x128xi32, #tpu.memory_space<vmem>> -> memref<1x1x128xi32, #tpu.memory_space<vmem>>
    %dma_start3A_7 = tpu.memref_squeeze %dma_start3A_6 : memref<1x1x128xi32, #tpu.memory_space<vmem>> -> memref<128xi32, #tpu.memory_space<vmem>>
    %dma_start3A_8 = arith.constant 0 : i32
    %dma_start3A_9 = arith.constant 0 : i32
    %dma_start3A_10 = tpu.memref_slice %arg2[%arg0, %dma_start3A_8, %dma_start3A_9] : memref<2x10240x96xf32, #tpu.memory_space<hbm>> -> memref<1x10240x96xf32, #tpu.memory_space<hbm>>
    %dma_start3A_11 = tpu.memref_squeeze %dma_start3A_10 : memref<1x10240x96xf32, #tpu.memory_space<hbm>> -> memref<10240x96xf32, #tpu.memory_space<hbm>>
    %dma_start3A_12 = arith.constant 0 : i32
    %dma_start3A_13 = arith.constant 0 : i32
    %dma_start3A_14 = tpu.memref_slice %dma_start3A_11[%dma_start3A_12, %dma_start3A_13] : memref<10240x96xf32, #tpu.memory_space<hbm>> -> memref<10240x96xf32, #tpu.memory_space<hbm>>
    tpu.enqueue_indirect_dma source(%dma_start3A_14 : memref<10240x96xf32, #tpu.memory_space<hbm>>) target(%arg8 : memref<128x96xf32, #tpu.memory_space<vmem>>) offsets(%dma_start3A_7 : memref<128xi32, #tpu.memory_space<vmem>>) semaphore(%arg12 : memref<!tpu.dma_semaphore, #tpu.memory_space<semaphore_mem>>)
    %dma_start3A_15 = arith.constant 0 : i32
    %dma_start3A_16 = arith.constant 1 : i32
    %dma_start3A_17 = arith.constant 0 : i32
    %dma_start3A_18 = tpu.memref_slice %arg6[%dma_start3A_15, %dma_start3A_16, %dma_start3A_17] : memref<2x40x128xi32, #tpu.memory_space<vmem>> -> memref<1x1x128xi32, #tpu.memory_space<vmem>>
    %dma_start3A_19 = tpu.memref_squeeze %dma_start3A_18 : memref<1x1x128xi32, #tpu.memory_space<vmem>> -> memref<128xi32, #tpu.memory_space<vmem>>
    %dma_start3A_20 = arith.constant 0 : i32
    %dma_start3A_21 = arith.constant 0 : i32
    %dma_start3A_22 = tpu.memref_slice %arg2[%arg0, %dma_start3A_20, %dma_start3A_21] : memref<2x10240x96xf32, #tpu.memory_space<hbm>> -> memref<1x10240x96xf32, #tpu.memory_space<hbm>>
    %dma_start3A_23 = tpu.memref_squeeze %dma_start3A_22 : memref<1x10240x96xf32, #tpu.memory_space<hbm>> -> memref<10240x96xf32, #tpu.memory_space<hbm>>
    %dma_start3A_24 = arith.constant 0 : i32
    %dma_start3A_25 = arith.constant 0 : i32
    %dma_start3A_26 = tpu.memref_slice %dma_start3A_23[%dma_start3A_24, %dma_start3A_25] : memref<10240x96xf32, #tpu.memory_space<hbm>> -> memref<10240x96xf32, #tpu.memory_space<hbm>>
    tpu.enqueue_indirect_dma source(%dma_start3A_26 : memref<10240x96xf32, #tpu.memory_space<hbm>>) target(%arg9 : memref<128x96xf32, #tpu.memory_space<vmem>>) offsets(%dma_start3A_19 : memref<128xi32, #tpu.memory_space<vmem>>) semaphore(%arg13 : memref<!tpu.dma_semaphore, #tpu.memory_space<semaphore_mem>>)
    %dma_start3A_27 = arith.constant 0 : i32
    %dma_start3A_28 = arith.constant 2 : i32
    %dma_start3A_29 = arith.constant 0 : i32
    %dma_start3A_30 = tpu.memref_slice %arg6[%dma_start3A_27, %dma_start3A_28, %dma_start3A_29] : memref<2x40x128xi32, #tpu.memory_space<vmem>> -> memref<1x1x128xi32, #tpu.memory_space<vmem>>
    %dma_start3A_31 = tpu.memref_squeeze %dma_start3A_30 : memref<1x1x128xi32, #tpu.memory_space<vmem>> -> memref<128xi32, #tpu.memory_space<vmem>>
    %dma_start3A_32 = arith.constant 0 : i32
    %dma_start3A_33 = arith.constant 0 : i32
    %dma_start3A_34 = tpu.memref_slice %arg2[%arg0, %dma_start3A_32, %dma_start3A_33] : memref<2x10240x96xf32, #tpu.memory_space<hbm>> -> memref<1x10240x96xf32, #tpu.memory_space<hbm>>
    %dma_start3A_35 = tpu.memref_squeeze %dma_start3A_34 : memref<1x10240x96xf32, #tpu.memory_space<hbm>> -> memref<10240x96xf32, #tpu.memory_space<hbm>>
    %dma_start3A_36 = arith.constant 0 : i32
    %dma_start3A_37 = arith.constant 0 : i32
    %dma_start3A_38 = tpu.memref_slice %dma_start3A_35[%dma_start3A_36, %dma_start3A_37] : memref<10240x96xf32, #tpu.memory_space<hbm>> -> memref<10240x96xf32, #tpu.memory_space<hbm>>
    tpu.enqueue_indirect_dma source(%dma_start3A_38 : memref<10240x96xf32, #tpu.memory_space<hbm>>) target(%arg10 : memref<128x96xf32, #tpu.memory_space<vmem>>) offsets(%dma_start3A_31 : memref<128xi32, #tpu.memory_space<vmem>>) semaphore(%arg14 : memref<!tpu.dma_semaphore, #tpu.memory_space<semaphore_mem>>)
    %scan3A = arith.constant 0 : i32
    %scan3A_39 = arith.constant 40 : i32
    %scan3A_40 = arith.addi %scan3A, %scan3A_39 : i32
    %scan3A_41 = arith.constant 1 : i32
    scf.for %scan3A_55 = %scan3A to %scan3A_40 step %scan3A_41  : i32 {
      %mul3A_56 = arith.constant 4 : i32
      %mul3A_57 = arith.muli %scan3A_55, %mul3A_56 : i32
      %add3A = arith.constant 0 : i32
      %add3A_58 = arith.addi %add3A, %mul3A_57 : i32
      %add3A_59 = arith.constant 0 : i32
      %add3A_60 = arith.addi %add3A_58, %add3A_59 : i32
      %jit3A = arith.constant 40 : i32
      %div3A = arith.divsi %add3A_60, %jit3A : i32
      %sign3A = arith.constant 0 : i32
      %sign3A_61 = arith.cmpi sgt, %add3A_60, %sign3A : i32
      %sign3A_62 = arith.extui %sign3A_61 : i1 to i32
      %sign3A_63 = arith.constant 0 : i32
      %sign3A_64 = arith.cmpi slt, %add3A_60, %sign3A_63 : i32
      %sign3A_65 = arith.extui %sign3A_64 : i1 to i32
      %sign3A_66 = arith.subi %sign3A_62, %sign3A_65 : i32
      %sign3A_67 = arith.constant 0 : i32
      %sign3A_68 = arith.cmpi sgt, %jit3A, %sign3A_67 : i32
      %sign3A_69 = arith.extui %sign3A_68 : i1 to i32
      %sign3A_70 = arith.constant 0 : i32
      %sign3A_71 = arith.cmpi slt, %jit3A, %sign3A_70 : i32
      %sign3A_72 = arith.extui %sign3A_71 : i1 to i32
      %sign3A_73 = arith.subi %sign3A_69, %sign3A_72 : i32
      %ne3A = arith.cmpi ne, %sign3A_66, %sign3A_73 : i32
      %rem3A = arith.remsi %add3A_60, %jit3A : i32
      %ne3A_74 = arith.constant 0 : i32
      %ne3A_75 = arith.cmpi ne, %rem3A, %ne3A_74 : i32
      %and3A = arith.andi %ne3A, %ne3A_75 : i1
      %sub3A = arith.constant 1 : i32
      %sub3A_76 = arith.subi %div3A, %sub3A : i32
      %select_n3A = arith.select %and3A, %sub3A_76, %div3A : i32
      %mul3A_77 = arith.constant 40 : i32
      %mul3A_78 = arith.muli %select_n3A, %mul3A_77 : i32
      %sub3A_79 = arith.subi %add3A_60, %mul3A_78 : i32
      %jit3A_80 = arith.constant 40 : i32
      %div3A_81 = arith.divsi %add3A_60, %jit3A_80 : i32
      %sign3A_82 = arith.constant 0 : i32
      %sign3A_83 = arith.cmpi sgt, %add3A_60, %sign3A_82 : i32
      %sign3A_84 = arith.extui %sign3A_83 : i1 to i32
      %sign3A_85 = arith.constant 0 : i32
      %sign3A_86 = arith.cmpi slt, %add3A_60, %sign3A_85 : i32
      %sign3A_87 = arith.extui %sign3A_86 : i1 to i32
      %sign3A_88 = arith.subi %sign3A_84, %sign3A_87 : i32
      %sign3A_89 = arith.constant 0 : i32
      %sign3A_90 = arith.cmpi sgt, %jit3A_80, %sign3A_89 : i32
      %sign3A_91 = arith.extui %sign3A_90 : i1 to i32
      %sign3A_92 = arith.constant 0 : i32
      %sign3A_93 = arith.cmpi slt, %jit3A_80, %sign3A_92 : i32
      %sign3A_94 = arith.extui %sign3A_93 : i1 to i32
      %sign3A_95 = arith.subi %sign3A_91, %sign3A_94 : i32
      %ne3A_96 = arith.cmpi ne, %sign3A_88, %sign3A_95 : i32
      %rem3A_97 = arith.remsi %add3A_60, %jit3A_80 : i32
      %ne3A_98 = arith.constant 0 : i32
      %ne3A_99 = arith.cmpi ne, %rem3A_97, %ne3A_98 : i32
      %and3A_100 = arith.andi %ne3A_96, %ne3A_99 : i1
      %sub3A_101 = arith.constant 1 : i32
      %sub3A_102 = arith.subi %div3A_81, %sub3A_101 : i32
      %select_n3A_103 = arith.select %and3A_100, %sub3A_102, %div3A_81 : i32
      %jit3A_104 = arith.constant 2 : i32
      %eq3A = arith.constant 0 : i32
      %eq3A_105 = arith.cmpi eq, %jit3A_104, %eq3A : i32
      %jit3A_106 = arith.constant 1 : i32
      %select_n3A_107 = arith.select %eq3A_105, %jit3A_106, %jit3A_104 : i32
      %rem3A_108 = arith.remsi %select_n3A_103, %select_n3A_107 : i32
      %ne3A_109 = arith.constant 0 : i32
      %ne3A_110 = arith.cmpi ne, %rem3A_108, %ne3A_109 : i32
      %lt3A = arith.constant 0 : i32
      %lt3A_111 = arith.cmpi slt, %rem3A_108, %lt3A : i32
      %lt3A_112 = arith.constant 0 : i32
      %lt3A_113 = arith.cmpi slt, %select_n3A_107, %lt3A_112 : i32
      %ne3A_114 = arith.xori %lt3A_111, %lt3A_113 : i1
      %and3A_115 = arith.andi %ne3A_114, %ne3A_110 : i1
      %add3A_116 = arith.addi %rem3A_108, %select_n3A_107 : i32
      %select_n3A_117 = arith.select %and3A_115, %add3A_116, %rem3A_108 : i32
      %jit3A_118 = arith.constant 40 : i32
      %eq3A_119 = arith.constant 0 : i32
      %eq3A_120 = arith.cmpi eq, %jit3A_118, %eq3A_119 : i32
      %jit3A_121 = arith.constant 1 : i32
      %select_n3A_122 = arith.select %eq3A_120, %jit3A_121, %jit3A_118 : i32
      %rem3A_123 = arith.remsi %add3A_60, %select_n3A_122 : i32
      %ne3A_124 = arith.constant 0 : i32
      %ne3A_125 = arith.cmpi ne, %rem3A_123, %ne3A_124 : i32
      %lt3A_126 = arith.constant 0 : i32
      %lt3A_127 = arith.cmpi slt, %rem3A_123, %lt3A_126 : i32
      %lt3A_128 = arith.constant 0 : i32
      %lt3A_129 = arith.cmpi slt, %select_n3A_122, %lt3A_128 : i32
      %ne3A_130 = arith.xori %lt3A_127, %lt3A_129 : i1
      %and3A_131 = arith.andi %ne3A_130, %ne3A_125 : i1
      %add3A_132 = arith.addi %rem3A_123, %select_n3A_122 : i32
      %select_n3A_133 = arith.select %and3A_131, %add3A_132, %rem3A_123 : i32
      %dma_wait3A_134 = arith.constant 0 : i32
      %dma_wait3A_135 = tpu.memref_slice %arg6[%select_n3A_117, %select_n3A_133, %dma_wait3A_134] : memref<2x40x128xi32, #tpu.memory_space<vmem>> -> memref<1x1x128xi32, #tpu.memory_space<vmem>>
      %dma_wait3A_136 = tpu.memref_squeeze %dma_wait3A_135 : memref<1x1x128xi32, #tpu.memory_space<vmem>> -> memref<128xi32, #tpu.memory_space<vmem>>
      %dma_wait3A_137 = arith.constant 0 : i32
      %dma_wait3A_138 = arith.constant 0 : i32
      %dma_wait3A_139 = tpu.memref_slice %arg2[%arg0, %dma_wait3A_137, %dma_wait3A_138] : memref<2x10240x96xf32, #tpu.memory_space<hbm>> -> memref<1x10240x96xf32, #tpu.memory_space<hbm>>
      %dma_wait3A_140 = tpu.memref_squeeze %dma_wait3A_139 : memref<1x10240x96xf32, #tpu.memory_space<hbm>> -> memref<10240x96xf32, #tpu.memory_space<hbm>>
      %dma_wait3A_141 = arith.constant 0 : i32
      %dma_wait3A_142 = arith.constant 0 : i32
      %dma_wait3A_143 = tpu.memref_slice %dma_wait3A_140[%dma_wait3A_141, %dma_wait3A_142] : memref<10240x96xf32, #tpu.memory_space<hbm>> -> memref<10240x96xf32, #tpu.memory_space<hbm>>
      tpu.wait_indirect_dma semaphore(%arg12 : memref<!tpu.dma_semaphore, #tpu.memory_space<semaphore_mem>>) src(%dma_wait3A_143 : memref<10240x96xf32, #tpu.memory_space<hbm>>) dst(%arg8 : memref<128x96xf32, #tpu.memory_space<vmem>>)
      %jit3A_144 = arith.constant 40 : i32
      %div3A_145 = arith.divsi %add3A_60, %jit3A_144 : i32
      %sign3A_146 = arith.constant 0 : i32
      %sign3A_147 = arith.cmpi sgt, %add3A_60, %sign3A_146 : i32
      %sign3A_148 = arith.extui %sign3A_147 : i1 to i32
      %sign3A_149 = arith.constant 0 : i32
      %sign3A_150 = arith.cmpi slt, %add3A_60, %sign3A_149 : i32
      %sign3A_151 = arith.extui %sign3A_150 : i1 to i32
      %sign3A_152 = arith.subi %sign3A_148, %sign3A_151 : i32
      %sign3A_153 = arith.constant 0 : i32
      %sign3A_154 = arith.cmpi sgt, %jit3A_144, %sign3A_153 : i32
      %sign3A_155 = arith.extui %sign3A_154 : i1 to i32
      %sign3A_156 = arith.constant 0 : i32
      %sign3A_157 = arith.cmpi slt, %jit3A_144, %sign3A_156 : i32
      %sign3A_158 = arith.extui %sign3A_157 : i1 to i32
      %sign3A_159 = arith.subi %sign3A_155, %sign3A_158 : i32
      %ne3A_160 = arith.cmpi ne, %sign3A_152, %sign3A_159 : i32
      %rem3A_161 = arith.remsi %add3A_60, %jit3A_144 : i32
      %ne3A_162 = arith.constant 0 : i32
      %ne3A_163 = arith.cmpi ne, %rem3A_161, %ne3A_162 : i32
      %and3A_164 = arith.andi %ne3A_160, %ne3A_163 : i1
      %sub3A_165 = arith.constant 1 : i32
      %sub3A_166 = arith.subi %div3A_145, %sub3A_165 : i32
      %select_n3A_167 = arith.select %and3A_164, %sub3A_166, %div3A_145 : i32
      %jit3A_168 = arith.constant 2 : i32
      %eq3A_169 = arith.constant 0 : i32
      %eq3A_170 = arith.cmpi eq, %jit3A_168, %eq3A_169 : i32
      %jit3A_171 = arith.constant 1 : i32
      %select_n3A_172 = arith.select %eq3A_170, %jit3A_171, %jit3A_168 : i32
      %rem3A_173 = arith.remsi %select_n3A_167, %select_n3A_172 : i32
      %ne3A_174 = arith.constant 0 : i32
      %ne3A_175 = arith.cmpi ne, %rem3A_173, %ne3A_174 : i32
      %lt3A_176 = arith.constant 0 : i32
      %lt3A_177 = arith.cmpi slt, %rem3A_173, %lt3A_176 : i32
      %lt3A_178 = arith.constant 0 : i32
      %lt3A_179 = arith.cmpi slt, %select_n3A_172, %lt3A_178 : i32
      %ne3A_180 = arith.xori %lt3A_177, %lt3A_179 : i1
      %and3A_181 = arith.andi %ne3A_180, %ne3A_175 : i1
      %add3A_182 = arith.addi %rem3A_173, %select_n3A_172 : i32
      %select_n3A_183 = arith.select %and3A_181, %add3A_182, %rem3A_173 : i32
      %jit3A_184 = arith.constant 40 : i32
      %eq3A_185 = arith.constant 0 : i32
      %eq3A_186 = arith.cmpi eq, %jit3A_184, %eq3A_185 : i32
      %jit3A_187 = arith.constant 1 : i32
      %select_n3A_188 = arith.select %eq3A_186, %jit3A_187, %jit3A_184 : i32
      %rem3A_189 = arith.remsi %add3A_60, %select_n3A_188 : i32
      %ne3A_190 = arith.constant 0 : i32
      %ne3A_191 = arith.cmpi ne, %rem3A_189, %ne3A_190 : i32
      %lt3A_192 = arith.constant 0 : i32
      %lt3A_193 = arith.cmpi slt, %rem3A_189, %lt3A_192 : i32
      %lt3A_194 = arith.constant 0 : i32
      %lt3A_195 = arith.cmpi slt, %select_n3A_188, %lt3A_194 : i32
      %ne3A_196 = arith.xori %lt3A_193, %lt3A_195 : i1
      %and3A_197 = arith.andi %ne3A_196, %ne3A_191 : i1
      %add3A_198 = arith.addi %rem3A_189, %select_n3A_188 : i32
      %select_n3A_199 = arith.select %and3A_197, %add3A_198, %rem3A_189 : i32
      %dma_start3A_200 = arith.constant 0 : i32
      %dma_start3A_201 = tpu.memref_slice %arg7[%select_n3A_183, %select_n3A_199, %dma_start3A_200] : memref<2x40x128xi32, #tpu.memory_space<vmem>> -> memref<1x1x128xi32, #tpu.memory_space<vmem>>
      %dma_start3A_202 = tpu.memref_squeeze %dma_start3A_201 : memref<1x1x128xi32, #tpu.memory_space<vmem>> -> memref<128xi32, #tpu.memory_space<vmem>>
      %dma_start3A_203 = arith.constant 0 : i32
      %dma_start3A_204 = arith.constant 0 : i32
      %dma_start3A_205 = tpu.memref_slice %arg21[%dma_start3A_203, %dma_start3A_204] : memref<10240x96xf32, #tpu.memory_space<vmem_shared>> -> memref<10240x96xf32, #tpu.memory_space<vmem_shared>>
      tpu.enqueue_indirect_dma source(%arg8 : memref<128x96xf32, #tpu.memory_space<vmem>>) target(%dma_start3A_205 : memref<10240x96xf32, #tpu.memory_space<vmem_shared>>) offsets(%dma_start3A_202 : memref<128xi32, #tpu.memory_space<vmem>>) semaphore(%arg16 : memref<!tpu.dma_semaphore, #tpu.memory_space<semaphore_mem>>) {add = true}
      %ge3A = arith.constant 1 : i32
      %ge3A_206 = arith.cmpi sge, %add3A_60, %ge3A : i32
      %convert_element_type3A = arith.extui %ge3A_206 : i1 to i32
      %cond3A = arith.constant 0 : i32
      %cond3A_207 = arith.cmpi ne, %convert_element_type3A, %cond3A : i32
      scf.if %cond3A_207 {
        %sub3A_810 = arith.constant 1 : i32
        %sub3A_811 = arith.subi %add3A_60, %sub3A_810 : i32
        %jit3A_812 = arith.constant 40 : i32
        %div3A_813 = arith.divsi %sub3A_811, %jit3A_812 : i32
        %sign3A_814 = arith.constant 0 : i32
        %sign3A_815 = arith.cmpi sgt, %sub3A_811, %sign3A_814 : i32
        %sign3A_816 = arith.extui %sign3A_815 : i1 to i32
        %sign3A_817 = arith.constant 0 : i32
        %sign3A_818 = arith.cmpi slt, %sub3A_811, %sign3A_817 : i32
        %sign3A_819 = arith.extui %sign3A_818 : i1 to i32
        %sign3A_820 = arith.subi %sign3A_816, %sign3A_819 : i32
        %sign3A_821 = arith.constant 0 : i32
        %sign3A_822 = arith.cmpi sgt, %jit3A_812, %sign3A_821 : i32
        %sign3A_823 = arith.extui %sign3A_822 : i1 to i32
        %sign3A_824 = arith.constant 0 : i32
        %sign3A_825 = arith.cmpi slt, %jit3A_812, %sign3A_824 : i32
        %sign3A_826 = arith.extui %sign3A_825 : i1 to i32
        %sign3A_827 = arith.subi %sign3A_823, %sign3A_826 : i32
        %ne3A_828 = arith.cmpi ne, %sign3A_820, %sign3A_827 : i32
        %rem3A_829 = arith.remsi %sub3A_811, %jit3A_812 : i32
        %ne3A_830 = arith.constant 0 : i32
        %ne3A_831 = arith.cmpi ne, %rem3A_829, %ne3A_830 : i32
        %and3A_832 = arith.andi %ne3A_828, %ne3A_831 : i1
        %sub3A_833 = arith.constant 1 : i32
        %sub3A_834 = arith.subi %div3A_813, %sub3A_833 : i32
        %select_n3A_835 = arith.select %and3A_832, %sub3A_834, %div3A_813 : i32
        %jit3A_836 = arith.constant 2 : i32
        %eq3A_837 = arith.constant 0 : i32
        %eq3A_838 = arith.cmpi eq, %jit3A_836, %eq3A_837 : i32
        %jit3A_839 = arith.constant 1 : i32
        %select_n3A_840 = arith.select %eq3A_838, %jit3A_839, %jit3A_836 : i32
        %rem3A_841 = arith.remsi %select_n3A_835, %select_n3A_840 : i32
        %ne3A_842 = arith.constant 0 : i32
        %ne3A_843 = arith.cmpi ne, %rem3A_841, %ne3A_842 : i32
        %lt3A_844 = arith.constant 0 : i32
        %lt3A_845 = arith.cmpi slt, %rem3A_841, %lt3A_844 : i32
        %lt3A_846 = arith.constant 0 : i32
        %lt3A_847 = arith.cmpi slt, %select_n3A_840, %lt3A_846 : i32
        %ne3A_848 = arith.xori %lt3A_845, %lt3A_847 : i1
        %and3A_849 = arith.andi %ne3A_848, %ne3A_843 : i1
        %add3A_850 = arith.addi %rem3A_841, %select_n3A_840 : i32
        %select_n3A_851 = arith.select %and3A_849, %add3A_850, %rem3A_841 : i32
        %jit3A_852 = arith.constant 40 : i32
        %eq3A_853 = arith.constant 0 : i32
        %eq3A_854 = arith.cmpi eq, %jit3A_852, %eq3A_853 : i32
        %jit3A_855 = arith.constant 1 : i32
        %select_n3A_856 = arith.select %eq3A_854, %jit3A_855, %jit3A_852 : i32
        %rem3A_857 = arith.remsi %sub3A_811, %select_n3A_856 : i32
        %ne3A_858 = arith.constant 0 : i32
        %ne3A_859 = arith.cmpi ne, %rem3A_857, %ne3A_858 : i32
        %lt3A_860 = arith.constant 0 : i32
        %lt3A_861 = arith.cmpi slt, %rem3A_857, %lt3A_860 : i32
        %lt3A_862 = arith.constant 0 : i32
        %lt3A_863 = arith.cmpi slt, %select_n3A_856, %lt3A_862 : i32
        %ne3A_864 = arith.xori %lt3A_861, %lt3A_863 : i1
        %and3A_865 = arith.andi %ne3A_864, %ne3A_859 : i1
        %add3A_866 = arith.addi %rem3A_857, %select_n3A_856 : i32
        %select_n3A_867 = arith.select %and3A_865, %add3A_866, %rem3A_857 : i32
        %dma_wait3A_868 = arith.constant 0 : i32
        %dma_wait3A_869 = tpu.memref_slice %arg7[%select_n3A_851, %select_n3A_867, %dma_wait3A_868] : memref<2x40x128xi32, #tpu.memory_space<vmem>> -> memref<1x1x128xi32, #tpu.memory_space<vmem>>
        %dma_wait3A_870 = tpu.memref_squeeze %dma_wait3A_869 : memref<1x1x128xi32, #tpu.memory_space<vmem>> -> memref<128xi32, #tpu.memory_space<vmem>>
        %dma_wait3A_871 = arith.constant 0 : i32
        %dma_wait3A_872 = arith.constant 0 : i32
        %dma_wait3A_873 = tpu.memref_slice %arg21[%dma_wait3A_871, %dma_wait3A_872] : memref<10240x96xf32, #tpu.memory_space<vmem_shared>> -> memref<10240x96xf32, #tpu.memory_space<vmem_shared>>
        tpu.wait_indirect_dma semaphore(%arg19 : memref<!tpu.dma_semaphore, #tpu.memory_space<semaphore_mem>>) src(%arg11 : memref<128x96xf32, #tpu.memory_space<vmem>>) dst(%dma_wait3A_873 : memref<10240x96xf32, #tpu.memory_space<vmem_shared>>)
      } else {
      }
      %eq3A_208 = arith.constant 0 : i32
      %eq3A_209 = arith.cmpi eq, %sub3A_79, %eq3A_208 : i32
      %add3A_210 = arith.constant 40 : i32
      %add3A_211 = arith.addi %add3A_60, %add3A_210 : i32
      %lt3A_212 = arith.constant 160 : i32
      %lt3A_213 = arith.cmpi slt, %add3A_211, %lt3A_212 : i32
      %and3A_214 = arith.andi %eq3A_209, %lt3A_213 : i1
      %convert_element_type3A_215 = arith.extui %and3A_214 : i1 to i32
      %cond3A_216 = arith.constant 0 : i32
      %cond3A_217 = arith.cmpi ne, %convert_element_type3A_215, %cond3A_216 : i32
      scf.if %cond3A_217 {
        %add3A_810 = arith.constant 1 : i32
        %add3A_811 = arith.addi %select_n3A, %add3A_810 : i32
        %jit3A_812 = arith.constant 2 : i32
        %eq3A_813 = arith.constant 0 : i32
        %eq3A_814 = arith.cmpi eq, %jit3A_812, %eq3A_813 : i32
        %jit3A_815 = arith.constant 1 : i32
        %select_n3A_816 = arith.select %eq3A_814, %jit3A_815, %jit3A_812 : i32
        %rem3A_817 = arith.remsi %add3A_811, %select_n3A_816 : i32
        %ne3A_818 = arith.constant 0 : i32
        %ne3A_819 = arith.cmpi ne, %rem3A_817, %ne3A_818 : i32
        %lt3A_820 = arith.constant 0 : i32
        %lt3A_821 = arith.cmpi slt, %rem3A_817, %lt3A_820 : i32
        %lt3A_822 = arith.constant 0 : i32
        %lt3A_823 = arith.cmpi slt, %select_n3A_816, %lt3A_822 : i32
        %ne3A_824 = arith.xori %lt3A_821, %lt3A_823 : i1
        %and3A_825 = arith.andi %ne3A_824, %ne3A_819 : i1
        %add3A_826 = arith.addi %rem3A_817, %select_n3A_816 : i32
        %select_n3A_827 = arith.select %and3A_825, %add3A_826, %rem3A_817 : i32
        %add3A_828 = arith.constant 1 : i32
        %add3A_829 = arith.addi %select_n3A, %add3A_828 : i32
        %mul3A_830 = arith.constant 40 : i32
        %mul3A_831 = arith.muli %add3A_829, %mul3A_830 : i32
        %dma_start3A_832 = arith.constant 0 : i32
        %dma_start3A_833 = arith.constant 0 : i32
        %dma_start3A_834 = tpu.memref_slice %arg6[%select_n3A_827, %dma_start3A_832, %dma_start3A_833] : memref<2x40x128xi32, #tpu.memory_space<vmem>> -> memref<1x40x128xi32, #tpu.memory_space<vmem>>
        %dma_start3A_835 = tpu.memref_squeeze %dma_start3A_834 : memref<1x40x128xi32, #tpu.memory_space<vmem>> -> memref<40x128xi32, #tpu.memory_space<vmem>>
        %dma_start3A_836 = arith.constant 0 : i32
        %dma_start3A_837 = tpu.memref_slice %arg3[%arg1, %mul3A_831, %dma_start3A_836] : memref<16x160x128xi32, #tpu.memory_space<hbm>> -> memref<1x40x128xi32, #tpu.memory_space<hbm>>
        %dma_start3A_838 = tpu.memref_squeeze %dma_start3A_837 : memref<1x40x128xi32, #tpu.memory_space<hbm>> -> memref<40x128xi32, #tpu.memory_space<hbm>>
        %dma_start3A_839 = arith.constant 0 : i32
        %dma_start3A_840 = arith.constant 0 : i32
        %dma_start3A_841 = tpu.memref_slice %arg6[%select_n3A_827, %dma_start3A_839, %dma_start3A_840] : memref<2x40x128xi32, #tpu.memory_space<vmem>> -> memref<1x40x128xi32, #tpu.memory_space<vmem>>
        %dma_start3A_842 = tpu.memref_squeeze %dma_start3A_841 : memref<1x40x128xi32, #tpu.memory_space<vmem>> -> memref<40x128xi32, #tpu.memory_space<vmem>>
        %dma_start3A_843 = arith.constant 0 : i32
        %dma_start3A_844 = tpu.memref_slice %arg3[%arg1, %mul3A_831, %dma_start3A_843] : memref<16x160x128xi32, #tpu.memory_space<hbm>> -> memref<1x40x128xi32, #tpu.memory_space<hbm>>
        %dma_start3A_845 = tpu.memref_squeeze %dma_start3A_844 : memref<1x40x128xi32, #tpu.memory_space<hbm>> -> memref<40x128xi32, #tpu.memory_space<hbm>>
        tpu.enqueue_dma source(%dma_start3A_845 : memref<40x128xi32, #tpu.memory_space<hbm>>) target(%dma_start3A_842 : memref<40x128xi32, #tpu.memory_space<vmem>>) target_semaphore(%arg20 : memref<!tpu.dma_semaphore, #tpu.memory_space<semaphore_mem>>)
        %add3A_846 = arith.constant 1 : i32
        %add3A_847 = arith.addi %select_n3A, %add3A_846 : i32
        %mul3A_848 = arith.constant 40 : i32
        %mul3A_849 = arith.muli %add3A_847, %mul3A_848 : i32
        %dma_start3A_850 = arith.constant 0 : i32
        %dma_start3A_851 = arith.constant 0 : i32
        %dma_start3A_852 = tpu.memref_slice %arg7[%select_n3A_827, %dma_start3A_850, %dma_start3A_851] : memref<2x40x128xi32, #tpu.memory_space<vmem>> -> memref<1x40x128xi32, #tpu.memory_space<vmem>>
        %dma_start3A_853 = tpu.memref_squeeze %dma_start3A_852 : memref<1x40x128xi32, #tpu.memory_space<vmem>> -> memref<40x128xi32, #tpu.memory_space<vmem>>
        %dma_start3A_854 = arith.constant 0 : i32
        %dma_start3A_855 = tpu.memref_slice %arg4[%arg1, %mul3A_849, %dma_start3A_854] : memref<16x160x128xi32, #tpu.memory_space<hbm>> -> memref<1x40x128xi32, #tpu.memory_space<hbm>>
        %dma_start3A_856 = tpu.memref_squeeze %dma_start3A_855 : memref<1x40x128xi32, #tpu.memory_space<hbm>> -> memref<40x128xi32, #tpu.memory_space<hbm>>
        %dma_start3A_857 = arith.constant 0 : i32
        %dma_start3A_858 = arith.constant 0 : i32
        %dma_start3A_859 = tpu.memref_slice %arg7[%select_n3A_827, %dma_start3A_857, %dma_start3A_858] : memref<2x40x128xi32, #tpu.memory_space<vmem>> -> memref<1x40x128xi32, #tpu.memory_space<vmem>>
        %dma_start3A_860 = tpu.memref_squeeze %dma_start3A_859 : memref<1x40x128xi32, #tpu.memory_space<vmem>> -> memref<40x128xi32, #tpu.memory_space<vmem>>
        %dma_start3A_861 = arith.constant 0 : i32
        %dma_start3A_862 = tpu.memref_slice %arg4[%arg1, %mul3A_849, %dma_start3A_861] : memref<16x160x128xi32, #tpu.memory_space<hbm>> -> memref<1x40x128xi32, #tpu.memory_space<hbm>>
        %dma_start3A_863 = tpu.memref_squeeze %dma_start3A_862 : memref<1x40x128xi32, #tpu.memory_space<hbm>> -> memref<40x128xi32, #tpu.memory_space<hbm>>
        tpu.enqueue_dma source(%dma_start3A_863 : memref<40x128xi32, #tpu.memory_space<hbm>>) target(%dma_start3A_860 : memref<40x128xi32, #tpu.memory_space<vmem>>) target_semaphore(%arg20 : memref<!tpu.dma_semaphore, #tpu.memory_space<semaphore_mem>>)
      } else {
      }
      %eq3A_218 = arith.constant 36 : i32
      %eq3A_219 = arith.cmpi eq, %sub3A_79, %eq3A_218 : i32
      %add3A_220 = arith.constant 4 : i32
      %add3A_221 = arith.addi %add3A_60, %add3A_220 : i32
      %lt3A_222 = arith.constant 160 : i32
      %lt3A_223 = arith.cmpi slt, %add3A_221, %lt3A_222 : i32
      %and3A_224 = arith.andi %eq3A_219, %lt3A_223 : i1
      %convert_element_type3A_225 = arith.extui %and3A_224 : i1 to i32
      %cond3A_226 = arith.constant 0 : i32
      %cond3A_227 = arith.cmpi ne, %convert_element_type3A_225, %cond3A_226 : i32
      scf.if %cond3A_227 {
        %add3A_810 = arith.constant 1 : i32
        %add3A_811 = arith.addi %select_n3A, %add3A_810 : i32
        %jit3A_812 = arith.constant 2 : i32
        %eq3A_813 = arith.constant 0 : i32
        %eq3A_814 = arith.cmpi eq, %jit3A_812, %eq3A_813 : i32
        %jit3A_815 = arith.constant 1 : i32
        %select_n3A_816 = arith.select %eq3A_814, %jit3A_815, %jit3A_812 : i32
        %rem3A_817 = arith.remsi %add3A_811, %select_n3A_816 : i32
        %ne3A_818 = arith.constant 0 : i32
        %ne3A_819 = arith.cmpi ne, %rem3A_817, %ne3A_818 : i32
        %lt3A_820 = arith.constant 0 : i32
        %lt3A_821 = arith.cmpi slt, %rem3A_817, %lt3A_820 : i32
        %lt3A_822 = arith.constant 0 : i32
        %lt3A_823 = arith.cmpi slt, %select_n3A_816, %lt3A_822 : i32
        %ne3A_824 = arith.xori %lt3A_821, %lt3A_823 : i1
        %and3A_825 = arith.andi %ne3A_824, %ne3A_819 : i1
        %add3A_826 = arith.addi %rem3A_817, %select_n3A_816 : i32
        %select_n3A_827 = arith.select %and3A_825, %add3A_826, %rem3A_817 : i32
        %add3A_828 = arith.constant 1 : i32
        %add3A_829 = arith.addi %select_n3A, %add3A_828 : i32
        %mul3A_830 = arith.constant 40 : i32
        %mul3A_831 = arith.muli %add3A_829, %mul3A_830 : i32
        %dma_wait3A_832 = arith.constant 0 : i32
        %dma_wait3A_833 = arith.constant 0 : i32
        %dma_wait3A_834 = tpu.memref_slice %arg6[%select_n3A_827, %dma_wait3A_832, %dma_wait3A_833] : memref<2x40x128xi32, #tpu.memory_space<vmem>> -> memref<1x40x128xi32, #tpu.memory_space<vmem>>
        %dma_wait3A_835 = tpu.memref_squeeze %dma_wait3A_834 : memref<1x40x128xi32, #tpu.memory_space<vmem>> -> memref<40x128xi32, #tpu.memory_space<vmem>>
        %dma_wait3A_836 = arith.constant 0 : i32
        %dma_wait3A_837 = tpu.memref_slice %arg3[%arg1, %mul3A_831, %dma_wait3A_836] : memref<16x160x128xi32, #tpu.memory_space<hbm>> -> memref<1x40x128xi32, #tpu.memory_space<hbm>>
        %dma_wait3A_838 = tpu.memref_squeeze %dma_wait3A_837 : memref<1x40x128xi32, #tpu.memory_space<hbm>> -> memref<40x128xi32, #tpu.memory_space<hbm>>
        %dma_wait3A_839 = arith.constant 0 : i32
        %dma_wait3A_840 = arith.constant 0 : i32
        %dma_wait3A_841 = tpu.memref_slice %arg6[%select_n3A_827, %dma_wait3A_839, %dma_wait3A_840] : memref<2x40x128xi32, #tpu.memory_space<vmem>> -> memref<1x40x128xi32, #tpu.memory_space<vmem>>
        %dma_wait3A_842 = tpu.memref_squeeze %dma_wait3A_841 : memref<1x40x128xi32, #tpu.memory_space<vmem>> -> memref<40x128xi32, #tpu.memory_space<vmem>>
        %dma_wait3A_843 = arith.constant 0 : i32
        %dma_wait3A_844 = tpu.memref_slice %arg3[%arg1, %mul3A_831, %dma_wait3A_843] : memref<16x160x128xi32, #tpu.memory_space<hbm>> -> memref<1x40x128xi32, #tpu.memory_space<hbm>>
        %dma_wait3A_845 = tpu.memref_squeeze %dma_wait3A_844 : memref<1x40x128xi32, #tpu.memory_space<hbm>> -> memref<40x128xi32, #tpu.memory_space<hbm>>
        tpu.wait_dma2 semaphore(%arg20 : memref<!tpu.dma_semaphore, #tpu.memory_space<semaphore_mem>>) src(%dma_wait3A_845 : memref<40x128xi32, #tpu.memory_space<hbm>>) dst(%dma_wait3A_842 : memref<40x128xi32, #tpu.memory_space<vmem>>)
        %add3A_846 = arith.constant 1 : i32
        %add3A_847 = arith.addi %select_n3A, %add3A_846 : i32
        %mul3A_848 = arith.constant 40 : i32
        %mul3A_849 = arith.muli %add3A_847, %mul3A_848 : i32
        %dma_wait3A_850 = arith.constant 0 : i32
        %dma_wait3A_851 = arith.constant 0 : i32
        %dma_wait3A_852 = tpu.memref_slice %arg7[%select_n3A_827, %dma_wait3A_850, %dma_wait3A_851] : memref<2x40x128xi32, #tpu.memory_space<vmem>> -> memref<1x40x128xi32, #tpu.memory_space<vmem>>
        %dma_wait3A_853 = tpu.memref_squeeze %dma_wait3A_852 : memref<1x40x128xi32, #tpu.memory_space<vmem>> -> memref<40x128xi32, #tpu.memory_space<vmem>>
        %dma_wait3A_854 = arith.constant 0 : i32
        %dma_wait3A_855 = tpu.memref_slice %arg4[%arg1, %mul3A_849, %dma_wait3A_854] : memref<16x160x128xi32, #tpu.memory_space<hbm>> -> memref<1x40x128xi32, #tpu.memory_space<hbm>>
        %dma_wait3A_856 = tpu.memref_squeeze %dma_wait3A_855 : memref<1x40x128xi32, #tpu.memory_space<hbm>> -> memref<40x128xi32, #tpu.memory_space<hbm>>
        %dma_wait3A_857 = arith.constant 0 : i32
        %dma_wait3A_858 = arith.constant 0 : i32
        %dma_wait3A_859 = tpu.memref_slice %arg7[%select_n3A_827, %dma_wait3A_857, %dma_wait3A_858] : memref<2x40x128xi32, #tpu.memory_space<vmem>> -> memref<1x40x128xi32, #tpu.memory_space<vmem>>
        %dma_wait3A_860 = tpu.memref_squeeze %dma_wait3A_859 : memref<1x40x128xi32, #tpu.memory_space<vmem>> -> memref<40x128xi32, #tpu.memory_space<vmem>>
        %dma_wait3A_861 = arith.constant 0 : i32
        %dma_wait3A_862 = tpu.memref_slice %arg4[%arg1, %mul3A_849, %dma_wait3A_861] : memref<16x160x128xi32, #tpu.memory_space<hbm>> -> memref<1x40x128xi32, #tpu.memory_space<hbm>>
        %dma_wait3A_863 = tpu.memref_squeeze %dma_wait3A_862 : memref<1x40x128xi32, #tpu.memory_space<hbm>> -> memref<40x128xi32, #tpu.memory_space<hbm>>
        tpu.wait_dma2 semaphore(%arg20 : memref<!tpu.dma_semaphore, #tpu.memory_space<semaphore_mem>>) src(%dma_wait3A_863 : memref<40x128xi32, #tpu.memory_space<hbm>>) dst(%dma_wait3A_860 : memref<40x128xi32, #tpu.memory_space<vmem>>)
      } else {
      }
      %add3A_228 = arith.constant 4 : i32
      %add3A_229 = arith.addi %add3A_60, %add3A_228 : i32
      %sub3A_230 = arith.constant 1 : i32
      %sub3A_231 = arith.subi %add3A_229, %sub3A_230 : i32
      %lt3A_232 = arith.constant 160 : i32
      %lt3A_233 = arith.cmpi slt, %sub3A_231, %lt3A_232 : i32
      %convert_element_type3A_234 = arith.extui %lt3A_233 : i1 to i32
      %cond3A_235 = arith.constant 0 : i32
      %cond3A_236 = arith.cmpi ne, %convert_element_type3A_234, %cond3A_235 : i32
      scf.if %cond3A_236 {
        %add3A_810 = arith.constant 4 : i32
        %add3A_811 = arith.addi %add3A_60, %add3A_810 : i32
        %sub3A_812 = arith.constant 1 : i32
        %sub3A_813 = arith.subi %add3A_811, %sub3A_812 : i32
        %jit3A_814 = arith.constant 40 : i32
        %div3A_815 = arith.divsi %sub3A_813, %jit3A_814 : i32
        %sign3A_816 = arith.constant 0 : i32
        %sign3A_817 = arith.cmpi sgt, %sub3A_813, %sign3A_816 : i32
        %sign3A_818 = arith.extui %sign3A_817 : i1 to i32
        %sign3A_819 = arith.constant 0 : i32
        %sign3A_820 = arith.cmpi slt, %sub3A_813, %sign3A_819 : i32
        %sign3A_821 = arith.extui %sign3A_820 : i1 to i32
        %sign3A_822 = arith.subi %sign3A_818, %sign3A_821 : i32
        %sign3A_823 = arith.constant 0 : i32
        %sign3A_824 = arith.cmpi sgt, %jit3A_814, %sign3A_823 : i32
        %sign3A_825 = arith.extui %sign3A_824 : i1 to i32
        %sign3A_826 = arith.constant 0 : i32
        %sign3A_827 = arith.cmpi slt, %jit3A_814, %sign3A_826 : i32
        %sign3A_828 = arith.extui %sign3A_827 : i1 to i32
        %sign3A_829 = arith.subi %sign3A_825, %sign3A_828 : i32
        %ne3A_830 = arith.cmpi ne, %sign3A_822, %sign3A_829 : i32
        %rem3A_831 = arith.remsi %sub3A_813, %jit3A_814 : i32
        %ne3A_832 = arith.constant 0 : i32
        %ne3A_833 = arith.cmpi ne, %rem3A_831, %ne3A_832 : i32
        %and3A_834 = arith.andi %ne3A_830, %ne3A_833 : i1
        %sub3A_835 = arith.constant 1 : i32
        %sub3A_836 = arith.subi %div3A_815, %sub3A_835 : i32
        %select_n3A_837 = arith.select %and3A_834, %sub3A_836, %div3A_815 : i32
        %jit3A_838 = arith.constant 2 : i32
        %eq3A_839 = arith.constant 0 : i32
        %eq3A_840 = arith.cmpi eq, %jit3A_838, %eq3A_839 : i32
        %jit3A_841 = arith.constant 1 : i32
        %select_n3A_842 = arith.select %eq3A_840, %jit3A_841, %jit3A_838 : i32
        %rem3A_843 = arith.remsi %select_n3A_837, %select_n3A_842 : i32
        %ne3A_844 = arith.constant 0 : i32
        %ne3A_845 = arith.cmpi ne, %rem3A_843, %ne3A_844 : i32
        %lt3A_846 = arith.constant 0 : i32
        %lt3A_847 = arith.cmpi slt, %rem3A_843, %lt3A_846 : i32
        %lt3A_848 = arith.constant 0 : i32
        %lt3A_849 = arith.cmpi slt, %select_n3A_842, %lt3A_848 : i32
        %ne3A_850 = arith.xori %lt3A_847, %lt3A_849 : i1
        %and3A_851 = arith.andi %ne3A_850, %ne3A_845 : i1
        %add3A_852 = arith.addi %rem3A_843, %select_n3A_842 : i32
        %select_n3A_853 = arith.select %and3A_851, %add3A_852, %rem3A_843 : i32
        %jit3A_854 = arith.constant 40 : i32
        %eq3A_855 = arith.constant 0 : i32
        %eq3A_856 = arith.cmpi eq, %jit3A_854, %eq3A_855 : i32
        %jit3A_857 = arith.constant 1 : i32
        %select_n3A_858 = arith.select %eq3A_856, %jit3A_857, %jit3A_854 : i32
        %rem3A_859 = arith.remsi %sub3A_813, %select_n3A_858 : i32
        %ne3A_860 = arith.constant 0 : i32
        %ne3A_861 = arith.cmpi ne, %rem3A_859, %ne3A_860 : i32
        %lt3A_862 = arith.constant 0 : i32
        %lt3A_863 = arith.cmpi slt, %rem3A_859, %lt3A_862 : i32
        %lt3A_864 = arith.constant 0 : i32
        %lt3A_865 = arith.cmpi slt, %select_n3A_858, %lt3A_864 : i32
        %ne3A_866 = arith.xori %lt3A_863, %lt3A_865 : i1
        %and3A_867 = arith.andi %ne3A_866, %ne3A_861 : i1
        %add3A_868 = arith.addi %rem3A_859, %select_n3A_858 : i32
        %select_n3A_869 = arith.select %and3A_867, %add3A_868, %rem3A_859 : i32
        %dma_start3A_870 = arith.constant 0 : i32
        %dma_start3A_871 = tpu.memref_slice %arg6[%select_n3A_853, %select_n3A_869, %dma_start3A_870] : memref<2x40x128xi32, #tpu.memory_space<vmem>> -> memref<1x1x128xi32, #tpu.memory_space<vmem>>
        %dma_start3A_872 = tpu.memref_squeeze %dma_start3A_871 : memref<1x1x128xi32, #tpu.memory_space<vmem>> -> memref<128xi32, #tpu.memory_space<vmem>>
        %dma_start3A_873 = arith.constant 0 : i32
        %dma_start3A_874 = arith.constant 0 : i32
        %dma_start3A_875 = tpu.memref_slice %arg2[%arg0, %dma_start3A_873, %dma_start3A_874] : memref<2x10240x96xf32, #tpu.memory_space<hbm>> -> memref<1x10240x96xf32, #tpu.memory_space<hbm>>
        %dma_start3A_876 = tpu.memref_squeeze %dma_start3A_875 : memref<1x10240x96xf32, #tpu.memory_space<hbm>> -> memref<10240x96xf32, #tpu.memory_space<hbm>>
        %dma_start3A_877 = arith.constant 0 : i32
        %dma_start3A_878 = arith.constant 0 : i32
        %dma_start3A_879 = tpu.memref_slice %dma_start3A_876[%dma_start3A_877, %dma_start3A_878] : memref<10240x96xf32, #tpu.memory_space<hbm>> -> memref<10240x96xf32, #tpu.memory_space<hbm>>
        tpu.enqueue_indirect_dma source(%dma_start3A_879 : memref<10240x96xf32, #tpu.memory_space<hbm>>) target(%arg11 : memref<128x96xf32, #tpu.memory_space<vmem>>) offsets(%dma_start3A_872 : memref<128xi32, #tpu.memory_space<vmem>>) semaphore(%arg15 : memref<!tpu.dma_semaphore, #tpu.memory_space<semaphore_mem>>)
      } else {
      }
      %add3A_237 = arith.constant 1 : i32
      %add3A_238 = arith.addi %add3A_58, %add3A_237 : i32
      %jit3A_239 = arith.constant 40 : i32
      %div3A_240 = arith.divsi %add3A_238, %jit3A_239 : i32
      %sign3A_241 = arith.constant 0 : i32
      %sign3A_242 = arith.cmpi sgt, %add3A_238, %sign3A_241 : i32
      %sign3A_243 = arith.extui %sign3A_242 : i1 to i32
      %sign3A_244 = arith.constant 0 : i32
      %sign3A_245 = arith.cmpi slt, %add3A_238, %sign3A_244 : i32
      %sign3A_246 = arith.extui %sign3A_245 : i1 to i32
      %sign3A_247 = arith.subi %sign3A_243, %sign3A_246 : i32
      %sign3A_248 = arith.constant 0 : i32
      %sign3A_249 = arith.cmpi sgt, %jit3A_239, %sign3A_248 : i32
      %sign3A_250 = arith.extui %sign3A_249 : i1 to i32
      %sign3A_251 = arith.constant 0 : i32
      %sign3A_252 = arith.cmpi slt, %jit3A_239, %sign3A_251 : i32
      %sign3A_253 = arith.extui %sign3A_252 : i1 to i32
      %sign3A_254 = arith.subi %sign3A_250, %sign3A_253 : i32
      %ne3A_255 = arith.cmpi ne, %sign3A_247, %sign3A_254 : i32
      %rem3A_256 = arith.remsi %add3A_238, %jit3A_239 : i32
      %ne3A_257 = arith.constant 0 : i32
      %ne3A_258 = arith.cmpi ne, %rem3A_256, %ne3A_257 : i32
      %and3A_259 = arith.andi %ne3A_255, %ne3A_258 : i1
      %sub3A_260 = arith.constant 1 : i32
      %sub3A_261 = arith.subi %div3A_240, %sub3A_260 : i32
      %select_n3A_262 = arith.select %and3A_259, %sub3A_261, %div3A_240 : i32
      %mul3A_263 = arith.constant 40 : i32
      %mul3A_264 = arith.muli %select_n3A_262, %mul3A_263 : i32
      %sub3A_265 = arith.subi %add3A_238, %mul3A_264 : i32
      %jit3A_266 = arith.constant 40 : i32
      %div3A_267 = arith.divsi %add3A_238, %jit3A_266 : i32
      %sign3A_268 = arith.constant 0 : i32
      %sign3A_269 = arith.cmpi sgt, %add3A_238, %sign3A_268 : i32
      %sign3A_270 = arith.extui %sign3A_269 : i1 to i32
      %sign3A_271 = arith.constant 0 : i32
      %sign3A_272 = arith.cmpi slt, %add3A_238, %sign3A_271 : i32
      %sign3A_273 = arith.extui %sign3A_272 : i1 to i32
      %sign3A_274 = arith.subi %sign3A_270, %sign3A_273 : i32
      %sign3A_275 = arith.constant 0 : i32
      %sign3A_276 = arith.cmpi sgt, %jit3A_266, %sign3A_275 : i32
      %sign3A_277 = arith.extui %sign3A_276 : i1 to i32
      %sign3A_278 = arith.constant 0 : i32
      %sign3A_279 = arith.cmpi slt, %jit3A_266, %sign3A_278 : i32
      %sign3A_280 = arith.extui %sign3A_279 : i1 to i32
      %sign3A_281 = arith.subi %sign3A_277, %sign3A_280 : i32
      %ne3A_282 = arith.cmpi ne, %sign3A_274, %sign3A_281 : i32
      %rem3A_283 = arith.remsi %add3A_238, %jit3A_266 : i32
      %ne3A_284 = arith.constant 0 : i32
      %ne3A_285 = arith.cmpi ne, %rem3A_283, %ne3A_284 : i32
      %and3A_286 = arith.andi %ne3A_282, %ne3A_285 : i1
      %sub3A_287 = arith.constant 1 : i32
      %sub3A_288 = arith.subi %div3A_267, %sub3A_287 : i32
      %select_n3A_289 = arith.select %and3A_286, %sub3A_288, %div3A_267 : i32
      %jit3A_290 = arith.constant 2 : i32
      %eq3A_291 = arith.constant 0 : i32
      %eq3A_292 = arith.cmpi eq, %jit3A_290, %eq3A_291 : i32
      %jit3A_293 = arith.constant 1 : i32
      %select_n3A_294 = arith.select %eq3A_292, %jit3A_293, %jit3A_290 : i32
      %rem3A_295 = arith.remsi %select_n3A_289, %select_n3A_294 : i32
      %ne3A_296 = arith.constant 0 : i32
      %ne3A_297 = arith.cmpi ne, %rem3A_295, %ne3A_296 : i32
      %lt3A_298 = arith.constant 0 : i32
      %lt3A_299 = arith.cmpi slt, %rem3A_295, %lt3A_298 : i32
      %lt3A_300 = arith.constant 0 : i32
      %lt3A_301 = arith.cmpi slt, %select_n3A_294, %lt3A_300 : i32
      %ne3A_302 = arith.xori %lt3A_299, %lt3A_301 : i1
      %and3A_303 = arith.andi %ne3A_302, %ne3A_297 : i1
      %add3A_304 = arith.addi %rem3A_295, %select_n3A_294 : i32
      %select_n3A_305 = arith.select %and3A_303, %add3A_304, %rem3A_295 : i32
      %jit3A_306 = arith.constant 40 : i32
      %eq3A_307 = arith.constant 0 : i32
      %eq3A_308 = arith.cmpi eq, %jit3A_306, %eq3A_307 : i32
      %jit3A_309 = arith.constant 1 : i32
      %select_n3A_310 = arith.select %eq3A_308, %jit3A_309, %jit3A_306 : i32
      %rem3A_311 = arith.remsi %add3A_238, %select_n3A_310 : i32
      %ne3A_312 = arith.constant 0 : i32
      %ne3A_313 = arith.cmpi ne, %rem3A_311, %ne3A_312 : i32
      %lt3A_314 = arith.constant 0 : i32
      %lt3A_315 = arith.cmpi slt, %rem3A_311, %lt3A_314 : i32
      %lt3A_316 = arith.constant 0 : i32
      %lt3A_317 = arith.cmpi slt, %select_n3A_310, %lt3A_316 : i32
      %ne3A_318 = arith.xori %lt3A_315, %lt3A_317 : i1
      %and3A_319 = arith.andi %ne3A_318, %ne3A_313 : i1
      %add3A_320 = arith.addi %rem3A_311, %select_n3A_310 : i32
      %select_n3A_321 = arith.select %and3A_319, %add3A_320, %rem3A_311 : i32
      %dma_wait3A_322 = arith.constant 0 : i32
      %dma_wait3A_323 = tpu.memref_slice %arg6[%select_n3A_305, %select_n3A_321, %dma_wait3A_322] : memref<2x40x128xi32, #tpu.memory_space<vmem>> -> memref<1x1x128xi32, #tpu.memory_space<vmem>>
      %dma_wait3A_324 = tpu.memref_squeeze %dma_wait3A_323 : memref<1x1x128xi32, #tpu.memory_space<vmem>> -> memref<128xi32, #tpu.memory_space<vmem>>
      %dma_wait3A_325 = arith.constant 0 : i32
      %dma_wait3A_326 = arith.constant 0 : i32
      %dma_wait3A_327 = tpu.memref_slice %arg2[%arg0, %dma_wait3A_325, %dma_wait3A_326] : memref<2x10240x96xf32, #tpu.memory_space<hbm>> -> memref<1x10240x96xf32, #tpu.memory_space<hbm>>
      %dma_wait3A_328 = tpu.memref_squeeze %dma_wait3A_327 : memref<1x10240x96xf32, #tpu.memory_space<hbm>> -> memref<10240x96xf32, #tpu.memory_space<hbm>>
      %dma_wait3A_329 = arith.constant 0 : i32
      %dma_wait3A_330 = arith.constant 0 : i32
      %dma_wait3A_331 = tpu.memref_slice %dma_wait3A_328[%dma_wait3A_329, %dma_wait3A_330] : memref<10240x96xf32, #tpu.memory_space<hbm>> -> memref<10240x96xf32, #tpu.memory_space<hbm>>
      tpu.wait_indirect_dma semaphore(%arg13 : memref<!tpu.dma_semaphore, #tpu.memory_space<semaphore_mem>>) src(%dma_wait3A_331 : memref<10240x96xf32, #tpu.memory_space<hbm>>) dst(%arg9 : memref<128x96xf32, #tpu.memory_space<vmem>>)
      %jit3A_332 = arith.constant 40 : i32
      %div3A_333 = arith.divsi %add3A_238, %jit3A_332 : i32
      %sign3A_334 = arith.constant 0 : i32
      %sign3A_335 = arith.cmpi sgt, %add3A_238, %sign3A_334 : i32
      %sign3A_336 = arith.extui %sign3A_335 : i1 to i32
      %sign3A_337 = arith.constant 0 : i32
      %sign3A_338 = arith.cmpi slt, %add3A_238, %sign3A_337 : i32
      %sign3A_339 = arith.extui %sign3A_338 : i1 to i32
      %sign3A_340 = arith.subi %sign3A_336, %sign3A_339 : i32
      %sign3A_341 = arith.constant 0 : i32
      %sign3A_342 = arith.cmpi sgt, %jit3A_332, %sign3A_341 : i32
      %sign3A_343 = arith.extui %sign3A_342 : i1 to i32
      %sign3A_344 = arith.constant 0 : i32
      %sign3A_345 = arith.cmpi slt, %jit3A_332, %sign3A_344 : i32
      %sign3A_346 = arith.extui %sign3A_345 : i1 to i32
      %sign3A_347 = arith.subi %sign3A_343, %sign3A_346 : i32
      %ne3A_348 = arith.cmpi ne, %sign3A_340, %sign3A_347 : i32
      %rem3A_349 = arith.remsi %add3A_238, %jit3A_332 : i32
      %ne3A_350 = arith.constant 0 : i32
      %ne3A_351 = arith.cmpi ne, %rem3A_349, %ne3A_350 : i32
      %and3A_352 = arith.andi %ne3A_348, %ne3A_351 : i1
      %sub3A_353 = arith.constant 1 : i32
      %sub3A_354 = arith.subi %div3A_333, %sub3A_353 : i32
      %select_n3A_355 = arith.select %and3A_352, %sub3A_354, %div3A_333 : i32
      %jit3A_356 = arith.constant 2 : i32
      %eq3A_357 = arith.constant 0 : i32
      %eq3A_358 = arith.cmpi eq, %jit3A_356, %eq3A_357 : i32
      %jit3A_359 = arith.constant 1 : i32
      %select_n3A_360 = arith.select %eq3A_358, %jit3A_359, %jit3A_356 : i32
      %rem3A_361 = arith.remsi %select_n3A_355, %select_n3A_360 : i32
      %ne3A_362 = arith.constant 0 : i32
      %ne3A_363 = arith.cmpi ne, %rem3A_361, %ne3A_362 : i32
      %lt3A_364 = arith.constant 0 : i32
      %lt3A_365 = arith.cmpi slt, %rem3A_361, %lt3A_364 : i32
      %lt3A_366 = arith.constant 0 : i32
      %lt3A_367 = arith.cmpi slt, %select_n3A_360, %lt3A_366 : i32
      %ne3A_368 = arith.xori %lt3A_365, %lt3A_367 : i1
      %and3A_369 = arith.andi %ne3A_368, %ne3A_363 : i1
      %add3A_370 = arith.addi %rem3A_361, %select_n3A_360 : i32
      %select_n3A_371 = arith.select %and3A_369, %add3A_370, %rem3A_361 : i32
      %jit3A_372 = arith.constant 40 : i32
      %eq3A_373 = arith.constant 0 : i32
      %eq3A_374 = arith.cmpi eq, %jit3A_372, %eq3A_373 : i32
      %jit3A_375 = arith.constant 1 : i32
      %select_n3A_376 = arith.select %eq3A_374, %jit3A_375, %jit3A_372 : i32
      %rem3A_377 = arith.remsi %add3A_238, %select_n3A_376 : i32
      %ne3A_378 = arith.constant 0 : i32
      %ne3A_379 = arith.cmpi ne, %rem3A_377, %ne3A_378 : i32
      %lt3A_380 = arith.constant 0 : i32
      %lt3A_381 = arith.cmpi slt, %rem3A_377, %lt3A_380 : i32
      %lt3A_382 = arith.constant 0 : i32
      %lt3A_383 = arith.cmpi slt, %select_n3A_376, %lt3A_382 : i32
      %ne3A_384 = arith.xori %lt3A_381, %lt3A_383 : i1
      %and3A_385 = arith.andi %ne3A_384, %ne3A_379 : i1
      %add3A_386 = arith.addi %rem3A_377, %select_n3A_376 : i32
      %select_n3A_387 = arith.select %and3A_385, %add3A_386, %rem3A_377 : i32
      %dma_start3A_388 = arith.constant 0 : i32
      %dma_start3A_389 = tpu.memref_slice %arg7[%select_n3A_371, %select_n3A_387, %dma_start3A_388] : memref<2x40x128xi32, #tpu.memory_space<vmem>> -> memref<1x1x128xi32, #tpu.memory_space<vmem>>
      %dma_start3A_390 = tpu.memref_squeeze %dma_start3A_389 : memref<1x1x128xi32, #tpu.memory_space<vmem>> -> memref<128xi32, #tpu.memory_space<vmem>>
      %dma_start3A_391 = arith.constant 0 : i32
      %dma_start3A_392 = arith.constant 0 : i32
      %dma_start3A_393 = tpu.memref_slice %arg21[%dma_start3A_391, %dma_start3A_392] : memref<10240x96xf32, #tpu.memory_space<vmem_shared>> -> memref<10240x96xf32, #tpu.memory_space<vmem_shared>>
      tpu.enqueue_indirect_dma source(%arg9 : memref<128x96xf32, #tpu.memory_space<vmem>>) target(%dma_start3A_393 : memref<10240x96xf32, #tpu.memory_space<vmem_shared>>) offsets(%dma_start3A_390 : memref<128xi32, #tpu.memory_space<vmem>>) semaphore(%arg17 : memref<!tpu.dma_semaphore, #tpu.memory_space<semaphore_mem>>) {add = true}
      %ge3A_394 = arith.constant 1 : i32
      %ge3A_395 = arith.cmpi sge, %add3A_238, %ge3A_394 : i32
      %convert_element_type3A_396 = arith.extui %ge3A_395 : i1 to i32
      %cond3A_397 = arith.constant 0 : i32
      %cond3A_398 = arith.cmpi ne, %convert_element_type3A_396, %cond3A_397 : i32
      scf.if %cond3A_398 {
        %sub3A_810 = arith.constant 1 : i32
        %sub3A_811 = arith.subi %add3A_238, %sub3A_810 : i32
        %jit3A_812 = arith.constant 40 : i32
        %div3A_813 = arith.divsi %sub3A_811, %jit3A_812 : i32
        %sign3A_814 = arith.constant 0 : i32
        %sign3A_815 = arith.cmpi sgt, %sub3A_811, %sign3A_814 : i32
        %sign3A_816 = arith.extui %sign3A_815 : i1 to i32
        %sign3A_817 = arith.constant 0 : i32
        %sign3A_818 = arith.cmpi slt, %sub3A_811, %sign3A_817 : i32
        %sign3A_819 = arith.extui %sign3A_818 : i1 to i32
        %sign3A_820 = arith.subi %sign3A_816, %sign3A_819 : i32
        %sign3A_821 = arith.constant 0 : i32
        %sign3A_822 = arith.cmpi sgt, %jit3A_812, %sign3A_821 : i32
        %sign3A_823 = arith.extui %sign3A_822 : i1 to i32
        %sign3A_824 = arith.constant 0 : i32
        %sign3A_825 = arith.cmpi slt, %jit3A_812, %sign3A_824 : i32
        %sign3A_826 = arith.extui %sign3A_825 : i1 to i32
        %sign3A_827 = arith.subi %sign3A_823, %sign3A_826 : i32
        %ne3A_828 = arith.cmpi ne, %sign3A_820, %sign3A_827 : i32
        %rem3A_829 = arith.remsi %sub3A_811, %jit3A_812 : i32
        %ne3A_830 = arith.constant 0 : i32
        %ne3A_831 = arith.cmpi ne, %rem3A_829, %ne3A_830 : i32
        %and3A_832 = arith.andi %ne3A_828, %ne3A_831 : i1
        %sub3A_833 = arith.constant 1 : i32
        %sub3A_834 = arith.subi %div3A_813, %sub3A_833 : i32
        %select_n3A_835 = arith.select %and3A_832, %sub3A_834, %div3A_813 : i32
        %jit3A_836 = arith.constant 2 : i32
        %eq3A_837 = arith.constant 0 : i32
        %eq3A_838 = arith.cmpi eq, %jit3A_836, %eq3A_837 : i32
        %jit3A_839 = arith.constant 1 : i32
        %select_n3A_840 = arith.select %eq3A_838, %jit3A_839, %jit3A_836 : i32
        %rem3A_841 = arith.remsi %select_n3A_835, %select_n3A_840 : i32
        %ne3A_842 = arith.constant 0 : i32
        %ne3A_843 = arith.cmpi ne, %rem3A_841, %ne3A_842 : i32
        %lt3A_844 = arith.constant 0 : i32
        %lt3A_845 = arith.cmpi slt, %rem3A_841, %lt3A_844 : i32
        %lt3A_846 = arith.constant 0 : i32
        %lt3A_847 = arith.cmpi slt, %select_n3A_840, %lt3A_846 : i32
        %ne3A_848 = arith.xori %lt3A_845, %lt3A_847 : i1
        %and3A_849 = arith.andi %ne3A_848, %ne3A_843 : i1
        %add3A_850 = arith.addi %rem3A_841, %select_n3A_840 : i32
        %select_n3A_851 = arith.select %and3A_849, %add3A_850, %rem3A_841 : i32
        %jit3A_852 = arith.constant 40 : i32
        %eq3A_853 = arith.constant 0 : i32
        %eq3A_854 = arith.cmpi eq, %jit3A_852, %eq3A_853 : i32
        %jit3A_855 = arith.constant 1 : i32
        %select_n3A_856 = arith.select %eq3A_854, %jit3A_855, %jit3A_852 : i32
        %rem3A_857 = arith.remsi %sub3A_811, %select_n3A_856 : i32
        %ne3A_858 = arith.constant 0 : i32
        %ne3A_859 = arith.cmpi ne, %rem3A_857, %ne3A_858 : i32
        %lt3A_860 = arith.constant 0 : i32
        %lt3A_861 = arith.cmpi slt, %rem3A_857, %lt3A_860 : i32
        %lt3A_862 = arith.constant 0 : i32
        %lt3A_863 = arith.cmpi slt, %select_n3A_856, %lt3A_862 : i32
        %ne3A_864 = arith.xori %lt3A_861, %lt3A_863 : i1
        %and3A_865 = arith.andi %ne3A_864, %ne3A_859 : i1
        %add3A_866 = arith.addi %rem3A_857, %select_n3A_856 : i32
        %select_n3A_867 = arith.select %and3A_865, %add3A_866, %rem3A_857 : i32
        %dma_wait3A_868 = arith.constant 0 : i32
        %dma_wait3A_869 = tpu.memref_slice %arg7[%select_n3A_851, %select_n3A_867, %dma_wait3A_868] : memref<2x40x128xi32, #tpu.memory_space<vmem>> -> memref<1x1x128xi32, #tpu.memory_space<vmem>>
        %dma_wait3A_870 = tpu.memref_squeeze %dma_wait3A_869 : memref<1x1x128xi32, #tpu.memory_space<vmem>> -> memref<128xi32, #tpu.memory_space<vmem>>
        %dma_wait3A_871 = arith.constant 0 : i32
        %dma_wait3A_872 = arith.constant 0 : i32
        %dma_wait3A_873 = tpu.memref_slice %arg21[%dma_wait3A_871, %dma_wait3A_872] : memref<10240x96xf32, #tpu.memory_space<vmem_shared>> -> memref<10240x96xf32, #tpu.memory_space<vmem_shared>>
        tpu.wait_indirect_dma semaphore(%arg16 : memref<!tpu.dma_semaphore, #tpu.memory_space<semaphore_mem>>) src(%arg8 : memref<128x96xf32, #tpu.memory_space<vmem>>) dst(%dma_wait3A_873 : memref<10240x96xf32, #tpu.memory_space<vmem_shared>>)
      } else {
      }
      %eq3A_399 = arith.constant 0 : i32
      %eq3A_400 = arith.cmpi eq, %sub3A_265, %eq3A_399 : i32
      %add3A_401 = arith.constant 40 : i32
      %add3A_402 = arith.addi %add3A_238, %add3A_401 : i32
      %lt3A_403 = arith.constant 160 : i32
      %lt3A_404 = arith.cmpi slt, %add3A_402, %lt3A_403 : i32
      %and3A_405 = arith.andi %eq3A_400, %lt3A_404 : i1
      %convert_element_type3A_406 = arith.extui %and3A_405 : i1 to i32
      %cond3A_407 = arith.constant 0 : i32
      %cond3A_408 = arith.cmpi ne, %convert_element_type3A_406, %cond3A_407 : i32
      scf.if %cond3A_408 {
        %add3A_810 = arith.constant 1 : i32
        %add3A_811 = arith.addi %select_n3A_262, %add3A_810 : i32
        %jit3A_812 = arith.constant 2 : i32
        %eq3A_813 = arith.constant 0 : i32
        %eq3A_814 = arith.cmpi eq, %jit3A_812, %eq3A_813 : i32
        %jit3A_815 = arith.constant 1 : i32
        %select_n3A_816 = arith.select %eq3A_814, %jit3A_815, %jit3A_812 : i32
        %rem3A_817 = arith.remsi %add3A_811, %select_n3A_816 : i32
        %ne3A_818 = arith.constant 0 : i32
        %ne3A_819 = arith.cmpi ne, %rem3A_817, %ne3A_818 : i32
        %lt3A_820 = arith.constant 0 : i32
        %lt3A_821 = arith.cmpi slt, %rem3A_817, %lt3A_820 : i32
        %lt3A_822 = arith.constant 0 : i32
        %lt3A_823 = arith.cmpi slt, %select_n3A_816, %lt3A_822 : i32
        %ne3A_824 = arith.xori %lt3A_821, %lt3A_823 : i1
        %and3A_825 = arith.andi %ne3A_824, %ne3A_819 : i1
        %add3A_826 = arith.addi %rem3A_817, %select_n3A_816 : i32
        %select_n3A_827 = arith.select %and3A_825, %add3A_826, %rem3A_817 : i32
        %add3A_828 = arith.constant 1 : i32
        %add3A_829 = arith.addi %select_n3A_262, %add3A_828 : i32
        %mul3A_830 = arith.constant 40 : i32
        %mul3A_831 = arith.muli %add3A_829, %mul3A_830 : i32
        %dma_start3A_832 = arith.constant 0 : i32
        %dma_start3A_833 = arith.constant 0 : i32
        %dma_start3A_834 = tpu.memref_slice %arg6[%select_n3A_827, %dma_start3A_832, %dma_start3A_833] : memref<2x40x128xi32, #tpu.memory_space<vmem>> -> memref<1x40x128xi32, #tpu.memory_space<vmem>>
        %dma_start3A_835 = tpu.memref_squeeze %dma_start3A_834 : memref<1x40x128xi32, #tpu.memory_space<vmem>> -> memref<40x128xi32, #tpu.memory_space<vmem>>
        %dma_start3A_836 = arith.constant 0 : i32
        %dma_start3A_837 = tpu.memref_slice %arg3[%arg1, %mul3A_831, %dma_start3A_836] : memref<16x160x128xi32, #tpu.memory_space<hbm>> -> memref<1x40x128xi32, #tpu.memory_space<hbm>>
        %dma_start3A_838 = tpu.memref_squeeze %dma_start3A_837 : memref<1x40x128xi32, #tpu.memory_space<hbm>> -> memref<40x128xi32, #tpu.memory_space<hbm>>
        %dma_start3A_839 = arith.constant 0 : i32
        %dma_start3A_840 = arith.constant 0 : i32
        %dma_start3A_841 = tpu.memref_slice %arg6[%select_n3A_827, %dma_start3A_839, %dma_start3A_840] : memref<2x40x128xi32, #tpu.memory_space<vmem>> -> memref<1x40x128xi32, #tpu.memory_space<vmem>>
        %dma_start3A_842 = tpu.memref_squeeze %dma_start3A_841 : memref<1x40x128xi32, #tpu.memory_space<vmem>> -> memref<40x128xi32, #tpu.memory_space<vmem>>
        %dma_start3A_843 = arith.constant 0 : i32
        %dma_start3A_844 = tpu.memref_slice %arg3[%arg1, %mul3A_831, %dma_start3A_843] : memref<16x160x128xi32, #tpu.memory_space<hbm>> -> memref<1x40x128xi32, #tpu.memory_space<hbm>>
        %dma_start3A_845 = tpu.memref_squeeze %dma_start3A_844 : memref<1x40x128xi32, #tpu.memory_space<hbm>> -> memref<40x128xi32, #tpu.memory_space<hbm>>
        tpu.enqueue_dma source(%dma_start3A_845 : memref<40x128xi32, #tpu.memory_space<hbm>>) target(%dma_start3A_842 : memref<40x128xi32, #tpu.memory_space<vmem>>) target_semaphore(%arg20 : memref<!tpu.dma_semaphore, #tpu.memory_space<semaphore_mem>>)
        %add3A_846 = arith.constant 1 : i32
        %add3A_847 = arith.addi %select_n3A_262, %add3A_846 : i32
        %mul3A_848 = arith.constant 40 : i32
        %mul3A_849 = arith.muli %add3A_847, %mul3A_848 : i32
        %dma_start3A_850 = arith.constant 0 : i32
        %dma_start3A_851 = arith.constant 0 : i32
        %dma_start3A_852 = tpu.memref_slice %arg7[%select_n3A_827, %dma_start3A_850, %dma_start3A_851] : memref<2x40x128xi32, #tpu.memory_space<vmem>> -> memref<1x40x128xi32, #tpu.memory_space<vmem>>
        %dma_start3A_853 = tpu.memref_squeeze %dma_start3A_852 : memref<1x40x128xi32, #tpu.memory_space<vmem>> -> memref<40x128xi32, #tpu.memory_space<vmem>>
        %dma_start3A_854 = arith.constant 0 : i32
        %dma_start3A_855 = tpu.memref_slice %arg4[%arg1, %mul3A_849, %dma_start3A_854] : memref<16x160x128xi32, #tpu.memory_space<hbm>> -> memref<1x40x128xi32, #tpu.memory_space<hbm>>
        %dma_start3A_856 = tpu.memref_squeeze %dma_start3A_855 : memref<1x40x128xi32, #tpu.memory_space<hbm>> -> memref<40x128xi32, #tpu.memory_space<hbm>>
        %dma_start3A_857 = arith.constant 0 : i32
        %dma_start3A_858 = arith.constant 0 : i32
        %dma_start3A_859 = tpu.memref_slice %arg7[%select_n3A_827, %dma_start3A_857, %dma_start3A_858] : memref<2x40x128xi32, #tpu.memory_space<vmem>> -> memref<1x40x128xi32, #tpu.memory_space<vmem>>
        %dma_start3A_860 = tpu.memref_squeeze %dma_start3A_859 : memref<1x40x128xi32, #tpu.memory_space<vmem>> -> memref<40x128xi32, #tpu.memory_space<vmem>>
        %dma_start3A_861 = arith.constant 0 : i32
        %dma_start3A_862 = tpu.memref_slice %arg4[%arg1, %mul3A_849, %dma_start3A_861] : memref<16x160x128xi32, #tpu.memory_space<hbm>> -> memref<1x40x128xi32, #tpu.memory_space<hbm>>
        %dma_start3A_863 = tpu.memref_squeeze %dma_start3A_862 : memref<1x40x128xi32, #tpu.memory_space<hbm>> -> memref<40x128xi32, #tpu.memory_space<hbm>>
        tpu.enqueue_dma source(%dma_start3A_863 : memref<40x128xi32, #tpu.memory_space<hbm>>) target(%dma_start3A_860 : memref<40x128xi32, #tpu.memory_space<vmem>>) target_semaphore(%arg20 : memref<!tpu.dma_semaphore, #tpu.memory_space<semaphore_mem>>)
      } else {
      }
      %eq3A_409 = arith.constant 36 : i32
      %eq3A_410 = arith.cmpi eq, %sub3A_265, %eq3A_409 : i32
      %add3A_411 = arith.constant 4 : i32
      %add3A_412 = arith.addi %add3A_238, %add3A_411 : i32
      %lt3A_413 = arith.constant 160 : i32
      %lt3A_414 = arith.cmpi slt, %add3A_412, %lt3A_413 : i32
      %and3A_415 = arith.andi %eq3A_410, %lt3A_414 : i1
      %convert_element_type3A_416 = arith.extui %and3A_415 : i1 to i32
      %cond3A_417 = arith.constant 0 : i32
      %cond3A_418 = arith.cmpi ne, %convert_element_type3A_416, %cond3A_417 : i32
      scf.if %cond3A_418 {
        %add3A_810 = arith.constant 1 : i32
        %add3A_811 = arith.addi %select_n3A_262, %add3A_810 : i32
        %jit3A_812 = arith.constant 2 : i32
        %eq3A_813 = arith.constant 0 : i32
        %eq3A_814 = arith.cmpi eq, %jit3A_812, %eq3A_813 : i32
        %jit3A_815 = arith.constant 1 : i32
        %select_n3A_816 = arith.select %eq3A_814, %jit3A_815, %jit3A_812 : i32
        %rem3A_817 = arith.remsi %add3A_811, %select_n3A_816 : i32
        %ne3A_818 = arith.constant 0 : i32
        %ne3A_819 = arith.cmpi ne, %rem3A_817, %ne3A_818 : i32
        %lt3A_820 = arith.constant 0 : i32
        %lt3A_821 = arith.cmpi slt, %rem3A_817, %lt3A_820 : i32
        %lt3A_822 = arith.constant 0 : i32
        %lt3A_823 = arith.cmpi slt, %select_n3A_816, %lt3A_822 : i32
        %ne3A_824 = arith.xori %lt3A_821, %lt3A_823 : i1
        %and3A_825 = arith.andi %ne3A_824, %ne3A_819 : i1
        %add3A_826 = arith.addi %rem3A_817, %select_n3A_816 : i32
        %select_n3A_827 = arith.select %and3A_825, %add3A_826, %rem3A_817 : i32
        %add3A_828 = arith.constant 1 : i32
        %add3A_829 = arith.addi %select_n3A_262, %add3A_828 : i32
        %mul3A_830 = arith.constant 40 : i32
        %mul3A_831 = arith.muli %add3A_829, %mul3A_830 : i32
        %dma_wait3A_832 = arith.constant 0 : i32
        %dma_wait3A_833 = arith.constant 0 : i32
        %dma_wait3A_834 = tpu.memref_slice %arg6[%select_n3A_827, %dma_wait3A_832, %dma_wait3A_833] : memref<2x40x128xi32, #tpu.memory_space<vmem>> -> memref<1x40x128xi32, #tpu.memory_space<vmem>>
        %dma_wait3A_835 = tpu.memref_squeeze %dma_wait3A_834 : memref<1x40x128xi32, #tpu.memory_space<vmem>> -> memref<40x128xi32, #tpu.memory_space<vmem>>
        %dma_wait3A_836 = arith.constant 0 : i32
        %dma_wait3A_837 = tpu.memref_slice %arg3[%arg1, %mul3A_831, %dma_wait3A_836] : memref<16x160x128xi32, #tpu.memory_space<hbm>> -> memref<1x40x128xi32, #tpu.memory_space<hbm>>
        %dma_wait3A_838 = tpu.memref_squeeze %dma_wait3A_837 : memref<1x40x128xi32, #tpu.memory_space<hbm>> -> memref<40x128xi32, #tpu.memory_space<hbm>>
        %dma_wait3A_839 = arith.constant 0 : i32
        %dma_wait3A_840 = arith.constant 0 : i32
        %dma_wait3A_841 = tpu.memref_slice %arg6[%select_n3A_827, %dma_wait3A_839, %dma_wait3A_840] : memref<2x40x128xi32, #tpu.memory_space<vmem>> -> memref<1x40x128xi32, #tpu.memory_space<vmem>>
        %dma_wait3A_842 = tpu.memref_squeeze %dma_wait3A_841 : memref<1x40x128xi32, #tpu.memory_space<vmem>> -> memref<40x128xi32, #tpu.memory_space<vmem>>
        %dma_wait3A_843 = arith.constant 0 : i32
        %dma_wait3A_844 = tpu.memref_slice %arg3[%arg1, %mul3A_831, %dma_wait3A_843] : memref<16x160x128xi32, #tpu.memory_space<hbm>> -> memref<1x40x128xi32, #tpu.memory_space<hbm>>
        %dma_wait3A_845 = tpu.memref_squeeze %dma_wait3A_844 : memref<1x40x128xi32, #tpu.memory_space<hbm>> -> memref<40x128xi32, #tpu.memory_space<hbm>>
        tpu.wait_dma2 semaphore(%arg20 : memref<!tpu.dma_semaphore, #tpu.memory_space<semaphore_mem>>) src(%dma_wait3A_845 : memref<40x128xi32, #tpu.memory_space<hbm>>) dst(%dma_wait3A_842 : memref<40x128xi32, #tpu.memory_space<vmem>>)
        %add3A_846 = arith.constant 1 : i32
        %add3A_847 = arith.addi %select_n3A_262, %add3A_846 : i32
        %mul3A_848 = arith.constant 40 : i32
        %mul3A_849 = arith.muli %add3A_847, %mul3A_848 : i32
        %dma_wait3A_850 = arith.constant 0 : i32
        %dma_wait3A_851 = arith.constant 0 : i32
        %dma_wait3A_852 = tpu.memref_slice %arg7[%select_n3A_827, %dma_wait3A_850, %dma_wait3A_851] : memref<2x40x128xi32, #tpu.memory_space<vmem>> -> memref<1x40x128xi32, #tpu.memory_space<vmem>>
        %dma_wait3A_853 = tpu.memref_squeeze %dma_wait3A_852 : memref<1x40x128xi32, #tpu.memory_space<vmem>> -> memref<40x128xi32, #tpu.memory_space<vmem>>
        %dma_wait3A_854 = arith.constant 0 : i32
        %dma_wait3A_855 = tpu.memref_slice %arg4[%arg1, %mul3A_849, %dma_wait3A_854] : memref<16x160x128xi32, #tpu.memory_space<hbm>> -> memref<1x40x128xi32, #tpu.memory_space<hbm>>
        %dma_wait3A_856 = tpu.memref_squeeze %dma_wait3A_855 : memref<1x40x128xi32, #tpu.memory_space<hbm>> -> memref<40x128xi32, #tpu.memory_space<hbm>>
        %dma_wait3A_857 = arith.constant 0 : i32
        %dma_wait3A_858 = arith.constant 0 : i32
        %dma_wait3A_859 = tpu.memref_slice %arg7[%select_n3A_827, %dma_wait3A_857, %dma_wait3A_858] : memref<2x40x128xi32, #tpu.memory_space<vmem>> -> memref<1x40x128xi32, #tpu.memory_space<vmem>>
        %dma_wait3A_860 = tpu.memref_squeeze %dma_wait3A_859 : memref<1x40x128xi32, #tpu.memory_space<vmem>> -> memref<40x128xi32, #tpu.memory_space<vmem>>
        %dma_wait3A_861 = arith.constant 0 : i32
        %dma_wait3A_862 = tpu.memref_slice %arg4[%arg1, %mul3A_849, %dma_wait3A_861] : memref<16x160x128xi32, #tpu.memory_space<hbm>> -> memref<1x40x128xi32, #tpu.memory_space<hbm>>
        %dma_wait3A_863 = tpu.memref_squeeze %dma_wait3A_862 : memref<1x40x128xi32, #tpu.memory_space<hbm>> -> memref<40x128xi32, #tpu.memory_space<hbm>>
        tpu.wait_dma2 semaphore(%arg20 : memref<!tpu.dma_semaphore, #tpu.memory_space<semaphore_mem>>) src(%dma_wait3A_863 : memref<40x128xi32, #tpu.memory_space<hbm>>) dst(%dma_wait3A_860 : memref<40x128xi32, #tpu.memory_space<vmem>>)
      } else {
      }
      %add3A_419 = arith.constant 4 : i32
      %add3A_420 = arith.addi %add3A_238, %add3A_419 : i32
      %sub3A_421 = arith.constant 1 : i32
      %sub3A_422 = arith.subi %add3A_420, %sub3A_421 : i32
      %lt3A_423 = arith.constant 160 : i32
      %lt3A_424 = arith.cmpi slt, %sub3A_422, %lt3A_423 : i32
      %convert_element_type3A_425 = arith.extui %lt3A_424 : i1 to i32
      %cond3A_426 = arith.constant 0 : i32
      %cond3A_427 = arith.cmpi ne, %convert_element_type3A_425, %cond3A_426 : i32
      scf.if %cond3A_427 {
        %add3A_810 = arith.constant 4 : i32
        %add3A_811 = arith.addi %add3A_238, %add3A_810 : i32
        %sub3A_812 = arith.constant 1 : i32
        %sub3A_813 = arith.subi %add3A_811, %sub3A_812 : i32
        %jit3A_814 = arith.constant 40 : i32
        %div3A_815 = arith.divsi %sub3A_813, %jit3A_814 : i32
        %sign3A_816 = arith.constant 0 : i32
        %sign3A_817 = arith.cmpi sgt, %sub3A_813, %sign3A_816 : i32
        %sign3A_818 = arith.extui %sign3A_817 : i1 to i32
        %sign3A_819 = arith.constant 0 : i32
        %sign3A_820 = arith.cmpi slt, %sub3A_813, %sign3A_819 : i32
        %sign3A_821 = arith.extui %sign3A_820 : i1 to i32
        %sign3A_822 = arith.subi %sign3A_818, %sign3A_821 : i32
        %sign3A_823 = arith.constant 0 : i32
        %sign3A_824 = arith.cmpi sgt, %jit3A_814, %sign3A_823 : i32
        %sign3A_825 = arith.extui %sign3A_824 : i1 to i32
        %sign3A_826 = arith.constant 0 : i32
        %sign3A_827 = arith.cmpi slt, %jit3A_814, %sign3A_826 : i32
        %sign3A_828 = arith.extui %sign3A_827 : i1 to i32
        %sign3A_829 = arith.subi %sign3A_825, %sign3A_828 : i32
        %ne3A_830 = arith.cmpi ne, %sign3A_822, %sign3A_829 : i32
        %rem3A_831 = arith.remsi %sub3A_813, %jit3A_814 : i32
        %ne3A_832 = arith.constant 0 : i32
        %ne3A_833 = arith.cmpi ne, %rem3A_831, %ne3A_832 : i32
        %and3A_834 = arith.andi %ne3A_830, %ne3A_833 : i1
        %sub3A_835 = arith.constant 1 : i32
        %sub3A_836 = arith.subi %div3A_815, %sub3A_835 : i32
        %select_n3A_837 = arith.select %and3A_834, %sub3A_836, %div3A_815 : i32
        %jit3A_838 = arith.constant 2 : i32
        %eq3A_839 = arith.constant 0 : i32
        %eq3A_840 = arith.cmpi eq, %jit3A_838, %eq3A_839 : i32
        %jit3A_841 = arith.constant 1 : i32
        %select_n3A_842 = arith.select %eq3A_840, %jit3A_841, %jit3A_838 : i32
        %rem3A_843 = arith.remsi %select_n3A_837, %select_n3A_842 : i32
        %ne3A_844 = arith.constant 0 : i32
        %ne3A_845 = arith.cmpi ne, %rem3A_843, %ne3A_844 : i32
        %lt3A_846 = arith.constant 0 : i32
        %lt3A_847 = arith.cmpi slt, %rem3A_843, %lt3A_846 : i32
        %lt3A_848 = arith.constant 0 : i32
        %lt3A_849 = arith.cmpi slt, %select_n3A_842, %lt3A_848 : i32
        %ne3A_850 = arith.xori %lt3A_847, %lt3A_849 : i1
        %and3A_851 = arith.andi %ne3A_850, %ne3A_845 : i1
        %add3A_852 = arith.addi %rem3A_843, %select_n3A_842 : i32
        %select_n3A_853 = arith.select %and3A_851, %add3A_852, %rem3A_843 : i32
        %jit3A_854 = arith.constant 40 : i32
        %eq3A_855 = arith.constant 0 : i32
        %eq3A_856 = arith.cmpi eq, %jit3A_854, %eq3A_855 : i32
        %jit3A_857 = arith.constant 1 : i32
        %select_n3A_858 = arith.select %eq3A_856, %jit3A_857, %jit3A_854 : i32
        %rem3A_859 = arith.remsi %sub3A_813, %select_n3A_858 : i32
        %ne3A_860 = arith.constant 0 : i32
        %ne3A_861 = arith.cmpi ne, %rem3A_859, %ne3A_860 : i32
        %lt3A_862 = arith.constant 0 : i32
        %lt3A_863 = arith.cmpi slt, %rem3A_859, %lt3A_862 : i32
        %lt3A_864 = arith.constant 0 : i32
        %lt3A_865 = arith.cmpi slt, %select_n3A_858, %lt3A_864 : i32
        %ne3A_866 = arith.xori %lt3A_863, %lt3A_865 : i1
        %and3A_867 = arith.andi %ne3A_866, %ne3A_861 : i1
        %add3A_868 = arith.addi %rem3A_859, %select_n3A_858 : i32
        %select_n3A_869 = arith.select %and3A_867, %add3A_868, %rem3A_859 : i32
        %dma_start3A_870 = arith.constant 0 : i32
        %dma_start3A_871 = tpu.memref_slice %arg6[%select_n3A_853, %select_n3A_869, %dma_start3A_870] : memref<2x40x128xi32, #tpu.memory_space<vmem>> -> memref<1x1x128xi32, #tpu.memory_space<vmem>>
        %dma_start3A_872 = tpu.memref_squeeze %dma_start3A_871 : memref<1x1x128xi32, #tpu.memory_space<vmem>> -> memref<128xi32, #tpu.memory_space<vmem>>
        %dma_start3A_873 = arith.constant 0 : i32
        %dma_start3A_874 = arith.constant 0 : i32
        %dma_start3A_875 = tpu.memref_slice %arg2[%arg0, %dma_start3A_873, %dma_start3A_874] : memref<2x10240x96xf32, #tpu.memory_space<hbm>> -> memref<1x10240x96xf32, #tpu.memory_space<hbm>>
        %dma_start3A_876 = tpu.memref_squeeze %dma_start3A_875 : memref<1x10240x96xf32, #tpu.memory_space<hbm>> -> memref<10240x96xf32, #tpu.memory_space<hbm>>
        %dma_start3A_877 = arith.constant 0 : i32
        %dma_start3A_878 = arith.constant 0 : i32
        %dma_start3A_879 = tpu.memref_slice %dma_start3A_876[%dma_start3A_877, %dma_start3A_878] : memref<10240x96xf32, #tpu.memory_space<hbm>> -> memref<10240x96xf32, #tpu.memory_space<hbm>>
        tpu.enqueue_indirect_dma source(%dma_start3A_879 : memref<10240x96xf32, #tpu.memory_space<hbm>>) target(%arg8 : memref<128x96xf32, #tpu.memory_space<vmem>>) offsets(%dma_start3A_872 : memref<128xi32, #tpu.memory_space<vmem>>) semaphore(%arg12 : memref<!tpu.dma_semaphore, #tpu.memory_space<semaphore_mem>>)
      } else {
      }
      %add3A_428 = arith.constant 2 : i32
      %add3A_429 = arith.addi %add3A_58, %add3A_428 : i32
      %jit3A_430 = arith.constant 40 : i32
      %div3A_431 = arith.divsi %add3A_429, %jit3A_430 : i32
      %sign3A_432 = arith.constant 0 : i32
      %sign3A_433 = arith.cmpi sgt, %add3A_429, %sign3A_432 : i32
      %sign3A_434 = arith.extui %sign3A_433 : i1 to i32
      %sign3A_435 = arith.constant 0 : i32
      %sign3A_436 = arith.cmpi slt, %add3A_429, %sign3A_435 : i32
      %sign3A_437 = arith.extui %sign3A_436 : i1 to i32
      %sign3A_438 = arith.subi %sign3A_434, %sign3A_437 : i32
      %sign3A_439 = arith.constant 0 : i32
      %sign3A_440 = arith.cmpi sgt, %jit3A_430, %sign3A_439 : i32
      %sign3A_441 = arith.extui %sign3A_440 : i1 to i32
      %sign3A_442 = arith.constant 0 : i32
      %sign3A_443 = arith.cmpi slt, %jit3A_430, %sign3A_442 : i32
      %sign3A_444 = arith.extui %sign3A_443 : i1 to i32
      %sign3A_445 = arith.subi %sign3A_441, %sign3A_444 : i32
      %ne3A_446 = arith.cmpi ne, %sign3A_438, %sign3A_445 : i32
      %rem3A_447 = arith.remsi %add3A_429, %jit3A_430 : i32
      %ne3A_448 = arith.constant 0 : i32
      %ne3A_449 = arith.cmpi ne, %rem3A_447, %ne3A_448 : i32
      %and3A_450 = arith.andi %ne3A_446, %ne3A_449 : i1
      %sub3A_451 = arith.constant 1 : i32
      %sub3A_452 = arith.subi %div3A_431, %sub3A_451 : i32
      %select_n3A_453 = arith.select %and3A_450, %sub3A_452, %div3A_431 : i32
      %mul3A_454 = arith.constant 40 : i32
      %mul3A_455 = arith.muli %select_n3A_453, %mul3A_454 : i32
      %sub3A_456 = arith.subi %add3A_429, %mul3A_455 : i32
      %jit3A_457 = arith.constant 40 : i32
      %div3A_458 = arith.divsi %add3A_429, %jit3A_457 : i32
      %sign3A_459 = arith.constant 0 : i32
      %sign3A_460 = arith.cmpi sgt, %add3A_429, %sign3A_459 : i32
      %sign3A_461 = arith.extui %sign3A_460 : i1 to i32
      %sign3A_462 = arith.constant 0 : i32
      %sign3A_463 = arith.cmpi slt, %add3A_429, %sign3A_462 : i32
      %sign3A_464 = arith.extui %sign3A_463 : i1 to i32
      %sign3A_465 = arith.subi %sign3A_461, %sign3A_464 : i32
      %sign3A_466 = arith.constant 0 : i32
      %sign3A_467 = arith.cmpi sgt, %jit3A_457, %sign3A_466 : i32
      %sign3A_468 = arith.extui %sign3A_467 : i1 to i32
      %sign3A_469 = arith.constant 0 : i32
      %sign3A_470 = arith.cmpi slt, %jit3A_457, %sign3A_469 : i32
      %sign3A_471 = arith.extui %sign3A_470 : i1 to i32
      %sign3A_472 = arith.subi %sign3A_468, %sign3A_471 : i32
      %ne3A_473 = arith.cmpi ne, %sign3A_465, %sign3A_472 : i32
      %rem3A_474 = arith.remsi %add3A_429, %jit3A_457 : i32
      %ne3A_475 = arith.constant 0 : i32
      %ne3A_476 = arith.cmpi ne, %rem3A_474, %ne3A_475 : i32
      %and3A_477 = arith.andi %ne3A_473, %ne3A_476 : i1
      %sub3A_478 = arith.constant 1 : i32
      %sub3A_479 = arith.subi %div3A_458, %sub3A_478 : i32
      %select_n3A_480 = arith.select %and3A_477, %sub3A_479, %div3A_458 : i32
      %jit3A_481 = arith.constant 2 : i32
      %eq3A_482 = arith.constant 0 : i32
      %eq3A_483 = arith.cmpi eq, %jit3A_481, %eq3A_482 : i32
      %jit3A_484 = arith.constant 1 : i32
      %select_n3A_485 = arith.select %eq3A_483, %jit3A_484, %jit3A_481 : i32
      %rem3A_486 = arith.remsi %select_n3A_480, %select_n3A_485 : i32
      %ne3A_487 = arith.constant 0 : i32
      %ne3A_488 = arith.cmpi ne, %rem3A_486, %ne3A_487 : i32
      %lt3A_489 = arith.constant 0 : i32
      %lt3A_490 = arith.cmpi slt, %rem3A_486, %lt3A_489 : i32
      %lt3A_491 = arith.constant 0 : i32
      %lt3A_492 = arith.cmpi slt, %select_n3A_485, %lt3A_491 : i32
      %ne3A_493 = arith.xori %lt3A_490, %lt3A_492 : i1
      %and3A_494 = arith.andi %ne3A_493, %ne3A_488 : i1
      %add3A_495 = arith.addi %rem3A_486, %select_n3A_485 : i32
      %select_n3A_496 = arith.select %and3A_494, %add3A_495, %rem3A_486 : i32
      %jit3A_497 = arith.constant 40 : i32
      %eq3A_498 = arith.constant 0 : i32
      %eq3A_499 = arith.cmpi eq, %jit3A_497, %eq3A_498 : i32
      %jit3A_500 = arith.constant 1 : i32
      %select_n3A_501 = arith.select %eq3A_499, %jit3A_500, %jit3A_497 : i32
      %rem3A_502 = arith.remsi %add3A_429, %select_n3A_501 : i32
      %ne3A_503 = arith.constant 0 : i32
      %ne3A_504 = arith.cmpi ne, %rem3A_502, %ne3A_503 : i32
      %lt3A_505 = arith.constant 0 : i32
      %lt3A_506 = arith.cmpi slt, %rem3A_502, %lt3A_505 : i32
      %lt3A_507 = arith.constant 0 : i32
      %lt3A_508 = arith.cmpi slt, %select_n3A_501, %lt3A_507 : i32
      %ne3A_509 = arith.xori %lt3A_506, %lt3A_508 : i1
      %and3A_510 = arith.andi %ne3A_509, %ne3A_504 : i1
      %add3A_511 = arith.addi %rem3A_502, %select_n3A_501 : i32
      %select_n3A_512 = arith.select %and3A_510, %add3A_511, %rem3A_502 : i32
      %dma_wait3A_513 = arith.constant 0 : i32
      %dma_wait3A_514 = tpu.memref_slice %arg6[%select_n3A_496, %select_n3A_512, %dma_wait3A_513] : memref<2x40x128xi32, #tpu.memory_space<vmem>> -> memref<1x1x128xi32, #tpu.memory_space<vmem>>
      %dma_wait3A_515 = tpu.memref_squeeze %dma_wait3A_514 : memref<1x1x128xi32, #tpu.memory_space<vmem>> -> memref<128xi32, #tpu.memory_space<vmem>>
      %dma_wait3A_516 = arith.constant 0 : i32
      %dma_wait3A_517 = arith.constant 0 : i32
      %dma_wait3A_518 = tpu.memref_slice %arg2[%arg0, %dma_wait3A_516, %dma_wait3A_517] : memref<2x10240x96xf32, #tpu.memory_space<hbm>> -> memref<1x10240x96xf32, #tpu.memory_space<hbm>>
      %dma_wait3A_519 = tpu.memref_squeeze %dma_wait3A_518 : memref<1x10240x96xf32, #tpu.memory_space<hbm>> -> memref<10240x96xf32, #tpu.memory_space<hbm>>
      %dma_wait3A_520 = arith.constant 0 : i32
      %dma_wait3A_521 = arith.constant 0 : i32
      %dma_wait3A_522 = tpu.memref_slice %dma_wait3A_519[%dma_wait3A_520, %dma_wait3A_521] : memref<10240x96xf32, #tpu.memory_space<hbm>> -> memref<10240x96xf32, #tpu.memory_space<hbm>>
      tpu.wait_indirect_dma semaphore(%arg14 : memref<!tpu.dma_semaphore, #tpu.memory_space<semaphore_mem>>) src(%dma_wait3A_522 : memref<10240x96xf32, #tpu.memory_space<hbm>>) dst(%arg10 : memref<128x96xf32, #tpu.memory_space<vmem>>)
      %jit3A_523 = arith.constant 40 : i32
      %div3A_524 = arith.divsi %add3A_429, %jit3A_523 : i32
      %sign3A_525 = arith.constant 0 : i32
      %sign3A_526 = arith.cmpi sgt, %add3A_429, %sign3A_525 : i32
      %sign3A_527 = arith.extui %sign3A_526 : i1 to i32
      %sign3A_528 = arith.constant 0 : i32
      %sign3A_529 = arith.cmpi slt, %add3A_429, %sign3A_528 : i32
      %sign3A_530 = arith.extui %sign3A_529 : i1 to i32
      %sign3A_531 = arith.subi %sign3A_527, %sign3A_530 : i32
      %sign3A_532 = arith.constant 0 : i32
      %sign3A_533 = arith.cmpi sgt, %jit3A_523, %sign3A_532 : i32
      %sign3A_534 = arith.extui %sign3A_533 : i1 to i32
      %sign3A_535 = arith.constant 0 : i32
      %sign3A_536 = arith.cmpi slt, %jit3A_523, %sign3A_535 : i32
      %sign3A_537 = arith.extui %sign3A_536 : i1 to i32
      %sign3A_538 = arith.subi %sign3A_534, %sign3A_537 : i32
      %ne3A_539 = arith.cmpi ne, %sign3A_531, %sign3A_538 : i32
      %rem3A_540 = arith.remsi %add3A_429, %jit3A_523 : i32
      %ne3A_541 = arith.constant 0 : i32
      %ne3A_542 = arith.cmpi ne, %rem3A_540, %ne3A_541 : i32
      %and3A_543 = arith.andi %ne3A_539, %ne3A_542 : i1
      %sub3A_544 = arith.constant 1 : i32
      %sub3A_545 = arith.subi %div3A_524, %sub3A_544 : i32
      %select_n3A_546 = arith.select %and3A_543, %sub3A_545, %div3A_524 : i32
      %jit3A_547 = arith.constant 2 : i32
      %eq3A_548 = arith.constant 0 : i32
      %eq3A_549 = arith.cmpi eq, %jit3A_547, %eq3A_548 : i32
      %jit3A_550 = arith.constant 1 : i32
      %select_n3A_551 = arith.select %eq3A_549, %jit3A_550, %jit3A_547 : i32
      %rem3A_552 = arith.remsi %select_n3A_546, %select_n3A_551 : i32
      %ne3A_553 = arith.constant 0 : i32
      %ne3A_554 = arith.cmpi ne, %rem3A_552, %ne3A_553 : i32
      %lt3A_555 = arith.constant 0 : i32
      %lt3A_556 = arith.cmpi slt, %rem3A_552, %lt3A_555 : i32
      %lt3A_557 = arith.constant 0 : i32
      %lt3A_558 = arith.cmpi slt, %select_n3A_551, %lt3A_557 : i32
      %ne3A_559 = arith.xori %lt3A_556, %lt3A_558 : i1
      %and3A_560 = arith.andi %ne3A_559, %ne3A_554 : i1
      %add3A_561 = arith.addi %rem3A_552, %select_n3A_551 : i32
      %select_n3A_562 = arith.select %and3A_560, %add3A_561, %rem3A_552 : i32
      %jit3A_563 = arith.constant 40 : i32
      %eq3A_564 = arith.constant 0 : i32
      %eq3A_565 = arith.cmpi eq, %jit3A_563, %eq3A_564 : i32
      %jit3A_566 = arith.constant 1 : i32
      %select_n3A_567 = arith.select %eq3A_565, %jit3A_566, %jit3A_563 : i32
      %rem3A_568 = arith.remsi %add3A_429, %select_n3A_567 : i32
      %ne3A_569 = arith.constant 0 : i32
      %ne3A_570 = arith.cmpi ne, %rem3A_568, %ne3A_569 : i32
      %lt3A_571 = arith.constant 0 : i32
      %lt3A_572 = arith.cmpi slt, %rem3A_568, %lt3A_571 : i32
      %lt3A_573 = arith.constant 0 : i32
      %lt3A_574 = arith.cmpi slt, %select_n3A_567, %lt3A_573 : i32
      %ne3A_575 = arith.xori %lt3A_572, %lt3A_574 : i1
      %and3A_576 = arith.andi %ne3A_575, %ne3A_570 : i1
      %add3A_577 = arith.addi %rem3A_568, %select_n3A_567 : i32
      %select_n3A_578 = arith.select %and3A_576, %add3A_577, %rem3A_568 : i32
      %dma_start3A_579 = arith.constant 0 : i32
      %dma_start3A_580 = tpu.memref_slice %arg7[%select_n3A_562, %select_n3A_578, %dma_start3A_579] : memref<2x40x128xi32, #tpu.memory_space<vmem>> -> memref<1x1x128xi32, #tpu.memory_space<vmem>>
      %dma_start3A_581 = tpu.memref_squeeze %dma_start3A_580 : memref<1x1x128xi32, #tpu.memory_space<vmem>> -> memref<128xi32, #tpu.memory_space<vmem>>
      %dma_start3A_582 = arith.constant 0 : i32
      %dma_start3A_583 = arith.constant 0 : i32
      %dma_start3A_584 = tpu.memref_slice %arg21[%dma_start3A_582, %dma_start3A_583] : memref<10240x96xf32, #tpu.memory_space<vmem_shared>> -> memref<10240x96xf32, #tpu.memory_space<vmem_shared>>
      tpu.enqueue_indirect_dma source(%arg10 : memref<128x96xf32, #tpu.memory_space<vmem>>) target(%dma_start3A_584 : memref<10240x96xf32, #tpu.memory_space<vmem_shared>>) offsets(%dma_start3A_581 : memref<128xi32, #tpu.memory_space<vmem>>) semaphore(%arg18 : memref<!tpu.dma_semaphore, #tpu.memory_space<semaphore_mem>>) {add = true}
      %ge3A_585 = arith.constant 1 : i32
      %ge3A_586 = arith.cmpi sge, %add3A_429, %ge3A_585 : i32
      %convert_element_type3A_587 = arith.extui %ge3A_586 : i1 to i32
      %cond3A_588 = arith.constant 0 : i32
      %cond3A_589 = arith.cmpi ne, %convert_element_type3A_587, %cond3A_588 : i32
      scf.if %cond3A_589 {
        %sub3A_810 = arith.constant 1 : i32
        %sub3A_811 = arith.subi %add3A_429, %sub3A_810 : i32
        %jit3A_812 = arith.constant 40 : i32
        %div3A_813 = arith.divsi %sub3A_811, %jit3A_812 : i32
        %sign3A_814 = arith.constant 0 : i32
        %sign3A_815 = arith.cmpi sgt, %sub3A_811, %sign3A_814 : i32
        %sign3A_816 = arith.extui %sign3A_815 : i1 to i32
        %sign3A_817 = arith.constant 0 : i32
        %sign3A_818 = arith.cmpi slt, %sub3A_811, %sign3A_817 : i32
        %sign3A_819 = arith.extui %sign3A_818 : i1 to i32
        %sign3A_820 = arith.subi %sign3A_816, %sign3A_819 : i32
        %sign3A_821 = arith.constant 0 : i32
        %sign3A_822 = arith.cmpi sgt, %jit3A_812, %sign3A_821 : i32
        %sign3A_823 = arith.extui %sign3A_822 : i1 to i32
        %sign3A_824 = arith.constant 0 : i32
        %sign3A_825 = arith.cmpi slt, %jit3A_812, %sign3A_824 : i32
        %sign3A_826 = arith.extui %sign3A_825 : i1 to i32
        %sign3A_827 = arith.subi %sign3A_823, %sign3A_826 : i32
        %ne3A_828 = arith.cmpi ne, %sign3A_820, %sign3A_827 : i32
        %rem3A_829 = arith.remsi %sub3A_811, %jit3A_812 : i32
        %ne3A_830 = arith.constant 0 : i32
        %ne3A_831 = arith.cmpi ne, %rem3A_829, %ne3A_830 : i32
        %and3A_832 = arith.andi %ne3A_828, %ne3A_831 : i1
        %sub3A_833 = arith.constant 1 : i32
        %sub3A_834 = arith.subi %div3A_813, %sub3A_833 : i32
        %select_n3A_835 = arith.select %and3A_832, %sub3A_834, %div3A_813 : i32
        %jit3A_836 = arith.constant 2 : i32
        %eq3A_837 = arith.constant 0 : i32
        %eq3A_838 = arith.cmpi eq, %jit3A_836, %eq3A_837 : i32
        %jit3A_839 = arith.constant 1 : i32
        %select_n3A_840 = arith.select %eq3A_838, %jit3A_839, %jit3A_836 : i32
        %rem3A_841 = arith.remsi %select_n3A_835, %select_n3A_840 : i32
        %ne3A_842 = arith.constant 0 : i32
        %ne3A_843 = arith.cmpi ne, %rem3A_841, %ne3A_842 : i32
        %lt3A_844 = arith.constant 0 : i32
        %lt3A_845 = arith.cmpi slt, %rem3A_841, %lt3A_844 : i32
        %lt3A_846 = arith.constant 0 : i32
        %lt3A_847 = arith.cmpi slt, %select_n3A_840, %lt3A_846 : i32
        %ne3A_848 = arith.xori %lt3A_845, %lt3A_847 : i1
        %and3A_849 = arith.andi %ne3A_848, %ne3A_843 : i1
        %add3A_850 = arith.addi %rem3A_841, %select_n3A_840 : i32
        %select_n3A_851 = arith.select %and3A_849, %add3A_850, %rem3A_841 : i32
        %jit3A_852 = arith.constant 40 : i32
        %eq3A_853 = arith.constant 0 : i32
        %eq3A_854 = arith.cmpi eq, %jit3A_852, %eq3A_853 : i32
        %jit3A_855 = arith.constant 1 : i32
        %select_n3A_856 = arith.select %eq3A_854, %jit3A_855, %jit3A_852 : i32
        %rem3A_857 = arith.remsi %sub3A_811, %select_n3A_856 : i32
        %ne3A_858 = arith.constant 0 : i32
        %ne3A_859 = arith.cmpi ne, %rem3A_857, %ne3A_858 : i32
        %lt3A_860 = arith.constant 0 : i32
        %lt3A_861 = arith.cmpi slt, %rem3A_857, %lt3A_860 : i32
        %lt3A_862 = arith.constant 0 : i32
        %lt3A_863 = arith.cmpi slt, %select_n3A_856, %lt3A_862 : i32
        %ne3A_864 = arith.xori %lt3A_861, %lt3A_863 : i1
        %and3A_865 = arith.andi %ne3A_864, %ne3A_859 : i1
        %add3A_866 = arith.addi %rem3A_857, %select_n3A_856 : i32
        %select_n3A_867 = arith.select %and3A_865, %add3A_866, %rem3A_857 : i32
        %dma_wait3A_868 = arith.constant 0 : i32
        %dma_wait3A_869 = tpu.memref_slice %arg7[%select_n3A_851, %select_n3A_867, %dma_wait3A_868] : memref<2x40x128xi32, #tpu.memory_space<vmem>> -> memref<1x1x128xi32, #tpu.memory_space<vmem>>
        %dma_wait3A_870 = tpu.memref_squeeze %dma_wait3A_869 : memref<1x1x128xi32, #tpu.memory_space<vmem>> -> memref<128xi32, #tpu.memory_space<vmem>>
        %dma_wait3A_871 = arith.constant 0 : i32
        %dma_wait3A_872 = arith.constant 0 : i32
        %dma_wait3A_873 = tpu.memref_slice %arg21[%dma_wait3A_871, %dma_wait3A_872] : memref<10240x96xf32, #tpu.memory_space<vmem_shared>> -> memref<10240x96xf32, #tpu.memory_space<vmem_shared>>
        tpu.wait_indirect_dma semaphore(%arg17 : memref<!tpu.dma_semaphore, #tpu.memory_space<semaphore_mem>>) src(%arg9 : memref<128x96xf32, #tpu.memory_space<vmem>>) dst(%dma_wait3A_873 : memref<10240x96xf32, #tpu.memory_space<vmem_shared>>)
      } else {
      }
      %eq3A_590 = arith.constant 0 : i32
      %eq3A_591 = arith.cmpi eq, %sub3A_456, %eq3A_590 : i32
      %add3A_592 = arith.constant 40 : i32
      %add3A_593 = arith.addi %add3A_429, %add3A_592 : i32
      %lt3A_594 = arith.constant 160 : i32
      %lt3A_595 = arith.cmpi slt, %add3A_593, %lt3A_594 : i32
      %and3A_596 = arith.andi %eq3A_591, %lt3A_595 : i1
      %convert_element_type3A_597 = arith.extui %and3A_596 : i1 to i32
      %cond3A_598 = arith.constant 0 : i32
      %cond3A_599 = arith.cmpi ne, %convert_element_type3A_597, %cond3A_598 : i32
      scf.if %cond3A_599 {
        %add3A_810 = arith.constant 1 : i32
        %add3A_811 = arith.addi %select_n3A_453, %add3A_810 : i32
        %jit3A_812 = arith.constant 2 : i32
        %eq3A_813 = arith.constant 0 : i32
        %eq3A_814 = arith.cmpi eq, %jit3A_812, %eq3A_813 : i32
        %jit3A_815 = arith.constant 1 : i32
        %select_n3A_816 = arith.select %eq3A_814, %jit3A_815, %jit3A_812 : i32
        %rem3A_817 = arith.remsi %add3A_811, %select_n3A_816 : i32
        %ne3A_818 = arith.constant 0 : i32
        %ne3A_819 = arith.cmpi ne, %rem3A_817, %ne3A_818 : i32
        %lt3A_820 = arith.constant 0 : i32
        %lt3A_821 = arith.cmpi slt, %rem3A_817, %lt3A_820 : i32
        %lt3A_822 = arith.constant 0 : i32
        %lt3A_823 = arith.cmpi slt, %select_n3A_816, %lt3A_822 : i32
        %ne3A_824 = arith.xori %lt3A_821, %lt3A_823 : i1
        %and3A_825 = arith.andi %ne3A_824, %ne3A_819 : i1
        %add3A_826 = arith.addi %rem3A_817, %select_n3A_816 : i32
        %select_n3A_827 = arith.select %and3A_825, %add3A_826, %rem3A_817 : i32
        %add3A_828 = arith.constant 1 : i32
        %add3A_829 = arith.addi %select_n3A_453, %add3A_828 : i32
        %mul3A_830 = arith.constant 40 : i32
        %mul3A_831 = arith.muli %add3A_829, %mul3A_830 : i32
        %dma_start3A_832 = arith.constant 0 : i32
        %dma_start3A_833 = arith.constant 0 : i32
        %dma_start3A_834 = tpu.memref_slice %arg6[%select_n3A_827, %dma_start3A_832, %dma_start3A_833] : memref<2x40x128xi32, #tpu.memory_space<vmem>> -> memref<1x40x128xi32, #tpu.memory_space<vmem>>
        %dma_start3A_835 = tpu.memref_squeeze %dma_start3A_834 : memref<1x40x128xi32, #tpu.memory_space<vmem>> -> memref<40x128xi32, #tpu.memory_space<vmem>>
        %dma_start3A_836 = arith.constant 0 : i32
        %dma_start3A_837 = tpu.memref_slice %arg3[%arg1, %mul3A_831, %dma_start3A_836] : memref<16x160x128xi32, #tpu.memory_space<hbm>> -> memref<1x40x128xi32, #tpu.memory_space<hbm>>
        %dma_start3A_838 = tpu.memref_squeeze %dma_start3A_837 : memref<1x40x128xi32, #tpu.memory_space<hbm>> -> memref<40x128xi32, #tpu.memory_space<hbm>>
        %dma_start3A_839 = arith.constant 0 : i32
        %dma_start3A_840 = arith.constant 0 : i32
        %dma_start3A_841 = tpu.memref_slice %arg6[%select_n3A_827, %dma_start3A_839, %dma_start3A_840] : memref<2x40x128xi32, #tpu.memory_space<vmem>> -> memref<1x40x128xi32, #tpu.memory_space<vmem>>
        %dma_start3A_842 = tpu.memref_squeeze %dma_start3A_841 : memref<1x40x128xi32, #tpu.memory_space<vmem>> -> memref<40x128xi32, #tpu.memory_space<vmem>>
        %dma_start3A_843 = arith.constant 0 : i32
        %dma_start3A_844 = tpu.memref_slice %arg3[%arg1, %mul3A_831, %dma_start3A_843] : memref<16x160x128xi32, #tpu.memory_space<hbm>> -> memref<1x40x128xi32, #tpu.memory_space<hbm>>
        %dma_start3A_845 = tpu.memref_squeeze %dma_start3A_844 : memref<1x40x128xi32, #tpu.memory_space<hbm>> -> memref<40x128xi32, #tpu.memory_space<hbm>>
        tpu.enqueue_dma source(%dma_start3A_845 : memref<40x128xi32, #tpu.memory_space<hbm>>) target(%dma_start3A_842 : memref<40x128xi32, #tpu.memory_space<vmem>>) target_semaphore(%arg20 : memref<!tpu.dma_semaphore, #tpu.memory_space<semaphore_mem>>)
        %add3A_846 = arith.constant 1 : i32
        %add3A_847 = arith.addi %select_n3A_453, %add3A_846 : i32
        %mul3A_848 = arith.constant 40 : i32
        %mul3A_849 = arith.muli %add3A_847, %mul3A_848 : i32
        %dma_start3A_850 = arith.constant 0 : i32
        %dma_start3A_851 = arith.constant 0 : i32
        %dma_start3A_852 = tpu.memref_slice %arg7[%select_n3A_827, %dma_start3A_850, %dma_start3A_851] : memref<2x40x128xi32, #tpu.memory_space<vmem>> -> memref<1x40x128xi32, #tpu.memory_space<vmem>>
        %dma_start3A_853 = tpu.memref_squeeze %dma_start3A_852 : memref<1x40x128xi32, #tpu.memory_space<vmem>> -> memref<40x128xi32, #tpu.memory_space<vmem>>
        %dma_start3A_854 = arith.constant 0 : i32
        %dma_start3A_855 = tpu.memref_slice %arg4[%arg1, %mul3A_849, %dma_start3A_854] : memref<16x160x128xi32, #tpu.memory_space<hbm>> -> memref<1x40x128xi32, #tpu.memory_space<hbm>>
        %dma_start3A_856 = tpu.memref_squeeze %dma_start3A_855 : memref<1x40x128xi32, #tpu.memory_space<hbm>> -> memref<40x128xi32, #tpu.memory_space<hbm>>
        %dma_start3A_857 = arith.constant 0 : i32
        %dma_start3A_858 = arith.constant 0 : i32
        %dma_start3A_859 = tpu.memref_slice %arg7[%select_n3A_827, %dma_start3A_857, %dma_start3A_858] : memref<2x40x128xi32, #tpu.memory_space<vmem>> -> memref<1x40x128xi32, #tpu.memory_space<vmem>>
        %dma_start3A_860 = tpu.memref_squeeze %dma_start3A_859 : memref<1x40x128xi32, #tpu.memory_space<vmem>> -> memref<40x128xi32, #tpu.memory_space<vmem>>
        %dma_start3A_861 = arith.constant 0 : i32
        %dma_start3A_862 = tpu.memref_slice %arg4[%arg1, %mul3A_849, %dma_start3A_861] : memref<16x160x128xi32, #tpu.memory_space<hbm>> -> memref<1x40x128xi32, #tpu.memory_space<hbm>>
        %dma_start3A_863 = tpu.memref_squeeze %dma_start3A_862 : memref<1x40x128xi32, #tpu.memory_space<hbm>> -> memref<40x128xi32, #tpu.memory_space<hbm>>
        tpu.enqueue_dma source(%dma_start3A_863 : memref<40x128xi32, #tpu.memory_space<hbm>>) target(%dma_start3A_860 : memref<40x128xi32, #tpu.memory_space<vmem>>) target_semaphore(%arg20 : memref<!tpu.dma_semaphore, #tpu.memory_space<semaphore_mem>>)
      } else {
      }
      %eq3A_600 = arith.constant 36 : i32
      %eq3A_601 = arith.cmpi eq, %sub3A_456, %eq3A_600 : i32
      %add3A_602 = arith.constant 4 : i32
      %add3A_603 = arith.addi %add3A_429, %add3A_602 : i32
      %lt3A_604 = arith.constant 160 : i32
      %lt3A_605 = arith.cmpi slt, %add3A_603, %lt3A_604 : i32
      %and3A_606 = arith.andi %eq3A_601, %lt3A_605 : i1
      %convert_element_type3A_607 = arith.extui %and3A_606 : i1 to i32
      %cond3A_608 = arith.constant 0 : i32
      %cond3A_609 = arith.cmpi ne, %convert_element_type3A_607, %cond3A_608 : i32
      scf.if %cond3A_609 {
        %add3A_810 = arith.constant 1 : i32
        %add3A_811 = arith.addi %select_n3A_453, %add3A_810 : i32
        %jit3A_812 = arith.constant 2 : i32
        %eq3A_813 = arith.constant 0 : i32
        %eq3A_814 = arith.cmpi eq, %jit3A_812, %eq3A_813 : i32
        %jit3A_815 = arith.constant 1 : i32
        %select_n3A_816 = arith.select %eq3A_814, %jit3A_815, %jit3A_812 : i32
        %rem3A_817 = arith.remsi %add3A_811, %select_n3A_816 : i32
        %ne3A_818 = arith.constant 0 : i32
        %ne3A_819 = arith.cmpi ne, %rem3A_817, %ne3A_818 : i32
        %lt3A_820 = arith.constant 0 : i32
        %lt3A_821 = arith.cmpi slt, %rem3A_817, %lt3A_820 : i32
        %lt3A_822 = arith.constant 0 : i32
        %lt3A_823 = arith.cmpi slt, %select_n3A_816, %lt3A_822 : i32
        %ne3A_824 = arith.xori %lt3A_821, %lt3A_823 : i1
        %and3A_825 = arith.andi %ne3A_824, %ne3A_819 : i1
        %add3A_826 = arith.addi %rem3A_817, %select_n3A_816 : i32
        %select_n3A_827 = arith.select %and3A_825, %add3A_826, %rem3A_817 : i32
        %add3A_828 = arith.constant 1 : i32
        %add3A_829 = arith.addi %select_n3A_453, %add3A_828 : i32
        %mul3A_830 = arith.constant 40 : i32
        %mul3A_831 = arith.muli %add3A_829, %mul3A_830 : i32
        %dma_wait3A_832 = arith.constant 0 : i32
        %dma_wait3A_833 = arith.constant 0 : i32
        %dma_wait3A_834 = tpu.memref_slice %arg6[%select_n3A_827, %dma_wait3A_832, %dma_wait3A_833] : memref<2x40x128xi32, #tpu.memory_space<vmem>> -> memref<1x40x128xi32, #tpu.memory_space<vmem>>
        %dma_wait3A_835 = tpu.memref_squeeze %dma_wait3A_834 : memref<1x40x128xi32, #tpu.memory_space<vmem>> -> memref<40x128xi32, #tpu.memory_space<vmem>>
        %dma_wait3A_836 = arith.constant 0 : i32
        %dma_wait3A_837 = tpu.memref_slice %arg3[%arg1, %mul3A_831, %dma_wait3A_836] : memref<16x160x128xi32, #tpu.memory_space<hbm>> -> memref<1x40x128xi32, #tpu.memory_space<hbm>>
        %dma_wait3A_838 = tpu.memref_squeeze %dma_wait3A_837 : memref<1x40x128xi32, #tpu.memory_space<hbm>> -> memref<40x128xi32, #tpu.memory_space<hbm>>
        %dma_wait3A_839 = arith.constant 0 : i32
        %dma_wait3A_840 = arith.constant 0 : i32
        %dma_wait3A_841 = tpu.memref_slice %arg6[%select_n3A_827, %dma_wait3A_839, %dma_wait3A_840] : memref<2x40x128xi32, #tpu.memory_space<vmem>> -> memref<1x40x128xi32, #tpu.memory_space<vmem>>
        %dma_wait3A_842 = tpu.memref_squeeze %dma_wait3A_841 : memref<1x40x128xi32, #tpu.memory_space<vmem>> -> memref<40x128xi32, #tpu.memory_space<vmem>>
        %dma_wait3A_843 = arith.constant 0 : i32
        %dma_wait3A_844 = tpu.memref_slice %arg3[%arg1, %mul3A_831, %dma_wait3A_843] : memref<16x160x128xi32, #tpu.memory_space<hbm>> -> memref<1x40x128xi32, #tpu.memory_space<hbm>>
        %dma_wait3A_845 = tpu.memref_squeeze %dma_wait3A_844 : memref<1x40x128xi32, #tpu.memory_space<hbm>> -> memref<40x128xi32, #tpu.memory_space<hbm>>
        tpu.wait_dma2 semaphore(%arg20 : memref<!tpu.dma_semaphore, #tpu.memory_space<semaphore_mem>>) src(%dma_wait3A_845 : memref<40x128xi32, #tpu.memory_space<hbm>>) dst(%dma_wait3A_842 : memref<40x128xi32, #tpu.memory_space<vmem>>)
        %add3A_846 = arith.constant 1 : i32
        %add3A_847 = arith.addi %select_n3A_453, %add3A_846 : i32
        %mul3A_848 = arith.constant 40 : i32
        %mul3A_849 = arith.muli %add3A_847, %mul3A_848 : i32
        %dma_wait3A_850 = arith.constant 0 : i32
        %dma_wait3A_851 = arith.constant 0 : i32
        %dma_wait3A_852 = tpu.memref_slice %arg7[%select_n3A_827, %dma_wait3A_850, %dma_wait3A_851] : memref<2x40x128xi32, #tpu.memory_space<vmem>> -> memref<1x40x128xi32, #tpu.memory_space<vmem>>
        %dma_wait3A_853 = tpu.memref_squeeze %dma_wait3A_852 : memref<1x40x128xi32, #tpu.memory_space<vmem>> -> memref<40x128xi32, #tpu.memory_space<vmem>>
        %dma_wait3A_854 = arith.constant 0 : i32
        %dma_wait3A_855 = tpu.memref_slice %arg4[%arg1, %mul3A_849, %dma_wait3A_854] : memref<16x160x128xi32, #tpu.memory_space<hbm>> -> memref<1x40x128xi32, #tpu.memory_space<hbm>>
        %dma_wait3A_856 = tpu.memref_squeeze %dma_wait3A_855 : memref<1x40x128xi32, #tpu.memory_space<hbm>> -> memref<40x128xi32, #tpu.memory_space<hbm>>
        %dma_wait3A_857 = arith.constant 0 : i32
        %dma_wait3A_858 = arith.constant 0 : i32
        %dma_wait3A_859 = tpu.memref_slice %arg7[%select_n3A_827, %dma_wait3A_857, %dma_wait3A_858] : memref<2x40x128xi32, #tpu.memory_space<vmem>> -> memref<1x40x128xi32, #tpu.memory_space<vmem>>
        %dma_wait3A_860 = tpu.memref_squeeze %dma_wait3A_859 : memref<1x40x128xi32, #tpu.memory_space<vmem>> -> memref<40x128xi32, #tpu.memory_space<vmem>>
        %dma_wait3A_861 = arith.constant 0 : i32
        %dma_wait3A_862 = tpu.memref_slice %arg4[%arg1, %mul3A_849, %dma_wait3A_861] : memref<16x160x128xi32, #tpu.memory_space<hbm>> -> memref<1x40x128xi32, #tpu.memory_space<hbm>>
        %dma_wait3A_863 = tpu.memref_squeeze %dma_wait3A_862 : memref<1x40x128xi32, #tpu.memory_space<hbm>> -> memref<40x128xi32, #tpu.memory_space<hbm>>
        tpu.wait_dma2 semaphore(%arg20 : memref<!tpu.dma_semaphore, #tpu.memory_space<semaphore_mem>>) src(%dma_wait3A_863 : memref<40x128xi32, #tpu.memory_space<hbm>>) dst(%dma_wait3A_860 : memref<40x128xi32, #tpu.memory_space<vmem>>)
      } else {
      }
      %add3A_610 = arith.constant 4 : i32
      %add3A_611 = arith.addi %add3A_429, %add3A_610 : i32
      %sub3A_612 = arith.constant 1 : i32
      %sub3A_613 = arith.subi %add3A_611, %sub3A_612 : i32
      %lt3A_614 = arith.constant 160 : i32
      %lt3A_615 = arith.cmpi slt, %sub3A_613, %lt3A_614 : i32
      %convert_element_type3A_616 = arith.extui %lt3A_615 : i1 to i32
      %cond3A_617 = arith.constant 0 : i32
      %cond3A_618 = arith.cmpi ne, %convert_element_type3A_616, %cond3A_617 : i32
      scf.if %cond3A_618 {
        %add3A_810 = arith.constant 4 : i32
        %add3A_811 = arith.addi %add3A_429, %add3A_810 : i32
        %sub3A_812 = arith.constant 1 : i32
        %sub3A_813 = arith.subi %add3A_811, %sub3A_812 : i32
        %jit3A_814 = arith.constant 40 : i32
        %div3A_815 = arith.divsi %sub3A_813, %jit3A_814 : i32
        %sign3A_816 = arith.constant 0 : i32
        %sign3A_817 = arith.cmpi sgt, %sub3A_813, %sign3A_816 : i32
        %sign3A_818 = arith.extui %sign3A_817 : i1 to i32
        %sign3A_819 = arith.constant 0 : i32
        %sign3A_820 = arith.cmpi slt, %sub3A_813, %sign3A_819 : i32
        %sign3A_821 = arith.extui %sign3A_820 : i1 to i32
        %sign3A_822 = arith.subi %sign3A_818, %sign3A_821 : i32
        %sign3A_823 = arith.constant 0 : i32
        %sign3A_824 = arith.cmpi sgt, %jit3A_814, %sign3A_823 : i32
        %sign3A_825 = arith.extui %sign3A_824 : i1 to i32
        %sign3A_826 = arith.constant 0 : i32
        %sign3A_827 = arith.cmpi slt, %jit3A_814, %sign3A_826 : i32
        %sign3A_828 = arith.extui %sign3A_827 : i1 to i32
        %sign3A_829 = arith.subi %sign3A_825, %sign3A_828 : i32
        %ne3A_830 = arith.cmpi ne, %sign3A_822, %sign3A_829 : i32
        %rem3A_831 = arith.remsi %sub3A_813, %jit3A_814 : i32
        %ne3A_832 = arith.constant 0 : i32
        %ne3A_833 = arith.cmpi ne, %rem3A_831, %ne3A_832 : i32
        %and3A_834 = arith.andi %ne3A_830, %ne3A_833 : i1
        %sub3A_835 = arith.constant 1 : i32
        %sub3A_836 = arith.subi %div3A_815, %sub3A_835 : i32
        %select_n3A_837 = arith.select %and3A_834, %sub3A_836, %div3A_815 : i32
        %jit3A_838 = arith.constant 2 : i32
        %eq3A_839 = arith.constant 0 : i32
        %eq3A_840 = arith.cmpi eq, %jit3A_838, %eq3A_839 : i32
        %jit3A_841 = arith.constant 1 : i32
        %select_n3A_842 = arith.select %eq3A_840, %jit3A_841, %jit3A_838 : i32
        %rem3A_843 = arith.remsi %select_n3A_837, %select_n3A_842 : i32
        %ne3A_844 = arith.constant 0 : i32
        %ne3A_845 = arith.cmpi ne, %rem3A_843, %ne3A_844 : i32
        %lt3A_846 = arith.constant 0 : i32
        %lt3A_847 = arith.cmpi slt, %rem3A_843, %lt3A_846 : i32
        %lt3A_848 = arith.constant 0 : i32
        %lt3A_849 = arith.cmpi slt, %select_n3A_842, %lt3A_848 : i32
        %ne3A_850 = arith.xori %lt3A_847, %lt3A_849 : i1
        %and3A_851 = arith.andi %ne3A_850, %ne3A_845 : i1
        %add3A_852 = arith.addi %rem3A_843, %select_n3A_842 : i32
        %select_n3A_853 = arith.select %and3A_851, %add3A_852, %rem3A_843 : i32
        %jit3A_854 = arith.constant 40 : i32
        %eq3A_855 = arith.constant 0 : i32
        %eq3A_856 = arith.cmpi eq, %jit3A_854, %eq3A_855 : i32
        %jit3A_857 = arith.constant 1 : i32
        %select_n3A_858 = arith.select %eq3A_856, %jit3A_857, %jit3A_854 : i32
        %rem3A_859 = arith.remsi %sub3A_813, %select_n3A_858 : i32
        %ne3A_860 = arith.constant 0 : i32
        %ne3A_861 = arith.cmpi ne, %rem3A_859, %ne3A_860 : i32
        %lt3A_862 = arith.constant 0 : i32
        %lt3A_863 = arith.cmpi slt, %rem3A_859, %lt3A_862 : i32
        %lt3A_864 = arith.constant 0 : i32
        %lt3A_865 = arith.cmpi slt, %select_n3A_858, %lt3A_864 : i32
        %ne3A_866 = arith.xori %lt3A_863, %lt3A_865 : i1
        %and3A_867 = arith.andi %ne3A_866, %ne3A_861 : i1
        %add3A_868 = arith.addi %rem3A_859, %select_n3A_858 : i32
        %select_n3A_869 = arith.select %and3A_867, %add3A_868, %rem3A_859 : i32
        %dma_start3A_870 = arith.constant 0 : i32
        %dma_start3A_871 = tpu.memref_slice %arg6[%select_n3A_853, %select_n3A_869, %dma_start3A_870] : memref<2x40x128xi32, #tpu.memory_space<vmem>> -> memref<1x1x128xi32, #tpu.memory_space<vmem>>
        %dma_start3A_872 = tpu.memref_squeeze %dma_start3A_871 : memref<1x1x128xi32, #tpu.memory_space<vmem>> -> memref<128xi32, #tpu.memory_space<vmem>>
        %dma_start3A_873 = arith.constant 0 : i32
        %dma_start3A_874 = arith.constant 0 : i32
        %dma_start3A_875 = tpu.memref_slice %arg2[%arg0, %dma_start3A_873, %dma_start3A_874] : memref<2x10240x96xf32, #tpu.memory_space<hbm>> -> memref<1x10240x96xf32, #tpu.memory_space<hbm>>
        %dma_start3A_876 = tpu.memref_squeeze %dma_start3A_875 : memref<1x10240x96xf32, #tpu.memory_space<hbm>> -> memref<10240x96xf32, #tpu.memory_space<hbm>>
        %dma_start3A_877 = arith.constant 0 : i32
        %dma_start3A_878 = arith.constant 0 : i32
        %dma_start3A_879 = tpu.memref_slice %dma_start3A_876[%dma_start3A_877, %dma_start3A_878] : memref<10240x96xf32, #tpu.memory_space<hbm>> -> memref<10240x96xf32, #tpu.memory_space<hbm>>
        tpu.enqueue_indirect_dma source(%dma_start3A_879 : memref<10240x96xf32, #tpu.memory_space<hbm>>) target(%arg9 : memref<128x96xf32, #tpu.memory_space<vmem>>) offsets(%dma_start3A_872 : memref<128xi32, #tpu.memory_space<vmem>>) semaphore(%arg13 : memref<!tpu.dma_semaphore, #tpu.memory_space<semaphore_mem>>)
      } else {
      }
      %add3A_619 = arith.constant 3 : i32
      %add3A_620 = arith.addi %add3A_58, %add3A_619 : i32
      %jit3A_621 = arith.constant 40 : i32
      %div3A_622 = arith.divsi %add3A_620, %jit3A_621 : i32
      %sign3A_623 = arith.constant 0 : i32
      %sign3A_624 = arith.cmpi sgt, %add3A_620, %sign3A_623 : i32
      %sign3A_625 = arith.extui %sign3A_624 : i1 to i32
      %sign3A_626 = arith.constant 0 : i32
      %sign3A_627 = arith.cmpi slt, %add3A_620, %sign3A_626 : i32
      %sign3A_628 = arith.extui %sign3A_627 : i1 to i32
      %sign3A_629 = arith.subi %sign3A_625, %sign3A_628 : i32
      %sign3A_630 = arith.constant 0 : i32
      %sign3A_631 = arith.cmpi sgt, %jit3A_621, %sign3A_630 : i32
      %sign3A_632 = arith.extui %sign3A_631 : i1 to i32
      %sign3A_633 = arith.constant 0 : i32
      %sign3A_634 = arith.cmpi slt, %jit3A_621, %sign3A_633 : i32
      %sign3A_635 = arith.extui %sign3A_634 : i1 to i32
      %sign3A_636 = arith.subi %sign3A_632, %sign3A_635 : i32
      %ne3A_637 = arith.cmpi ne, %sign3A_629, %sign3A_636 : i32
      %rem3A_638 = arith.remsi %add3A_620, %jit3A_621 : i32
      %ne3A_639 = arith.constant 0 : i32
      %ne3A_640 = arith.cmpi ne, %rem3A_638, %ne3A_639 : i32
      %and3A_641 = arith.andi %ne3A_637, %ne3A_640 : i1
      %sub3A_642 = arith.constant 1 : i32
      %sub3A_643 = arith.subi %div3A_622, %sub3A_642 : i32
      %select_n3A_644 = arith.select %and3A_641, %sub3A_643, %div3A_622 : i32
      %mul3A_645 = arith.constant 40 : i32
      %mul3A_646 = arith.muli %select_n3A_644, %mul3A_645 : i32
      %sub3A_647 = arith.subi %add3A_620, %mul3A_646 : i32
      %jit3A_648 = arith.constant 40 : i32
      %div3A_649 = arith.divsi %add3A_620, %jit3A_648 : i32
      %sign3A_650 = arith.constant 0 : i32
      %sign3A_651 = arith.cmpi sgt, %add3A_620, %sign3A_650 : i32
      %sign3A_652 = arith.extui %sign3A_651 : i1 to i32
      %sign3A_653 = arith.constant 0 : i32
      %sign3A_654 = arith.cmpi slt, %add3A_620, %sign3A_653 : i32
      %sign3A_655 = arith.extui %sign3A_654 : i1 to i32
      %sign3A_656 = arith.subi %sign3A_652, %sign3A_655 : i32
      %sign3A_657 = arith.constant 0 : i32
      %sign3A_658 = arith.cmpi sgt, %jit3A_648, %sign3A_657 : i32
      %sign3A_659 = arith.extui %sign3A_658 : i1 to i32
      %sign3A_660 = arith.constant 0 : i32
      %sign3A_661 = arith.cmpi slt, %jit3A_648, %sign3A_660 : i32
      %sign3A_662 = arith.extui %sign3A_661 : i1 to i32
      %sign3A_663 = arith.subi %sign3A_659, %sign3A_662 : i32
      %ne3A_664 = arith.cmpi ne, %sign3A_656, %sign3A_663 : i32
      %rem3A_665 = arith.remsi %add3A_620, %jit3A_648 : i32
      %ne3A_666 = arith.constant 0 : i32
      %ne3A_667 = arith.cmpi ne, %rem3A_665, %ne3A_666 : i32
      %and3A_668 = arith.andi %ne3A_664, %ne3A_667 : i1
      %sub3A_669 = arith.constant 1 : i32
      %sub3A_670 = arith.subi %div3A_649, %sub3A_669 : i32
      %select_n3A_671 = arith.select %and3A_668, %sub3A_670, %div3A_649 : i32
      %jit3A_672 = arith.constant 2 : i32
      %eq3A_673 = arith.constant 0 : i32
      %eq3A_674 = arith.cmpi eq, %jit3A_672, %eq3A_673 : i32
      %jit3A_675 = arith.constant 1 : i32
      %select_n3A_676 = arith.select %eq3A_674, %jit3A_675, %jit3A_672 : i32
      %rem3A_677 = arith.remsi %select_n3A_671, %select_n3A_676 : i32
      %ne3A_678 = arith.constant 0 : i32
      %ne3A_679 = arith.cmpi ne, %rem3A_677, %ne3A_678 : i32
      %lt3A_680 = arith.constant 0 : i32
      %lt3A_681 = arith.cmpi slt, %rem3A_677, %lt3A_680 : i32
      %lt3A_682 = arith.constant 0 : i32
      %lt3A_683 = arith.cmpi slt, %select_n3A_676, %lt3A_682 : i32
      %ne3A_684 = arith.xori %lt3A_681, %lt3A_683 : i1
      %and3A_685 = arith.andi %ne3A_684, %ne3A_679 : i1
      %add3A_686 = arith.addi %rem3A_677, %select_n3A_676 : i32
      %select_n3A_687 = arith.select %and3A_685, %add3A_686, %rem3A_677 : i32
      %jit3A_688 = arith.constant 40 : i32
      %eq3A_689 = arith.constant 0 : i32
      %eq3A_690 = arith.cmpi eq, %jit3A_688, %eq3A_689 : i32
      %jit3A_691 = arith.constant 1 : i32
      %select_n3A_692 = arith.select %eq3A_690, %jit3A_691, %jit3A_688 : i32
      %rem3A_693 = arith.remsi %add3A_620, %select_n3A_692 : i32
      %ne3A_694 = arith.constant 0 : i32
      %ne3A_695 = arith.cmpi ne, %rem3A_693, %ne3A_694 : i32
      %lt3A_696 = arith.constant 0 : i32
      %lt3A_697 = arith.cmpi slt, %rem3A_693, %lt3A_696 : i32
      %lt3A_698 = arith.constant 0 : i32
      %lt3A_699 = arith.cmpi slt, %select_n3A_692, %lt3A_698 : i32
      %ne3A_700 = arith.xori %lt3A_697, %lt3A_699 : i1
      %and3A_701 = arith.andi %ne3A_700, %ne3A_695 : i1
      %add3A_702 = arith.addi %rem3A_693, %select_n3A_692 : i32
      %select_n3A_703 = arith.select %and3A_701, %add3A_702, %rem3A_693 : i32
      %dma_wait3A_704 = arith.constant 0 : i32
      %dma_wait3A_705 = tpu.memref_slice %arg6[%select_n3A_687, %select_n3A_703, %dma_wait3A_704] : memref<2x40x128xi32, #tpu.memory_space<vmem>> -> memref<1x1x128xi32, #tpu.memory_space<vmem>>
      %dma_wait3A_706 = tpu.memref_squeeze %dma_wait3A_705 : memref<1x1x128xi32, #tpu.memory_space<vmem>> -> memref<128xi32, #tpu.memory_space<vmem>>
      %dma_wait3A_707 = arith.constant 0 : i32
      %dma_wait3A_708 = arith.constant 0 : i32
      %dma_wait3A_709 = tpu.memref_slice %arg2[%arg0, %dma_wait3A_707, %dma_wait3A_708] : memref<2x10240x96xf32, #tpu.memory_space<hbm>> -> memref<1x10240x96xf32, #tpu.memory_space<hbm>>
      %dma_wait3A_710 = tpu.memref_squeeze %dma_wait3A_709 : memref<1x10240x96xf32, #tpu.memory_space<hbm>> -> memref<10240x96xf32, #tpu.memory_space<hbm>>
      %dma_wait3A_711 = arith.constant 0 : i32
      %dma_wait3A_712 = arith.constant 0 : i32
      %dma_wait3A_713 = tpu.memref_slice %dma_wait3A_710[%dma_wait3A_711, %dma_wait3A_712] : memref<10240x96xf32, #tpu.memory_space<hbm>> -> memref<10240x96xf32, #tpu.memory_space<hbm>>
      tpu.wait_indirect_dma semaphore(%arg15 : memref<!tpu.dma_semaphore, #tpu.memory_space<semaphore_mem>>) src(%dma_wait3A_713 : memref<10240x96xf32, #tpu.memory_space<hbm>>) dst(%arg11 : memref<128x96xf32, #tpu.memory_space<vmem>>)
      %jit3A_714 = arith.constant 40 : i32
      %div3A_715 = arith.divsi %add3A_620, %jit3A_714 : i32
      %sign3A_716 = arith.constant 0 : i32
      %sign3A_717 = arith.cmpi sgt, %add3A_620, %sign3A_716 : i32
      %sign3A_718 = arith.extui %sign3A_717 : i1 to i32
      %sign3A_719 = arith.constant 0 : i32
      %sign3A_720 = arith.cmpi slt, %add3A_620, %sign3A_719 : i32
      %sign3A_721 = arith.extui %sign3A_720 : i1 to i32
      %sign3A_722 = arith.subi %sign3A_718, %sign3A_721 : i32
      %sign3A_723 = arith.constant 0 : i32
      %sign3A_724 = arith.cmpi sgt, %jit3A_714, %sign3A_723 : i32
      %sign3A_725 = arith.extui %sign3A_724 : i1 to i32
      %sign3A_726 = arith.constant 0 : i32
      %sign3A_727 = arith.cmpi slt, %jit3A_714, %sign3A_726 : i32
      %sign3A_728 = arith.extui %sign3A_727 : i1 to i32
      %sign3A_729 = arith.subi %sign3A_725, %sign3A_728 : i32
      %ne3A_730 = arith.cmpi ne, %sign3A_722, %sign3A_729 : i32
      %rem3A_731 = arith.remsi %add3A_620, %jit3A_714 : i32
      %ne3A_732 = arith.constant 0 : i32
      %ne3A_733 = arith.cmpi ne, %rem3A_731, %ne3A_732 : i32
      %and3A_734 = arith.andi %ne3A_730, %ne3A_733 : i1
      %sub3A_735 = arith.constant 1 : i32
      %sub3A_736 = arith.subi %div3A_715, %sub3A_735 : i32
      %select_n3A_737 = arith.select %and3A_734, %sub3A_736, %div3A_715 : i32
      %jit3A_738 = arith.constant 2 : i32
      %eq3A_739 = arith.constant 0 : i32
      %eq3A_740 = arith.cmpi eq, %jit3A_738, %eq3A_739 : i32
      %jit3A_741 = arith.constant 1 : i32
      %select_n3A_742 = arith.select %eq3A_740, %jit3A_741, %jit3A_738 : i32
      %rem3A_743 = arith.remsi %select_n3A_737, %select_n3A_742 : i32
      %ne3A_744 = arith.constant 0 : i32
      %ne3A_745 = arith.cmpi ne, %rem3A_743, %ne3A_744 : i32
      %lt3A_746 = arith.constant 0 : i32
      %lt3A_747 = arith.cmpi slt, %rem3A_743, %lt3A_746 : i32
      %lt3A_748 = arith.constant 0 : i32
      %lt3A_749 = arith.cmpi slt, %select_n3A_742, %lt3A_748 : i32
      %ne3A_750 = arith.xori %lt3A_747, %lt3A_749 : i1
      %and3A_751 = arith.andi %ne3A_750, %ne3A_745 : i1
      %add3A_752 = arith.addi %rem3A_743, %select_n3A_742 : i32
      %select_n3A_753 = arith.select %and3A_751, %add3A_752, %rem3A_743 : i32
      %jit3A_754 = arith.constant 40 : i32
      %eq3A_755 = arith.constant 0 : i32
      %eq3A_756 = arith.cmpi eq, %jit3A_754, %eq3A_755 : i32
      %jit3A_757 = arith.constant 1 : i32
      %select_n3A_758 = arith.select %eq3A_756, %jit3A_757, %jit3A_754 : i32
      %rem3A_759 = arith.remsi %add3A_620, %select_n3A_758 : i32
      %ne3A_760 = arith.constant 0 : i32
      %ne3A_761 = arith.cmpi ne, %rem3A_759, %ne3A_760 : i32
      %lt3A_762 = arith.constant 0 : i32
      %lt3A_763 = arith.cmpi slt, %rem3A_759, %lt3A_762 : i32
      %lt3A_764 = arith.constant 0 : i32
      %lt3A_765 = arith.cmpi slt, %select_n3A_758, %lt3A_764 : i32
      %ne3A_766 = arith.xori %lt3A_763, %lt3A_765 : i1
      %and3A_767 = arith.andi %ne3A_766, %ne3A_761 : i1
      %add3A_768 = arith.addi %rem3A_759, %select_n3A_758 : i32
      %select_n3A_769 = arith.select %and3A_767, %add3A_768, %rem3A_759 : i32
      %dma_start3A_770 = arith.constant 0 : i32
      %dma_start3A_771 = tpu.memref_slice %arg7[%select_n3A_753, %select_n3A_769, %dma_start3A_770] : memref<2x40x128xi32, #tpu.memory_space<vmem>> -> memref<1x1x128xi32, #tpu.memory_space<vmem>>
      %dma_start3A_772 = tpu.memref_squeeze %dma_start3A_771 : memref<1x1x128xi32, #tpu.memory_space<vmem>> -> memref<128xi32, #tpu.memory_space<vmem>>
      %dma_start3A_773 = arith.constant 0 : i32
      %dma_start3A_774 = arith.constant 0 : i32
      %dma_start3A_775 = tpu.memref_slice %arg21[%dma_start3A_773, %dma_start3A_774] : memref<10240x96xf32, #tpu.memory_space<vmem_shared>> -> memref<10240x96xf32, #tpu.memory_space<vmem_shared>>
      tpu.enqueue_indirect_dma source(%arg11 : memref<128x96xf32, #tpu.memory_space<vmem>>) target(%dma_start3A_775 : memref<10240x96xf32, #tpu.memory_space<vmem_shared>>) offsets(%dma_start3A_772 : memref<128xi32, #tpu.memory_space<vmem>>) semaphore(%arg19 : memref<!tpu.dma_semaphore, #tpu.memory_space<semaphore_mem>>) {add = true}
      %ge3A_776 = arith.constant 1 : i32
      %ge3A_777 = arith.cmpi sge, %add3A_620, %ge3A_776 : i32
      %convert_element_type3A_778 = arith.extui %ge3A_777 : i1 to i32
      %cond3A_779 = arith.constant 0 : i32
      %cond3A_780 = arith.cmpi ne, %convert_element_type3A_778, %cond3A_779 : i32
      scf.if %cond3A_780 {
        %sub3A_810 = arith.constant 1 : i32
        %sub3A_811 = arith.subi %add3A_620, %sub3A_810 : i32
        %jit3A_812 = arith.constant 40 : i32
        %div3A_813 = arith.divsi %sub3A_811, %jit3A_812 : i32
        %sign3A_814 = arith.constant 0 : i32
        %sign3A_815 = arith.cmpi sgt, %sub3A_811, %sign3A_814 : i32
        %sign3A_816 = arith.extui %sign3A_815 : i1 to i32
        %sign3A_817 = arith.constant 0 : i32
        %sign3A_818 = arith.cmpi slt, %sub3A_811, %sign3A_817 : i32
        %sign3A_819 = arith.extui %sign3A_818 : i1 to i32
        %sign3A_820 = arith.subi %sign3A_816, %sign3A_819 : i32
        %sign3A_821 = arith.constant 0 : i32
        %sign3A_822 = arith.cmpi sgt, %jit3A_812, %sign3A_821 : i32
        %sign3A_823 = arith.extui %sign3A_822 : i1 to i32
        %sign3A_824 = arith.constant 0 : i32
        %sign3A_825 = arith.cmpi slt, %jit3A_812, %sign3A_824 : i32
        %sign3A_826 = arith.extui %sign3A_825 : i1 to i32
        %sign3A_827 = arith.subi %sign3A_823, %sign3A_826 : i32
        %ne3A_828 = arith.cmpi ne, %sign3A_820, %sign3A_827 : i32
        %rem3A_829 = arith.remsi %sub3A_811, %jit3A_812 : i32
        %ne3A_830 = arith.constant 0 : i32
        %ne3A_831 = arith.cmpi ne, %rem3A_829, %ne3A_830 : i32
        %and3A_832 = arith.andi %ne3A_828, %ne3A_831 : i1
        %sub3A_833 = arith.constant 1 : i32
        %sub3A_834 = arith.subi %div3A_813, %sub3A_833 : i32
        %select_n3A_835 = arith.select %and3A_832, %sub3A_834, %div3A_813 : i32
        %jit3A_836 = arith.constant 2 : i32
        %eq3A_837 = arith.constant 0 : i32
        %eq3A_838 = arith.cmpi eq, %jit3A_836, %eq3A_837 : i32
        %jit3A_839 = arith.constant 1 : i32
        %select_n3A_840 = arith.select %eq3A_838, %jit3A_839, %jit3A_836 : i32
        %rem3A_841 = arith.remsi %select_n3A_835, %select_n3A_840 : i32
        %ne3A_842 = arith.constant 0 : i32
        %ne3A_843 = arith.cmpi ne, %rem3A_841, %ne3A_842 : i32
        %lt3A_844 = arith.constant 0 : i32
        %lt3A_845 = arith.cmpi slt, %rem3A_841, %lt3A_844 : i32
        %lt3A_846 = arith.constant 0 : i32
        %lt3A_847 = arith.cmpi slt, %select_n3A_840, %lt3A_846 : i32
        %ne3A_848 = arith.xori %lt3A_845, %lt3A_847 : i1
        %and3A_849 = arith.andi %ne3A_848, %ne3A_843 : i1
        %add3A_850 = arith.addi %rem3A_841, %select_n3A_840 : i32
        %select_n3A_851 = arith.select %and3A_849, %add3A_850, %rem3A_841 : i32
        %jit3A_852 = arith.constant 40 : i32
        %eq3A_853 = arith.constant 0 : i32
        %eq3A_854 = arith.cmpi eq, %jit3A_852, %eq3A_853 : i32
        %jit3A_855 = arith.constant 1 : i32
        %select_n3A_856 = arith.select %eq3A_854, %jit3A_855, %jit3A_852 : i32
        %rem3A_857 = arith.remsi %sub3A_811, %select_n3A_856 : i32
        %ne3A_858 = arith.constant 0 : i32
        %ne3A_859 = arith.cmpi ne, %rem3A_857, %ne3A_858 : i32
        %lt3A_860 = arith.constant 0 : i32
        %lt3A_861 = arith.cmpi slt, %rem3A_857, %lt3A_860 : i32
        %lt3A_862 = arith.constant 0 : i32
        %lt3A_863 = arith.cmpi slt, %select_n3A_856, %lt3A_862 : i32
        %ne3A_864 = arith.xori %lt3A_861, %lt3A_863 : i1
        %and3A_865 = arith.andi %ne3A_864, %ne3A_859 : i1
        %add3A_866 = arith.addi %rem3A_857, %select_n3A_856 : i32
        %select_n3A_867 = arith.select %and3A_865, %add3A_866, %rem3A_857 : i32
        %dma_wait3A_868 = arith.constant 0 : i32
        %dma_wait3A_869 = tpu.memref_slice %arg7[%select_n3A_851, %select_n3A_867, %dma_wait3A_868] : memref<2x40x128xi32, #tpu.memory_space<vmem>> -> memref<1x1x128xi32, #tpu.memory_space<vmem>>
        %dma_wait3A_870 = tpu.memref_squeeze %dma_wait3A_869 : memref<1x1x128xi32, #tpu.memory_space<vmem>> -> memref<128xi32, #tpu.memory_space<vmem>>
        %dma_wait3A_871 = arith.constant 0 : i32
        %dma_wait3A_872 = arith.constant 0 : i32
        %dma_wait3A_873 = tpu.memref_slice %arg21[%dma_wait3A_871, %dma_wait3A_872] : memref<10240x96xf32, #tpu.memory_space<vmem_shared>> -> memref<10240x96xf32, #tpu.memory_space<vmem_shared>>
        tpu.wait_indirect_dma semaphore(%arg18 : memref<!tpu.dma_semaphore, #tpu.memory_space<semaphore_mem>>) src(%arg10 : memref<128x96xf32, #tpu.memory_space<vmem>>) dst(%dma_wait3A_873 : memref<10240x96xf32, #tpu.memory_space<vmem_shared>>)
      } else {
      }
      %eq3A_781 = arith.constant 0 : i32
      %eq3A_782 = arith.cmpi eq, %sub3A_647, %eq3A_781 : i32
      %add3A_783 = arith.constant 40 : i32
      %add3A_784 = arith.addi %add3A_620, %add3A_783 : i32
      %lt3A_785 = arith.constant 160 : i32
      %lt3A_786 = arith.cmpi slt, %add3A_784, %lt3A_785 : i32
      %and3A_787 = arith.andi %eq3A_782, %lt3A_786 : i1
      %convert_element_type3A_788 = arith.extui %and3A_787 : i1 to i32
      %cond3A_789 = arith.constant 0 : i32
      %cond3A_790 = arith.cmpi ne, %convert_element_type3A_788, %cond3A_789 : i32
      scf.if %cond3A_790 {
        %add3A_810 = arith.constant 1 : i32
        %add3A_811 = arith.addi %select_n3A_644, %add3A_810 : i32
        %jit3A_812 = arith.constant 2 : i32
        %eq3A_813 = arith.constant 0 : i32
        %eq3A_814 = arith.cmpi eq, %jit3A_812, %eq3A_813 : i32
        %jit3A_815 = arith.constant 1 : i32
        %select_n3A_816 = arith.select %eq3A_814, %jit3A_815, %jit3A_812 : i32
        %rem3A_817 = arith.remsi %add3A_811, %select_n3A_816 : i32
        %ne3A_818 = arith.constant 0 : i32
        %ne3A_819 = arith.cmpi ne, %rem3A_817, %ne3A_818 : i32
        %lt3A_820 = arith.constant 0 : i32
        %lt3A_821 = arith.cmpi slt, %rem3A_817, %lt3A_820 : i32
        %lt3A_822 = arith.constant 0 : i32
        %lt3A_823 = arith.cmpi slt, %select_n3A_816, %lt3A_822 : i32
        %ne3A_824 = arith.xori %lt3A_821, %lt3A_823 : i1
        %and3A_825 = arith.andi %ne3A_824, %ne3A_819 : i1
        %add3A_826 = arith.addi %rem3A_817, %select_n3A_816 : i32
        %select_n3A_827 = arith.select %and3A_825, %add3A_826, %rem3A_817 : i32
        %add3A_828 = arith.constant 1 : i32
        %add3A_829 = arith.addi %select_n3A_644, %add3A_828 : i32
        %mul3A_830 = arith.constant 40 : i32
        %mul3A_831 = arith.muli %add3A_829, %mul3A_830 : i32
        %dma_start3A_832 = arith.constant 0 : i32
        %dma_start3A_833 = arith.constant 0 : i32
        %dma_start3A_834 = tpu.memref_slice %arg6[%select_n3A_827, %dma_start3A_832, %dma_start3A_833] : memref<2x40x128xi32, #tpu.memory_space<vmem>> -> memref<1x40x128xi32, #tpu.memory_space<vmem>>
        %dma_start3A_835 = tpu.memref_squeeze %dma_start3A_834 : memref<1x40x128xi32, #tpu.memory_space<vmem>> -> memref<40x128xi32, #tpu.memory_space<vmem>>
        %dma_start3A_836 = arith.constant 0 : i32
        %dma_start3A_837 = tpu.memref_slice %arg3[%arg1, %mul3A_831, %dma_start3A_836] : memref<16x160x128xi32, #tpu.memory_space<hbm>> -> memref<1x40x128xi32, #tpu.memory_space<hbm>>
        %dma_start3A_838 = tpu.memref_squeeze %dma_start3A_837 : memref<1x40x128xi32, #tpu.memory_space<hbm>> -> memref<40x128xi32, #tpu.memory_space<hbm>>
        %dma_start3A_839 = arith.constant 0 : i32
        %dma_start3A_840 = arith.constant 0 : i32
        %dma_start3A_841 = tpu.memref_slice %arg6[%select_n3A_827, %dma_start3A_839, %dma_start3A_840] : memref<2x40x128xi32, #tpu.memory_space<vmem>> -> memref<1x40x128xi32, #tpu.memory_space<vmem>>
        %dma_start3A_842 = tpu.memref_squeeze %dma_start3A_841 : memref<1x40x128xi32, #tpu.memory_space<vmem>> -> memref<40x128xi32, #tpu.memory_space<vmem>>
        %dma_start3A_843 = arith.constant 0 : i32
        %dma_start3A_844 = tpu.memref_slice %arg3[%arg1, %mul3A_831, %dma_start3A_843] : memref<16x160x128xi32, #tpu.memory_space<hbm>> -> memref<1x40x128xi32, #tpu.memory_space<hbm>>
        %dma_start3A_845 = tpu.memref_squeeze %dma_start3A_844 : memref<1x40x128xi32, #tpu.memory_space<hbm>> -> memref<40x128xi32, #tpu.memory_space<hbm>>
        tpu.enqueue_dma source(%dma_start3A_845 : memref<40x128xi32, #tpu.memory_space<hbm>>) target(%dma_start3A_842 : memref<40x128xi32, #tpu.memory_space<vmem>>) target_semaphore(%arg20 : memref<!tpu.dma_semaphore, #tpu.memory_space<semaphore_mem>>)
        %add3A_846 = arith.constant 1 : i32
        %add3A_847 = arith.addi %select_n3A_644, %add3A_846 : i32
        %mul3A_848 = arith.constant 40 : i32
        %mul3A_849 = arith.muli %add3A_847, %mul3A_848 : i32
        %dma_start3A_850 = arith.constant 0 : i32
        %dma_start3A_851 = arith.constant 0 : i32
        %dma_start3A_852 = tpu.memref_slice %arg7[%select_n3A_827, %dma_start3A_850, %dma_start3A_851] : memref<2x40x128xi32, #tpu.memory_space<vmem>> -> memref<1x40x128xi32, #tpu.memory_space<vmem>>
        %dma_start3A_853 = tpu.memref_squeeze %dma_start3A_852 : memref<1x40x128xi32, #tpu.memory_space<vmem>> -> memref<40x128xi32, #tpu.memory_space<vmem>>
        %dma_start3A_854 = arith.constant 0 : i32
        %dma_start3A_855 = tpu.memref_slice %arg4[%arg1, %mul3A_849, %dma_start3A_854] : memref<16x160x128xi32, #tpu.memory_space<hbm>> -> memref<1x40x128xi32, #tpu.memory_space<hbm>>
        %dma_start3A_856 = tpu.memref_squeeze %dma_start3A_855 : memref<1x40x128xi32, #tpu.memory_space<hbm>> -> memref<40x128xi32, #tpu.memory_space<hbm>>
        %dma_start3A_857 = arith.constant 0 : i32
        %dma_start3A_858 = arith.constant 0 : i32
        %dma_start3A_859 = tpu.memref_slice %arg7[%select_n3A_827, %dma_start3A_857, %dma_start3A_858] : memref<2x40x128xi32, #tpu.memory_space<vmem>> -> memref<1x40x128xi32, #tpu.memory_space<vmem>>
        %dma_start3A_860 = tpu.memref_squeeze %dma_start3A_859 : memref<1x40x128xi32, #tpu.memory_space<vmem>> -> memref<40x128xi32, #tpu.memory_space<vmem>>
        %dma_start3A_861 = arith.constant 0 : i32
        %dma_start3A_862 = tpu.memref_slice %arg4[%arg1, %mul3A_849, %dma_start3A_861] : memref<16x160x128xi32, #tpu.memory_space<hbm>> -> memref<1x40x128xi32, #tpu.memory_space<hbm>>
        %dma_start3A_863 = tpu.memref_squeeze %dma_start3A_862 : memref<1x40x128xi32, #tpu.memory_space<hbm>> -> memref<40x128xi32, #tpu.memory_space<hbm>>
        tpu.enqueue_dma source(%dma_start3A_863 : memref<40x128xi32, #tpu.memory_space<hbm>>) target(%dma_start3A_860 : memref<40x128xi32, #tpu.memory_space<vmem>>) target_semaphore(%arg20 : memref<!tpu.dma_semaphore, #tpu.memory_space<semaphore_mem>>)
      } else {
      }
      %eq3A_791 = arith.constant 36 : i32
      %eq3A_792 = arith.cmpi eq, %sub3A_647, %eq3A_791 : i32
      %add3A_793 = arith.constant 4 : i32
      %add3A_794 = arith.addi %add3A_620, %add3A_793 : i32
      %lt3A_795 = arith.constant 160 : i32
      %lt3A_796 = arith.cmpi slt, %add3A_794, %lt3A_795 : i32
      %and3A_797 = arith.andi %eq3A_792, %lt3A_796 : i1
      %convert_element_type3A_798 = arith.extui %and3A_797 : i1 to i32
      %cond3A_799 = arith.constant 0 : i32
      %cond3A_800 = arith.cmpi ne, %convert_element_type3A_798, %cond3A_799 : i32
      scf.if %cond3A_800 {
        %add3A_810 = arith.constant 1 : i32
        %add3A_811 = arith.addi %select_n3A_644, %add3A_810 : i32
        %jit3A_812 = arith.constant 2 : i32
        %eq3A_813 = arith.constant 0 : i32
        %eq3A_814 = arith.cmpi eq, %jit3A_812, %eq3A_813 : i32
        %jit3A_815 = arith.constant 1 : i32
        %select_n3A_816 = arith.select %eq3A_814, %jit3A_815, %jit3A_812 : i32
        %rem3A_817 = arith.remsi %add3A_811, %select_n3A_816 : i32
        %ne3A_818 = arith.constant 0 : i32
        %ne3A_819 = arith.cmpi ne, %rem3A_817, %ne3A_818 : i32
        %lt3A_820 = arith.constant 0 : i32
        %lt3A_821 = arith.cmpi slt, %rem3A_817, %lt3A_820 : i32
        %lt3A_822 = arith.constant 0 : i32
        %lt3A_823 = arith.cmpi slt, %select_n3A_816, %lt3A_822 : i32
        %ne3A_824 = arith.xori %lt3A_821, %lt3A_823 : i1
        %and3A_825 = arith.andi %ne3A_824, %ne3A_819 : i1
        %add3A_826 = arith.addi %rem3A_817, %select_n3A_816 : i32
        %select_n3A_827 = arith.select %and3A_825, %add3A_826, %rem3A_817 : i32
        %add3A_828 = arith.constant 1 : i32
        %add3A_829 = arith.addi %select_n3A_644, %add3A_828 : i32
        %mul3A_830 = arith.constant 40 : i32
        %mul3A_831 = arith.muli %add3A_829, %mul3A_830 : i32
        %dma_wait3A_832 = arith.constant 0 : i32
        %dma_wait3A_833 = arith.constant 0 : i32
        %dma_wait3A_834 = tpu.memref_slice %arg6[%select_n3A_827, %dma_wait3A_832, %dma_wait3A_833] : memref<2x40x128xi32, #tpu.memory_space<vmem>> -> memref<1x40x128xi32, #tpu.memory_space<vmem>>
        %dma_wait3A_835 = tpu.memref_squeeze %dma_wait3A_834 : memref<1x40x128xi32, #tpu.memory_space<vmem>> -> memref<40x128xi32, #tpu.memory_space<vmem>>
        %dma_wait3A_836 = arith.constant 0 : i32
        %dma_wait3A_837 = tpu.memref_slice %arg3[%arg1, %mul3A_831, %dma_wait3A_836] : memref<16x160x128xi32, #tpu.memory_space<hbm>> -> memref<1x40x128xi32, #tpu.memory_space<hbm>>
        %dma_wait3A_838 = tpu.memref_squeeze %dma_wait3A_837 : memref<1x40x128xi32, #tpu.memory_space<hbm>> -> memref<40x128xi32, #tpu.memory_space<hbm>>
        %dma_wait3A_839 = arith.constant 0 : i32
        %dma_wait3A_840 = arith.constant 0 : i32
        %dma_wait3A_841 = tpu.memref_slice %arg6[%select_n3A_827, %dma_wait3A_839, %dma_wait3A_840] : memref<2x40x128xi32, #tpu.memory_space<vmem>> -> memref<1x40x128xi32, #tpu.memory_space<vmem>>
        %dma_wait3A_842 = tpu.memref_squeeze %dma_wait3A_841 : memref<1x40x128xi32, #tpu.memory_space<vmem>> -> memref<40x128xi32, #tpu.memory_space<vmem>>
        %dma_wait3A_843 = arith.constant 0 : i32
        %dma_wait3A_844 = tpu.memref_slice %arg3[%arg1, %mul3A_831, %dma_wait3A_843] : memref<16x160x128xi32, #tpu.memory_space<hbm>> -> memref<1x40x128xi32, #tpu.memory_space<hbm>>
        %dma_wait3A_845 = tpu.memref_squeeze %dma_wait3A_844 : memref<1x40x128xi32, #tpu.memory_space<hbm>> -> memref<40x128xi32, #tpu.memory_space<hbm>>
        tpu.wait_dma2 semaphore(%arg20 : memref<!tpu.dma_semaphore, #tpu.memory_space<semaphore_mem>>) src(%dma_wait3A_845 : memref<40x128xi32, #tpu.memory_space<hbm>>) dst(%dma_wait3A_842 : memref<40x128xi32, #tpu.memory_space<vmem>>)
        %add3A_846 = arith.constant 1 : i32
        %add3A_847 = arith.addi %select_n3A_644, %add3A_846 : i32
        %mul3A_848 = arith.constant 40 : i32
        %mul3A_849 = arith.muli %add3A_847, %mul3A_848 : i32
        %dma_wait3A_850 = arith.constant 0 : i32
        %dma_wait3A_851 = arith.constant 0 : i32
        %dma_wait3A_852 = tpu.memref_slice %arg7[%select_n3A_827, %dma_wait3A_850, %dma_wait3A_851] : memref<2x40x128xi32, #tpu.memory_space<vmem>> -> memref<1x40x128xi32, #tpu.memory_space<vmem>>
        %dma_wait3A_853 = tpu.memref_squeeze %dma_wait3A_852 : memref<1x40x128xi32, #tpu.memory_space<vmem>> -> memref<40x128xi32, #tpu.memory_space<vmem>>
        %dma_wait3A_854 = arith.constant 0 : i32
        %dma_wait3A_855 = tpu.memref_slice %arg4[%arg1, %mul3A_849, %dma_wait3A_854] : memref<16x160x128xi32, #tpu.memory_space<hbm>> -> memref<1x40x128xi32, #tpu.memory_space<hbm>>
        %dma_wait3A_856 = tpu.memref_squeeze %dma_wait3A_855 : memref<1x40x128xi32, #tpu.memory_space<hbm>> -> memref<40x128xi32, #tpu.memory_space<hbm>>
        %dma_wait3A_857 = arith.constant 0 : i32
        %dma_wait3A_858 = arith.constant 0 : i32
        %dma_wait3A_859 = tpu.memref_slice %arg7[%select_n3A_827, %dma_wait3A_857, %dma_wait3A_858] : memref<2x40x128xi32, #tpu.memory_space<vmem>> -> memref<1x40x128xi32, #tpu.memory_space<vmem>>
        %dma_wait3A_860 = tpu.memref_squeeze %dma_wait3A_859 : memref<1x40x128xi32, #tpu.memory_space<vmem>> -> memref<40x128xi32, #tpu.memory_space<vmem>>
        %dma_wait3A_861 = arith.constant 0 : i32
        %dma_wait3A_862 = tpu.memref_slice %arg4[%arg1, %mul3A_849, %dma_wait3A_861] : memref<16x160x128xi32, #tpu.memory_space<hbm>> -> memref<1x40x128xi32, #tpu.memory_space<hbm>>
        %dma_wait3A_863 = tpu.memref_squeeze %dma_wait3A_862 : memref<1x40x128xi32, #tpu.memory_space<hbm>> -> memref<40x128xi32, #tpu.memory_space<hbm>>
        tpu.wait_dma2 semaphore(%arg20 : memref<!tpu.dma_semaphore, #tpu.memory_space<semaphore_mem>>) src(%dma_wait3A_863 : memref<40x128xi32, #tpu.memory_space<hbm>>) dst(%dma_wait3A_860 : memref<40x128xi32, #tpu.memory_space<vmem>>)
      } else {
      }
      %add3A_801 = arith.constant 4 : i32
      %add3A_802 = arith.addi %add3A_620, %add3A_801 : i32
      %sub3A_803 = arith.constant 1 : i32
      %sub3A_804 = arith.subi %add3A_802, %sub3A_803 : i32
      %lt3A_805 = arith.constant 160 : i32
      %lt3A_806 = arith.cmpi slt, %sub3A_804, %lt3A_805 : i32
      %convert_element_type3A_807 = arith.extui %lt3A_806 : i1 to i32
      %cond3A_808 = arith.constant 0 : i32
      %cond3A_809 = arith.cmpi ne, %convert_element_type3A_807, %cond3A_808 : i32
      scf.if %cond3A_809 {
        %add3A_810 = arith.constant 4 : i32
        %add3A_811 = arith.addi %add3A_620, %add3A_810 : i32
        %sub3A_812 = arith.constant 1 : i32
        %sub3A_813 = arith.subi %add3A_811, %sub3A_812 : i32
        %jit3A_814 = arith.constant 40 : i32
        %div3A_815 = arith.divsi %sub3A_813, %jit3A_814 : i32
        %sign3A_816 = arith.constant 0 : i32
        %sign3A_817 = arith.cmpi sgt, %sub3A_813, %sign3A_816 : i32
        %sign3A_818 = arith.extui %sign3A_817 : i1 to i32
        %sign3A_819 = arith.constant 0 : i32
        %sign3A_820 = arith.cmpi slt, %sub3A_813, %sign3A_819 : i32
        %sign3A_821 = arith.extui %sign3A_820 : i1 to i32
        %sign3A_822 = arith.subi %sign3A_818, %sign3A_821 : i32
        %sign3A_823 = arith.constant 0 : i32
        %sign3A_824 = arith.cmpi sgt, %jit3A_814, %sign3A_823 : i32
        %sign3A_825 = arith.extui %sign3A_824 : i1 to i32
        %sign3A_826 = arith.constant 0 : i32
        %sign3A_827 = arith.cmpi slt, %jit3A_814, %sign3A_826 : i32
        %sign3A_828 = arith.extui %sign3A_827 : i1 to i32
        %sign3A_829 = arith.subi %sign3A_825, %sign3A_828 : i32
        %ne3A_830 = arith.cmpi ne, %sign3A_822, %sign3A_829 : i32
        %rem3A_831 = arith.remsi %sub3A_813, %jit3A_814 : i32
        %ne3A_832 = arith.constant 0 : i32
        %ne3A_833 = arith.cmpi ne, %rem3A_831, %ne3A_832 : i32
        %and3A_834 = arith.andi %ne3A_830, %ne3A_833 : i1
        %sub3A_835 = arith.constant 1 : i32
        %sub3A_836 = arith.subi %div3A_815, %sub3A_835 : i32
        %select_n3A_837 = arith.select %and3A_834, %sub3A_836, %div3A_815 : i32
        %jit3A_838 = arith.constant 2 : i32
        %eq3A_839 = arith.constant 0 : i32
        %eq3A_840 = arith.cmpi eq, %jit3A_838, %eq3A_839 : i32
        %jit3A_841 = arith.constant 1 : i32
        %select_n3A_842 = arith.select %eq3A_840, %jit3A_841, %jit3A_838 : i32
        %rem3A_843 = arith.remsi %select_n3A_837, %select_n3A_842 : i32
        %ne3A_844 = arith.constant 0 : i32
        %ne3A_845 = arith.cmpi ne, %rem3A_843, %ne3A_844 : i32
        %lt3A_846 = arith.constant 0 : i32
        %lt3A_847 = arith.cmpi slt, %rem3A_843, %lt3A_846 : i32
        %lt3A_848 = arith.constant 0 : i32
        %lt3A_849 = arith.cmpi slt, %select_n3A_842, %lt3A_848 : i32
        %ne3A_850 = arith.xori %lt3A_847, %lt3A_849 : i1
        %and3A_851 = arith.andi %ne3A_850, %ne3A_845 : i1
        %add3A_852 = arith.addi %rem3A_843, %select_n3A_842 : i32
        %select_n3A_853 = arith.select %and3A_851, %add3A_852, %rem3A_843 : i32
        %jit3A_854 = arith.constant 40 : i32
        %eq3A_855 = arith.constant 0 : i32
        %eq3A_856 = arith.cmpi eq, %jit3A_854, %eq3A_855 : i32
        %jit3A_857 = arith.constant 1 : i32
        %select_n3A_858 = arith.select %eq3A_856, %jit3A_857, %jit3A_854 : i32
        %rem3A_859 = arith.remsi %sub3A_813, %select_n3A_858 : i32
        %ne3A_860 = arith.constant 0 : i32
        %ne3A_861 = arith.cmpi ne, %rem3A_859, %ne3A_860 : i32
        %lt3A_862 = arith.constant 0 : i32
        %lt3A_863 = arith.cmpi slt, %rem3A_859, %lt3A_862 : i32
        %lt3A_864 = arith.constant 0 : i32
        %lt3A_865 = arith.cmpi slt, %select_n3A_858, %lt3A_864 : i32
        %ne3A_866 = arith.xori %lt3A_863, %lt3A_865 : i1
        %and3A_867 = arith.andi %ne3A_866, %ne3A_861 : i1
        %add3A_868 = arith.addi %rem3A_859, %select_n3A_858 : i32
        %select_n3A_869 = arith.select %and3A_867, %add3A_868, %rem3A_859 : i32
        %dma_start3A_870 = arith.constant 0 : i32
        %dma_start3A_871 = tpu.memref_slice %arg6[%select_n3A_853, %select_n3A_869, %dma_start3A_870] : memref<2x40x128xi32, #tpu.memory_space<vmem>> -> memref<1x1x128xi32, #tpu.memory_space<vmem>>
        %dma_start3A_872 = tpu.memref_squeeze %dma_start3A_871 : memref<1x1x128xi32, #tpu.memory_space<vmem>> -> memref<128xi32, #tpu.memory_space<vmem>>
        %dma_start3A_873 = arith.constant 0 : i32
        %dma_start3A_874 = arith.constant 0 : i32
        %dma_start3A_875 = tpu.memref_slice %arg2[%arg0, %dma_start3A_873, %dma_start3A_874] : memref<2x10240x96xf32, #tpu.memory_space<hbm>> -> memref<1x10240x96xf32, #tpu.memory_space<hbm>>
        %dma_start3A_876 = tpu.memref_squeeze %dma_start3A_875 : memref<1x10240x96xf32, #tpu.memory_space<hbm>> -> memref<10240x96xf32, #tpu.memory_space<hbm>>
        %dma_start3A_877 = arith.constant 0 : i32
        %dma_start3A_878 = arith.constant 0 : i32
        %dma_start3A_879 = tpu.memref_slice %dma_start3A_876[%dma_start3A_877, %dma_start3A_878] : memref<10240x96xf32, #tpu.memory_space<hbm>> -> memref<10240x96xf32, #tpu.memory_space<hbm>>
        tpu.enqueue_indirect_dma source(%dma_start3A_879 : memref<10240x96xf32, #tpu.memory_space<hbm>>) target(%arg10 : memref<128x96xf32, #tpu.memory_space<vmem>>) offsets(%dma_start3A_872 : memref<128xi32, #tpu.memory_space<vmem>>) semaphore(%arg14 : memref<!tpu.dma_semaphore, #tpu.memory_space<semaphore_mem>>)
      } else {
      }
    }
    %scan3A_42 = arith.constant 40 : i32
    %dma_wait3A = arith.constant 1 : i32
    %dma_wait3A_43 = arith.constant 39 : i32
    %dma_wait3A_44 = arith.constant 0 : i32
    %dma_wait3A_45 = tpu.memref_slice %arg7[%dma_wait3A, %dma_wait3A_43, %dma_wait3A_44] : memref<2x40x128xi32, #tpu.memory_space<vmem>> -> memref<1x1x128xi32, #tpu.memory_space<vmem>>
    %dma_wait3A_46 = tpu.memref_squeeze %dma_wait3A_45 : memref<1x1x128xi32, #tpu.memory_space<vmem>> -> memref<128xi32, #tpu.memory_space<vmem>>
    %dma_wait3A_47 = arith.constant 0 : i32
    %dma_wait3A_48 = arith.constant 0 : i32
    %dma_wait3A_49 = tpu.memref_slice %arg21[%dma_wait3A_47, %dma_wait3A_48] : memref<10240x96xf32, #tpu.memory_space<vmem_shared>> -> memref<10240x96xf32, #tpu.memory_space<vmem_shared>>
    tpu.wait_indirect_dma semaphore(%arg19 : memref<!tpu.dma_semaphore, #tpu.memory_space<semaphore_mem>>) src(%arg11 : memref<128x96xf32, #tpu.memory_space<vmem>>) dst(%dma_wait3A_49 : memref<10240x96xf32, #tpu.memory_space<vmem_shared>>)
    %barrier3A_50 = arith.constant 0 : index
    tpu.barrier barrier_id(%barrier3A_50)
    %mul3A_51 = arith.constant 640 : i32
    %mul3A_52 = arith.muli %arg1, %mul3A_51 : i32
    %mul3A_53 = arith.constant 640 : i32
    %mul3A_54 = arith.muli %arg1, %mul3A_53 : i32
    "tpu.region"() ({
      %run_scoped3A_55 = tpu.sem_alloc : memref<!tpu.dma_semaphore, #tpu.memory_space<semaphore_mem>>
      %dma_start3A_56 = arith.constant 0 : i32
      %dma_start3A_57 = tpu.memref_slice %arg5[%arg0, %mul3A_54, %dma_start3A_56] : memref<2x10240x96xf32, #tpu.memory_space<hbm>> -> memref<1x640x96xf32, #tpu.memory_space<hbm>>
      %dma_start3A_58 = tpu.memref_squeeze %dma_start3A_57 : memref<1x640x96xf32, #tpu.memory_space<hbm>> -> memref<640x96xf32, #tpu.memory_space<hbm>>
      %dma_start3A_59 = arith.constant 0 : i32
      %dma_start3A_60 = tpu.memref_slice %arg21[%mul3A_52, %dma_start3A_59] : memref<10240x96xf32, #tpu.memory_space<vmem_shared>> -> memref<640x96xf32, #tpu.memory_space<vmem_shared>>
      tpu.enqueue_dma source(%dma_start3A_60 : memref<640x96xf32, #tpu.memory_space<vmem_shared>>) target(%dma_start3A_58 : memref<640x96xf32, #tpu.memory_space<hbm>>) target_semaphore(%run_scoped3A_55 : memref<!tpu.dma_semaphore, #tpu.memory_space<semaphore_mem>>)
      %dma_wait3A_61 = arith.constant 0 : i32
      %dma_wait3A_62 = tpu.memref_slice %arg5[%arg0, %mul3A_54, %dma_wait3A_61] : memref<2x10240x96xf32, #tpu.memory_space<hbm>> -> memref<1x640x96xf32, #tpu.memory_space<hbm>>
      %dma_wait3A_63 = tpu.memref_squeeze %dma_wait3A_62 : memref<1x640x96xf32, #tpu.memory_space<hbm>> -> memref<640x96xf32, #tpu.memory_space<hbm>>
      %dma_wait3A_64 = arith.constant 0 : i32
      %dma_wait3A_65 = tpu.memref_slice %arg21[%mul3A_52, %dma_wait3A_64] : memref<10240x96xf32, #tpu.memory_space<vmem_shared>> -> memref<640x96xf32, #tpu.memory_space<vmem_shared>>
      tpu.wait_dma2 semaphore(%run_scoped3A_55 : memref<!tpu.dma_semaphore, #tpu.memory_space<semaphore_mem>>) src(%dma_wait3A_65 : memref<640x96xf32, #tpu.memory_space<vmem_shared>>) dst(%dma_wait3A_63 : memref<640x96xf32, #tpu.memory_space<hbm>>)
      tpu.yield
    }) : () -> ()
    return
  }
}

#map = affine_map<(d0, d1) -> (0, 0)>
#map1 = affine_map<(d0, d1) -> (0, 0, 0)>
module attributes {stable_mosaic.version = 14 : i64} {
  func.func @_agg_kernel(%arg0: i32, %arg1: i32, %arg2: memref<10240x64xf32, #tpu.memory_space<hbm>>, %arg3: memref<32x80x128xi32, #tpu.memory_space<hbm>>, %arg4: memref<32x80x128xi32, #tpu.memory_space<hbm>>, %arg5: memref<2x10240x64xf32, #tpu.memory_space<hbm>>, %arg6: memref<80x128xi32, #tpu.memory_space<vmem>>, %arg7: memref<80x128xi32, #tpu.memory_space<vmem>>, %arg8: memref<128x64xf32, #tpu.memory_space<vmem>>, %arg9: memref<128x64xf32, #tpu.memory_space<vmem>>, %arg10: memref<128x64xf32, #tpu.memory_space<vmem>>, %arg11: memref<128x64xf32, #tpu.memory_space<vmem>>, %arg12: memref<!tpu.dma_semaphore, #tpu.memory_space<semaphore_mem>>, %arg13: memref<!tpu.dma_semaphore, #tpu.memory_space<semaphore_mem>>, %arg14: memref<!tpu.dma_semaphore, #tpu.memory_space<semaphore_mem>>, %arg15: memref<!tpu.dma_semaphore, #tpu.memory_space<semaphore_mem>>, %arg16: memref<!tpu.dma_semaphore, #tpu.memory_space<semaphore_mem>>, %arg17: memref<!tpu.dma_semaphore, #tpu.memory_space<semaphore_mem>>, %arg18: memref<!tpu.dma_semaphore, #tpu.memory_space<semaphore_mem>>, %arg19: memref<!tpu.dma_semaphore, #tpu.memory_space<semaphore_mem>>, %arg20: memref<10240x64xf32, #tpu.memory_space<vmem_shared>>) attributes {dimension_semantics = [#tpu.dimension_semantics<core_parallel>, #tpu.dimension_semantics<subcore_parallel>], iteration_bounds = array<i64: 2, 16>, scalar_prefetch = 0 : i64, scratch_operands = 15 : i64, tpu.core_type = #tpu.core_type<sc_vector_subcore>, window_params = [{transform_indices = #map}, {transform_indices = #map1}, {transform_indices = #map1}, {transform_indices = #map1}]} {
    %mul3A = arith.constant 2 : i32
    %mul3A_0 = arith.muli %arg1, %mul3A : i32
    %add3A = arith.addi %mul3A_0, %arg0 : i32
    %mul3A_1 = arith.constant 640 : i32
    %mul3A_2 = arith.muli %arg1, %mul3A_1 : i32
    %mul3A_3 = arith.constant 640 : i32
    %mul3A_4 = arith.muli %arg1, %mul3A_3 : i32
    "tpu.region"() ({
      %run_scoped3A = tpu.sem_alloc : memref<!tpu.dma_semaphore, #tpu.memory_space<semaphore_mem>>
      %dma_start3A_40 = arith.constant 0 : i32
      %dma_start3A_41 = tpu.memref_slice %arg20[%mul3A_4, %dma_start3A_40] : memref<10240x64xf32, #tpu.memory_space<vmem_shared>> -> memref<640x64xf32, #tpu.memory_space<vmem_shared>>
      %dma_start3A_42 = arith.constant 0 : i32
      %dma_start3A_43 = tpu.memref_slice %arg2[%mul3A_2, %dma_start3A_42] : memref<10240x64xf32, #tpu.memory_space<hbm>> -> memref<640x64xf32, #tpu.memory_space<hbm>>
      tpu.enqueue_dma source(%dma_start3A_43 : memref<640x64xf32, #tpu.memory_space<hbm>>) target(%dma_start3A_41 : memref<640x64xf32, #tpu.memory_space<vmem_shared>>) target_semaphore(%run_scoped3A : memref<!tpu.dma_semaphore, #tpu.memory_space<semaphore_mem>>)
      %dma_wait3A_44 = arith.constant 0 : i32
      %dma_wait3A_45 = tpu.memref_slice %arg20[%mul3A_4, %dma_wait3A_44] : memref<10240x64xf32, #tpu.memory_space<vmem_shared>> -> memref<640x64xf32, #tpu.memory_space<vmem_shared>>
      %dma_wait3A_46 = arith.constant 0 : i32
      %dma_wait3A_47 = tpu.memref_slice %arg2[%mul3A_2, %dma_wait3A_46] : memref<10240x64xf32, #tpu.memory_space<hbm>> -> memref<640x64xf32, #tpu.memory_space<hbm>>
      tpu.wait_dma2 semaphore(%run_scoped3A : memref<!tpu.dma_semaphore, #tpu.memory_space<semaphore_mem>>) src(%dma_wait3A_47 : memref<640x64xf32, #tpu.memory_space<hbm>>) dst(%dma_wait3A_45 : memref<640x64xf32, #tpu.memory_space<vmem_shared>>)
      tpu.yield
    }) : () -> ()
    "tpu.region"() ({
      %run_scoped3A = tpu.sem_alloc : memref<!tpu.dma_semaphore, #tpu.memory_space<semaphore_mem>>
      %dma_start3A_40 = arith.constant 0 : i32
      %dma_start3A_41 = arith.constant 0 : i32
      %dma_start3A_42 = tpu.memref_slice %arg3[%add3A, %dma_start3A_40, %dma_start3A_41] : memref<32x80x128xi32, #tpu.memory_space<hbm>> -> memref<1x80x128xi32, #tpu.memory_space<hbm>>
      %dma_start3A_43 = tpu.memref_squeeze %dma_start3A_42 : memref<1x80x128xi32, #tpu.memory_space<hbm>> -> memref<80x128xi32, #tpu.memory_space<hbm>>
      %dma_start3A_44 = arith.constant 0 : i32
      %dma_start3A_45 = arith.constant 0 : i32
      %dma_start3A_46 = tpu.memref_slice %arg3[%add3A, %dma_start3A_44, %dma_start3A_45] : memref<32x80x128xi32, #tpu.memory_space<hbm>> -> memref<1x80x128xi32, #tpu.memory_space<hbm>>
      %dma_start3A_47 = tpu.memref_squeeze %dma_start3A_46 : memref<1x80x128xi32, #tpu.memory_space<hbm>> -> memref<80x128xi32, #tpu.memory_space<hbm>>
      tpu.enqueue_dma source(%dma_start3A_47 : memref<80x128xi32, #tpu.memory_space<hbm>>) target(%arg6 : memref<80x128xi32, #tpu.memory_space<vmem>>) target_semaphore(%run_scoped3A : memref<!tpu.dma_semaphore, #tpu.memory_space<semaphore_mem>>)
      %dma_wait3A_48 = arith.constant 0 : i32
      %dma_wait3A_49 = arith.constant 0 : i32
      %dma_wait3A_50 = tpu.memref_slice %arg3[%add3A, %dma_wait3A_48, %dma_wait3A_49] : memref<32x80x128xi32, #tpu.memory_space<hbm>> -> memref<1x80x128xi32, #tpu.memory_space<hbm>>
      %dma_wait3A_51 = tpu.memref_squeeze %dma_wait3A_50 : memref<1x80x128xi32, #tpu.memory_space<hbm>> -> memref<80x128xi32, #tpu.memory_space<hbm>>
      %dma_wait3A_52 = arith.constant 0 : i32
      %dma_wait3A_53 = arith.constant 0 : i32
      %dma_wait3A_54 = tpu.memref_slice %arg3[%add3A, %dma_wait3A_52, %dma_wait3A_53] : memref<32x80x128xi32, #tpu.memory_space<hbm>> -> memref<1x80x128xi32, #tpu.memory_space<hbm>>
      %dma_wait3A_55 = tpu.memref_squeeze %dma_wait3A_54 : memref<1x80x128xi32, #tpu.memory_space<hbm>> -> memref<80x128xi32, #tpu.memory_space<hbm>>
      tpu.wait_dma2 semaphore(%run_scoped3A : memref<!tpu.dma_semaphore, #tpu.memory_space<semaphore_mem>>) src(%dma_wait3A_55 : memref<80x128xi32, #tpu.memory_space<hbm>>) dst(%arg6 : memref<80x128xi32, #tpu.memory_space<vmem>>)
      tpu.yield
    }) : () -> ()
    "tpu.region"() ({
      %run_scoped3A = tpu.sem_alloc : memref<!tpu.dma_semaphore, #tpu.memory_space<semaphore_mem>>
      %dma_start3A_40 = arith.constant 0 : i32
      %dma_start3A_41 = arith.constant 0 : i32
      %dma_start3A_42 = tpu.memref_slice %arg4[%add3A, %dma_start3A_40, %dma_start3A_41] : memref<32x80x128xi32, #tpu.memory_space<hbm>> -> memref<1x80x128xi32, #tpu.memory_space<hbm>>
      %dma_start3A_43 = tpu.memref_squeeze %dma_start3A_42 : memref<1x80x128xi32, #tpu.memory_space<hbm>> -> memref<80x128xi32, #tpu.memory_space<hbm>>
      %dma_start3A_44 = arith.constant 0 : i32
      %dma_start3A_45 = arith.constant 0 : i32
      %dma_start3A_46 = tpu.memref_slice %arg4[%add3A, %dma_start3A_44, %dma_start3A_45] : memref<32x80x128xi32, #tpu.memory_space<hbm>> -> memref<1x80x128xi32, #tpu.memory_space<hbm>>
      %dma_start3A_47 = tpu.memref_squeeze %dma_start3A_46 : memref<1x80x128xi32, #tpu.memory_space<hbm>> -> memref<80x128xi32, #tpu.memory_space<hbm>>
      tpu.enqueue_dma source(%dma_start3A_47 : memref<80x128xi32, #tpu.memory_space<hbm>>) target(%arg7 : memref<80x128xi32, #tpu.memory_space<vmem>>) target_semaphore(%run_scoped3A : memref<!tpu.dma_semaphore, #tpu.memory_space<semaphore_mem>>)
      %dma_wait3A_48 = arith.constant 0 : i32
      %dma_wait3A_49 = arith.constant 0 : i32
      %dma_wait3A_50 = tpu.memref_slice %arg4[%add3A, %dma_wait3A_48, %dma_wait3A_49] : memref<32x80x128xi32, #tpu.memory_space<hbm>> -> memref<1x80x128xi32, #tpu.memory_space<hbm>>
      %dma_wait3A_51 = tpu.memref_squeeze %dma_wait3A_50 : memref<1x80x128xi32, #tpu.memory_space<hbm>> -> memref<80x128xi32, #tpu.memory_space<hbm>>
      %dma_wait3A_52 = arith.constant 0 : i32
      %dma_wait3A_53 = arith.constant 0 : i32
      %dma_wait3A_54 = tpu.memref_slice %arg4[%add3A, %dma_wait3A_52, %dma_wait3A_53] : memref<32x80x128xi32, #tpu.memory_space<hbm>> -> memref<1x80x128xi32, #tpu.memory_space<hbm>>
      %dma_wait3A_55 = tpu.memref_squeeze %dma_wait3A_54 : memref<1x80x128xi32, #tpu.memory_space<hbm>> -> memref<80x128xi32, #tpu.memory_space<hbm>>
      tpu.wait_dma2 semaphore(%run_scoped3A : memref<!tpu.dma_semaphore, #tpu.memory_space<semaphore_mem>>) src(%dma_wait3A_55 : memref<80x128xi32, #tpu.memory_space<hbm>>) dst(%arg7 : memref<80x128xi32, #tpu.memory_space<vmem>>)
      tpu.yield
    }) : () -> ()
    %barrier3A = arith.constant 0 : index
    tpu.barrier barrier_id(%barrier3A)
    %dma_start3A = arith.constant 0 : i32
    %dma_start3A_5 = arith.constant 0 : i32
    %dma_start3A_6 = tpu.memref_slice %arg6[%dma_start3A, %dma_start3A_5] : memref<80x128xi32, #tpu.memory_space<vmem>> -> memref<1x128xi32, #tpu.memory_space<vmem>>
    %dma_start3A_7 = tpu.memref_squeeze %dma_start3A_6 : memref<1x128xi32, #tpu.memory_space<vmem>> -> memref<128xi32, #tpu.memory_space<vmem>>
    %dma_start3A_8 = arith.constant 0 : i32
    %dma_start3A_9 = arith.constant 0 : i32
    %dma_start3A_10 = tpu.memref_slice %arg2[%dma_start3A_8, %dma_start3A_9] : memref<10240x64xf32, #tpu.memory_space<hbm>> -> memref<10240x64xf32, #tpu.memory_space<hbm>>
    tpu.enqueue_indirect_dma source(%dma_start3A_10 : memref<10240x64xf32, #tpu.memory_space<hbm>>) target(%arg8 : memref<128x64xf32, #tpu.memory_space<vmem>>) offsets(%dma_start3A_7 : memref<128xi32, #tpu.memory_space<vmem>>) semaphore(%arg12 : memref<!tpu.dma_semaphore, #tpu.memory_space<semaphore_mem>>)
    %dma_start3A_11 = arith.constant 1 : i32
    %dma_start3A_12 = arith.constant 0 : i32
    %dma_start3A_13 = tpu.memref_slice %arg6[%dma_start3A_11, %dma_start3A_12] : memref<80x128xi32, #tpu.memory_space<vmem>> -> memref<1x128xi32, #tpu.memory_space<vmem>>
    %dma_start3A_14 = tpu.memref_squeeze %dma_start3A_13 : memref<1x128xi32, #tpu.memory_space<vmem>> -> memref<128xi32, #tpu.memory_space<vmem>>
    %dma_start3A_15 = arith.constant 0 : i32
    %dma_start3A_16 = arith.constant 0 : i32
    %dma_start3A_17 = tpu.memref_slice %arg2[%dma_start3A_15, %dma_start3A_16] : memref<10240x64xf32, #tpu.memory_space<hbm>> -> memref<10240x64xf32, #tpu.memory_space<hbm>>
    tpu.enqueue_indirect_dma source(%dma_start3A_17 : memref<10240x64xf32, #tpu.memory_space<hbm>>) target(%arg9 : memref<128x64xf32, #tpu.memory_space<vmem>>) offsets(%dma_start3A_14 : memref<128xi32, #tpu.memory_space<vmem>>) semaphore(%arg13 : memref<!tpu.dma_semaphore, #tpu.memory_space<semaphore_mem>>)
    %dma_start3A_18 = arith.constant 2 : i32
    %dma_start3A_19 = arith.constant 0 : i32
    %dma_start3A_20 = tpu.memref_slice %arg6[%dma_start3A_18, %dma_start3A_19] : memref<80x128xi32, #tpu.memory_space<vmem>> -> memref<1x128xi32, #tpu.memory_space<vmem>>
    %dma_start3A_21 = tpu.memref_squeeze %dma_start3A_20 : memref<1x128xi32, #tpu.memory_space<vmem>> -> memref<128xi32, #tpu.memory_space<vmem>>
    %dma_start3A_22 = arith.constant 0 : i32
    %dma_start3A_23 = arith.constant 0 : i32
    %dma_start3A_24 = tpu.memref_slice %arg2[%dma_start3A_22, %dma_start3A_23] : memref<10240x64xf32, #tpu.memory_space<hbm>> -> memref<10240x64xf32, #tpu.memory_space<hbm>>
    tpu.enqueue_indirect_dma source(%dma_start3A_24 : memref<10240x64xf32, #tpu.memory_space<hbm>>) target(%arg10 : memref<128x64xf32, #tpu.memory_space<vmem>>) offsets(%dma_start3A_21 : memref<128xi32, #tpu.memory_space<vmem>>) semaphore(%arg14 : memref<!tpu.dma_semaphore, #tpu.memory_space<semaphore_mem>>)
    %scan3A = arith.constant 0 : i32
    %scan3A_25 = arith.constant 20 : i32
    %scan3A_26 = arith.addi %scan3A, %scan3A_25 : i32
    %scan3A_27 = arith.constant 1 : i32
    scf.for %scan3A_40 = %scan3A to %scan3A_26 step %scan3A_27  : i32 {
      %mul3A_41 = arith.constant 4 : i32
      %mul3A_42 = arith.muli %scan3A_40, %mul3A_41 : i32
      %add3A_43 = arith.constant 0 : i32
      %add3A_44 = arith.addi %add3A_43, %mul3A_42 : i32
      %add3A_45 = arith.constant 0 : i32
      %add3A_46 = arith.addi %add3A_44, %add3A_45 : i32
      %dma_wait3A_47 = arith.constant 0 : i32
      %dma_wait3A_48 = tpu.memref_slice %arg6[%add3A_46, %dma_wait3A_47] : memref<80x128xi32, #tpu.memory_space<vmem>> -> memref<1x128xi32, #tpu.memory_space<vmem>>
      %dma_wait3A_49 = tpu.memref_squeeze %dma_wait3A_48 : memref<1x128xi32, #tpu.memory_space<vmem>> -> memref<128xi32, #tpu.memory_space<vmem>>
      %dma_wait3A_50 = arith.constant 0 : i32
      %dma_wait3A_51 = arith.constant 0 : i32
      %dma_wait3A_52 = tpu.memref_slice %arg2[%dma_wait3A_50, %dma_wait3A_51] : memref<10240x64xf32, #tpu.memory_space<hbm>> -> memref<10240x64xf32, #tpu.memory_space<hbm>>
      tpu.wait_indirect_dma semaphore(%arg12 : memref<!tpu.dma_semaphore, #tpu.memory_space<semaphore_mem>>) src(%dma_wait3A_52 : memref<10240x64xf32, #tpu.memory_space<hbm>>) dst(%arg8 : memref<128x64xf32, #tpu.memory_space<vmem>>)
      %dma_start3A_53 = arith.constant 0 : i32
      %dma_start3A_54 = tpu.memref_slice %arg7[%add3A_46, %dma_start3A_53] : memref<80x128xi32, #tpu.memory_space<vmem>> -> memref<1x128xi32, #tpu.memory_space<vmem>>
      %dma_start3A_55 = tpu.memref_squeeze %dma_start3A_54 : memref<1x128xi32, #tpu.memory_space<vmem>> -> memref<128xi32, #tpu.memory_space<vmem>>
      %dma_start3A_56 = arith.constant 0 : i32
      %dma_start3A_57 = arith.constant 0 : i32
      %dma_start3A_58 = tpu.memref_slice %arg20[%dma_start3A_56, %dma_start3A_57] : memref<10240x64xf32, #tpu.memory_space<vmem_shared>> -> memref<10240x64xf32, #tpu.memory_space<vmem_shared>>
      tpu.enqueue_indirect_dma source(%arg8 : memref<128x64xf32, #tpu.memory_space<vmem>>) target(%dma_start3A_58 : memref<10240x64xf32, #tpu.memory_space<vmem_shared>>) offsets(%dma_start3A_55 : memref<128xi32, #tpu.memory_space<vmem>>) semaphore(%arg16 : memref<!tpu.dma_semaphore, #tpu.memory_space<semaphore_mem>>) {add = true}
      %ge3A = arith.constant 1 : i32
      %ge3A_59 = arith.cmpi sge, %add3A_46, %ge3A : i32
      %convert_element_type3A = arith.extui %ge3A_59 : i1 to i32
      %cond3A = arith.constant 0 : i32
      %cond3A_60 = arith.cmpi ne, %convert_element_type3A, %cond3A : i32
      scf.if %cond3A_60 {
        %sub3A_152 = arith.constant 1 : i32
        %sub3A_153 = arith.subi %add3A_46, %sub3A_152 : i32
        %dma_wait3A_154 = arith.constant 0 : i32
        %dma_wait3A_155 = tpu.memref_slice %arg7[%sub3A_153, %dma_wait3A_154] : memref<80x128xi32, #tpu.memory_space<vmem>> -> memref<1x128xi32, #tpu.memory_space<vmem>>
        %dma_wait3A_156 = tpu.memref_squeeze %dma_wait3A_155 : memref<1x128xi32, #tpu.memory_space<vmem>> -> memref<128xi32, #tpu.memory_space<vmem>>
        %dma_wait3A_157 = arith.constant 0 : i32
        %dma_wait3A_158 = arith.constant 0 : i32
        %dma_wait3A_159 = tpu.memref_slice %arg20[%dma_wait3A_157, %dma_wait3A_158] : memref<10240x64xf32, #tpu.memory_space<vmem_shared>> -> memref<10240x64xf32, #tpu.memory_space<vmem_shared>>
        tpu.wait_indirect_dma semaphore(%arg19 : memref<!tpu.dma_semaphore, #tpu.memory_space<semaphore_mem>>) src(%arg11 : memref<128x64xf32, #tpu.memory_space<vmem>>) dst(%dma_wait3A_159 : memref<10240x64xf32, #tpu.memory_space<vmem_shared>>)
      } else {
      }
      %add3A_61 = arith.constant 4 : i32
      %add3A_62 = arith.addi %add3A_46, %add3A_61 : i32
      %sub3A = arith.constant 1 : i32
      %sub3A_63 = arith.subi %add3A_62, %sub3A : i32
      %lt3A = arith.constant 80 : i32
      %lt3A_64 = arith.cmpi slt, %sub3A_63, %lt3A : i32
      %convert_element_type3A_65 = arith.extui %lt3A_64 : i1 to i32
      %cond3A_66 = arith.constant 0 : i32
      %cond3A_67 = arith.cmpi ne, %convert_element_type3A_65, %cond3A_66 : i32
      scf.if %cond3A_67 {
        %add3A_152 = arith.constant 4 : i32
        %add3A_153 = arith.addi %add3A_46, %add3A_152 : i32
        %sub3A_154 = arith.constant 1 : i32
        %sub3A_155 = arith.subi %add3A_153, %sub3A_154 : i32
        %dma_start3A_156 = arith.constant 0 : i32
        %dma_start3A_157 = tpu.memref_slice %arg6[%sub3A_155, %dma_start3A_156] : memref<80x128xi32, #tpu.memory_space<vmem>> -> memref<1x128xi32, #tpu.memory_space<vmem>>
        %dma_start3A_158 = tpu.memref_squeeze %dma_start3A_157 : memref<1x128xi32, #tpu.memory_space<vmem>> -> memref<128xi32, #tpu.memory_space<vmem>>
        %dma_start3A_159 = arith.constant 0 : i32
        %dma_start3A_160 = arith.constant 0 : i32
        %dma_start3A_161 = tpu.memref_slice %arg2[%dma_start3A_159, %dma_start3A_160] : memref<10240x64xf32, #tpu.memory_space<hbm>> -> memref<10240x64xf32, #tpu.memory_space<hbm>>
        tpu.enqueue_indirect_dma source(%dma_start3A_161 : memref<10240x64xf32, #tpu.memory_space<hbm>>) target(%arg11 : memref<128x64xf32, #tpu.memory_space<vmem>>) offsets(%dma_start3A_158 : memref<128xi32, #tpu.memory_space<vmem>>) semaphore(%arg15 : memref<!tpu.dma_semaphore, #tpu.memory_space<semaphore_mem>>)
      } else {
      }
      %add3A_68 = arith.constant 1 : i32
      %add3A_69 = arith.addi %add3A_44, %add3A_68 : i32
      %dma_wait3A_70 = arith.constant 0 : i32
      %dma_wait3A_71 = tpu.memref_slice %arg6[%add3A_69, %dma_wait3A_70] : memref<80x128xi32, #tpu.memory_space<vmem>> -> memref<1x128xi32, #tpu.memory_space<vmem>>
      %dma_wait3A_72 = tpu.memref_squeeze %dma_wait3A_71 : memref<1x128xi32, #tpu.memory_space<vmem>> -> memref<128xi32, #tpu.memory_space<vmem>>
      %dma_wait3A_73 = arith.constant 0 : i32
      %dma_wait3A_74 = arith.constant 0 : i32
      %dma_wait3A_75 = tpu.memref_slice %arg2[%dma_wait3A_73, %dma_wait3A_74] : memref<10240x64xf32, #tpu.memory_space<hbm>> -> memref<10240x64xf32, #tpu.memory_space<hbm>>
      tpu.wait_indirect_dma semaphore(%arg13 : memref<!tpu.dma_semaphore, #tpu.memory_space<semaphore_mem>>) src(%dma_wait3A_75 : memref<10240x64xf32, #tpu.memory_space<hbm>>) dst(%arg9 : memref<128x64xf32, #tpu.memory_space<vmem>>)
      %dma_start3A_76 = arith.constant 0 : i32
      %dma_start3A_77 = tpu.memref_slice %arg7[%add3A_69, %dma_start3A_76] : memref<80x128xi32, #tpu.memory_space<vmem>> -> memref<1x128xi32, #tpu.memory_space<vmem>>
      %dma_start3A_78 = tpu.memref_squeeze %dma_start3A_77 : memref<1x128xi32, #tpu.memory_space<vmem>> -> memref<128xi32, #tpu.memory_space<vmem>>
      %dma_start3A_79 = arith.constant 0 : i32
      %dma_start3A_80 = arith.constant 0 : i32
      %dma_start3A_81 = tpu.memref_slice %arg20[%dma_start3A_79, %dma_start3A_80] : memref<10240x64xf32, #tpu.memory_space<vmem_shared>> -> memref<10240x64xf32, #tpu.memory_space<vmem_shared>>
      tpu.enqueue_indirect_dma source(%arg9 : memref<128x64xf32, #tpu.memory_space<vmem>>) target(%dma_start3A_81 : memref<10240x64xf32, #tpu.memory_space<vmem_shared>>) offsets(%dma_start3A_78 : memref<128xi32, #tpu.memory_space<vmem>>) semaphore(%arg17 : memref<!tpu.dma_semaphore, #tpu.memory_space<semaphore_mem>>) {add = true}
      %ge3A_82 = arith.constant 1 : i32
      %ge3A_83 = arith.cmpi sge, %add3A_69, %ge3A_82 : i32
      %convert_element_type3A_84 = arith.extui %ge3A_83 : i1 to i32
      %cond3A_85 = arith.constant 0 : i32
      %cond3A_86 = arith.cmpi ne, %convert_element_type3A_84, %cond3A_85 : i32
      scf.if %cond3A_86 {
        %sub3A_152 = arith.constant 1 : i32
        %sub3A_153 = arith.subi %add3A_69, %sub3A_152 : i32
        %dma_wait3A_154 = arith.constant 0 : i32
        %dma_wait3A_155 = tpu.memref_slice %arg7[%sub3A_153, %dma_wait3A_154] : memref<80x128xi32, #tpu.memory_space<vmem>> -> memref<1x128xi32, #tpu.memory_space<vmem>>
        %dma_wait3A_156 = tpu.memref_squeeze %dma_wait3A_155 : memref<1x128xi32, #tpu.memory_space<vmem>> -> memref<128xi32, #tpu.memory_space<vmem>>
        %dma_wait3A_157 = arith.constant 0 : i32
        %dma_wait3A_158 = arith.constant 0 : i32
        %dma_wait3A_159 = tpu.memref_slice %arg20[%dma_wait3A_157, %dma_wait3A_158] : memref<10240x64xf32, #tpu.memory_space<vmem_shared>> -> memref<10240x64xf32, #tpu.memory_space<vmem_shared>>
        tpu.wait_indirect_dma semaphore(%arg16 : memref<!tpu.dma_semaphore, #tpu.memory_space<semaphore_mem>>) src(%arg8 : memref<128x64xf32, #tpu.memory_space<vmem>>) dst(%dma_wait3A_159 : memref<10240x64xf32, #tpu.memory_space<vmem_shared>>)
      } else {
      }
      %add3A_87 = arith.constant 4 : i32
      %add3A_88 = arith.addi %add3A_69, %add3A_87 : i32
      %sub3A_89 = arith.constant 1 : i32
      %sub3A_90 = arith.subi %add3A_88, %sub3A_89 : i32
      %lt3A_91 = arith.constant 80 : i32
      %lt3A_92 = arith.cmpi slt, %sub3A_90, %lt3A_91 : i32
      %convert_element_type3A_93 = arith.extui %lt3A_92 : i1 to i32
      %cond3A_94 = arith.constant 0 : i32
      %cond3A_95 = arith.cmpi ne, %convert_element_type3A_93, %cond3A_94 : i32
      scf.if %cond3A_95 {
        %add3A_152 = arith.constant 4 : i32
        %add3A_153 = arith.addi %add3A_69, %add3A_152 : i32
        %sub3A_154 = arith.constant 1 : i32
        %sub3A_155 = arith.subi %add3A_153, %sub3A_154 : i32
        %dma_start3A_156 = arith.constant 0 : i32
        %dma_start3A_157 = tpu.memref_slice %arg6[%sub3A_155, %dma_start3A_156] : memref<80x128xi32, #tpu.memory_space<vmem>> -> memref<1x128xi32, #tpu.memory_space<vmem>>
        %dma_start3A_158 = tpu.memref_squeeze %dma_start3A_157 : memref<1x128xi32, #tpu.memory_space<vmem>> -> memref<128xi32, #tpu.memory_space<vmem>>
        %dma_start3A_159 = arith.constant 0 : i32
        %dma_start3A_160 = arith.constant 0 : i32
        %dma_start3A_161 = tpu.memref_slice %arg2[%dma_start3A_159, %dma_start3A_160] : memref<10240x64xf32, #tpu.memory_space<hbm>> -> memref<10240x64xf32, #tpu.memory_space<hbm>>
        tpu.enqueue_indirect_dma source(%dma_start3A_161 : memref<10240x64xf32, #tpu.memory_space<hbm>>) target(%arg8 : memref<128x64xf32, #tpu.memory_space<vmem>>) offsets(%dma_start3A_158 : memref<128xi32, #tpu.memory_space<vmem>>) semaphore(%arg12 : memref<!tpu.dma_semaphore, #tpu.memory_space<semaphore_mem>>)
      } else {
      }
      %add3A_96 = arith.constant 2 : i32
      %add3A_97 = arith.addi %add3A_44, %add3A_96 : i32
      %dma_wait3A_98 = arith.constant 0 : i32
      %dma_wait3A_99 = tpu.memref_slice %arg6[%add3A_97, %dma_wait3A_98] : memref<80x128xi32, #tpu.memory_space<vmem>> -> memref<1x128xi32, #tpu.memory_space<vmem>>
      %dma_wait3A_100 = tpu.memref_squeeze %dma_wait3A_99 : memref<1x128xi32, #tpu.memory_space<vmem>> -> memref<128xi32, #tpu.memory_space<vmem>>
      %dma_wait3A_101 = arith.constant 0 : i32
      %dma_wait3A_102 = arith.constant 0 : i32
      %dma_wait3A_103 = tpu.memref_slice %arg2[%dma_wait3A_101, %dma_wait3A_102] : memref<10240x64xf32, #tpu.memory_space<hbm>> -> memref<10240x64xf32, #tpu.memory_space<hbm>>
      tpu.wait_indirect_dma semaphore(%arg14 : memref<!tpu.dma_semaphore, #tpu.memory_space<semaphore_mem>>) src(%dma_wait3A_103 : memref<10240x64xf32, #tpu.memory_space<hbm>>) dst(%arg10 : memref<128x64xf32, #tpu.memory_space<vmem>>)
      %dma_start3A_104 = arith.constant 0 : i32
      %dma_start3A_105 = tpu.memref_slice %arg7[%add3A_97, %dma_start3A_104] : memref<80x128xi32, #tpu.memory_space<vmem>> -> memref<1x128xi32, #tpu.memory_space<vmem>>
      %dma_start3A_106 = tpu.memref_squeeze %dma_start3A_105 : memref<1x128xi32, #tpu.memory_space<vmem>> -> memref<128xi32, #tpu.memory_space<vmem>>
      %dma_start3A_107 = arith.constant 0 : i32
      %dma_start3A_108 = arith.constant 0 : i32
      %dma_start3A_109 = tpu.memref_slice %arg20[%dma_start3A_107, %dma_start3A_108] : memref<10240x64xf32, #tpu.memory_space<vmem_shared>> -> memref<10240x64xf32, #tpu.memory_space<vmem_shared>>
      tpu.enqueue_indirect_dma source(%arg10 : memref<128x64xf32, #tpu.memory_space<vmem>>) target(%dma_start3A_109 : memref<10240x64xf32, #tpu.memory_space<vmem_shared>>) offsets(%dma_start3A_106 : memref<128xi32, #tpu.memory_space<vmem>>) semaphore(%arg18 : memref<!tpu.dma_semaphore, #tpu.memory_space<semaphore_mem>>) {add = true}
      %ge3A_110 = arith.constant 1 : i32
      %ge3A_111 = arith.cmpi sge, %add3A_97, %ge3A_110 : i32
      %convert_element_type3A_112 = arith.extui %ge3A_111 : i1 to i32
      %cond3A_113 = arith.constant 0 : i32
      %cond3A_114 = arith.cmpi ne, %convert_element_type3A_112, %cond3A_113 : i32
      scf.if %cond3A_114 {
        %sub3A_152 = arith.constant 1 : i32
        %sub3A_153 = arith.subi %add3A_97, %sub3A_152 : i32
        %dma_wait3A_154 = arith.constant 0 : i32
        %dma_wait3A_155 = tpu.memref_slice %arg7[%sub3A_153, %dma_wait3A_154] : memref<80x128xi32, #tpu.memory_space<vmem>> -> memref<1x128xi32, #tpu.memory_space<vmem>>
        %dma_wait3A_156 = tpu.memref_squeeze %dma_wait3A_155 : memref<1x128xi32, #tpu.memory_space<vmem>> -> memref<128xi32, #tpu.memory_space<vmem>>
        %dma_wait3A_157 = arith.constant 0 : i32
        %dma_wait3A_158 = arith.constant 0 : i32
        %dma_wait3A_159 = tpu.memref_slice %arg20[%dma_wait3A_157, %dma_wait3A_158] : memref<10240x64xf32, #tpu.memory_space<vmem_shared>> -> memref<10240x64xf32, #tpu.memory_space<vmem_shared>>
        tpu.wait_indirect_dma semaphore(%arg17 : memref<!tpu.dma_semaphore, #tpu.memory_space<semaphore_mem>>) src(%arg9 : memref<128x64xf32, #tpu.memory_space<vmem>>) dst(%dma_wait3A_159 : memref<10240x64xf32, #tpu.memory_space<vmem_shared>>)
      } else {
      }
      %add3A_115 = arith.constant 4 : i32
      %add3A_116 = arith.addi %add3A_97, %add3A_115 : i32
      %sub3A_117 = arith.constant 1 : i32
      %sub3A_118 = arith.subi %add3A_116, %sub3A_117 : i32
      %lt3A_119 = arith.constant 80 : i32
      %lt3A_120 = arith.cmpi slt, %sub3A_118, %lt3A_119 : i32
      %convert_element_type3A_121 = arith.extui %lt3A_120 : i1 to i32
      %cond3A_122 = arith.constant 0 : i32
      %cond3A_123 = arith.cmpi ne, %convert_element_type3A_121, %cond3A_122 : i32
      scf.if %cond3A_123 {
        %add3A_152 = arith.constant 4 : i32
        %add3A_153 = arith.addi %add3A_97, %add3A_152 : i32
        %sub3A_154 = arith.constant 1 : i32
        %sub3A_155 = arith.subi %add3A_153, %sub3A_154 : i32
        %dma_start3A_156 = arith.constant 0 : i32
        %dma_start3A_157 = tpu.memref_slice %arg6[%sub3A_155, %dma_start3A_156] : memref<80x128xi32, #tpu.memory_space<vmem>> -> memref<1x128xi32, #tpu.memory_space<vmem>>
        %dma_start3A_158 = tpu.memref_squeeze %dma_start3A_157 : memref<1x128xi32, #tpu.memory_space<vmem>> -> memref<128xi32, #tpu.memory_space<vmem>>
        %dma_start3A_159 = arith.constant 0 : i32
        %dma_start3A_160 = arith.constant 0 : i32
        %dma_start3A_161 = tpu.memref_slice %arg2[%dma_start3A_159, %dma_start3A_160] : memref<10240x64xf32, #tpu.memory_space<hbm>> -> memref<10240x64xf32, #tpu.memory_space<hbm>>
        tpu.enqueue_indirect_dma source(%dma_start3A_161 : memref<10240x64xf32, #tpu.memory_space<hbm>>) target(%arg9 : memref<128x64xf32, #tpu.memory_space<vmem>>) offsets(%dma_start3A_158 : memref<128xi32, #tpu.memory_space<vmem>>) semaphore(%arg13 : memref<!tpu.dma_semaphore, #tpu.memory_space<semaphore_mem>>)
      } else {
      }
      %add3A_124 = arith.constant 3 : i32
      %add3A_125 = arith.addi %add3A_44, %add3A_124 : i32
      %dma_wait3A_126 = arith.constant 0 : i32
      %dma_wait3A_127 = tpu.memref_slice %arg6[%add3A_125, %dma_wait3A_126] : memref<80x128xi32, #tpu.memory_space<vmem>> -> memref<1x128xi32, #tpu.memory_space<vmem>>
      %dma_wait3A_128 = tpu.memref_squeeze %dma_wait3A_127 : memref<1x128xi32, #tpu.memory_space<vmem>> -> memref<128xi32, #tpu.memory_space<vmem>>
      %dma_wait3A_129 = arith.constant 0 : i32
      %dma_wait3A_130 = arith.constant 0 : i32
      %dma_wait3A_131 = tpu.memref_slice %arg2[%dma_wait3A_129, %dma_wait3A_130] : memref<10240x64xf32, #tpu.memory_space<hbm>> -> memref<10240x64xf32, #tpu.memory_space<hbm>>
      tpu.wait_indirect_dma semaphore(%arg15 : memref<!tpu.dma_semaphore, #tpu.memory_space<semaphore_mem>>) src(%dma_wait3A_131 : memref<10240x64xf32, #tpu.memory_space<hbm>>) dst(%arg11 : memref<128x64xf32, #tpu.memory_space<vmem>>)
      %dma_start3A_132 = arith.constant 0 : i32
      %dma_start3A_133 = tpu.memref_slice %arg7[%add3A_125, %dma_start3A_132] : memref<80x128xi32, #tpu.memory_space<vmem>> -> memref<1x128xi32, #tpu.memory_space<vmem>>
      %dma_start3A_134 = tpu.memref_squeeze %dma_start3A_133 : memref<1x128xi32, #tpu.memory_space<vmem>> -> memref<128xi32, #tpu.memory_space<vmem>>
      %dma_start3A_135 = arith.constant 0 : i32
      %dma_start3A_136 = arith.constant 0 : i32
      %dma_start3A_137 = tpu.memref_slice %arg20[%dma_start3A_135, %dma_start3A_136] : memref<10240x64xf32, #tpu.memory_space<vmem_shared>> -> memref<10240x64xf32, #tpu.memory_space<vmem_shared>>
      tpu.enqueue_indirect_dma source(%arg11 : memref<128x64xf32, #tpu.memory_space<vmem>>) target(%dma_start3A_137 : memref<10240x64xf32, #tpu.memory_space<vmem_shared>>) offsets(%dma_start3A_134 : memref<128xi32, #tpu.memory_space<vmem>>) semaphore(%arg19 : memref<!tpu.dma_semaphore, #tpu.memory_space<semaphore_mem>>) {add = true}
      %ge3A_138 = arith.constant 1 : i32
      %ge3A_139 = arith.cmpi sge, %add3A_125, %ge3A_138 : i32
      %convert_element_type3A_140 = arith.extui %ge3A_139 : i1 to i32
      %cond3A_141 = arith.constant 0 : i32
      %cond3A_142 = arith.cmpi ne, %convert_element_type3A_140, %cond3A_141 : i32
      scf.if %cond3A_142 {
        %sub3A_152 = arith.constant 1 : i32
        %sub3A_153 = arith.subi %add3A_125, %sub3A_152 : i32
        %dma_wait3A_154 = arith.constant 0 : i32
        %dma_wait3A_155 = tpu.memref_slice %arg7[%sub3A_153, %dma_wait3A_154] : memref<80x128xi32, #tpu.memory_space<vmem>> -> memref<1x128xi32, #tpu.memory_space<vmem>>
        %dma_wait3A_156 = tpu.memref_squeeze %dma_wait3A_155 : memref<1x128xi32, #tpu.memory_space<vmem>> -> memref<128xi32, #tpu.memory_space<vmem>>
        %dma_wait3A_157 = arith.constant 0 : i32
        %dma_wait3A_158 = arith.constant 0 : i32
        %dma_wait3A_159 = tpu.memref_slice %arg20[%dma_wait3A_157, %dma_wait3A_158] : memref<10240x64xf32, #tpu.memory_space<vmem_shared>> -> memref<10240x64xf32, #tpu.memory_space<vmem_shared>>
        tpu.wait_indirect_dma semaphore(%arg18 : memref<!tpu.dma_semaphore, #tpu.memory_space<semaphore_mem>>) src(%arg10 : memref<128x64xf32, #tpu.memory_space<vmem>>) dst(%dma_wait3A_159 : memref<10240x64xf32, #tpu.memory_space<vmem_shared>>)
      } else {
      }
      %add3A_143 = arith.constant 4 : i32
      %add3A_144 = arith.addi %add3A_125, %add3A_143 : i32
      %sub3A_145 = arith.constant 1 : i32
      %sub3A_146 = arith.subi %add3A_144, %sub3A_145 : i32
      %lt3A_147 = arith.constant 80 : i32
      %lt3A_148 = arith.cmpi slt, %sub3A_146, %lt3A_147 : i32
      %convert_element_type3A_149 = arith.extui %lt3A_148 : i1 to i32
      %cond3A_150 = arith.constant 0 : i32
      %cond3A_151 = arith.cmpi ne, %convert_element_type3A_149, %cond3A_150 : i32
      scf.if %cond3A_151 {
        %add3A_152 = arith.constant 4 : i32
        %add3A_153 = arith.addi %add3A_125, %add3A_152 : i32
        %sub3A_154 = arith.constant 1 : i32
        %sub3A_155 = arith.subi %add3A_153, %sub3A_154 : i32
        %dma_start3A_156 = arith.constant 0 : i32
        %dma_start3A_157 = tpu.memref_slice %arg6[%sub3A_155, %dma_start3A_156] : memref<80x128xi32, #tpu.memory_space<vmem>> -> memref<1x128xi32, #tpu.memory_space<vmem>>
        %dma_start3A_158 = tpu.memref_squeeze %dma_start3A_157 : memref<1x128xi32, #tpu.memory_space<vmem>> -> memref<128xi32, #tpu.memory_space<vmem>>
        %dma_start3A_159 = arith.constant 0 : i32
        %dma_start3A_160 = arith.constant 0 : i32
        %dma_start3A_161 = tpu.memref_slice %arg2[%dma_start3A_159, %dma_start3A_160] : memref<10240x64xf32, #tpu.memory_space<hbm>> -> memref<10240x64xf32, #tpu.memory_space<hbm>>
        tpu.enqueue_indirect_dma source(%dma_start3A_161 : memref<10240x64xf32, #tpu.memory_space<hbm>>) target(%arg10 : memref<128x64xf32, #tpu.memory_space<vmem>>) offsets(%dma_start3A_158 : memref<128xi32, #tpu.memory_space<vmem>>) semaphore(%arg14 : memref<!tpu.dma_semaphore, #tpu.memory_space<semaphore_mem>>)
      } else {
      }
    }
    %scan3A_28 = arith.constant 20 : i32
    %dma_wait3A = arith.constant 79 : i32
    %dma_wait3A_29 = arith.constant 0 : i32
    %dma_wait3A_30 = tpu.memref_slice %arg7[%dma_wait3A, %dma_wait3A_29] : memref<80x128xi32, #tpu.memory_space<vmem>> -> memref<1x128xi32, #tpu.memory_space<vmem>>
    %dma_wait3A_31 = tpu.memref_squeeze %dma_wait3A_30 : memref<1x128xi32, #tpu.memory_space<vmem>> -> memref<128xi32, #tpu.memory_space<vmem>>
    %dma_wait3A_32 = arith.constant 0 : i32
    %dma_wait3A_33 = arith.constant 0 : i32
    %dma_wait3A_34 = tpu.memref_slice %arg20[%dma_wait3A_32, %dma_wait3A_33] : memref<10240x64xf32, #tpu.memory_space<vmem_shared>> -> memref<10240x64xf32, #tpu.memory_space<vmem_shared>>
    tpu.wait_indirect_dma semaphore(%arg19 : memref<!tpu.dma_semaphore, #tpu.memory_space<semaphore_mem>>) src(%arg11 : memref<128x64xf32, #tpu.memory_space<vmem>>) dst(%dma_wait3A_34 : memref<10240x64xf32, #tpu.memory_space<vmem_shared>>)
    %barrier3A_35 = arith.constant 0 : index
    tpu.barrier barrier_id(%barrier3A_35)
    %mul3A_36 = arith.constant 640 : i32
    %mul3A_37 = arith.muli %arg1, %mul3A_36 : i32
    %mul3A_38 = arith.constant 640 : i32
    %mul3A_39 = arith.muli %arg1, %mul3A_38 : i32
    "tpu.region"() ({
      %run_scoped3A = tpu.sem_alloc : memref<!tpu.dma_semaphore, #tpu.memory_space<semaphore_mem>>
      %dma_start3A_40 = arith.constant 0 : i32
      %dma_start3A_41 = tpu.memref_slice %arg5[%arg0, %mul3A_39, %dma_start3A_40] : memref<2x10240x64xf32, #tpu.memory_space<hbm>> -> memref<1x640x64xf32, #tpu.memory_space<hbm>>
      %dma_start3A_42 = tpu.memref_squeeze %dma_start3A_41 : memref<1x640x64xf32, #tpu.memory_space<hbm>> -> memref<640x64xf32, #tpu.memory_space<hbm>>
      %dma_start3A_43 = arith.constant 0 : i32
      %dma_start3A_44 = tpu.memref_slice %arg20[%mul3A_37, %dma_start3A_43] : memref<10240x64xf32, #tpu.memory_space<vmem_shared>> -> memref<640x64xf32, #tpu.memory_space<vmem_shared>>
      tpu.enqueue_dma source(%dma_start3A_44 : memref<640x64xf32, #tpu.memory_space<vmem_shared>>) target(%dma_start3A_42 : memref<640x64xf32, #tpu.memory_space<hbm>>) target_semaphore(%run_scoped3A : memref<!tpu.dma_semaphore, #tpu.memory_space<semaphore_mem>>)
      %dma_wait3A_45 = arith.constant 0 : i32
      %dma_wait3A_46 = tpu.memref_slice %arg5[%arg0, %mul3A_39, %dma_wait3A_45] : memref<2x10240x64xf32, #tpu.memory_space<hbm>> -> memref<1x640x64xf32, #tpu.memory_space<hbm>>
      %dma_wait3A_47 = tpu.memref_squeeze %dma_wait3A_46 : memref<1x640x64xf32, #tpu.memory_space<hbm>> -> memref<640x64xf32, #tpu.memory_space<hbm>>
      %dma_wait3A_48 = arith.constant 0 : i32
      %dma_wait3A_49 = tpu.memref_slice %arg20[%mul3A_37, %dma_wait3A_48] : memref<10240x64xf32, #tpu.memory_space<vmem_shared>> -> memref<640x64xf32, #tpu.memory_space<vmem_shared>>
      tpu.wait_dma2 semaphore(%run_scoped3A : memref<!tpu.dma_semaphore, #tpu.memory_space<semaphore_mem>>) src(%dma_wait3A_49 : memref<640x64xf32, #tpu.memory_space<vmem_shared>>) dst(%dma_wait3A_47 : memref<640x64xf32, #tpu.memory_space<hbm>>)
      tpu.yield
    }) : () -> ()
    return
  }
}

#map = affine_map<(d0, d1) -> (0, 0)>
#map1 = affine_map<(d0, d1) -> (0, 0, 0)>
module attributes {stable_mosaic.version = 14 : i64} {
  func.func @_agg_kernel(%arg0: i32, %arg1: i32, %arg2: memref<10240x64xf32, #tpu.memory_space<hbm>>, %arg3: memref<32x80x128xi32, #tpu.memory_space<hbm>>, %arg4: memref<32x80x128xi32, #tpu.memory_space<hbm>>, %arg5: memref<2x10240x64xf32, #tpu.memory_space<hbm>>, %arg6: memref<80x128xi32, #tpu.memory_space<vmem>>, %arg7: memref<80x128xi32, #tpu.memory_space<vmem>>, %arg8: memref<128x64xf32, #tpu.memory_space<vmem>>, %arg9: memref<128x64xf32, #tpu.memory_space<vmem>>, %arg10: memref<128x64xf32, #tpu.memory_space<vmem>>, %arg11: memref<128x64xf32, #tpu.memory_space<vmem>>, %arg12: memref<!tpu.dma_semaphore, #tpu.memory_space<semaphore_mem>>, %arg13: memref<!tpu.dma_semaphore, #tpu.memory_space<semaphore_mem>>, %arg14: memref<!tpu.dma_semaphore, #tpu.memory_space<semaphore_mem>>, %arg15: memref<!tpu.dma_semaphore, #tpu.memory_space<semaphore_mem>>, %arg16: memref<!tpu.dma_semaphore, #tpu.memory_space<semaphore_mem>>, %arg17: memref<!tpu.dma_semaphore, #tpu.memory_space<semaphore_mem>>, %arg18: memref<!tpu.dma_semaphore, #tpu.memory_space<semaphore_mem>>, %arg19: memref<!tpu.dma_semaphore, #tpu.memory_space<semaphore_mem>>, %arg20: memref<10240x64xf32, #tpu.memory_space<vmem_shared>>) attributes {dimension_semantics = [#tpu.dimension_semantics<core_parallel>, #tpu.dimension_semantics<subcore_parallel>], iteration_bounds = array<i64: 2, 16>, scalar_prefetch = 0 : i64, scratch_operands = 15 : i64, tpu.core_type = #tpu.core_type<sc_vector_subcore>, window_params = [{transform_indices = #map}, {transform_indices = #map1}, {transform_indices = #map1}, {transform_indices = #map1}]} {
    %mul3A = arith.constant 2 : i32
    %mul3A_0 = arith.muli %arg1, %mul3A : i32
    %add3A = arith.addi %mul3A_0, %arg0 : i32
    %mul3A_1 = arith.constant 640 : i32
    %mul3A_2 = arith.muli %arg1, %mul3A_1 : i32
    %mul3A_3 = arith.constant 640 : i32
    %mul3A_4 = arith.muli %arg1, %mul3A_3 : i32
    "tpu.region"() ({
      %run_scoped3A = tpu.sem_alloc : memref<!tpu.dma_semaphore, #tpu.memory_space<semaphore_mem>>
      %dma_start3A_40 = arith.constant 0 : i32
      %dma_start3A_41 = tpu.memref_slice %arg20[%mul3A_4, %dma_start3A_40] : memref<10240x64xf32, #tpu.memory_space<vmem_shared>> -> memref<640x64xf32, #tpu.memory_space<vmem_shared>>
      %dma_start3A_42 = arith.constant 0 : i32
      %dma_start3A_43 = tpu.memref_slice %arg2[%mul3A_2, %dma_start3A_42] : memref<10240x64xf32, #tpu.memory_space<hbm>> -> memref<640x64xf32, #tpu.memory_space<hbm>>
      tpu.enqueue_dma source(%dma_start3A_43 : memref<640x64xf32, #tpu.memory_space<hbm>>) target(%dma_start3A_41 : memref<640x64xf32, #tpu.memory_space<vmem_shared>>) target_semaphore(%run_scoped3A : memref<!tpu.dma_semaphore, #tpu.memory_space<semaphore_mem>>)
      %dma_wait3A_44 = arith.constant 0 : i32
      %dma_wait3A_45 = tpu.memref_slice %arg20[%mul3A_4, %dma_wait3A_44] : memref<10240x64xf32, #tpu.memory_space<vmem_shared>> -> memref<640x64xf32, #tpu.memory_space<vmem_shared>>
      %dma_wait3A_46 = arith.constant 0 : i32
      %dma_wait3A_47 = tpu.memref_slice %arg2[%mul3A_2, %dma_wait3A_46] : memref<10240x64xf32, #tpu.memory_space<hbm>> -> memref<640x64xf32, #tpu.memory_space<hbm>>
      tpu.wait_dma2 semaphore(%run_scoped3A : memref<!tpu.dma_semaphore, #tpu.memory_space<semaphore_mem>>) src(%dma_wait3A_47 : memref<640x64xf32, #tpu.memory_space<hbm>>) dst(%dma_wait3A_45 : memref<640x64xf32, #tpu.memory_space<vmem_shared>>)
      tpu.yield
    }) : () -> ()
    "tpu.region"() ({
      %run_scoped3A = tpu.sem_alloc : memref<!tpu.dma_semaphore, #tpu.memory_space<semaphore_mem>>
      %dma_start3A_40 = arith.constant 0 : i32
      %dma_start3A_41 = arith.constant 0 : i32
      %dma_start3A_42 = tpu.memref_slice %arg3[%add3A, %dma_start3A_40, %dma_start3A_41] : memref<32x80x128xi32, #tpu.memory_space<hbm>> -> memref<1x80x128xi32, #tpu.memory_space<hbm>>
      %dma_start3A_43 = tpu.memref_squeeze %dma_start3A_42 : memref<1x80x128xi32, #tpu.memory_space<hbm>> -> memref<80x128xi32, #tpu.memory_space<hbm>>
      %dma_start3A_44 = arith.constant 0 : i32
      %dma_start3A_45 = arith.constant 0 : i32
      %dma_start3A_46 = tpu.memref_slice %arg3[%add3A, %dma_start3A_44, %dma_start3A_45] : memref<32x80x128xi32, #tpu.memory_space<hbm>> -> memref<1x80x128xi32, #tpu.memory_space<hbm>>
      %dma_start3A_47 = tpu.memref_squeeze %dma_start3A_46 : memref<1x80x128xi32, #tpu.memory_space<hbm>> -> memref<80x128xi32, #tpu.memory_space<hbm>>
      tpu.enqueue_dma source(%dma_start3A_47 : memref<80x128xi32, #tpu.memory_space<hbm>>) target(%arg6 : memref<80x128xi32, #tpu.memory_space<vmem>>) target_semaphore(%run_scoped3A : memref<!tpu.dma_semaphore, #tpu.memory_space<semaphore_mem>>)
      %dma_wait3A_48 = arith.constant 0 : i32
      %dma_wait3A_49 = arith.constant 0 : i32
      %dma_wait3A_50 = tpu.memref_slice %arg3[%add3A, %dma_wait3A_48, %dma_wait3A_49] : memref<32x80x128xi32, #tpu.memory_space<hbm>> -> memref<1x80x128xi32, #tpu.memory_space<hbm>>
      %dma_wait3A_51 = tpu.memref_squeeze %dma_wait3A_50 : memref<1x80x128xi32, #tpu.memory_space<hbm>> -> memref<80x128xi32, #tpu.memory_space<hbm>>
      %dma_wait3A_52 = arith.constant 0 : i32
      %dma_wait3A_53 = arith.constant 0 : i32
      %dma_wait3A_54 = tpu.memref_slice %arg3[%add3A, %dma_wait3A_52, %dma_wait3A_53] : memref<32x80x128xi32, #tpu.memory_space<hbm>> -> memref<1x80x128xi32, #tpu.memory_space<hbm>>
      %dma_wait3A_55 = tpu.memref_squeeze %dma_wait3A_54 : memref<1x80x128xi32, #tpu.memory_space<hbm>> -> memref<80x128xi32, #tpu.memory_space<hbm>>
      tpu.wait_dma2 semaphore(%run_scoped3A : memref<!tpu.dma_semaphore, #tpu.memory_space<semaphore_mem>>) src(%dma_wait3A_55 : memref<80x128xi32, #tpu.memory_space<hbm>>) dst(%arg6 : memref<80x128xi32, #tpu.memory_space<vmem>>)
      tpu.yield
    }) : () -> ()
    "tpu.region"() ({
      %run_scoped3A = tpu.sem_alloc : memref<!tpu.dma_semaphore, #tpu.memory_space<semaphore_mem>>
      %dma_start3A_40 = arith.constant 0 : i32
      %dma_start3A_41 = arith.constant 0 : i32
      %dma_start3A_42 = tpu.memref_slice %arg4[%add3A, %dma_start3A_40, %dma_start3A_41] : memref<32x80x128xi32, #tpu.memory_space<hbm>> -> memref<1x80x128xi32, #tpu.memory_space<hbm>>
      %dma_start3A_43 = tpu.memref_squeeze %dma_start3A_42 : memref<1x80x128xi32, #tpu.memory_space<hbm>> -> memref<80x128xi32, #tpu.memory_space<hbm>>
      %dma_start3A_44 = arith.constant 0 : i32
      %dma_start3A_45 = arith.constant 0 : i32
      %dma_start3A_46 = tpu.memref_slice %arg4[%add3A, %dma_start3A_44, %dma_start3A_45] : memref<32x80x128xi32, #tpu.memory_space<hbm>> -> memref<1x80x128xi32, #tpu.memory_space<hbm>>
      %dma_start3A_47 = tpu.memref_squeeze %dma_start3A_46 : memref<1x80x128xi32, #tpu.memory_space<hbm>> -> memref<80x128xi32, #tpu.memory_space<hbm>>
      tpu.enqueue_dma source(%dma_start3A_47 : memref<80x128xi32, #tpu.memory_space<hbm>>) target(%arg7 : memref<80x128xi32, #tpu.memory_space<vmem>>) target_semaphore(%run_scoped3A : memref<!tpu.dma_semaphore, #tpu.memory_space<semaphore_mem>>)
      %dma_wait3A_48 = arith.constant 0 : i32
      %dma_wait3A_49 = arith.constant 0 : i32
      %dma_wait3A_50 = tpu.memref_slice %arg4[%add3A, %dma_wait3A_48, %dma_wait3A_49] : memref<32x80x128xi32, #tpu.memory_space<hbm>> -> memref<1x80x128xi32, #tpu.memory_space<hbm>>
      %dma_wait3A_51 = tpu.memref_squeeze %dma_wait3A_50 : memref<1x80x128xi32, #tpu.memory_space<hbm>> -> memref<80x128xi32, #tpu.memory_space<hbm>>
      %dma_wait3A_52 = arith.constant 0 : i32
      %dma_wait3A_53 = arith.constant 0 : i32
      %dma_wait3A_54 = tpu.memref_slice %arg4[%add3A, %dma_wait3A_52, %dma_wait3A_53] : memref<32x80x128xi32, #tpu.memory_space<hbm>> -> memref<1x80x128xi32, #tpu.memory_space<hbm>>
      %dma_wait3A_55 = tpu.memref_squeeze %dma_wait3A_54 : memref<1x80x128xi32, #tpu.memory_space<hbm>> -> memref<80x128xi32, #tpu.memory_space<hbm>>
      tpu.wait_dma2 semaphore(%run_scoped3A : memref<!tpu.dma_semaphore, #tpu.memory_space<semaphore_mem>>) src(%dma_wait3A_55 : memref<80x128xi32, #tpu.memory_space<hbm>>) dst(%arg7 : memref<80x128xi32, #tpu.memory_space<vmem>>)
      tpu.yield
    }) : () -> ()
    %barrier3A = arith.constant 0 : index
    tpu.barrier barrier_id(%barrier3A)
    %dma_start3A = arith.constant 0 : i32
    %dma_start3A_5 = arith.constant 0 : i32
    %dma_start3A_6 = tpu.memref_slice %arg6[%dma_start3A, %dma_start3A_5] : memref<80x128xi32, #tpu.memory_space<vmem>> -> memref<1x128xi32, #tpu.memory_space<vmem>>
    %dma_start3A_7 = tpu.memref_squeeze %dma_start3A_6 : memref<1x128xi32, #tpu.memory_space<vmem>> -> memref<128xi32, #tpu.memory_space<vmem>>
    %dma_start3A_8 = arith.constant 0 : i32
    %dma_start3A_9 = arith.constant 0 : i32
    %dma_start3A_10 = tpu.memref_slice %arg2[%dma_start3A_8, %dma_start3A_9] : memref<10240x64xf32, #tpu.memory_space<hbm>> -> memref<10240x64xf32, #tpu.memory_space<hbm>>
    tpu.enqueue_indirect_dma source(%dma_start3A_10 : memref<10240x64xf32, #tpu.memory_space<hbm>>) target(%arg8 : memref<128x64xf32, #tpu.memory_space<vmem>>) offsets(%dma_start3A_7 : memref<128xi32, #tpu.memory_space<vmem>>) semaphore(%arg12 : memref<!tpu.dma_semaphore, #tpu.memory_space<semaphore_mem>>)
    %dma_start3A_11 = arith.constant 1 : i32
    %dma_start3A_12 = arith.constant 0 : i32
    %dma_start3A_13 = tpu.memref_slice %arg6[%dma_start3A_11, %dma_start3A_12] : memref<80x128xi32, #tpu.memory_space<vmem>> -> memref<1x128xi32, #tpu.memory_space<vmem>>
    %dma_start3A_14 = tpu.memref_squeeze %dma_start3A_13 : memref<1x128xi32, #tpu.memory_space<vmem>> -> memref<128xi32, #tpu.memory_space<vmem>>
    %dma_start3A_15 = arith.constant 0 : i32
    %dma_start3A_16 = arith.constant 0 : i32
    %dma_start3A_17 = tpu.memref_slice %arg2[%dma_start3A_15, %dma_start3A_16] : memref<10240x64xf32, #tpu.memory_space<hbm>> -> memref<10240x64xf32, #tpu.memory_space<hbm>>
    tpu.enqueue_indirect_dma source(%dma_start3A_17 : memref<10240x64xf32, #tpu.memory_space<hbm>>) target(%arg9 : memref<128x64xf32, #tpu.memory_space<vmem>>) offsets(%dma_start3A_14 : memref<128xi32, #tpu.memory_space<vmem>>) semaphore(%arg13 : memref<!tpu.dma_semaphore, #tpu.memory_space<semaphore_mem>>)
    %dma_start3A_18 = arith.constant 2 : i32
    %dma_start3A_19 = arith.constant 0 : i32
    %dma_start3A_20 = tpu.memref_slice %arg6[%dma_start3A_18, %dma_start3A_19] : memref<80x128xi32, #tpu.memory_space<vmem>> -> memref<1x128xi32, #tpu.memory_space<vmem>>
    %dma_start3A_21 = tpu.memref_squeeze %dma_start3A_20 : memref<1x128xi32, #tpu.memory_space<vmem>> -> memref<128xi32, #tpu.memory_space<vmem>>
    %dma_start3A_22 = arith.constant 0 : i32
    %dma_start3A_23 = arith.constant 0 : i32
    %dma_start3A_24 = tpu.memref_slice %arg2[%dma_start3A_22, %dma_start3A_23] : memref<10240x64xf32, #tpu.memory_space<hbm>> -> memref<10240x64xf32, #tpu.memory_space<hbm>>
    tpu.enqueue_indirect_dma source(%dma_start3A_24 : memref<10240x64xf32, #tpu.memory_space<hbm>>) target(%arg10 : memref<128x64xf32, #tpu.memory_space<vmem>>) offsets(%dma_start3A_21 : memref<128xi32, #tpu.memory_space<vmem>>) semaphore(%arg14 : memref<!tpu.dma_semaphore, #tpu.memory_space<semaphore_mem>>)
    %scan3A = arith.constant 0 : i32
    %scan3A_25 = arith.constant 20 : i32
    %scan3A_26 = arith.addi %scan3A, %scan3A_25 : i32
    %scan3A_27 = arith.constant 1 : i32
    scf.for %scan3A_40 = %scan3A to %scan3A_26 step %scan3A_27  : i32 {
      %mul3A_41 = arith.constant 4 : i32
      %mul3A_42 = arith.muli %scan3A_40, %mul3A_41 : i32
      %add3A_43 = arith.constant 0 : i32
      %add3A_44 = arith.addi %add3A_43, %mul3A_42 : i32
      %add3A_45 = arith.constant 0 : i32
      %add3A_46 = arith.addi %add3A_44, %add3A_45 : i32
      %dma_wait3A_47 = arith.constant 0 : i32
      %dma_wait3A_48 = tpu.memref_slice %arg6[%add3A_46, %dma_wait3A_47] : memref<80x128xi32, #tpu.memory_space<vmem>> -> memref<1x128xi32, #tpu.memory_space<vmem>>
      %dma_wait3A_49 = tpu.memref_squeeze %dma_wait3A_48 : memref<1x128xi32, #tpu.memory_space<vmem>> -> memref<128xi32, #tpu.memory_space<vmem>>
      %dma_wait3A_50 = arith.constant 0 : i32
      %dma_wait3A_51 = arith.constant 0 : i32
      %dma_wait3A_52 = tpu.memref_slice %arg2[%dma_wait3A_50, %dma_wait3A_51] : memref<10240x64xf32, #tpu.memory_space<hbm>> -> memref<10240x64xf32, #tpu.memory_space<hbm>>
      tpu.wait_indirect_dma semaphore(%arg12 : memref<!tpu.dma_semaphore, #tpu.memory_space<semaphore_mem>>) src(%dma_wait3A_52 : memref<10240x64xf32, #tpu.memory_space<hbm>>) dst(%arg8 : memref<128x64xf32, #tpu.memory_space<vmem>>)
      %dma_start3A_53 = arith.constant 0 : i32
      %dma_start3A_54 = tpu.memref_slice %arg7[%add3A_46, %dma_start3A_53] : memref<80x128xi32, #tpu.memory_space<vmem>> -> memref<1x128xi32, #tpu.memory_space<vmem>>
      %dma_start3A_55 = tpu.memref_squeeze %dma_start3A_54 : memref<1x128xi32, #tpu.memory_space<vmem>> -> memref<128xi32, #tpu.memory_space<vmem>>
      %dma_start3A_56 = arith.constant 0 : i32
      %dma_start3A_57 = arith.constant 0 : i32
      %dma_start3A_58 = tpu.memref_slice %arg20[%dma_start3A_56, %dma_start3A_57] : memref<10240x64xf32, #tpu.memory_space<vmem_shared>> -> memref<10240x64xf32, #tpu.memory_space<vmem_shared>>
      tpu.enqueue_indirect_dma source(%arg8 : memref<128x64xf32, #tpu.memory_space<vmem>>) target(%dma_start3A_58 : memref<10240x64xf32, #tpu.memory_space<vmem_shared>>) offsets(%dma_start3A_55 : memref<128xi32, #tpu.memory_space<vmem>>) semaphore(%arg16 : memref<!tpu.dma_semaphore, #tpu.memory_space<semaphore_mem>>) {add = true}
      %ge3A = arith.constant 1 : i32
      %ge3A_59 = arith.cmpi sge, %add3A_46, %ge3A : i32
      %convert_element_type3A = arith.extui %ge3A_59 : i1 to i32
      %cond3A = arith.constant 0 : i32
      %cond3A_60 = arith.cmpi ne, %convert_element_type3A, %cond3A : i32
      scf.if %cond3A_60 {
        %sub3A_152 = arith.constant 1 : i32
        %sub3A_153 = arith.subi %add3A_46, %sub3A_152 : i32
        %dma_wait3A_154 = arith.constant 0 : i32
        %dma_wait3A_155 = tpu.memref_slice %arg7[%sub3A_153, %dma_wait3A_154] : memref<80x128xi32, #tpu.memory_space<vmem>> -> memref<1x128xi32, #tpu.memory_space<vmem>>
        %dma_wait3A_156 = tpu.memref_squeeze %dma_wait3A_155 : memref<1x128xi32, #tpu.memory_space<vmem>> -> memref<128xi32, #tpu.memory_space<vmem>>
        %dma_wait3A_157 = arith.constant 0 : i32
        %dma_wait3A_158 = arith.constant 0 : i32
        %dma_wait3A_159 = tpu.memref_slice %arg20[%dma_wait3A_157, %dma_wait3A_158] : memref<10240x64xf32, #tpu.memory_space<vmem_shared>> -> memref<10240x64xf32, #tpu.memory_space<vmem_shared>>
        tpu.wait_indirect_dma semaphore(%arg19 : memref<!tpu.dma_semaphore, #tpu.memory_space<semaphore_mem>>) src(%arg11 : memref<128x64xf32, #tpu.memory_space<vmem>>) dst(%dma_wait3A_159 : memref<10240x64xf32, #tpu.memory_space<vmem_shared>>)
      } else {
      }
      %add3A_61 = arith.constant 4 : i32
      %add3A_62 = arith.addi %add3A_46, %add3A_61 : i32
      %sub3A = arith.constant 1 : i32
      %sub3A_63 = arith.subi %add3A_62, %sub3A : i32
      %lt3A = arith.constant 80 : i32
      %lt3A_64 = arith.cmpi slt, %sub3A_63, %lt3A : i32
      %convert_element_type3A_65 = arith.extui %lt3A_64 : i1 to i32
      %cond3A_66 = arith.constant 0 : i32
      %cond3A_67 = arith.cmpi ne, %convert_element_type3A_65, %cond3A_66 : i32
      scf.if %cond3A_67 {
        %add3A_152 = arith.constant 4 : i32
        %add3A_153 = arith.addi %add3A_46, %add3A_152 : i32
        %sub3A_154 = arith.constant 1 : i32
        %sub3A_155 = arith.subi %add3A_153, %sub3A_154 : i32
        %dma_start3A_156 = arith.constant 0 : i32
        %dma_start3A_157 = tpu.memref_slice %arg6[%sub3A_155, %dma_start3A_156] : memref<80x128xi32, #tpu.memory_space<vmem>> -> memref<1x128xi32, #tpu.memory_space<vmem>>
        %dma_start3A_158 = tpu.memref_squeeze %dma_start3A_157 : memref<1x128xi32, #tpu.memory_space<vmem>> -> memref<128xi32, #tpu.memory_space<vmem>>
        %dma_start3A_159 = arith.constant 0 : i32
        %dma_start3A_160 = arith.constant 0 : i32
        %dma_start3A_161 = tpu.memref_slice %arg2[%dma_start3A_159, %dma_start3A_160] : memref<10240x64xf32, #tpu.memory_space<hbm>> -> memref<10240x64xf32, #tpu.memory_space<hbm>>
        tpu.enqueue_indirect_dma source(%dma_start3A_161 : memref<10240x64xf32, #tpu.memory_space<hbm>>) target(%arg11 : memref<128x64xf32, #tpu.memory_space<vmem>>) offsets(%dma_start3A_158 : memref<128xi32, #tpu.memory_space<vmem>>) semaphore(%arg15 : memref<!tpu.dma_semaphore, #tpu.memory_space<semaphore_mem>>)
      } else {
      }
      %add3A_68 = arith.constant 1 : i32
      %add3A_69 = arith.addi %add3A_44, %add3A_68 : i32
      %dma_wait3A_70 = arith.constant 0 : i32
      %dma_wait3A_71 = tpu.memref_slice %arg6[%add3A_69, %dma_wait3A_70] : memref<80x128xi32, #tpu.memory_space<vmem>> -> memref<1x128xi32, #tpu.memory_space<vmem>>
      %dma_wait3A_72 = tpu.memref_squeeze %dma_wait3A_71 : memref<1x128xi32, #tpu.memory_space<vmem>> -> memref<128xi32, #tpu.memory_space<vmem>>
      %dma_wait3A_73 = arith.constant 0 : i32
      %dma_wait3A_74 = arith.constant 0 : i32
      %dma_wait3A_75 = tpu.memref_slice %arg2[%dma_wait3A_73, %dma_wait3A_74] : memref<10240x64xf32, #tpu.memory_space<hbm>> -> memref<10240x64xf32, #tpu.memory_space<hbm>>
      tpu.wait_indirect_dma semaphore(%arg13 : memref<!tpu.dma_semaphore, #tpu.memory_space<semaphore_mem>>) src(%dma_wait3A_75 : memref<10240x64xf32, #tpu.memory_space<hbm>>) dst(%arg9 : memref<128x64xf32, #tpu.memory_space<vmem>>)
      %dma_start3A_76 = arith.constant 0 : i32
      %dma_start3A_77 = tpu.memref_slice %arg7[%add3A_69, %dma_start3A_76] : memref<80x128xi32, #tpu.memory_space<vmem>> -> memref<1x128xi32, #tpu.memory_space<vmem>>
      %dma_start3A_78 = tpu.memref_squeeze %dma_start3A_77 : memref<1x128xi32, #tpu.memory_space<vmem>> -> memref<128xi32, #tpu.memory_space<vmem>>
      %dma_start3A_79 = arith.constant 0 : i32
      %dma_start3A_80 = arith.constant 0 : i32
      %dma_start3A_81 = tpu.memref_slice %arg20[%dma_start3A_79, %dma_start3A_80] : memref<10240x64xf32, #tpu.memory_space<vmem_shared>> -> memref<10240x64xf32, #tpu.memory_space<vmem_shared>>
      tpu.enqueue_indirect_dma source(%arg9 : memref<128x64xf32, #tpu.memory_space<vmem>>) target(%dma_start3A_81 : memref<10240x64xf32, #tpu.memory_space<vmem_shared>>) offsets(%dma_start3A_78 : memref<128xi32, #tpu.memory_space<vmem>>) semaphore(%arg17 : memref<!tpu.dma_semaphore, #tpu.memory_space<semaphore_mem>>) {add = true}
      %ge3A_82 = arith.constant 1 : i32
      %ge3A_83 = arith.cmpi sge, %add3A_69, %ge3A_82 : i32
      %convert_element_type3A_84 = arith.extui %ge3A_83 : i1 to i32
      %cond3A_85 = arith.constant 0 : i32
      %cond3A_86 = arith.cmpi ne, %convert_element_type3A_84, %cond3A_85 : i32
      scf.if %cond3A_86 {
        %sub3A_152 = arith.constant 1 : i32
        %sub3A_153 = arith.subi %add3A_69, %sub3A_152 : i32
        %dma_wait3A_154 = arith.constant 0 : i32
        %dma_wait3A_155 = tpu.memref_slice %arg7[%sub3A_153, %dma_wait3A_154] : memref<80x128xi32, #tpu.memory_space<vmem>> -> memref<1x128xi32, #tpu.memory_space<vmem>>
        %dma_wait3A_156 = tpu.memref_squeeze %dma_wait3A_155 : memref<1x128xi32, #tpu.memory_space<vmem>> -> memref<128xi32, #tpu.memory_space<vmem>>
        %dma_wait3A_157 = arith.constant 0 : i32
        %dma_wait3A_158 = arith.constant 0 : i32
        %dma_wait3A_159 = tpu.memref_slice %arg20[%dma_wait3A_157, %dma_wait3A_158] : memref<10240x64xf32, #tpu.memory_space<vmem_shared>> -> memref<10240x64xf32, #tpu.memory_space<vmem_shared>>
        tpu.wait_indirect_dma semaphore(%arg16 : memref<!tpu.dma_semaphore, #tpu.memory_space<semaphore_mem>>) src(%arg8 : memref<128x64xf32, #tpu.memory_space<vmem>>) dst(%dma_wait3A_159 : memref<10240x64xf32, #tpu.memory_space<vmem_shared>>)
      } else {
      }
      %add3A_87 = arith.constant 4 : i32
      %add3A_88 = arith.addi %add3A_69, %add3A_87 : i32
      %sub3A_89 = arith.constant 1 : i32
      %sub3A_90 = arith.subi %add3A_88, %sub3A_89 : i32
      %lt3A_91 = arith.constant 80 : i32
      %lt3A_92 = arith.cmpi slt, %sub3A_90, %lt3A_91 : i32
      %convert_element_type3A_93 = arith.extui %lt3A_92 : i1 to i32
      %cond3A_94 = arith.constant 0 : i32
      %cond3A_95 = arith.cmpi ne, %convert_element_type3A_93, %cond3A_94 : i32
      scf.if %cond3A_95 {
        %add3A_152 = arith.constant 4 : i32
        %add3A_153 = arith.addi %add3A_69, %add3A_152 : i32
        %sub3A_154 = arith.constant 1 : i32
        %sub3A_155 = arith.subi %add3A_153, %sub3A_154 : i32
        %dma_start3A_156 = arith.constant 0 : i32
        %dma_start3A_157 = tpu.memref_slice %arg6[%sub3A_155, %dma_start3A_156] : memref<80x128xi32, #tpu.memory_space<vmem>> -> memref<1x128xi32, #tpu.memory_space<vmem>>
        %dma_start3A_158 = tpu.memref_squeeze %dma_start3A_157 : memref<1x128xi32, #tpu.memory_space<vmem>> -> memref<128xi32, #tpu.memory_space<vmem>>
        %dma_start3A_159 = arith.constant 0 : i32
        %dma_start3A_160 = arith.constant 0 : i32
        %dma_start3A_161 = tpu.memref_slice %arg2[%dma_start3A_159, %dma_start3A_160] : memref<10240x64xf32, #tpu.memory_space<hbm>> -> memref<10240x64xf32, #tpu.memory_space<hbm>>
        tpu.enqueue_indirect_dma source(%dma_start3A_161 : memref<10240x64xf32, #tpu.memory_space<hbm>>) target(%arg8 : memref<128x64xf32, #tpu.memory_space<vmem>>) offsets(%dma_start3A_158 : memref<128xi32, #tpu.memory_space<vmem>>) semaphore(%arg12 : memref<!tpu.dma_semaphore, #tpu.memory_space<semaphore_mem>>)
      } else {
      }
      %add3A_96 = arith.constant 2 : i32
      %add3A_97 = arith.addi %add3A_44, %add3A_96 : i32
      %dma_wait3A_98 = arith.constant 0 : i32
      %dma_wait3A_99 = tpu.memref_slice %arg6[%add3A_97, %dma_wait3A_98] : memref<80x128xi32, #tpu.memory_space<vmem>> -> memref<1x128xi32, #tpu.memory_space<vmem>>
      %dma_wait3A_100 = tpu.memref_squeeze %dma_wait3A_99 : memref<1x128xi32, #tpu.memory_space<vmem>> -> memref<128xi32, #tpu.memory_space<vmem>>
      %dma_wait3A_101 = arith.constant 0 : i32
      %dma_wait3A_102 = arith.constant 0 : i32
      %dma_wait3A_103 = tpu.memref_slice %arg2[%dma_wait3A_101, %dma_wait3A_102] : memref<10240x64xf32, #tpu.memory_space<hbm>> -> memref<10240x64xf32, #tpu.memory_space<hbm>>
      tpu.wait_indirect_dma semaphore(%arg14 : memref<!tpu.dma_semaphore, #tpu.memory_space<semaphore_mem>>) src(%dma_wait3A_103 : memref<10240x64xf32, #tpu.memory_space<hbm>>) dst(%arg10 : memref<128x64xf32, #tpu.memory_space<vmem>>)
      %dma_start3A_104 = arith.constant 0 : i32
      %dma_start3A_105 = tpu.memref_slice %arg7[%add3A_97, %dma_start3A_104] : memref<80x128xi32, #tpu.memory_space<vmem>> -> memref<1x128xi32, #tpu.memory_space<vmem>>
      %dma_start3A_106 = tpu.memref_squeeze %dma_start3A_105 : memref<1x128xi32, #tpu.memory_space<vmem>> -> memref<128xi32, #tpu.memory_space<vmem>>
      %dma_start3A_107 = arith.constant 0 : i32
      %dma_start3A_108 = arith.constant 0 : i32
      %dma_start3A_109 = tpu.memref_slice %arg20[%dma_start3A_107, %dma_start3A_108] : memref<10240x64xf32, #tpu.memory_space<vmem_shared>> -> memref<10240x64xf32, #tpu.memory_space<vmem_shared>>
      tpu.enqueue_indirect_dma source(%arg10 : memref<128x64xf32, #tpu.memory_space<vmem>>) target(%dma_start3A_109 : memref<10240x64xf32, #tpu.memory_space<vmem_shared>>) offsets(%dma_start3A_106 : memref<128xi32, #tpu.memory_space<vmem>>) semaphore(%arg18 : memref<!tpu.dma_semaphore, #tpu.memory_space<semaphore_mem>>) {add = true}
      %ge3A_110 = arith.constant 1 : i32
      %ge3A_111 = arith.cmpi sge, %add3A_97, %ge3A_110 : i32
      %convert_element_type3A_112 = arith.extui %ge3A_111 : i1 to i32
      %cond3A_113 = arith.constant 0 : i32
      %cond3A_114 = arith.cmpi ne, %convert_element_type3A_112, %cond3A_113 : i32
      scf.if %cond3A_114 {
        %sub3A_152 = arith.constant 1 : i32
        %sub3A_153 = arith.subi %add3A_97, %sub3A_152 : i32
        %dma_wait3A_154 = arith.constant 0 : i32
        %dma_wait3A_155 = tpu.memref_slice %arg7[%sub3A_153, %dma_wait3A_154] : memref<80x128xi32, #tpu.memory_space<vmem>> -> memref<1x128xi32, #tpu.memory_space<vmem>>
        %dma_wait3A_156 = tpu.memref_squeeze %dma_wait3A_155 : memref<1x128xi32, #tpu.memory_space<vmem>> -> memref<128xi32, #tpu.memory_space<vmem>>
        %dma_wait3A_157 = arith.constant 0 : i32
        %dma_wait3A_158 = arith.constant 0 : i32
        %dma_wait3A_159 = tpu.memref_slice %arg20[%dma_wait3A_157, %dma_wait3A_158] : memref<10240x64xf32, #tpu.memory_space<vmem_shared>> -> memref<10240x64xf32, #tpu.memory_space<vmem_shared>>
        tpu.wait_indirect_dma semaphore(%arg17 : memref<!tpu.dma_semaphore, #tpu.memory_space<semaphore_mem>>) src(%arg9 : memref<128x64xf32, #tpu.memory_space<vmem>>) dst(%dma_wait3A_159 : memref<10240x64xf32, #tpu.memory_space<vmem_shared>>)
      } else {
      }
      %add3A_115 = arith.constant 4 : i32
      %add3A_116 = arith.addi %add3A_97, %add3A_115 : i32
      %sub3A_117 = arith.constant 1 : i32
      %sub3A_118 = arith.subi %add3A_116, %sub3A_117 : i32
      %lt3A_119 = arith.constant 80 : i32
      %lt3A_120 = arith.cmpi slt, %sub3A_118, %lt3A_119 : i32
      %convert_element_type3A_121 = arith.extui %lt3A_120 : i1 to i32
      %cond3A_122 = arith.constant 0 : i32
      %cond3A_123 = arith.cmpi ne, %convert_element_type3A_121, %cond3A_122 : i32
      scf.if %cond3A_123 {
        %add3A_152 = arith.constant 4 : i32
        %add3A_153 = arith.addi %add3A_97, %add3A_152 : i32
        %sub3A_154 = arith.constant 1 : i32
        %sub3A_155 = arith.subi %add3A_153, %sub3A_154 : i32
        %dma_start3A_156 = arith.constant 0 : i32
        %dma_start3A_157 = tpu.memref_slice %arg6[%sub3A_155, %dma_start3A_156] : memref<80x128xi32, #tpu.memory_space<vmem>> -> memref<1x128xi32, #tpu.memory_space<vmem>>
        %dma_start3A_158 = tpu.memref_squeeze %dma_start3A_157 : memref<1x128xi32, #tpu.memory_space<vmem>> -> memref<128xi32, #tpu.memory_space<vmem>>
        %dma_start3A_159 = arith.constant 0 : i32
        %dma_start3A_160 = arith.constant 0 : i32
        %dma_start3A_161 = tpu.memref_slice %arg2[%dma_start3A_159, %dma_start3A_160] : memref<10240x64xf32, #tpu.memory_space<hbm>> -> memref<10240x64xf32, #tpu.memory_space<hbm>>
        tpu.enqueue_indirect_dma source(%dma_start3A_161 : memref<10240x64xf32, #tpu.memory_space<hbm>>) target(%arg9 : memref<128x64xf32, #tpu.memory_space<vmem>>) offsets(%dma_start3A_158 : memref<128xi32, #tpu.memory_space<vmem>>) semaphore(%arg13 : memref<!tpu.dma_semaphore, #tpu.memory_space<semaphore_mem>>)
      } else {
      }
      %add3A_124 = arith.constant 3 : i32
      %add3A_125 = arith.addi %add3A_44, %add3A_124 : i32
      %dma_wait3A_126 = arith.constant 0 : i32
      %dma_wait3A_127 = tpu.memref_slice %arg6[%add3A_125, %dma_wait3A_126] : memref<80x128xi32, #tpu.memory_space<vmem>> -> memref<1x128xi32, #tpu.memory_space<vmem>>
      %dma_wait3A_128 = tpu.memref_squeeze %dma_wait3A_127 : memref<1x128xi32, #tpu.memory_space<vmem>> -> memref<128xi32, #tpu.memory_space<vmem>>
      %dma_wait3A_129 = arith.constant 0 : i32
      %dma_wait3A_130 = arith.constant 0 : i32
      %dma_wait3A_131 = tpu.memref_slice %arg2[%dma_wait3A_129, %dma_wait3A_130] : memref<10240x64xf32, #tpu.memory_space<hbm>> -> memref<10240x64xf32, #tpu.memory_space<hbm>>
      tpu.wait_indirect_dma semaphore(%arg15 : memref<!tpu.dma_semaphore, #tpu.memory_space<semaphore_mem>>) src(%dma_wait3A_131 : memref<10240x64xf32, #tpu.memory_space<hbm>>) dst(%arg11 : memref<128x64xf32, #tpu.memory_space<vmem>>)
      %dma_start3A_132 = arith.constant 0 : i32
      %dma_start3A_133 = tpu.memref_slice %arg7[%add3A_125, %dma_start3A_132] : memref<80x128xi32, #tpu.memory_space<vmem>> -> memref<1x128xi32, #tpu.memory_space<vmem>>
      %dma_start3A_134 = tpu.memref_squeeze %dma_start3A_133 : memref<1x128xi32, #tpu.memory_space<vmem>> -> memref<128xi32, #tpu.memory_space<vmem>>
      %dma_start3A_135 = arith.constant 0 : i32
      %dma_start3A_136 = arith.constant 0 : i32
      %dma_start3A_137 = tpu.memref_slice %arg20[%dma_start3A_135, %dma_start3A_136] : memref<10240x64xf32, #tpu.memory_space<vmem_shared>> -> memref<10240x64xf32, #tpu.memory_space<vmem_shared>>
      tpu.enqueue_indirect_dma source(%arg11 : memref<128x64xf32, #tpu.memory_space<vmem>>) target(%dma_start3A_137 : memref<10240x64xf32, #tpu.memory_space<vmem_shared>>) offsets(%dma_start3A_134 : memref<128xi32, #tpu.memory_space<vmem>>) semaphore(%arg19 : memref<!tpu.dma_semaphore, #tpu.memory_space<semaphore_mem>>) {add = true}
      %ge3A_138 = arith.constant 1 : i32
      %ge3A_139 = arith.cmpi sge, %add3A_125, %ge3A_138 : i32
      %convert_element_type3A_140 = arith.extui %ge3A_139 : i1 to i32
      %cond3A_141 = arith.constant 0 : i32
      %cond3A_142 = arith.cmpi ne, %convert_element_type3A_140, %cond3A_141 : i32
      scf.if %cond3A_142 {
        %sub3A_152 = arith.constant 1 : i32
        %sub3A_153 = arith.subi %add3A_125, %sub3A_152 : i32
        %dma_wait3A_154 = arith.constant 0 : i32
        %dma_wait3A_155 = tpu.memref_slice %arg7[%sub3A_153, %dma_wait3A_154] : memref<80x128xi32, #tpu.memory_space<vmem>> -> memref<1x128xi32, #tpu.memory_space<vmem>>
        %dma_wait3A_156 = tpu.memref_squeeze %dma_wait3A_155 : memref<1x128xi32, #tpu.memory_space<vmem>> -> memref<128xi32, #tpu.memory_space<vmem>>
        %dma_wait3A_157 = arith.constant 0 : i32
        %dma_wait3A_158 = arith.constant 0 : i32
        %dma_wait3A_159 = tpu.memref_slice %arg20[%dma_wait3A_157, %dma_wait3A_158] : memref<10240x64xf32, #tpu.memory_space<vmem_shared>> -> memref<10240x64xf32, #tpu.memory_space<vmem_shared>>
        tpu.wait_indirect_dma semaphore(%arg18 : memref<!tpu.dma_semaphore, #tpu.memory_space<semaphore_mem>>) src(%arg10 : memref<128x64xf32, #tpu.memory_space<vmem>>) dst(%dma_wait3A_159 : memref<10240x64xf32, #tpu.memory_space<vmem_shared>>)
      } else {
      }
      %add3A_143 = arith.constant 4 : i32
      %add3A_144 = arith.addi %add3A_125, %add3A_143 : i32
      %sub3A_145 = arith.constant 1 : i32
      %sub3A_146 = arith.subi %add3A_144, %sub3A_145 : i32
      %lt3A_147 = arith.constant 80 : i32
      %lt3A_148 = arith.cmpi slt, %sub3A_146, %lt3A_147 : i32
      %convert_element_type3A_149 = arith.extui %lt3A_148 : i1 to i32
      %cond3A_150 = arith.constant 0 : i32
      %cond3A_151 = arith.cmpi ne, %convert_element_type3A_149, %cond3A_150 : i32
      scf.if %cond3A_151 {
        %add3A_152 = arith.constant 4 : i32
        %add3A_153 = arith.addi %add3A_125, %add3A_152 : i32
        %sub3A_154 = arith.constant 1 : i32
        %sub3A_155 = arith.subi %add3A_153, %sub3A_154 : i32
        %dma_start3A_156 = arith.constant 0 : i32
        %dma_start3A_157 = tpu.memref_slice %arg6[%sub3A_155, %dma_start3A_156] : memref<80x128xi32, #tpu.memory_space<vmem>> -> memref<1x128xi32, #tpu.memory_space<vmem>>
        %dma_start3A_158 = tpu.memref_squeeze %dma_start3A_157 : memref<1x128xi32, #tpu.memory_space<vmem>> -> memref<128xi32, #tpu.memory_space<vmem>>
        %dma_start3A_159 = arith.constant 0 : i32
        %dma_start3A_160 = arith.constant 0 : i32
        %dma_start3A_161 = tpu.memref_slice %arg2[%dma_start3A_159, %dma_start3A_160] : memref<10240x64xf32, #tpu.memory_space<hbm>> -> memref<10240x64xf32, #tpu.memory_space<hbm>>
        tpu.enqueue_indirect_dma source(%dma_start3A_161 : memref<10240x64xf32, #tpu.memory_space<hbm>>) target(%arg10 : memref<128x64xf32, #tpu.memory_space<vmem>>) offsets(%dma_start3A_158 : memref<128xi32, #tpu.memory_space<vmem>>) semaphore(%arg14 : memref<!tpu.dma_semaphore, #tpu.memory_space<semaphore_mem>>)
      } else {
      }
    }
    %scan3A_28 = arith.constant 20 : i32
    %dma_wait3A = arith.constant 79 : i32
    %dma_wait3A_29 = arith.constant 0 : i32
    %dma_wait3A_30 = tpu.memref_slice %arg7[%dma_wait3A, %dma_wait3A_29] : memref<80x128xi32, #tpu.memory_space<vmem>> -> memref<1x128xi32, #tpu.memory_space<vmem>>
    %dma_wait3A_31 = tpu.memref_squeeze %dma_wait3A_30 : memref<1x128xi32, #tpu.memory_space<vmem>> -> memref<128xi32, #tpu.memory_space<vmem>>
    %dma_wait3A_32 = arith.constant 0 : i32
    %dma_wait3A_33 = arith.constant 0 : i32
    %dma_wait3A_34 = tpu.memref_slice %arg20[%dma_wait3A_32, %dma_wait3A_33] : memref<10240x64xf32, #tpu.memory_space<vmem_shared>> -> memref<10240x64xf32, #tpu.memory_space<vmem_shared>>
    tpu.wait_indirect_dma semaphore(%arg19 : memref<!tpu.dma_semaphore, #tpu.memory_space<semaphore_mem>>) src(%arg11 : memref<128x64xf32, #tpu.memory_space<vmem>>) dst(%dma_wait3A_34 : memref<10240x64xf32, #tpu.memory_space<vmem_shared>>)
    %barrier3A_35 = arith.constant 0 : index
    tpu.barrier barrier_id(%barrier3A_35)
    %mul3A_36 = arith.constant 640 : i32
    %mul3A_37 = arith.muli %arg1, %mul3A_36 : i32
    %mul3A_38 = arith.constant 640 : i32
    %mul3A_39 = arith.muli %arg1, %mul3A_38 : i32
    "tpu.region"() ({
      %run_scoped3A = tpu.sem_alloc : memref<!tpu.dma_semaphore, #tpu.memory_space<semaphore_mem>>
      %dma_start3A_40 = arith.constant 0 : i32
      %dma_start3A_41 = tpu.memref_slice %arg5[%arg0, %mul3A_39, %dma_start3A_40] : memref<2x10240x64xf32, #tpu.memory_space<hbm>> -> memref<1x640x64xf32, #tpu.memory_space<hbm>>
      %dma_start3A_42 = tpu.memref_squeeze %dma_start3A_41 : memref<1x640x64xf32, #tpu.memory_space<hbm>> -> memref<640x64xf32, #tpu.memory_space<hbm>>
      %dma_start3A_43 = arith.constant 0 : i32
      %dma_start3A_44 = tpu.memref_slice %arg20[%mul3A_37, %dma_start3A_43] : memref<10240x64xf32, #tpu.memory_space<vmem_shared>> -> memref<640x64xf32, #tpu.memory_space<vmem_shared>>
      tpu.enqueue_dma source(%dma_start3A_44 : memref<640x64xf32, #tpu.memory_space<vmem_shared>>) target(%dma_start3A_42 : memref<640x64xf32, #tpu.memory_space<hbm>>) target_semaphore(%run_scoped3A : memref<!tpu.dma_semaphore, #tpu.memory_space<semaphore_mem>>)
      %dma_wait3A_45 = arith.constant 0 : i32
      %dma_wait3A_46 = tpu.memref_slice %arg5[%arg0, %mul3A_39, %dma_wait3A_45] : memref<2x10240x64xf32, #tpu.memory_space<hbm>> -> memref<1x640x64xf32, #tpu.memory_space<hbm>>
      %dma_wait3A_47 = tpu.memref_squeeze %dma_wait3A_46 : memref<1x640x64xf32, #tpu.memory_space<hbm>> -> memref<640x64xf32, #tpu.memory_space<hbm>>
      %dma_wait3A_48 = arith.constant 0 : i32
      %dma_wait3A_49 = tpu.memref_slice %arg20[%mul3A_37, %dma_wait3A_48] : memref<10240x64xf32, #tpu.memory_space<vmem_shared>> -> memref<640x64xf32, #tpu.memory_space<vmem_shared>>
      tpu.wait_dma2 semaphore(%run_scoped3A : memref<!tpu.dma_semaphore, #tpu.memory_space<semaphore_mem>>) src(%dma_wait3A_49 : memref<640x64xf32, #tpu.memory_space<vmem_shared>>) dst(%dma_wait3A_47 : memref<640x64xf32, #tpu.memory_space<hbm>>)
      tpu.yield
    }) : () -> ()
    return
  }
}

module attributes {stable_mosaic.version = 14 : i64} {
  func.func @_prep_body(%arg0: i32, %arg1: memref<512x128xf32, #tpu.memory_space<vmem>>, %arg2: memref<512x2xf32, #tpu.memory_space<vmem>>, %arg3: memref<128x96xf32, #tpu.memory_space<vmem>>, %arg4: memref<1x32xf32, #tpu.memory_space<vmem>>, %arg5: memref<512x64xf32, #tpu.memory_space<vmem>>, %arg6: memref<512x32xf32, #tpu.memory_space<vmem>>) attributes {dimension_semantics = [#tpu.dimension_semantics<arbitrary>], iteration_bounds = array<i64: 20>, scalar_prefetch = 0 : i64, scratch_operands = 0 : i64, tpu.core_type = #tpu.core_type<tc>, window_params = [{transform_indices = @transform_0, window_bounds = array<i64: 512, 128>}, {transform_indices = @transform_1, window_bounds = array<i64: 512, 2>}, {pipeline_mode = #tpu.pipeline_mode<synchronous>, transform_indices = @transform_2, window_bounds = array<i64: 128, 96>}, {pipeline_mode = #tpu.pipeline_mode<synchronous>, transform_indices = @transform_3, window_bounds = array<i64: 1, 32>}, {transform_indices = @transform_4, window_bounds = array<i64: 512, 64>}, {transform_indices = @transform_5, window_bounds = array<i64: 512, 32>}]} {
    %get3A = arith.constant 0 : index
    %get3A_0 = arith.constant 0 : index
    %get3A_1 = vector.load %arg2[%get3A, %get3A_0] : memref<512x2xf32, #tpu.memory_space<vmem>>, vector<512x2xf32>
    %slice3A = vector.extract_strided_slice %get3A_1 {offsets = [0, 0], sizes = [512, 1], strides = [1, 1]} : vector<512x2xf32> to vector<512x1xf32>
    %add3A = arith.constant 1.000000e+00 : f32
    %add3A_2 = vector.broadcast %add3A : f32 to vector<512x1xf32>
    %add3A_3 = arith.addf %add3A_2, %slice3A : vector<512x1xf32>
    %slice3A_4 = vector.extract_strided_slice %get3A_1 {offsets = [0, 1], sizes = [512, 1], strides = [1, 1]} : vector<512x2xf32> to vector<512x1xf32>
    %add3A_5 = arith.addf %add3A_3, %slice3A_4 : vector<512x1xf32>
    %rsqrt3A = math.rsqrt %add3A_5 : vector<512x1xf32>
    %get3A_6 = arith.constant 0 : index
    %get3A_7 = arith.constant 0 : index
    %get3A_8 = vector.load %arg1[%get3A_6, %get3A_7] : memref<512x128xf32, #tpu.memory_space<vmem>>, vector<512x128xf32>
    %get3A_9 = arith.constant 0 : index
    %get3A_10 = arith.constant 0 : index
    %get3A_11 = vector.load %arg3[%get3A_9, %get3A_10] : memref<128x96xf32, #tpu.memory_space<vmem>>, vector<128x96xf32>
    %dot_general3A = arith.constant dense<0.000000e+00> : vector<512x96xf32>
    %dot_general3A_12 = tpu.matmul %get3A_8, %get3A_11, %dot_general3A {dimension_numbers = #tpu.dot_dimension_numbers<[1], [0], [0], [1], [0, 0, 1, 1], [], []>, transpose_lhs_hint = false} : vector<512x128xf32>, vector<128x96xf32>, vector<512x96xf32> -> vector<512x96xf32>
    %slice3A_13 = vector.extract_strided_slice %dot_general3A_12 {offsets = [0, 0], sizes = [512, 64], strides = [1, 1]} : vector<512x96xf32> to vector<512x64xf32>
    %mul3A = vector.broadcast %rsqrt3A : vector<512x1xf32> to vector<512x64xf32>
    %mul3A_14 = arith.mulf %slice3A_13, %mul3A : vector<512x64xf32>
    %swap3A = arith.constant 0 : index
    %swap3A_15 = arith.constant 0 : index
    %swap3A_16 = vector.load %arg5[%swap3A, %swap3A_15] : memref<512x64xf32, #tpu.memory_space<vmem>>, vector<512x64xf32>
    tpu.vector_store %arg5[%swap3A, %swap3A_15], %mul3A_14 {strides = array<i32>} : memref<512x64xf32, #tpu.memory_space<vmem>>, vector<512x64xf32>,
    %slice3A_17 = vector.extract_strided_slice %dot_general3A_12 {offsets = [0, 64], sizes = [512, 32], strides = [1, 1]} : vector<512x96xf32> to vector<512x32xf32>
    %get3A_18 = arith.constant 0 : index
    %get3A_19 = arith.constant 0 : index
    %get3A_20 = vector.load %arg4[%get3A_18, %get3A_19] : memref<1x32xf32, #tpu.memory_space<vmem>>, vector<1x32xf32>
    %add3A_21 = vector.broadcast %get3A_20 : vector<1x32xf32> to vector<512x32xf32>
    %add3A_22 = arith.addf %slice3A_17, %add3A_21 : vector<512x32xf32>
    %swap3A_23 = arith.constant 0 : index
    %swap3A_24 = arith.constant 0 : index
    %swap3A_25 = vector.load %arg6[%swap3A_23, %swap3A_24] : memref<512x32xf32, #tpu.memory_space<vmem>>, vector<512x32xf32>
    tpu.vector_store %arg6[%swap3A_23, %swap3A_24], %add3A_22 {strides = array<i32>} : memref<512x32xf32, #tpu.memory_space<vmem>>, vector<512x32xf32>,
    return
  }
  func.func @transform_0(%arg0: i32) -> (i32, i32) {
    %c0_i32 = arith.constant 0 : i32
    %c0_i32_0 = arith.constant 0 : i32
    return %arg0, %c0_i32 : i32, i32
  }
  func.func @transform_1(%arg0: i32) -> (i32, i32) {
    %c0_i32 = arith.constant 0 : i32
    %c0_i32_0 = arith.constant 0 : i32
    return %arg0, %c0_i32 : i32, i32
  }
  func.func @transform_2(%arg0: i32) -> (i32, i32) {
    %c0_i32 = arith.constant 0 : i32
    %c0_i32_0 = arith.constant 0 : i32
    %c0_i32_1 = arith.constant 0 : i32
    return %c0_i32, %c0_i32_0 : i32, i32
  }
  func.func @transform_3(%arg0: i32) -> (i32, i32) {
    %c0_i32 = arith.constant 0 : i32
    %c0_i32_0 = arith.constant 0 : i32
    %c0_i32_1 = arith.constant 0 : i32
    return %c0_i32, %c0_i32_0 : i32, i32
  }
  func.func @transform_4(%arg0: i32) -> (i32, i32) {
    %c0_i32 = arith.constant 0 : i32
    %c0_i32_0 = arith.constant 0 : i32
    return %arg0, %c0_i32 : i32, i32
  }
  func.func @transform_5(%arg0: i32) -> (i32, i32) {
    %c0_i32 = arith.constant 0 : i32
    %c0_i32_0 = arith.constant 0 : i32
    return %arg0, %c0_i32 : i32, i32
  }
}

module attributes {stable_mosaic.version = 14 : i64} {
  func.func @_mid_body(%arg0: i32, %arg1: memref<512x64xf32, #tpu.memory_space<vmem>>, %arg2: memref<512x64xf32, #tpu.memory_space<vmem>>, %arg3: memref<512x64xf32, #tpu.memory_space<vmem>>, %arg4: memref<512x32xf32, #tpu.memory_space<vmem>>, %arg5: memref<512x2xf32, #tpu.memory_space<vmem>>, %arg6: memref<1x128xf32, #tpu.memory_space<vmem>>, %arg7: memref<128x96xf32, #tpu.memory_space<vmem>>, %arg8: memref<1x32xf32, #tpu.memory_space<vmem>>, %arg9: memref<512x64xf32, #tpu.memory_space<vmem>>, %arg10: memref<512x32xf32, #tpu.memory_space<vmem>>) attributes {dimension_semantics = [#tpu.dimension_semantics<arbitrary>], iteration_bounds = array<i64: 20>, scalar_prefetch = 0 : i64, scratch_operands = 0 : i64, tpu.core_type = #tpu.core_type<tc>, window_params = [{transform_indices = @transform_0, window_bounds = array<i64: 512, 64>}, {transform_indices = @transform_1, window_bounds = array<i64: 512, 64>}, {transform_indices = @transform_2, window_bounds = array<i64: 512, 64>}, {transform_indices = @transform_3, window_bounds = array<i64: 512, 32>}, {transform_indices = @transform_4, window_bounds = array<i64: 512, 2>}, {pipeline_mode = #tpu.pipeline_mode<synchronous>, transform_indices = @transform_5, window_bounds = array<i64: 1, 128>}, {pipeline_mode = #tpu.pipeline_mode<synchronous>, transform_indices = @transform_6, window_bounds = array<i64: 128, 96>}, {pipeline_mode = #tpu.pipeline_mode<synchronous>, transform_indices = @transform_7, window_bounds = array<i64: 1, 32>}, {transform_indices = @transform_8, window_bounds = array<i64: 512, 64>}, {transform_indices = @transform_9, window_bounds = array<i64: 512, 32>}]} {
    %get3A = arith.constant 0 : index
    %get3A_0 = arith.constant 0 : index
    %get3A_1 = vector.load %arg5[%get3A, %get3A_0] : memref<512x2xf32, #tpu.memory_space<vmem>>, vector<512x2xf32>
    %slice3A = vector.extract_strided_slice %get3A_1 {offsets = [0, 0], sizes = [512, 1], strides = [1, 1]} : vector<512x2xf32> to vector<512x1xf32>
    %add3A = arith.constant 1.000000e+00 : f32
    %add3A_2 = vector.broadcast %add3A : f32 to vector<512x1xf32>
    %add3A_3 = arith.addf %add3A_2, %slice3A : vector<512x1xf32>
    %slice3A_4 = vector.extract_strided_slice %get3A_1 {offsets = [0, 1], sizes = [512, 1], strides = [1, 1]} : vector<512x2xf32> to vector<512x1xf32>
    %add3A_5 = arith.addf %add3A_3, %slice3A_4 : vector<512x1xf32>
    %rsqrt3A = math.rsqrt %add3A_5 : vector<512x1xf32>
    %get3A_6 = arith.constant 0 : index
    %get3A_7 = arith.constant 0 : index
    %get3A_8 = vector.load %arg1[%get3A_6, %get3A_7] : memref<512x64xf32, #tpu.memory_space<vmem>>, vector<512x64xf32>
    %get3A_9 = arith.constant 0 : index
    %get3A_10 = arith.constant 0 : index
    %get3A_11 = vector.load %arg2[%get3A_9, %get3A_10] : memref<512x64xf32, #tpu.memory_space<vmem>>, vector<512x64xf32>
    %add3A_12 = arith.addf %get3A_8, %get3A_11 : vector<512x64xf32>
    %get3A_13 = arith.constant 0 : index
    %get3A_14 = arith.constant 0 : index
    %get3A_15 = vector.load %arg3[%get3A_13, %get3A_14] : memref<512x64xf32, #tpu.memory_space<vmem>>, vector<512x64xf32>
    %sub3A = arith.subf %add3A_12, %get3A_15 : vector<512x64xf32>
    %mul3A = vector.broadcast %rsqrt3A : vector<512x1xf32> to vector<512x64xf32>
    %mul3A_16 = arith.mulf %sub3A, %mul3A : vector<512x64xf32>
    %get3A_17 = arith.constant 0 : index
    %get3A_18 = arith.constant 0 : index
    %get3A_19 = vector.load %arg4[%get3A_17, %get3A_18] : memref<512x32xf32, #tpu.memory_space<vmem>>, vector<512x32xf32>
    %slice3A_20 = vector.extract_strided_slice %get3A_19 {offsets = [0, 0], sizes = [512, 1], strides = [1, 1]} : vector<512x32xf32> to vector<512x1xf32>
    %slice3A_21 = vector.extract_strided_slice %mul3A_16 {offsets = [0, 0], sizes = [512, 16], strides = [1, 1]} : vector<512x64xf32> to vector<512x16xf32>
    %mul3A_22 = vector.broadcast %slice3A_20 : vector<512x1xf32> to vector<512x16xf32>
    %mul3A_23 = arith.mulf %mul3A_22, %slice3A_21 : vector<512x16xf32>
    %slice3A_24 = vector.extract_strided_slice %get3A_19 {offsets = [0, 1], sizes = [512, 1], strides = [1, 1]} : vector<512x32xf32> to vector<512x1xf32>
    %slice3A_25 = vector.extract_strided_slice %mul3A_16 {offsets = [0, 16], sizes = [512, 16], strides = [1, 1]} : vector<512x64xf32> to vector<512x16xf32>
    %mul3A_26 = vector.broadcast %slice3A_24 : vector<512x1xf32> to vector<512x16xf32>
    %mul3A_27 = arith.mulf %mul3A_26, %slice3A_25 : vector<512x16xf32>
    %add3A_28 = arith.addf %mul3A_23, %mul3A_27 : vector<512x16xf32>
    %slice3A_29 = vector.extract_strided_slice %get3A_19 {offsets = [0, 2], sizes = [512, 1], strides = [1, 1]} : vector<512x32xf32> to vector<512x1xf32>
    %slice3A_30 = vector.extract_strided_slice %mul3A_16 {offsets = [0, 32], sizes = [512, 16], strides = [1, 1]} : vector<512x64xf32> to vector<512x16xf32>
    %mul3A_31 = vector.broadcast %slice3A_29 : vector<512x1xf32> to vector<512x16xf32>
    %mul3A_32 = arith.mulf %mul3A_31, %slice3A_30 : vector<512x16xf32>
    %add3A_33 = arith.addf %add3A_28, %mul3A_32 : vector<512x16xf32>
    %slice3A_34 = vector.extract_strided_slice %get3A_19 {offsets = [0, 3], sizes = [512, 1], strides = [1, 1]} : vector<512x32xf32> to vector<512x1xf32>
    %slice3A_35 = vector.extract_strided_slice %mul3A_16 {offsets = [0, 48], sizes = [512, 16], strides = [1, 1]} : vector<512x64xf32> to vector<512x16xf32>
    %mul3A_36 = vector.broadcast %slice3A_34 : vector<512x1xf32> to vector<512x16xf32>
    %mul3A_37 = arith.mulf %mul3A_36, %slice3A_35 : vector<512x16xf32>
    %add3A_38 = arith.addf %add3A_33, %mul3A_37 : vector<512x16xf32>
    %slice3A_39 = vector.extract_strided_slice %get3A_19 {offsets = [0, 4], sizes = [512, 1], strides = [1, 1]} : vector<512x32xf32> to vector<512x1xf32>
    %slice3A_40 = vector.extract_strided_slice %mul3A_16 {offsets = [0, 0], sizes = [512, 16], strides = [1, 1]} : vector<512x64xf32> to vector<512x16xf32>
    %mul3A_41 = vector.broadcast %slice3A_39 : vector<512x1xf32> to vector<512x16xf32>
    %mul3A_42 = arith.mulf %mul3A_41, %slice3A_40 : vector<512x16xf32>
    %slice3A_43 = vector.extract_strided_slice %get3A_19 {offsets = [0, 5], sizes = [512, 1], strides = [1, 1]} : vector<512x32xf32> to vector<512x1xf32>
    %slice3A_44 = vector.extract_strided_slice %mul3A_16 {offsets = [0, 16], sizes = [512, 16], strides = [1, 1]} : vector<512x64xf32> to vector<512x16xf32>
    %mul3A_45 = vector.broadcast %slice3A_43 : vector<512x1xf32> to vector<512x16xf32>
    %mul3A_46 = arith.mulf %mul3A_45, %slice3A_44 : vector<512x16xf32>
    %add3A_47 = arith.addf %mul3A_42, %mul3A_46 : vector<512x16xf32>
    %slice3A_48 = vector.extract_strided_slice %get3A_19 {offsets = [0, 6], sizes = [512, 1], strides = [1, 1]} : vector<512x32xf32> to vector<512x1xf32>
    %slice3A_49 = vector.extract_strided_slice %mul3A_16 {offsets = [0, 32], sizes = [512, 16], strides = [1, 1]} : vector<512x64xf32> to vector<512x16xf32>
    %mul3A_50 = vector.broadcast %slice3A_48 : vector<512x1xf32> to vector<512x16xf32>
    %mul3A_51 = arith.mulf %mul3A_50, %slice3A_49 : vector<512x16xf32>
    %add3A_52 = arith.addf %add3A_47, %mul3A_51 : vector<512x16xf32>
    %slice3A_53 = vector.extract_strided_slice %get3A_19 {offsets = [0, 7], sizes = [512, 1], strides = [1, 1]} : vector<512x32xf32> to vector<512x1xf32>
    %slice3A_54 = vector.extract_strided_slice %mul3A_16 {offsets = [0, 48], sizes = [512, 16], strides = [1, 1]} : vector<512x64xf32> to vector<512x16xf32>
    %mul3A_55 = vector.broadcast %slice3A_53 : vector<512x1xf32> to vector<512x16xf32>
    %mul3A_56 = arith.mulf %mul3A_55, %slice3A_54 : vector<512x16xf32>
    %add3A_57 = arith.addf %add3A_52, %mul3A_56 : vector<512x16xf32>
    %slice3A_58 = vector.extract_strided_slice %get3A_19 {offsets = [0, 8], sizes = [512, 1], strides = [1, 1]} : vector<512x32xf32> to vector<512x1xf32>
    %slice3A_59 = vector.extract_strided_slice %mul3A_16 {offsets = [0, 0], sizes = [512, 16], strides = [1, 1]} : vector<512x64xf32> to vector<512x16xf32>
    %mul3A_60 = vector.broadcast %slice3A_58 : vector<512x1xf32> to vector<512x16xf32>
    %mul3A_61 = arith.mulf %mul3A_60, %slice3A_59 : vector<512x16xf32>
    %slice3A_62 = vector.extract_strided_slice %get3A_19 {offsets = [0, 9], sizes = [512, 1], strides = [1, 1]} : vector<512x32xf32> to vector<512x1xf32>
    %slice3A_63 = vector.extract_strided_slice %mul3A_16 {offsets = [0, 16], sizes = [512, 16], strides = [1, 1]} : vector<512x64xf32> to vector<512x16xf32>
    %mul3A_64 = vector.broadcast %slice3A_62 : vector<512x1xf32> to vector<512x16xf32>
    %mul3A_65 = arith.mulf %mul3A_64, %slice3A_63 : vector<512x16xf32>
    %add3A_66 = arith.addf %mul3A_61, %mul3A_65 : vector<512x16xf32>
    %slice3A_67 = vector.extract_strided_slice %get3A_19 {offsets = [0, 10], sizes = [512, 1], strides = [1, 1]} : vector<512x32xf32> to vector<512x1xf32>
    %slice3A_68 = vector.extract_strided_slice %mul3A_16 {offsets = [0, 32], sizes = [512, 16], strides = [1, 1]} : vector<512x64xf32> to vector<512x16xf32>
    %mul3A_69 = vector.broadcast %slice3A_67 : vector<512x1xf32> to vector<512x16xf32>
    %mul3A_70 = arith.mulf %mul3A_69, %slice3A_68 : vector<512x16xf32>
    %add3A_71 = arith.addf %add3A_66, %mul3A_70 : vector<512x16xf32>
    %slice3A_72 = vector.extract_strided_slice %get3A_19 {offsets = [0, 11], sizes = [512, 1], strides = [1, 1]} : vector<512x32xf32> to vector<512x1xf32>
    %slice3A_73 = vector.extract_strided_slice %mul3A_16 {offsets = [0, 48], sizes = [512, 16], strides = [1, 1]} : vector<512x64xf32> to vector<512x16xf32>
    %mul3A_74 = vector.broadcast %slice3A_72 : vector<512x1xf32> to vector<512x16xf32>
    %mul3A_75 = arith.mulf %mul3A_74, %slice3A_73 : vector<512x16xf32>
    %add3A_76 = arith.addf %add3A_71, %mul3A_75 : vector<512x16xf32>
    %slice3A_77 = vector.extract_strided_slice %get3A_19 {offsets = [0, 12], sizes = [512, 1], strides = [1, 1]} : vector<512x32xf32> to vector<512x1xf32>
    %slice3A_78 = vector.extract_strided_slice %mul3A_16 {offsets = [0, 0], sizes = [512, 16], strides = [1, 1]} : vector<512x64xf32> to vector<512x16xf32>
    %mul3A_79 = vector.broadcast %slice3A_77 : vector<512x1xf32> to vector<512x16xf32>
    %mul3A_80 = arith.mulf %mul3A_79, %slice3A_78 : vector<512x16xf32>
    %slice3A_81 = vector.extract_strided_slice %get3A_19 {offsets = [0, 13], sizes = [512, 1], strides = [1, 1]} : vector<512x32xf32> to vector<512x1xf32>
    %slice3A_82 = vector.extract_strided_slice %mul3A_16 {offsets = [0, 16], sizes = [512, 16], strides = [1, 1]} : vector<512x64xf32> to vector<512x16xf32>
    %mul3A_83 = vector.broadcast %slice3A_81 : vector<512x1xf32> to vector<512x16xf32>
    %mul3A_84 = arith.mulf %mul3A_83, %slice3A_82 : vector<512x16xf32>
    %add3A_85 = arith.addf %mul3A_80, %mul3A_84 : vector<512x16xf32>
    %slice3A_86 = vector.extract_strided_slice %get3A_19 {offsets = [0, 14], sizes = [512, 1], strides = [1, 1]} : vector<512x32xf32> to vector<512x1xf32>
    %slice3A_87 = vector.extract_strided_slice %mul3A_16 {offsets = [0, 32], sizes = [512, 16], strides = [1, 1]} : vector<512x64xf32> to vector<512x16xf32>
    %mul3A_88 = vector.broadcast %slice3A_86 : vector<512x1xf32> to vector<512x16xf32>
    %mul3A_89 = arith.mulf %mul3A_88, %slice3A_87 : vector<512x16xf32>
    %add3A_90 = arith.addf %add3A_85, %mul3A_89 : vector<512x16xf32>
    %slice3A_91 = vector.extract_strided_slice %get3A_19 {offsets = [0, 15], sizes = [512, 1], strides = [1, 1]} : vector<512x32xf32> to vector<512x1xf32>
    %slice3A_92 = vector.extract_strided_slice %mul3A_16 {offsets = [0, 48], sizes = [512, 16], strides = [1, 1]} : vector<512x64xf32> to vector<512x16xf32>
    %mul3A_93 = vector.broadcast %slice3A_91 : vector<512x1xf32> to vector<512x16xf32>
    %mul3A_94 = arith.mulf %mul3A_93, %slice3A_92 : vector<512x16xf32>
    %add3A_95 = arith.addf %add3A_90, %mul3A_94 : vector<512x16xf32>
    %slice3A_96 = vector.extract_strided_slice %get3A_19 {offsets = [0, 16], sizes = [512, 1], strides = [1, 1]} : vector<512x32xf32> to vector<512x1xf32>
    %slice3A_97 = vector.extract_strided_slice %mul3A_16 {offsets = [0, 0], sizes = [512, 16], strides = [1, 1]} : vector<512x64xf32> to vector<512x16xf32>
    %mul3A_98 = vector.broadcast %slice3A_96 : vector<512x1xf32> to vector<512x16xf32>
    %mul3A_99 = arith.mulf %mul3A_98, %slice3A_97 : vector<512x16xf32>
    %slice3A_100 = vector.extract_strided_slice %get3A_19 {offsets = [0, 17], sizes = [512, 1], strides = [1, 1]} : vector<512x32xf32> to vector<512x1xf32>
    %slice3A_101 = vector.extract_strided_slice %mul3A_16 {offsets = [0, 16], sizes = [512, 16], strides = [1, 1]} : vector<512x64xf32> to vector<512x16xf32>
    %mul3A_102 = vector.broadcast %slice3A_100 : vector<512x1xf32> to vector<512x16xf32>
    %mul3A_103 = arith.mulf %mul3A_102, %slice3A_101 : vector<512x16xf32>
    %add3A_104 = arith.addf %mul3A_99, %mul3A_103 : vector<512x16xf32>
    %slice3A_105 = vector.extract_strided_slice %get3A_19 {offsets = [0, 18], sizes = [512, 1], strides = [1, 1]} : vector<512x32xf32> to vector<512x1xf32>
    %slice3A_106 = vector.extract_strided_slice %mul3A_16 {offsets = [0, 32], sizes = [512, 16], strides = [1, 1]} : vector<512x64xf32> to vector<512x16xf32>
    %mul3A_107 = vector.broadcast %slice3A_105 : vector<512x1xf32> to vector<512x16xf32>
    %mul3A_108 = arith.mulf %mul3A_107, %slice3A_106 : vector<512x16xf32>
    %add3A_109 = arith.addf %add3A_104, %mul3A_108 : vector<512x16xf32>
    %slice3A_110 = vector.extract_strided_slice %get3A_19 {offsets = [0, 19], sizes = [512, 1], strides = [1, 1]} : vector<512x32xf32> to vector<512x1xf32>
    %slice3A_111 = vector.extract_strided_slice %mul3A_16 {offsets = [0, 48], sizes = [512, 16], strides = [1, 1]} : vector<512x64xf32> to vector<512x16xf32>
    %mul3A_112 = vector.broadcast %slice3A_110 : vector<512x1xf32> to vector<512x16xf32>
    %mul3A_113 = arith.mulf %mul3A_112, %slice3A_111 : vector<512x16xf32>
    %add3A_114 = arith.addf %add3A_109, %mul3A_113 : vector<512x16xf32>
    %slice3A_115 = vector.extract_strided_slice %get3A_19 {offsets = [0, 20], sizes = [512, 1], strides = [1, 1]} : vector<512x32xf32> to vector<512x1xf32>
    %slice3A_116 = vector.extract_strided_slice %mul3A_16 {offsets = [0, 0], sizes = [512, 16], strides = [1, 1]} : vector<512x64xf32> to vector<512x16xf32>
    %mul3A_117 = vector.broadcast %slice3A_115 : vector<512x1xf32> to vector<512x16xf32>
    %mul3A_118 = arith.mulf %mul3A_117, %slice3A_116 : vector<512x16xf32>
    %slice3A_119 = vector.extract_strided_slice %get3A_19 {offsets = [0, 21], sizes = [512, 1], strides = [1, 1]} : vector<512x32xf32> to vector<512x1xf32>
    %slice3A_120 = vector.extract_strided_slice %mul3A_16 {offsets = [0, 16], sizes = [512, 16], strides = [1, 1]} : vector<512x64xf32> to vector<512x16xf32>
    %mul3A_121 = vector.broadcast %slice3A_119 : vector<512x1xf32> to vector<512x16xf32>
    %mul3A_122 = arith.mulf %mul3A_121, %slice3A_120 : vector<512x16xf32>
    %add3A_123 = arith.addf %mul3A_118, %mul3A_122 : vector<512x16xf32>
    %slice3A_124 = vector.extract_strided_slice %get3A_19 {offsets = [0, 22], sizes = [512, 1], strides = [1, 1]} : vector<512x32xf32> to vector<512x1xf32>
    %slice3A_125 = vector.extract_strided_slice %mul3A_16 {offsets = [0, 32], sizes = [512, 16], strides = [1, 1]} : vector<512x64xf32> to vector<512x16xf32>
    %mul3A_126 = vector.broadcast %slice3A_124 : vector<512x1xf32> to vector<512x16xf32>
    %mul3A_127 = arith.mulf %mul3A_126, %slice3A_125 : vector<512x16xf32>
    %add3A_128 = arith.addf %add3A_123, %mul3A_127 : vector<512x16xf32>
    %slice3A_129 = vector.extract_strided_slice %get3A_19 {offsets = [0, 23], sizes = [512, 1], strides = [1, 1]} : vector<512x32xf32> to vector<512x1xf32>
    %slice3A_130 = vector.extract_strided_slice %mul3A_16 {offsets = [0, 48], sizes = [512, 16], strides = [1, 1]} : vector<512x64xf32> to vector<512x16xf32>
    %mul3A_131 = vector.broadcast %slice3A_129 : vector<512x1xf32> to vector<512x16xf32>
    %mul3A_132 = arith.mulf %mul3A_131, %slice3A_130 : vector<512x16xf32>
    %add3A_133 = arith.addf %add3A_128, %mul3A_132 : vector<512x16xf32>
    %slice3A_134 = vector.extract_strided_slice %get3A_19 {offsets = [0, 24], sizes = [512, 1], strides = [1, 1]} : vector<512x32xf32> to vector<512x1xf32>
    %slice3A_135 = vector.extract_strided_slice %mul3A_16 {offsets = [0, 0], sizes = [512, 16], strides = [1, 1]} : vector<512x64xf32> to vector<512x16xf32>
    %mul3A_136 = vector.broadcast %slice3A_134 : vector<512x1xf32> to vector<512x16xf32>
    %mul3A_137 = arith.mulf %mul3A_136, %slice3A_135 : vector<512x16xf32>
    %slice3A_138 = vector.extract_strided_slice %get3A_19 {offsets = [0, 25], sizes = [512, 1], strides = [1, 1]} : vector<512x32xf32> to vector<512x1xf32>
    %slice3A_139 = vector.extract_strided_slice %mul3A_16 {offsets = [0, 16], sizes = [512, 16], strides = [1, 1]} : vector<512x64xf32> to vector<512x16xf32>
    %mul3A_140 = vector.broadcast %slice3A_138 : vector<512x1xf32> to vector<512x16xf32>
    %mul3A_141 = arith.mulf %mul3A_140, %slice3A_139 : vector<512x16xf32>
    %add3A_142 = arith.addf %mul3A_137, %mul3A_141 : vector<512x16xf32>
    %slice3A_143 = vector.extract_strided_slice %get3A_19 {offsets = [0, 26], sizes = [512, 1], strides = [1, 1]} : vector<512x32xf32> to vector<512x1xf32>
    %slice3A_144 = vector.extract_strided_slice %mul3A_16 {offsets = [0, 32], sizes = [512, 16], strides = [1, 1]} : vector<512x64xf32> to vector<512x16xf32>
    %mul3A_145 = vector.broadcast %slice3A_143 : vector<512x1xf32> to vector<512x16xf32>
    %mul3A_146 = arith.mulf %mul3A_145, %slice3A_144 : vector<512x16xf32>
    %add3A_147 = arith.addf %add3A_142, %mul3A_146 : vector<512x16xf32>
    %slice3A_148 = vector.extract_strided_slice %get3A_19 {offsets = [0, 27], sizes = [512, 1], strides = [1, 1]} : vector<512x32xf32> to vector<512x1xf32>
    %slice3A_149 = vector.extract_strided_slice %mul3A_16 {offsets = [0, 48], sizes = [512, 16], strides = [1, 1]} : vector<512x64xf32> to vector<512x16xf32>
    %mul3A_150 = vector.broadcast %slice3A_148 : vector<512x1xf32> to vector<512x16xf32>
    %mul3A_151 = arith.mulf %mul3A_150, %slice3A_149 : vector<512x16xf32>
    %add3A_152 = arith.addf %add3A_147, %mul3A_151 : vector<512x16xf32>
    %slice3A_153 = vector.extract_strided_slice %get3A_19 {offsets = [0, 28], sizes = [512, 1], strides = [1, 1]} : vector<512x32xf32> to vector<512x1xf32>
    %slice3A_154 = vector.extract_strided_slice %mul3A_16 {offsets = [0, 0], sizes = [512, 16], strides = [1, 1]} : vector<512x64xf32> to vector<512x16xf32>
    %mul3A_155 = vector.broadcast %slice3A_153 : vector<512x1xf32> to vector<512x16xf32>
    %mul3A_156 = arith.mulf %mul3A_155, %slice3A_154 : vector<512x16xf32>
    %slice3A_157 = vector.extract_strided_slice %get3A_19 {offsets = [0, 29], sizes = [512, 1], strides = [1, 1]} : vector<512x32xf32> to vector<512x1xf32>
    %slice3A_158 = vector.extract_strided_slice %mul3A_16 {offsets = [0, 16], sizes = [512, 16], strides = [1, 1]} : vector<512x64xf32> to vector<512x16xf32>
    %mul3A_159 = vector.broadcast %slice3A_157 : vector<512x1xf32> to vector<512x16xf32>
    %mul3A_160 = arith.mulf %mul3A_159, %slice3A_158 : vector<512x16xf32>
    %add3A_161 = arith.addf %mul3A_156, %mul3A_160 : vector<512x16xf32>
    %slice3A_162 = vector.extract_strided_slice %get3A_19 {offsets = [0, 30], sizes = [512, 1], strides = [1, 1]} : vector<512x32xf32> to vector<512x1xf32>
    %slice3A_163 = vector.extract_strided_slice %mul3A_16 {offsets = [0, 32], sizes = [512, 16], strides = [1, 1]} : vector<512x64xf32> to vector<512x16xf32>
    %mul3A_164 = vector.broadcast %slice3A_162 : vector<512x1xf32> to vector<512x16xf32>
    %mul3A_165 = arith.mulf %mul3A_164, %slice3A_163 : vector<512x16xf32>
    %add3A_166 = arith.addf %add3A_161, %mul3A_165 : vector<512x16xf32>
    %slice3A_167 = vector.extract_strided_slice %get3A_19 {offsets = [0, 31], sizes = [512, 1], strides = [1, 1]} : vector<512x32xf32> to vector<512x1xf32>
    %slice3A_168 = vector.extract_strided_slice %mul3A_16 {offsets = [0, 48], sizes = [512, 16], strides = [1, 1]} : vector<512x64xf32> to vector<512x16xf32>
    %mul3A_169 = vector.broadcast %slice3A_167 : vector<512x1xf32> to vector<512x16xf32>
    %mul3A_170 = arith.mulf %mul3A_169, %slice3A_168 : vector<512x16xf32>
    %add3A_171 = arith.addf %add3A_166, %mul3A_170 : vector<512x16xf32>
    %concatenate3A = tpu.concatenate %add3A_38, %add3A_57, %add3A_76, %add3A_95, %add3A_114, %add3A_133, %add3A_152, %add3A_171 in 1 : vector<512x16xf32>, vector<512x16xf32>, vector<512x16xf32>, vector<512x16xf32>, vector<512x16xf32>, vector<512x16xf32>, vector<512x16xf32>, vector<512x16xf32> -> vector<512x128xf32>
    %get3A_172 = arith.constant 0 : index
    %get3A_173 = arith.constant 0 : index
    %get3A_174 = vector.load %arg6[%get3A_172, %get3A_173] : memref<1x128xf32, #tpu.memory_space<vmem>>, vector<1x128xf32>
    %add3A_175 = vector.broadcast %get3A_174 : vector<1x128xf32> to vector<512x128xf32>
    %add3A_176 = arith.addf %concatenate3A, %add3A_175 : vector<512x128xf32>
    %max3A = arith.constant 0.000000e+00 : f32
    %max3A_177 = vector.broadcast %max3A : f32 to vector<512x128xf32>
    %max3A_178 = arith.maximumf %add3A_176, %max3A_177 : vector<512x128xf32>
    %get3A_179 = arith.constant 0 : index
    %get3A_180 = arith.constant 0 : index
    %get3A_181 = vector.load %arg7[%get3A_179, %get3A_180] : memref<128x96xf32, #tpu.memory_space<vmem>>, vector<128x96xf32>
    %dot_general3A = arith.constant dense<0.000000e+00> : vector<512x96xf32>
    %dot_general3A_182 = tpu.matmul %max3A_178, %get3A_181, %dot_general3A {dimension_numbers = #tpu.dot_dimension_numbers<[1], [0], [0], [1], [0, 0, 1, 1], [], []>, transpose_lhs_hint = false} : vector<512x128xf32>, vector<128x96xf32>, vector<512x96xf32> -> vector<512x96xf32>
    %slice3A_183 = vector.extract_strided_slice %dot_general3A_182 {offsets = [0, 0], sizes = [512, 64], strides = [1, 1]} : vector<512x96xf32> to vector<512x64xf32>
    %mul3A_184 = vector.broadcast %rsqrt3A : vector<512x1xf32> to vector<512x64xf32>
    %mul3A_185 = arith.mulf %slice3A_183, %mul3A_184 : vector<512x64xf32>
    %swap3A = arith.constant 0 : index
    %swap3A_186 = arith.constant 0 : index
    %swap3A_187 = vector.load %arg9[%swap3A, %swap3A_186] : memref<512x64xf32, #tpu.memory_space<vmem>>, vector<512x64xf32>
    tpu.vector_store %arg9[%swap3A, %swap3A_186], %mul3A_185 {strides = array<i32>} : memref<512x64xf32, #tpu.memory_space<vmem>>, vector<512x64xf32>,
    %slice3A_188 = vector.extract_strided_slice %dot_general3A_182 {offsets = [0, 64], sizes = [512, 32], strides = [1, 1]} : vector<512x96xf32> to vector<512x32xf32>
    %get3A_189 = arith.constant 0 : index
    %get3A_190 = arith.constant 0 : index
    %get3A_191 = vector.load %arg8[%get3A_189, %get3A_190] : memref<1x32xf32, #tpu.memory_space<vmem>>, vector<1x32xf32>
    %add3A_192 = vector.broadcast %get3A_191 : vector<1x32xf32> to vector<512x32xf32>
    %add3A_193 = arith.addf %slice3A_188, %add3A_192 : vector<512x32xf32>
    %swap3A_194 = arith.constant 0 : index
    %swap3A_195 = arith.constant 0 : index
    %swap3A_196 = vector.load %arg10[%swap3A_194, %swap3A_195] : memref<512x32xf32, #tpu.memory_space<vmem>>, vector<512x32xf32>
    tpu.vector_store %arg10[%swap3A_194, %swap3A_195], %add3A_193 {strides = array<i32>} : memref<512x32xf32, #tpu.memory_space<vmem>>, vector<512x32xf32>,
    return
  }
  func.func @transform_0(%arg0: i32) -> (i32, i32) {
    %c0_i32 = arith.constant 0 : i32
    %c0_i32_0 = arith.constant 0 : i32
    return %arg0, %c0_i32 : i32, i32
  }
  func.func @transform_1(%arg0: i32) -> (i32, i32) {
    %c0_i32 = arith.constant 0 : i32
    %c0_i32_0 = arith.constant 0 : i32
    return %arg0, %c0_i32 : i32, i32
  }
  func.func @transform_2(%arg0: i32) -> (i32, i32) {
    %c0_i32 = arith.constant 0 : i32
    %c0_i32_0 = arith.constant 0 : i32
    return %arg0, %c0_i32 : i32, i32
  }
  func.func @transform_3(%arg0: i32) -> (i32, i32) {
    %c0_i32 = arith.constant 0 : i32
    %c0_i32_0 = arith.constant 0 : i32
    return %arg0, %c0_i32 : i32, i32
  }
  func.func @transform_4(%arg0: i32) -> (i32, i32) {
    %c0_i32 = arith.constant 0 : i32
    %c0_i32_0 = arith.constant 0 : i32
    return %arg0, %c0_i32 : i32, i32
  }
  func.func @transform_5(%arg0: i32) -> (i32, i32) {
    %c0_i32 = arith.constant 0 : i32
    %c0_i32_0 = arith.constant 0 : i32
    %c0_i32_1 = arith.constant 0 : i32
    return %c0_i32, %c0_i32_0 : i32, i32
  }
  func.func @transform_6(%arg0: i32) -> (i32, i32) {
    %c0_i32 = arith.constant 0 : i32
    %c0_i32_0 = arith.constant 0 : i32
    %c0_i32_1 = arith.constant 0 : i32
    return %c0_i32, %c0_i32_0 : i32, i32
  }
  func.func @transform_7(%arg0: i32) -> (i32, i32) {
    %c0_i32 = arith.constant 0 : i32
    %c0_i32_0 = arith.constant 0 : i32
    %c0_i32_1 = arith.constant 0 : i32
    return %c0_i32, %c0_i32_0 : i32, i32
  }
  func.func @transform_8(%arg0: i32) -> (i32, i32) {
    %c0_i32 = arith.constant 0 : i32
    %c0_i32_0 = arith.constant 0 : i32
    return %arg0, %c0_i32 : i32, i32
  }
  func.func @transform_9(%arg0: i32) -> (i32, i32) {
    %c0_i32 = arith.constant 0 : i32
    %c0_i32_0 = arith.constant 0 : i32
    return %arg0, %c0_i32 : i32, i32
  }
}

module attributes {stable_mosaic.version = 14 : i64} {
  func.func @_mid_body(%arg0: i32, %arg1: memref<512x64xf32, #tpu.memory_space<vmem>>, %arg2: memref<512x64xf32, #tpu.memory_space<vmem>>, %arg3: memref<512x64xf32, #tpu.memory_space<vmem>>, %arg4: memref<512x32xf32, #tpu.memory_space<vmem>>, %arg5: memref<512x2xf32, #tpu.memory_space<vmem>>, %arg6: memref<1x128xf32, #tpu.memory_space<vmem>>, %arg7: memref<128x224xf32, #tpu.memory_space<vmem>>, %arg8: memref<1x32xf32, #tpu.memory_space<vmem>>, %arg9: memref<2x512x96xf32, #tpu.memory_space<vmem>>, %arg10: memref<512x32xf32, #tpu.memory_space<vmem>>) attributes {dimension_semantics = [#tpu.dimension_semantics<arbitrary>], iteration_bounds = array<i64: 20>, scalar_prefetch = 0 : i64, scratch_operands = 0 : i64, tpu.core_type = #tpu.core_type<tc>, window_params = [{transform_indices = @transform_0, window_bounds = array<i64: 512, 64>}, {transform_indices = @transform_1, window_bounds = array<i64: 512, 64>}, {transform_indices = @transform_2, window_bounds = array<i64: 512, 64>}, {transform_indices = @transform_3, window_bounds = array<i64: 512, 32>}, {transform_indices = @transform_4, window_bounds = array<i64: 512, 2>}, {pipeline_mode = #tpu.pipeline_mode<synchronous>, transform_indices = @transform_5, window_bounds = array<i64: 1, 128>}, {pipeline_mode = #tpu.pipeline_mode<synchronous>, transform_indices = @transform_6, window_bounds = array<i64: 128, 224>}, {pipeline_mode = #tpu.pipeline_mode<synchronous>, transform_indices = @transform_7, window_bounds = array<i64: 1, 32>}, {transform_indices = @transform_8, window_bounds = array<i64: 2, 512, 96>}, {transform_indices = @transform_9, window_bounds = array<i64: 512, 32>}]} {
    %get3A = arith.constant 0 : index
    %get3A_0 = arith.constant 0 : index
    %get3A_1 = vector.load %arg5[%get3A, %get3A_0] : memref<512x2xf32, #tpu.memory_space<vmem>>, vector<512x2xf32>
    %slice3A = vector.extract_strided_slice %get3A_1 {offsets = [0, 0], sizes = [512, 1], strides = [1, 1]} : vector<512x2xf32> to vector<512x1xf32>
    %add3A = arith.constant 1.000000e+00 : f32
    %add3A_2 = vector.broadcast %add3A : f32 to vector<512x1xf32>
    %add3A_3 = arith.addf %add3A_2, %slice3A : vector<512x1xf32>
    %slice3A_4 = vector.extract_strided_slice %get3A_1 {offsets = [0, 1], sizes = [512, 1], strides = [1, 1]} : vector<512x2xf32> to vector<512x1xf32>
    %add3A_5 = arith.addf %add3A_3, %slice3A_4 : vector<512x1xf32>
    %rsqrt3A = math.rsqrt %add3A_5 : vector<512x1xf32>
    %get3A_6 = arith.constant 0 : index
    %get3A_7 = arith.constant 0 : index
    %get3A_8 = vector.load %arg1[%get3A_6, %get3A_7] : memref<512x64xf32, #tpu.memory_space<vmem>>, vector<512x64xf32>
    %get3A_9 = arith.constant 0 : index
    %get3A_10 = arith.constant 0 : index
    %get3A_11 = vector.load %arg2[%get3A_9, %get3A_10] : memref<512x64xf32, #tpu.memory_space<vmem>>, vector<512x64xf32>
    %add3A_12 = arith.addf %get3A_8, %get3A_11 : vector<512x64xf32>
    %get3A_13 = arith.constant 0 : index
    %get3A_14 = arith.constant 0 : index
    %get3A_15 = vector.load %arg3[%get3A_13, %get3A_14] : memref<512x64xf32, #tpu.memory_space<vmem>>, vector<512x64xf32>
    %sub3A = arith.subf %add3A_12, %get3A_15 : vector<512x64xf32>
    %mul3A = vector.broadcast %rsqrt3A : vector<512x1xf32> to vector<512x64xf32>
    %mul3A_16 = arith.mulf %sub3A, %mul3A : vector<512x64xf32>
    %get3A_17 = arith.constant 0 : index
    %get3A_18 = arith.constant 0 : index
    %get3A_19 = vector.load %arg4[%get3A_17, %get3A_18] : memref<512x32xf32, #tpu.memory_space<vmem>>, vector<512x32xf32>
    %slice3A_20 = vector.extract_strided_slice %get3A_19 {offsets = [0, 0], sizes = [512, 1], strides = [1, 1]} : vector<512x32xf32> to vector<512x1xf32>
    %slice3A_21 = vector.extract_strided_slice %mul3A_16 {offsets = [0, 0], sizes = [512, 16], strides = [1, 1]} : vector<512x64xf32> to vector<512x16xf32>
    %mul3A_22 = vector.broadcast %slice3A_20 : vector<512x1xf32> to vector<512x16xf32>
    %mul3A_23 = arith.mulf %mul3A_22, %slice3A_21 : vector<512x16xf32>
    %slice3A_24 = vector.extract_strided_slice %get3A_19 {offsets = [0, 1], sizes = [512, 1], strides = [1, 1]} : vector<512x32xf32> to vector<512x1xf32>
    %slice3A_25 = vector.extract_strided_slice %mul3A_16 {offsets = [0, 16], sizes = [512, 16], strides = [1, 1]} : vector<512x64xf32> to vector<512x16xf32>
    %mul3A_26 = vector.broadcast %slice3A_24 : vector<512x1xf32> to vector<512x16xf32>
    %mul3A_27 = arith.mulf %mul3A_26, %slice3A_25 : vector<512x16xf32>
    %add3A_28 = arith.addf %mul3A_23, %mul3A_27 : vector<512x16xf32>
    %slice3A_29 = vector.extract_strided_slice %get3A_19 {offsets = [0, 2], sizes = [512, 1], strides = [1, 1]} : vector<512x32xf32> to vector<512x1xf32>
    %slice3A_30 = vector.extract_strided_slice %mul3A_16 {offsets = [0, 32], sizes = [512, 16], strides = [1, 1]} : vector<512x64xf32> to vector<512x16xf32>
    %mul3A_31 = vector.broadcast %slice3A_29 : vector<512x1xf32> to vector<512x16xf32>
    %mul3A_32 = arith.mulf %mul3A_31, %slice3A_30 : vector<512x16xf32>
    %add3A_33 = arith.addf %add3A_28, %mul3A_32 : vector<512x16xf32>
    %slice3A_34 = vector.extract_strided_slice %get3A_19 {offsets = [0, 3], sizes = [512, 1], strides = [1, 1]} : vector<512x32xf32> to vector<512x1xf32>
    %slice3A_35 = vector.extract_strided_slice %mul3A_16 {offsets = [0, 48], sizes = [512, 16], strides = [1, 1]} : vector<512x64xf32> to vector<512x16xf32>
    %mul3A_36 = vector.broadcast %slice3A_34 : vector<512x1xf32> to vector<512x16xf32>
    %mul3A_37 = arith.mulf %mul3A_36, %slice3A_35 : vector<512x16xf32>
    %add3A_38 = arith.addf %add3A_33, %mul3A_37 : vector<512x16xf32>
    %slice3A_39 = vector.extract_strided_slice %get3A_19 {offsets = [0, 4], sizes = [512, 1], strides = [1, 1]} : vector<512x32xf32> to vector<512x1xf32>
    %slice3A_40 = vector.extract_strided_slice %mul3A_16 {offsets = [0, 0], sizes = [512, 16], strides = [1, 1]} : vector<512x64xf32> to vector<512x16xf32>
    %mul3A_41 = vector.broadcast %slice3A_39 : vector<512x1xf32> to vector<512x16xf32>
    %mul3A_42 = arith.mulf %mul3A_41, %slice3A_40 : vector<512x16xf32>
    %slice3A_43 = vector.extract_strided_slice %get3A_19 {offsets = [0, 5], sizes = [512, 1], strides = [1, 1]} : vector<512x32xf32> to vector<512x1xf32>
    %slice3A_44 = vector.extract_strided_slice %mul3A_16 {offsets = [0, 16], sizes = [512, 16], strides = [1, 1]} : vector<512x64xf32> to vector<512x16xf32>
    %mul3A_45 = vector.broadcast %slice3A_43 : vector<512x1xf32> to vector<512x16xf32>
    %mul3A_46 = arith.mulf %mul3A_45, %slice3A_44 : vector<512x16xf32>
    %add3A_47 = arith.addf %mul3A_42, %mul3A_46 : vector<512x16xf32>
    %slice3A_48 = vector.extract_strided_slice %get3A_19 {offsets = [0, 6], sizes = [512, 1], strides = [1, 1]} : vector<512x32xf32> to vector<512x1xf32>
    %slice3A_49 = vector.extract_strided_slice %mul3A_16 {offsets = [0, 32], sizes = [512, 16], strides = [1, 1]} : vector<512x64xf32> to vector<512x16xf32>
    %mul3A_50 = vector.broadcast %slice3A_48 : vector<512x1xf32> to vector<512x16xf32>
    %mul3A_51 = arith.mulf %mul3A_50, %slice3A_49 : vector<512x16xf32>
    %add3A_52 = arith.addf %add3A_47, %mul3A_51 : vector<512x16xf32>
    %slice3A_53 = vector.extract_strided_slice %get3A_19 {offsets = [0, 7], sizes = [512, 1], strides = [1, 1]} : vector<512x32xf32> to vector<512x1xf32>
    %slice3A_54 = vector.extract_strided_slice %mul3A_16 {offsets = [0, 48], sizes = [512, 16], strides = [1, 1]} : vector<512x64xf32> to vector<512x16xf32>
    %mul3A_55 = vector.broadcast %slice3A_53 : vector<512x1xf32> to vector<512x16xf32>
    %mul3A_56 = arith.mulf %mul3A_55, %slice3A_54 : vector<512x16xf32>
    %add3A_57 = arith.addf %add3A_52, %mul3A_56 : vector<512x16xf32>
    %slice3A_58 = vector.extract_strided_slice %get3A_19 {offsets = [0, 8], sizes = [512, 1], strides = [1, 1]} : vector<512x32xf32> to vector<512x1xf32>
    %slice3A_59 = vector.extract_strided_slice %mul3A_16 {offsets = [0, 0], sizes = [512, 16], strides = [1, 1]} : vector<512x64xf32> to vector<512x16xf32>
    %mul3A_60 = vector.broadcast %slice3A_58 : vector<512x1xf32> to vector<512x16xf32>
    %mul3A_61 = arith.mulf %mul3A_60, %slice3A_59 : vector<512x16xf32>
    %slice3A_62 = vector.extract_strided_slice %get3A_19 {offsets = [0, 9], sizes = [512, 1], strides = [1, 1]} : vector<512x32xf32> to vector<512x1xf32>
    %slice3A_63 = vector.extract_strided_slice %mul3A_16 {offsets = [0, 16], sizes = [512, 16], strides = [1, 1]} : vector<512x64xf32> to vector<512x16xf32>
    %mul3A_64 = vector.broadcast %slice3A_62 : vector<512x1xf32> to vector<512x16xf32>
    %mul3A_65 = arith.mulf %mul3A_64, %slice3A_63 : vector<512x16xf32>
    %add3A_66 = arith.addf %mul3A_61, %mul3A_65 : vector<512x16xf32>
    %slice3A_67 = vector.extract_strided_slice %get3A_19 {offsets = [0, 10], sizes = [512, 1], strides = [1, 1]} : vector<512x32xf32> to vector<512x1xf32>
    %slice3A_68 = vector.extract_strided_slice %mul3A_16 {offsets = [0, 32], sizes = [512, 16], strides = [1, 1]} : vector<512x64xf32> to vector<512x16xf32>
    %mul3A_69 = vector.broadcast %slice3A_67 : vector<512x1xf32> to vector<512x16xf32>
    %mul3A_70 = arith.mulf %mul3A_69, %slice3A_68 : vector<512x16xf32>
    %add3A_71 = arith.addf %add3A_66, %mul3A_70 : vector<512x16xf32>
    %slice3A_72 = vector.extract_strided_slice %get3A_19 {offsets = [0, 11], sizes = [512, 1], strides = [1, 1]} : vector<512x32xf32> to vector<512x1xf32>
    %slice3A_73 = vector.extract_strided_slice %mul3A_16 {offsets = [0, 48], sizes = [512, 16], strides = [1, 1]} : vector<512x64xf32> to vector<512x16xf32>
    %mul3A_74 = vector.broadcast %slice3A_72 : vector<512x1xf32> to vector<512x16xf32>
    %mul3A_75 = arith.mulf %mul3A_74, %slice3A_73 : vector<512x16xf32>
    %add3A_76 = arith.addf %add3A_71, %mul3A_75 : vector<512x16xf32>
    %slice3A_77 = vector.extract_strided_slice %get3A_19 {offsets = [0, 12], sizes = [512, 1], strides = [1, 1]} : vector<512x32xf32> to vector<512x1xf32>
    %slice3A_78 = vector.extract_strided_slice %mul3A_16 {offsets = [0, 0], sizes = [512, 16], strides = [1, 1]} : vector<512x64xf32> to vector<512x16xf32>
    %mul3A_79 = vector.broadcast %slice3A_77 : vector<512x1xf32> to vector<512x16xf32>
    %mul3A_80 = arith.mulf %mul3A_79, %slice3A_78 : vector<512x16xf32>
    %slice3A_81 = vector.extract_strided_slice %get3A_19 {offsets = [0, 13], sizes = [512, 1], strides = [1, 1]} : vector<512x32xf32> to vector<512x1xf32>
    %slice3A_82 = vector.extract_strided_slice %mul3A_16 {offsets = [0, 16], sizes = [512, 16], strides = [1, 1]} : vector<512x64xf32> to vector<512x16xf32>
    %mul3A_83 = vector.broadcast %slice3A_81 : vector<512x1xf32> to vector<512x16xf32>
    %mul3A_84 = arith.mulf %mul3A_83, %slice3A_82 : vector<512x16xf32>
    %add3A_85 = arith.addf %mul3A_80, %mul3A_84 : vector<512x16xf32>
    %slice3A_86 = vector.extract_strided_slice %get3A_19 {offsets = [0, 14], sizes = [512, 1], strides = [1, 1]} : vector<512x32xf32> to vector<512x1xf32>
    %slice3A_87 = vector.extract_strided_slice %mul3A_16 {offsets = [0, 32], sizes = [512, 16], strides = [1, 1]} : vector<512x64xf32> to vector<512x16xf32>
    %mul3A_88 = vector.broadcast %slice3A_86 : vector<512x1xf32> to vector<512x16xf32>
    %mul3A_89 = arith.mulf %mul3A_88, %slice3A_87 : vector<512x16xf32>
    %add3A_90 = arith.addf %add3A_85, %mul3A_89 : vector<512x16xf32>
    %slice3A_91 = vector.extract_strided_slice %get3A_19 {offsets = [0, 15], sizes = [512, 1], strides = [1, 1]} : vector<512x32xf32> to vector<512x1xf32>
    %slice3A_92 = vector.extract_strided_slice %mul3A_16 {offsets = [0, 48], sizes = [512, 16], strides = [1, 1]} : vector<512x64xf32> to vector<512x16xf32>
    %mul3A_93 = vector.broadcast %slice3A_91 : vector<512x1xf32> to vector<512x16xf32>
    %mul3A_94 = arith.mulf %mul3A_93, %slice3A_92 : vector<512x16xf32>
    %add3A_95 = arith.addf %add3A_90, %mul3A_94 : vector<512x16xf32>
    %slice3A_96 = vector.extract_strided_slice %get3A_19 {offsets = [0, 16], sizes = [512, 1], strides = [1, 1]} : vector<512x32xf32> to vector<512x1xf32>
    %slice3A_97 = vector.extract_strided_slice %mul3A_16 {offsets = [0, 0], sizes = [512, 16], strides = [1, 1]} : vector<512x64xf32> to vector<512x16xf32>
    %mul3A_98 = vector.broadcast %slice3A_96 : vector<512x1xf32> to vector<512x16xf32>
    %mul3A_99 = arith.mulf %mul3A_98, %slice3A_97 : vector<512x16xf32>
    %slice3A_100 = vector.extract_strided_slice %get3A_19 {offsets = [0, 17], sizes = [512, 1], strides = [1, 1]} : vector<512x32xf32> to vector<512x1xf32>
    %slice3A_101 = vector.extract_strided_slice %mul3A_16 {offsets = [0, 16], sizes = [512, 16], strides = [1, 1]} : vector<512x64xf32> to vector<512x16xf32>
    %mul3A_102 = vector.broadcast %slice3A_100 : vector<512x1xf32> to vector<512x16xf32>
    %mul3A_103 = arith.mulf %mul3A_102, %slice3A_101 : vector<512x16xf32>
    %add3A_104 = arith.addf %mul3A_99, %mul3A_103 : vector<512x16xf32>
    %slice3A_105 = vector.extract_strided_slice %get3A_19 {offsets = [0, 18], sizes = [512, 1], strides = [1, 1]} : vector<512x32xf32> to vector<512x1xf32>
    %slice3A_106 = vector.extract_strided_slice %mul3A_16 {offsets = [0, 32], sizes = [512, 16], strides = [1, 1]} : vector<512x64xf32> to vector<512x16xf32>
    %mul3A_107 = vector.broadcast %slice3A_105 : vector<512x1xf32> to vector<512x16xf32>
    %mul3A_108 = arith.mulf %mul3A_107, %slice3A_106 : vector<512x16xf32>
    %add3A_109 = arith.addf %add3A_104, %mul3A_108 : vector<512x16xf32>
    %slice3A_110 = vector.extract_strided_slice %get3A_19 {offsets = [0, 19], sizes = [512, 1], strides = [1, 1]} : vector<512x32xf32> to vector<512x1xf32>
    %slice3A_111 = vector.extract_strided_slice %mul3A_16 {offsets = [0, 48], sizes = [512, 16], strides = [1, 1]} : vector<512x64xf32> to vector<512x16xf32>
    %mul3A_112 = vector.broadcast %slice3A_110 : vector<512x1xf32> to vector<512x16xf32>
    %mul3A_113 = arith.mulf %mul3A_112, %slice3A_111 : vector<512x16xf32>
    %add3A_114 = arith.addf %add3A_109, %mul3A_113 : vector<512x16xf32>
    %slice3A_115 = vector.extract_strided_slice %get3A_19 {offsets = [0, 20], sizes = [512, 1], strides = [1, 1]} : vector<512x32xf32> to vector<512x1xf32>
    %slice3A_116 = vector.extract_strided_slice %mul3A_16 {offsets = [0, 0], sizes = [512, 16], strides = [1, 1]} : vector<512x64xf32> to vector<512x16xf32>
    %mul3A_117 = vector.broadcast %slice3A_115 : vector<512x1xf32> to vector<512x16xf32>
    %mul3A_118 = arith.mulf %mul3A_117, %slice3A_116 : vector<512x16xf32>
    %slice3A_119 = vector.extract_strided_slice %get3A_19 {offsets = [0, 21], sizes = [512, 1], strides = [1, 1]} : vector<512x32xf32> to vector<512x1xf32>
    %slice3A_120 = vector.extract_strided_slice %mul3A_16 {offsets = [0, 16], sizes = [512, 16], strides = [1, 1]} : vector<512x64xf32> to vector<512x16xf32>
    %mul3A_121 = vector.broadcast %slice3A_119 : vector<512x1xf32> to vector<512x16xf32>
    %mul3A_122 = arith.mulf %mul3A_121, %slice3A_120 : vector<512x16xf32>
    %add3A_123 = arith.addf %mul3A_118, %mul3A_122 : vector<512x16xf32>
    %slice3A_124 = vector.extract_strided_slice %get3A_19 {offsets = [0, 22], sizes = [512, 1], strides = [1, 1]} : vector<512x32xf32> to vector<512x1xf32>
    %slice3A_125 = vector.extract_strided_slice %mul3A_16 {offsets = [0, 32], sizes = [512, 16], strides = [1, 1]} : vector<512x64xf32> to vector<512x16xf32>
    %mul3A_126 = vector.broadcast %slice3A_124 : vector<512x1xf32> to vector<512x16xf32>
    %mul3A_127 = arith.mulf %mul3A_126, %slice3A_125 : vector<512x16xf32>
    %add3A_128 = arith.addf %add3A_123, %mul3A_127 : vector<512x16xf32>
    %slice3A_129 = vector.extract_strided_slice %get3A_19 {offsets = [0, 23], sizes = [512, 1], strides = [1, 1]} : vector<512x32xf32> to vector<512x1xf32>
    %slice3A_130 = vector.extract_strided_slice %mul3A_16 {offsets = [0, 48], sizes = [512, 16], strides = [1, 1]} : vector<512x64xf32> to vector<512x16xf32>
    %mul3A_131 = vector.broadcast %slice3A_129 : vector<512x1xf32> to vector<512x16xf32>
    %mul3A_132 = arith.mulf %mul3A_131, %slice3A_130 : vector<512x16xf32>
    %add3A_133 = arith.addf %add3A_128, %mul3A_132 : vector<512x16xf32>
    %slice3A_134 = vector.extract_strided_slice %get3A_19 {offsets = [0, 24], sizes = [512, 1], strides = [1, 1]} : vector<512x32xf32> to vector<512x1xf32>
    %slice3A_135 = vector.extract_strided_slice %mul3A_16 {offsets = [0, 0], sizes = [512, 16], strides = [1, 1]} : vector<512x64xf32> to vector<512x16xf32>
    %mul3A_136 = vector.broadcast %slice3A_134 : vector<512x1xf32> to vector<512x16xf32>
    %mul3A_137 = arith.mulf %mul3A_136, %slice3A_135 : vector<512x16xf32>
    %slice3A_138 = vector.extract_strided_slice %get3A_19 {offsets = [0, 25], sizes = [512, 1], strides = [1, 1]} : vector<512x32xf32> to vector<512x1xf32>
    %slice3A_139 = vector.extract_strided_slice %mul3A_16 {offsets = [0, 16], sizes = [512, 16], strides = [1, 1]} : vector<512x64xf32> to vector<512x16xf32>
    %mul3A_140 = vector.broadcast %slice3A_138 : vector<512x1xf32> to vector<512x16xf32>
    %mul3A_141 = arith.mulf %mul3A_140, %slice3A_139 : vector<512x16xf32>
    %add3A_142 = arith.addf %mul3A_137, %mul3A_141 : vector<512x16xf32>
    %slice3A_143 = vector.extract_strided_slice %get3A_19 {offsets = [0, 26], sizes = [512, 1], strides = [1, 1]} : vector<512x32xf32> to vector<512x1xf32>
    %slice3A_144 = vector.extract_strided_slice %mul3A_16 {offsets = [0, 32], sizes = [512, 16], strides = [1, 1]} : vector<512x64xf32> to vector<512x16xf32>
    %mul3A_145 = vector.broadcast %slice3A_143 : vector<512x1xf32> to vector<512x16xf32>
    %mul3A_146 = arith.mulf %mul3A_145, %slice3A_144 : vector<512x16xf32>
    %add3A_147 = arith.addf %add3A_142, %mul3A_146 : vector<512x16xf32>
    %slice3A_148 = vector.extract_strided_slice %get3A_19 {offsets = [0, 27], sizes = [512, 1], strides = [1, 1]} : vector<512x32xf32> to vector<512x1xf32>
    %slice3A_149 = vector.extract_strided_slice %mul3A_16 {offsets = [0, 48], sizes = [512, 16], strides = [1, 1]} : vector<512x64xf32> to vector<512x16xf32>
    %mul3A_150 = vector.broadcast %slice3A_148 : vector<512x1xf32> to vector<512x16xf32>
    %mul3A_151 = arith.mulf %mul3A_150, %slice3A_149 : vector<512x16xf32>
    %add3A_152 = arith.addf %add3A_147, %mul3A_151 : vector<512x16xf32>
    %slice3A_153 = vector.extract_strided_slice %get3A_19 {offsets = [0, 28], sizes = [512, 1], strides = [1, 1]} : vector<512x32xf32> to vector<512x1xf32>
    %slice3A_154 = vector.extract_strided_slice %mul3A_16 {offsets = [0, 0], sizes = [512, 16], strides = [1, 1]} : vector<512x64xf32> to vector<512x16xf32>
    %mul3A_155 = vector.broadcast %slice3A_153 : vector<512x1xf32> to vector<512x16xf32>
    %mul3A_156 = arith.mulf %mul3A_155, %slice3A_154 : vector<512x16xf32>
    %slice3A_157 = vector.extract_strided_slice %get3A_19 {offsets = [0, 29], sizes = [512, 1], strides = [1, 1]} : vector<512x32xf32> to vector<512x1xf32>
    %slice3A_158 = vector.extract_strided_slice %mul3A_16 {offsets = [0, 16], sizes = [512, 16], strides = [1, 1]} : vector<512x64xf32> to vector<512x16xf32>
    %mul3A_159 = vector.broadcast %slice3A_157 : vector<512x1xf32> to vector<512x16xf32>
    %mul3A_160 = arith.mulf %mul3A_159, %slice3A_158 : vector<512x16xf32>
    %add3A_161 = arith.addf %mul3A_156, %mul3A_160 : vector<512x16xf32>
    %slice3A_162 = vector.extract_strided_slice %get3A_19 {offsets = [0, 30], sizes = [512, 1], strides = [1, 1]} : vector<512x32xf32> to vector<512x1xf32>
    %slice3A_163 = vector.extract_strided_slice %mul3A_16 {offsets = [0, 32], sizes = [512, 16], strides = [1, 1]} : vector<512x64xf32> to vector<512x16xf32>
    %mul3A_164 = vector.broadcast %slice3A_162 : vector<512x1xf32> to vector<512x16xf32>
    %mul3A_165 = arith.mulf %mul3A_164, %slice3A_163 : vector<512x16xf32>
    %add3A_166 = arith.addf %add3A_161, %mul3A_165 : vector<512x16xf32>
    %slice3A_167 = vector.extract_strided_slice %get3A_19 {offsets = [0, 31], sizes = [512, 1], strides = [1, 1]} : vector<512x32xf32> to vector<512x1xf32>
    %slice3A_168 = vector.extract_strided_slice %mul3A_16 {offsets = [0, 48], sizes = [512, 16], strides = [1, 1]} : vector<512x64xf32> to vector<512x16xf32>
    %mul3A_169 = vector.broadcast %slice3A_167 : vector<512x1xf32> to vector<512x16xf32>
    %mul3A_170 = arith.mulf %mul3A_169, %slice3A_168 : vector<512x16xf32>
    %add3A_171 = arith.addf %add3A_166, %mul3A_170 : vector<512x16xf32>
    %concatenate3A = tpu.concatenate %add3A_38, %add3A_57, %add3A_76, %add3A_95, %add3A_114, %add3A_133, %add3A_152, %add3A_171 in 1 : vector<512x16xf32>, vector<512x16xf32>, vector<512x16xf32>, vector<512x16xf32>, vector<512x16xf32>, vector<512x16xf32>, vector<512x16xf32>, vector<512x16xf32> -> vector<512x128xf32>
    %get3A_172 = arith.constant 0 : index
    %get3A_173 = arith.constant 0 : index
    %get3A_174 = vector.load %arg6[%get3A_172, %get3A_173] : memref<1x128xf32, #tpu.memory_space<vmem>>, vector<1x128xf32>
    %add3A_175 = vector.broadcast %get3A_174 : vector<1x128xf32> to vector<512x128xf32>
    %add3A_176 = arith.addf %concatenate3A, %add3A_175 : vector<512x128xf32>
    %max3A = arith.constant 0.000000e+00 : f32
    %max3A_177 = vector.broadcast %max3A : f32 to vector<512x128xf32>
    %max3A_178 = arith.maximumf %add3A_176, %max3A_177 : vector<512x128xf32>
    %get3A_179 = arith.constant 0 : index
    %get3A_180 = arith.constant 0 : index
    %get3A_181 = vector.load %arg7[%get3A_179, %get3A_180] : memref<128x224xf32, #tpu.memory_space<vmem>>, vector<128x224xf32>
    %dot_general3A = arith.constant dense<0.000000e+00> : vector<512x224xf32>
    %dot_general3A_182 = tpu.matmul %max3A_178, %get3A_181, %dot_general3A {dimension_numbers = #tpu.dot_dimension_numbers<[1], [0], [0], [1], [0, 0, 1, 1], [], []>, transpose_lhs_hint = false} : vector<512x128xf32>, vector<128x224xf32>, vector<512x224xf32> -> vector<512x224xf32>
    %slice3A_183 = vector.extract_strided_slice %dot_general3A_182 {offsets = [0, 0], sizes = [512, 96], strides = [1, 1]} : vector<512x224xf32> to vector<512x96xf32>
    %mul3A_184 = vector.broadcast %rsqrt3A : vector<512x1xf32> to vector<512x96xf32>
    %mul3A_185 = arith.mulf %slice3A_183, %mul3A_184 : vector<512x96xf32>
    %swap3A = arith.constant 0 : index
    %swap3A_186 = arith.constant 0 : index
    %swap3A_187 = arith.constant 0 : index
    %swap3A_188 = vector.load %arg9[%swap3A, %swap3A_186, %swap3A_187] : memref<2x512x96xf32, #tpu.memory_space<vmem>>, vector<1x512x96xf32>
    %swap3A_189 = vector.shape_cast %swap3A_188 : vector<1x512x96xf32> to vector<512x96xf32>
    %swap3A_190 = vector.shape_cast %mul3A_185 : vector<512x96xf32> to vector<1x512x96xf32>
    tpu.vector_store %arg9[%swap3A, %swap3A_186, %swap3A_187], %swap3A_190 {strides = array<i32>} : memref<2x512x96xf32, #tpu.memory_space<vmem>>, vector<1x512x96xf32>,
    %slice3A_191 = vector.extract_strided_slice %dot_general3A_182 {offsets = [0, 96], sizes = [512, 96], strides = [1, 1]} : vector<512x224xf32> to vector<512x96xf32>
    %mul3A_192 = vector.broadcast %rsqrt3A : vector<512x1xf32> to vector<512x96xf32>
    %mul3A_193 = arith.mulf %slice3A_191, %mul3A_192 : vector<512x96xf32>
    %swap3A_194 = arith.constant 1 : index
    %swap3A_195 = arith.constant 0 : index
    %swap3A_196 = arith.constant 0 : index
    %swap3A_197 = vector.load %arg9[%swap3A_194, %swap3A_195, %swap3A_196] : memref<2x512x96xf32, #tpu.memory_space<vmem>>, vector<1x512x96xf32>
    %swap3A_198 = vector.shape_cast %swap3A_197 : vector<1x512x96xf32> to vector<512x96xf32>
    %swap3A_199 = vector.shape_cast %mul3A_193 : vector<512x96xf32> to vector<1x512x96xf32>
    tpu.vector_store %arg9[%swap3A_194, %swap3A_195, %swap3A_196], %swap3A_199 {strides = array<i32>} : memref<2x512x96xf32, #tpu.memory_space<vmem>>, vector<1x512x96xf32>,
    %slice3A_200 = vector.extract_strided_slice %dot_general3A_182 {offsets = [0, 192], sizes = [512, 32], strides = [1, 1]} : vector<512x224xf32> to vector<512x32xf32>
    %get3A_201 = arith.constant 0 : index
    %get3A_202 = arith.constant 0 : index
    %get3A_203 = vector.load %arg8[%get3A_201, %get3A_202] : memref<1x32xf32, #tpu.memory_space<vmem>>, vector<1x32xf32>
    %add3A_204 = vector.broadcast %get3A_203 : vector<1x32xf32> to vector<512x32xf32>
    %add3A_205 = arith.addf %slice3A_200, %add3A_204 : vector<512x32xf32>
    %swap3A_206 = arith.constant 0 : index
    %swap3A_207 = arith.constant 0 : index
    %swap3A_208 = vector.load %arg10[%swap3A_206, %swap3A_207] : memref<512x32xf32, #tpu.memory_space<vmem>>, vector<512x32xf32>
    tpu.vector_store %arg10[%swap3A_206, %swap3A_207], %add3A_205 {strides = array<i32>} : memref<512x32xf32, #tpu.memory_space<vmem>>, vector<512x32xf32>,
    return
  }
  func.func @transform_0(%arg0: i32) -> (i32, i32) {
    %c0_i32 = arith.constant 0 : i32
    %c0_i32_0 = arith.constant 0 : i32
    return %arg0, %c0_i32 : i32, i32
  }
  func.func @transform_1(%arg0: i32) -> (i32, i32) {
    %c0_i32 = arith.constant 0 : i32
    %c0_i32_0 = arith.constant 0 : i32
    return %arg0, %c0_i32 : i32, i32
  }
  func.func @transform_2(%arg0: i32) -> (i32, i32) {
    %c0_i32 = arith.constant 0 : i32
    %c0_i32_0 = arith.constant 0 : i32
    return %arg0, %c0_i32 : i32, i32
  }
  func.func @transform_3(%arg0: i32) -> (i32, i32) {
    %c0_i32 = arith.constant 0 : i32
    %c0_i32_0 = arith.constant 0 : i32
    return %arg0, %c0_i32 : i32, i32
  }
  func.func @transform_4(%arg0: i32) -> (i32, i32) {
    %c0_i32 = arith.constant 0 : i32
    %c0_i32_0 = arith.constant 0 : i32
    return %arg0, %c0_i32 : i32, i32
  }
  func.func @transform_5(%arg0: i32) -> (i32, i32) {
    %c0_i32 = arith.constant 0 : i32
    %c0_i32_0 = arith.constant 0 : i32
    %c0_i32_1 = arith.constant 0 : i32
    return %c0_i32, %c0_i32_0 : i32, i32
  }
  func.func @transform_6(%arg0: i32) -> (i32, i32) {
    %c0_i32 = arith.constant 0 : i32
    %c0_i32_0 = arith.constant 0 : i32
    %c0_i32_1 = arith.constant 0 : i32
    return %c0_i32, %c0_i32_0 : i32, i32
  }
  func.func @transform_7(%arg0: i32) -> (i32, i32) {
    %c0_i32 = arith.constant 0 : i32
    %c0_i32_0 = arith.constant 0 : i32
    %c0_i32_1 = arith.constant 0 : i32
    return %c0_i32, %c0_i32_0 : i32, i32
  }
  func.func @transform_8(%arg0: i32) -> (i32, i32, i32) {
    %c0_i32 = arith.constant 0 : i32
    %c0_i32_0 = arith.constant 0 : i32
    %c0_i32_1 = arith.constant 0 : i32
    return %c0_i32, %arg0, %c0_i32_0 : i32, i32, i32
  }
  func.func @transform_9(%arg0: i32) -> (i32, i32) {
    %c0_i32 = arith.constant 0 : i32
    %c0_i32_0 = arith.constant 0 : i32
    return %arg0, %c0_i32 : i32, i32
  }
}

module attributes {stable_mosaic.version = 14 : i64} {
  func.func @_final_body(%arg0: i32, %arg1: memref<512x96xf32, #tpu.memory_space<vmem>>, %arg2: memref<512x96xf32, #tpu.memory_space<vmem>>, %arg3: memref<512x32xf32, #tpu.memory_space<vmem>>, %arg4: memref<512x2xf32, #tpu.memory_space<vmem>>, %arg5: memref<1x352xf32, #tpu.memory_space<vmem>>, %arg6: memref<512x352xf32, #tpu.memory_space<vmem>>) attributes {dimension_semantics = [#tpu.dimension_semantics<arbitrary>], iteration_bounds = array<i64: 20>, scalar_prefetch = 0 : i64, scratch_operands = 0 : i64, tpu.core_type = #tpu.core_type<tc>, window_params = [{transform_indices = @transform_0, window_bounds = array<i64: 512, 96>}, {transform_indices = @transform_1, window_bounds = array<i64: 512, 96>}, {transform_indices = @transform_2, window_bounds = array<i64: 512, 32>}, {transform_indices = @transform_3, window_bounds = array<i64: 512, 2>}, {pipeline_mode = #tpu.pipeline_mode<synchronous>, transform_indices = @transform_4, window_bounds = array<i64: 1, 352>}, {transform_indices = @transform_5, window_bounds = array<i64: 512, 352>}]} {
    %get3A = arith.constant 0 : index
    %get3A_0 = arith.constant 0 : index
    %get3A_1 = vector.load %arg4[%get3A, %get3A_0] : memref<512x2xf32, #tpu.memory_space<vmem>>, vector<512x2xf32>
    %slice3A = vector.extract_strided_slice %get3A_1 {offsets = [0, 0], sizes = [512, 1], strides = [1, 1]} : vector<512x2xf32> to vector<512x1xf32>
    %add3A = arith.constant 1.000000e+00 : f32
    %add3A_2 = vector.broadcast %add3A : f32 to vector<512x1xf32>
    %add3A_3 = arith.addf %add3A_2, %slice3A : vector<512x1xf32>
    %slice3A_4 = vector.extract_strided_slice %get3A_1 {offsets = [0, 1], sizes = [512, 1], strides = [1, 1]} : vector<512x2xf32> to vector<512x1xf32>
    %add3A_5 = arith.addf %add3A_3, %slice3A_4 : vector<512x1xf32>
    %rsqrt3A = math.rsqrt %add3A_5 : vector<512x1xf32>
    %get3A_6 = arith.constant 0 : index
    %get3A_7 = arith.constant 0 : index
    %get3A_8 = vector.load %arg1[%get3A_6, %get3A_7] : memref<512x96xf32, #tpu.memory_space<vmem>>, vector<512x96xf32>
    %get3A_9 = arith.constant 0 : index
    %get3A_10 = arith.constant 0 : index
    %get3A_11 = vector.load %arg2[%get3A_9, %get3A_10] : memref<512x96xf32, #tpu.memory_space<vmem>>, vector<512x80xf32>
    %concatenate3A = tpu.concatenate %get3A_8, %get3A_11 in 1 : vector<512x96xf32>, vector<512x80xf32> -> vector<512x176xf32>
    %mul3A = vector.broadcast %rsqrt3A : vector<512x1xf32> to vector<512x176xf32>
    %mul3A_12 = arith.mulf %concatenate3A, %mul3A : vector<512x176xf32>
    %get3A_13 = arith.constant 0 : index
    %get3A_14 = arith.constant 0 : index
    %get3A_15 = vector.load %arg3[%get3A_13, %get3A_14] : memref<512x32xf32, #tpu.memory_space<vmem>>, vector<512x32xf32>
    %slice3A_16 = vector.extract_strided_slice %get3A_15 {offsets = [0, 0], sizes = [512, 1], strides = [1, 1]} : vector<512x32xf32> to vector<512x1xf32>
    %slice3A_17 = vector.extract_strided_slice %mul3A_12 {offsets = [0, 0], sizes = [512, 44], strides = [1, 1]} : vector<512x176xf32> to vector<512x44xf32>
    %mul3A_18 = vector.broadcast %slice3A_16 : vector<512x1xf32> to vector<512x44xf32>
    %mul3A_19 = arith.mulf %mul3A_18, %slice3A_17 : vector<512x44xf32>
    %slice3A_20 = vector.extract_strided_slice %get3A_15 {offsets = [0, 1], sizes = [512, 1], strides = [1, 1]} : vector<512x32xf32> to vector<512x1xf32>
    %slice3A_21 = vector.extract_strided_slice %mul3A_12 {offsets = [0, 44], sizes = [512, 44], strides = [1, 1]} : vector<512x176xf32> to vector<512x44xf32>
    %mul3A_22 = vector.broadcast %slice3A_20 : vector<512x1xf32> to vector<512x44xf32>
    %mul3A_23 = arith.mulf %mul3A_22, %slice3A_21 : vector<512x44xf32>
    %add3A_24 = arith.addf %mul3A_19, %mul3A_23 : vector<512x44xf32>
    %slice3A_25 = vector.extract_strided_slice %get3A_15 {offsets = [0, 2], sizes = [512, 1], strides = [1, 1]} : vector<512x32xf32> to vector<512x1xf32>
    %slice3A_26 = vector.extract_strided_slice %mul3A_12 {offsets = [0, 88], sizes = [512, 44], strides = [1, 1]} : vector<512x176xf32> to vector<512x44xf32>
    %mul3A_27 = vector.broadcast %slice3A_25 : vector<512x1xf32> to vector<512x44xf32>
    %mul3A_28 = arith.mulf %mul3A_27, %slice3A_26 : vector<512x44xf32>
    %add3A_29 = arith.addf %add3A_24, %mul3A_28 : vector<512x44xf32>
    %slice3A_30 = vector.extract_strided_slice %get3A_15 {offsets = [0, 3], sizes = [512, 1], strides = [1, 1]} : vector<512x32xf32> to vector<512x1xf32>
    %slice3A_31 = vector.extract_strided_slice %mul3A_12 {offsets = [0, 132], sizes = [512, 44], strides = [1, 1]} : vector<512x176xf32> to vector<512x44xf32>
    %mul3A_32 = vector.broadcast %slice3A_30 : vector<512x1xf32> to vector<512x44xf32>
    %mul3A_33 = arith.mulf %mul3A_32, %slice3A_31 : vector<512x44xf32>
    %add3A_34 = arith.addf %add3A_29, %mul3A_33 : vector<512x44xf32>
    %slice3A_35 = vector.extract_strided_slice %get3A_15 {offsets = [0, 4], sizes = [512, 1], strides = [1, 1]} : vector<512x32xf32> to vector<512x1xf32>
    %slice3A_36 = vector.extract_strided_slice %mul3A_12 {offsets = [0, 0], sizes = [512, 44], strides = [1, 1]} : vector<512x176xf32> to vector<512x44xf32>
    %mul3A_37 = vector.broadcast %slice3A_35 : vector<512x1xf32> to vector<512x44xf32>
    %mul3A_38 = arith.mulf %mul3A_37, %slice3A_36 : vector<512x44xf32>
    %slice3A_39 = vector.extract_strided_slice %get3A_15 {offsets = [0, 5], sizes = [512, 1], strides = [1, 1]} : vector<512x32xf32> to vector<512x1xf32>
    %slice3A_40 = vector.extract_strided_slice %mul3A_12 {offsets = [0, 44], sizes = [512, 44], strides = [1, 1]} : vector<512x176xf32> to vector<512x44xf32>
    %mul3A_41 = vector.broadcast %slice3A_39 : vector<512x1xf32> to vector<512x44xf32>
    %mul3A_42 = arith.mulf %mul3A_41, %slice3A_40 : vector<512x44xf32>
    %add3A_43 = arith.addf %mul3A_38, %mul3A_42 : vector<512x44xf32>
    %slice3A_44 = vector.extract_strided_slice %get3A_15 {offsets = [0, 6], sizes = [512, 1], strides = [1, 1]} : vector<512x32xf32> to vector<512x1xf32>
    %slice3A_45 = vector.extract_strided_slice %mul3A_12 {offsets = [0, 88], sizes = [512, 44], strides = [1, 1]} : vector<512x176xf32> to vector<512x44xf32>
    %mul3A_46 = vector.broadcast %slice3A_44 : vector<512x1xf32> to vector<512x44xf32>
    %mul3A_47 = arith.mulf %mul3A_46, %slice3A_45 : vector<512x44xf32>
    %add3A_48 = arith.addf %add3A_43, %mul3A_47 : vector<512x44xf32>
    %slice3A_49 = vector.extract_strided_slice %get3A_15 {offsets = [0, 7], sizes = [512, 1], strides = [1, 1]} : vector<512x32xf32> to vector<512x1xf32>
    %slice3A_50 = vector.extract_strided_slice %mul3A_12 {offsets = [0, 132], sizes = [512, 44], strides = [1, 1]} : vector<512x176xf32> to vector<512x44xf32>
    %mul3A_51 = vector.broadcast %slice3A_49 : vector<512x1xf32> to vector<512x44xf32>
    %mul3A_52 = arith.mulf %mul3A_51, %slice3A_50 : vector<512x44xf32>
    %add3A_53 = arith.addf %add3A_48, %mul3A_52 : vector<512x44xf32>
    %slice3A_54 = vector.extract_strided_slice %get3A_15 {offsets = [0, 8], sizes = [512, 1], strides = [1, 1]} : vector<512x32xf32> to vector<512x1xf32>
    %slice3A_55 = vector.extract_strided_slice %mul3A_12 {offsets = [0, 0], sizes = [512, 44], strides = [1, 1]} : vector<512x176xf32> to vector<512x44xf32>
    %mul3A_56 = vector.broadcast %slice3A_54 : vector<512x1xf32> to vector<512x44xf32>
    %mul3A_57 = arith.mulf %mul3A_56, %slice3A_55 : vector<512x44xf32>
    %slice3A_58 = vector.extract_strided_slice %get3A_15 {offsets = [0, 9], sizes = [512, 1], strides = [1, 1]} : vector<512x32xf32> to vector<512x1xf32>
    %slice3A_59 = vector.extract_strided_slice %mul3A_12 {offsets = [0, 44], sizes = [512, 44], strides = [1, 1]} : vector<512x176xf32> to vector<512x44xf32>
    %mul3A_60 = vector.broadcast %slice3A_58 : vector<512x1xf32> to vector<512x44xf32>
    %mul3A_61 = arith.mulf %mul3A_60, %slice3A_59 : vector<512x44xf32>
    %add3A_62 = arith.addf %mul3A_57, %mul3A_61 : vector<512x44xf32>
    %slice3A_63 = vector.extract_strided_slice %get3A_15 {offsets = [0, 10], sizes = [512, 1], strides = [1, 1]} : vector<512x32xf32> to vector<512x1xf32>
    %slice3A_64 = vector.extract_strided_slice %mul3A_12 {offsets = [0, 88], sizes = [512, 44], strides = [1, 1]} : vector<512x176xf32> to vector<512x44xf32>
    %mul3A_65 = vector.broadcast %slice3A_63 : vector<512x1xf32> to vector<512x44xf32>
    %mul3A_66 = arith.mulf %mul3A_65, %slice3A_64 : vector<512x44xf32>
    %add3A_67 = arith.addf %add3A_62, %mul3A_66 : vector<512x44xf32>
    %slice3A_68 = vector.extract_strided_slice %get3A_15 {offsets = [0, 11], sizes = [512, 1], strides = [1, 1]} : vector<512x32xf32> to vector<512x1xf32>
    %slice3A_69 = vector.extract_strided_slice %mul3A_12 {offsets = [0, 132], sizes = [512, 44], strides = [1, 1]} : vector<512x176xf32> to vector<512x44xf32>
    %mul3A_70 = vector.broadcast %slice3A_68 : vector<512x1xf32> to vector<512x44xf32>
    %mul3A_71 = arith.mulf %mul3A_70, %slice3A_69 : vector<512x44xf32>
    %add3A_72 = arith.addf %add3A_67, %mul3A_71 : vector<512x44xf32>
    %slice3A_73 = vector.extract_strided_slice %get3A_15 {offsets = [0, 12], sizes = [512, 1], strides = [1, 1]} : vector<512x32xf32> to vector<512x1xf32>
    %slice3A_74 = vector.extract_strided_slice %mul3A_12 {offsets = [0, 0], sizes = [512, 44], strides = [1, 1]} : vector<512x176xf32> to vector<512x44xf32>
    %mul3A_75 = vector.broadcast %slice3A_73 : vector<512x1xf32> to vector<512x44xf32>
    %mul3A_76 = arith.mulf %mul3A_75, %slice3A_74 : vector<512x44xf32>
    %slice3A_77 = vector.extract_strided_slice %get3A_15 {offsets = [0, 13], sizes = [512, 1], strides = [1, 1]} : vector<512x32xf32> to vector<512x1xf32>
    %slice3A_78 = vector.extract_strided_slice %mul3A_12 {offsets = [0, 44], sizes = [512, 44], strides = [1, 1]} : vector<512x176xf32> to vector<512x44xf32>
    %mul3A_79 = vector.broadcast %slice3A_77 : vector<512x1xf32> to vector<512x44xf32>
    %mul3A_80 = arith.mulf %mul3A_79, %slice3A_78 : vector<512x44xf32>
    %add3A_81 = arith.addf %mul3A_76, %mul3A_80 : vector<512x44xf32>
    %slice3A_82 = vector.extract_strided_slice %get3A_15 {offsets = [0, 14], sizes = [512, 1], strides = [1, 1]} : vector<512x32xf32> to vector<512x1xf32>
    %slice3A_83 = vector.extract_strided_slice %mul3A_12 {offsets = [0, 88], sizes = [512, 44], strides = [1, 1]} : vector<512x176xf32> to vector<512x44xf32>
    %mul3A_84 = vector.broadcast %slice3A_82 : vector<512x1xf32> to vector<512x44xf32>
    %mul3A_85 = arith.mulf %mul3A_84, %slice3A_83 : vector<512x44xf32>
    %add3A_86 = arith.addf %add3A_81, %mul3A_85 : vector<512x44xf32>
    %slice3A_87 = vector.extract_strided_slice %get3A_15 {offsets = [0, 15], sizes = [512, 1], strides = [1, 1]} : vector<512x32xf32> to vector<512x1xf32>
    %slice3A_88 = vector.extract_strided_slice %mul3A_12 {offsets = [0, 132], sizes = [512, 44], strides = [1, 1]} : vector<512x176xf32> to vector<512x44xf32>
    %mul3A_89 = vector.broadcast %slice3A_87 : vector<512x1xf32> to vector<512x44xf32>
    %mul3A_90 = arith.mulf %mul3A_89, %slice3A_88 : vector<512x44xf32>
    %add3A_91 = arith.addf %add3A_86, %mul3A_90 : vector<512x44xf32>
    %slice3A_92 = vector.extract_strided_slice %get3A_15 {offsets = [0, 16], sizes = [512, 1], strides = [1, 1]} : vector<512x32xf32> to vector<512x1xf32>
    %slice3A_93 = vector.extract_strided_slice %mul3A_12 {offsets = [0, 0], sizes = [512, 44], strides = [1, 1]} : vector<512x176xf32> to vector<512x44xf32>
    %mul3A_94 = vector.broadcast %slice3A_92 : vector<512x1xf32> to vector<512x44xf32>
    %mul3A_95 = arith.mulf %mul3A_94, %slice3A_93 : vector<512x44xf32>
    %slice3A_96 = vector.extract_strided_slice %get3A_15 {offsets = [0, 17], sizes = [512, 1], strides = [1, 1]} : vector<512x32xf32> to vector<512x1xf32>
    %slice3A_97 = vector.extract_strided_slice %mul3A_12 {offsets = [0, 44], sizes = [512, 44], strides = [1, 1]} : vector<512x176xf32> to vector<512x44xf32>
    %mul3A_98 = vector.broadcast %slice3A_96 : vector<512x1xf32> to vector<512x44xf32>
    %mul3A_99 = arith.mulf %mul3A_98, %slice3A_97 : vector<512x44xf32>
    %add3A_100 = arith.addf %mul3A_95, %mul3A_99 : vector<512x44xf32>
    %slice3A_101 = vector.extract_strided_slice %get3A_15 {offsets = [0, 18], sizes = [512, 1], strides = [1, 1]} : vector<512x32xf32> to vector<512x1xf32>
    %slice3A_102 = vector.extract_strided_slice %mul3A_12 {offsets = [0, 88], sizes = [512, 44], strides = [1, 1]} : vector<512x176xf32> to vector<512x44xf32>
    %mul3A_103 = vector.broadcast %slice3A_101 : vector<512x1xf32> to vector<512x44xf32>
    %mul3A_104 = arith.mulf %mul3A_103, %slice3A_102 : vector<512x44xf32>
    %add3A_105 = arith.addf %add3A_100, %mul3A_104 : vector<512x44xf32>
    %slice3A_106 = vector.extract_strided_slice %get3A_15 {offsets = [0, 19], sizes = [512, 1], strides = [1, 1]} : vector<512x32xf32> to vector<512x1xf32>
    %slice3A_107 = vector.extract_strided_slice %mul3A_12 {offsets = [0, 132], sizes = [512, 44], strides = [1, 1]} : vector<512x176xf32> to vector<512x44xf32>
    %mul3A_108 = vector.broadcast %slice3A_106 : vector<512x1xf32> to vector<512x44xf32>
    %mul3A_109 = arith.mulf %mul3A_108, %slice3A_107 : vector<512x44xf32>
    %add3A_110 = arith.addf %add3A_105, %mul3A_109 : vector<512x44xf32>
    %slice3A_111 = vector.extract_strided_slice %get3A_15 {offsets = [0, 20], sizes = [512, 1], strides = [1, 1]} : vector<512x32xf32> to vector<512x1xf32>
    %slice3A_112 = vector.extract_strided_slice %mul3A_12 {offsets = [0, 0], sizes = [512, 44], strides = [1, 1]} : vector<512x176xf32> to vector<512x44xf32>
    %mul3A_113 = vector.broadcast %slice3A_111 : vector<512x1xf32> to vector<512x44xf32>
    %mul3A_114 = arith.mulf %mul3A_113, %slice3A_112 : vector<512x44xf32>
    %slice3A_115 = vector.extract_strided_slice %get3A_15 {offsets = [0, 21], sizes = [512, 1], strides = [1, 1]} : vector<512x32xf32> to vector<512x1xf32>
    %slice3A_116 = vector.extract_strided_slice %mul3A_12 {offsets = [0, 44], sizes = [512, 44], strides = [1, 1]} : vector<512x176xf32> to vector<512x44xf32>
    %mul3A_117 = vector.broadcast %slice3A_115 : vector<512x1xf32> to vector<512x44xf32>
    %mul3A_118 = arith.mulf %mul3A_117, %slice3A_116 : vector<512x44xf32>
    %add3A_119 = arith.addf %mul3A_114, %mul3A_118 : vector<512x44xf32>
    %slice3A_120 = vector.extract_strided_slice %get3A_15 {offsets = [0, 22], sizes = [512, 1], strides = [1, 1]} : vector<512x32xf32> to vector<512x1xf32>
    %slice3A_121 = vector.extract_strided_slice %mul3A_12 {offsets = [0, 88], sizes = [512, 44], strides = [1, 1]} : vector<512x176xf32> to vector<512x44xf32>
    %mul3A_122 = vector.broadcast %slice3A_120 : vector<512x1xf32> to vector<512x44xf32>
    %mul3A_123 = arith.mulf %mul3A_122, %slice3A_121 : vector<512x44xf32>
    %add3A_124 = arith.addf %add3A_119, %mul3A_123 : vector<512x44xf32>
    %slice3A_125 = vector.extract_strided_slice %get3A_15 {offsets = [0, 23], sizes = [512, 1], strides = [1, 1]} : vector<512x32xf32> to vector<512x1xf32>
    %slice3A_126 = vector.extract_strided_slice %mul3A_12 {offsets = [0, 132], sizes = [512, 44], strides = [1, 1]} : vector<512x176xf32> to vector<512x44xf32>
    %mul3A_127 = vector.broadcast %slice3A_125 : vector<512x1xf32> to vector<512x44xf32>
    %mul3A_128 = arith.mulf %mul3A_127, %slice3A_126 : vector<512x44xf32>
    %add3A_129 = arith.addf %add3A_124, %mul3A_128 : vector<512x44xf32>
    %slice3A_130 = vector.extract_strided_slice %get3A_15 {offsets = [0, 24], sizes = [512, 1], strides = [1, 1]} : vector<512x32xf32> to vector<512x1xf32>
    %slice3A_131 = vector.extract_strided_slice %mul3A_12 {offsets = [0, 0], sizes = [512, 44], strides = [1, 1]} : vector<512x176xf32> to vector<512x44xf32>
    %mul3A_132 = vector.broadcast %slice3A_130 : vector<512x1xf32> to vector<512x44xf32>
    %mul3A_133 = arith.mulf %mul3A_132, %slice3A_131 : vector<512x44xf32>
    %slice3A_134 = vector.extract_strided_slice %get3A_15 {offsets = [0, 25], sizes = [512, 1], strides = [1, 1]} : vector<512x32xf32> to vector<512x1xf32>
    %slice3A_135 = vector.extract_strided_slice %mul3A_12 {offsets = [0, 44], sizes = [512, 44], strides = [1, 1]} : vector<512x176xf32> to vector<512x44xf32>
    %mul3A_136 = vector.broadcast %slice3A_134 : vector<512x1xf32> to vector<512x44xf32>
    %mul3A_137 = arith.mulf %mul3A_136, %slice3A_135 : vector<512x44xf32>
    %add3A_138 = arith.addf %mul3A_133, %mul3A_137 : vector<512x44xf32>
    %slice3A_139 = vector.extract_strided_slice %get3A_15 {offsets = [0, 26], sizes = [512, 1], strides = [1, 1]} : vector<512x32xf32> to vector<512x1xf32>
    %slice3A_140 = vector.extract_strided_slice %mul3A_12 {offsets = [0, 88], sizes = [512, 44], strides = [1, 1]} : vector<512x176xf32> to vector<512x44xf32>
    %mul3A_141 = vector.broadcast %slice3A_139 : vector<512x1xf32> to vector<512x44xf32>
    %mul3A_142 = arith.mulf %mul3A_141, %slice3A_140 : vector<512x44xf32>
    %add3A_143 = arith.addf %add3A_138, %mul3A_142 : vector<512x44xf32>
    %slice3A_144 = vector.extract_strided_slice %get3A_15 {offsets = [0, 27], sizes = [512, 1], strides = [1, 1]} : vector<512x32xf32> to vector<512x1xf32>
    %slice3A_145 = vector.extract_strided_slice %mul3A_12 {offsets = [0, 132], sizes = [512, 44], strides = [1, 1]} : vector<512x176xf32> to vector<512x44xf32>
    %mul3A_146 = vector.broadcast %slice3A_144 : vector<512x1xf32> to vector<512x44xf32>
    %mul3A_147 = arith.mulf %mul3A_146, %slice3A_145 : vector<512x44xf32>
    %add3A_148 = arith.addf %add3A_143, %mul3A_147 : vector<512x44xf32>
    %slice3A_149 = vector.extract_strided_slice %get3A_15 {offsets = [0, 28], sizes = [512, 1], strides = [1, 1]} : vector<512x32xf32> to vector<512x1xf32>
    %slice3A_150 = vector.extract_strided_slice %mul3A_12 {offsets = [0, 0], sizes = [512, 44], strides = [1, 1]} : vector<512x176xf32> to vector<512x44xf32>
    %mul3A_151 = vector.broadcast %slice3A_149 : vector<512x1xf32> to vector<512x44xf32>
    %mul3A_152 = arith.mulf %mul3A_151, %slice3A_150 : vector<512x44xf32>
    %slice3A_153 = vector.extract_strided_slice %get3A_15 {offsets = [0, 29], sizes = [512, 1], strides = [1, 1]} : vector<512x32xf32> to vector<512x1xf32>
    %slice3A_154 = vector.extract_strided_slice %mul3A_12 {offsets = [0, 44], sizes = [512, 44], strides = [1, 1]} : vector<512x176xf32> to vector<512x44xf32>
    %mul3A_155 = vector.broadcast %slice3A_153 : vector<512x1xf32> to vector<512x44xf32>
    %mul3A_156 = arith.mulf %mul3A_155, %slice3A_154 : vector<512x44xf32>
    %add3A_157 = arith.addf %mul3A_152, %mul3A_156 : vector<512x44xf32>
    %slice3A_158 = vector.extract_strided_slice %get3A_15 {offsets = [0, 30], sizes = [512, 1], strides = [1, 1]} : vector<512x32xf32> to vector<512x1xf32>
    %slice3A_159 = vector.extract_strided_slice %mul3A_12 {offsets = [0, 88], sizes = [512, 44], strides = [1, 1]} : vector<512x176xf32> to vector<512x44xf32>
    %mul3A_160 = vector.broadcast %slice3A_158 : vector<512x1xf32> to vector<512x44xf32>
    %mul3A_161 = arith.mulf %mul3A_160, %slice3A_159 : vector<512x44xf32>
    %add3A_162 = arith.addf %add3A_157, %mul3A_161 : vector<512x44xf32>
    %slice3A_163 = vector.extract_strided_slice %get3A_15 {offsets = [0, 31], sizes = [512, 1], strides = [1, 1]} : vector<512x32xf32> to vector<512x1xf32>
    %slice3A_164 = vector.extract_strided_slice %mul3A_12 {offsets = [0, 132], sizes = [512, 44], strides = [1, 1]} : vector<512x176xf32> to vector<512x44xf32>
    %mul3A_165 = vector.broadcast %slice3A_163 : vector<512x1xf32> to vector<512x44xf32>
    %mul3A_166 = arith.mulf %mul3A_165, %slice3A_164 : vector<512x44xf32>
    %add3A_167 = arith.addf %add3A_162, %mul3A_166 : vector<512x44xf32>
    %concatenate3A_168 = tpu.concatenate %add3A_34, %add3A_53, %add3A_72, %add3A_91, %add3A_110, %add3A_129, %add3A_148, %add3A_167 in 1 : vector<512x44xf32>, vector<512x44xf32>, vector<512x44xf32>, vector<512x44xf32>, vector<512x44xf32>, vector<512x44xf32>, vector<512x44xf32>, vector<512x44xf32> -> vector<512x352xf32>
    %get3A_169 = arith.constant 0 : index
    %get3A_170 = arith.constant 0 : index
    %get3A_171 = vector.load %arg5[%get3A_169, %get3A_170] : memref<1x352xf32, #tpu.memory_space<vmem>>, vector<1x352xf32>
    %add3A_172 = vector.broadcast %get3A_171 : vector<1x352xf32> to vector<512x352xf32>
    %add3A_173 = arith.addf %concatenate3A_168, %add3A_172 : vector<512x352xf32>
    %iota3A = tpu.iota {dimensions = array<i32: 1>} : vector<512x352xi32>
    %lt3A = arith.constant 349 : i32
    %lt3A_174 = vector.broadcast %lt3A : i32 to vector<512x352xi32>
    %lt3A_175 = arith.cmpi slt, %iota3A, %lt3A_174 : vector<512x352xi32>
    %jit3A = arith.constant 0xFF800000 : f32
    %broadcast_in_dim3A = vector.broadcast %jit3A : f32 to vector<512x352xf32>
    %select_n3A = arith.select %lt3A_175, %add3A_173, %broadcast_in_dim3A : vector<512x352xi1>, vector<512x352xf32>
    %reduce_max3A = arith.constant dense<0xFF800000> : vector<512xf32>
    %reduce_max3A_176 = vector.multi_reduction <maximumf>, %select_n3A, %reduce_max3A [1] : vector<512x352xf32> to vector<512xf32>
    %broadcast_in_dim3A_177 = vector.shape_cast %reduce_max3A_176 : vector<512xf32> to vector<512x1xf32>
    %sub3A = vector.broadcast %broadcast_in_dim3A_177 : vector<512x1xf32> to vector<512x352xf32>
    %sub3A_178 = arith.subf %select_n3A, %sub3A : vector<512x352xf32>
    %exp3A = math.exp %sub3A_178 : vector<512x352xf32>
    %reduce_sum3A = arith.constant dense<0.000000e+00> : vector<512xf32>
    %reduce_sum3A_179 = vector.multi_reduction <add>, %exp3A, %reduce_sum3A [1] : vector<512x352xf32> to vector<512xf32>
    %broadcast_in_dim3A_180 = vector.shape_cast %reduce_sum3A_179 : vector<512xf32> to vector<512x1xf32>
    %sub3A_181 = vector.broadcast %broadcast_in_dim3A_177 : vector<512x1xf32> to vector<512x352xf32>
    %sub3A_182 = arith.subf %add3A_173, %sub3A_181 : vector<512x352xf32>
    %log3A = math.log %broadcast_in_dim3A_180 : vector<512x1xf32>
    %sub3A_183 = vector.broadcast %log3A : vector<512x1xf32> to vector<512x352xf32>
    %sub3A_184 = arith.subf %sub3A_182, %sub3A_183 : vector<512x352xf32>
    %swap3A = arith.constant 0 : index
    %swap3A_185 = arith.constant 0 : index
    %swap3A_186 = vector.load %arg6[%swap3A, %swap3A_185] : memref<512x352xf32, #tpu.memory_space<vmem>>, vector<512x352xf32>
    tpu.vector_store %arg6[%swap3A, %swap3A_185], %sub3A_184 {strides = array<i32>} : memref<512x352xf32, #tpu.memory_space<vmem>>, vector<512x352xf32>,
    return
  }
  func.func @transform_0(%arg0: i32) -> (i32, i32) {
    %c0_i32 = arith.constant 0 : i32
    %c0_i32_0 = arith.constant 0 : i32
    return %arg0, %c0_i32 : i32, i32
  }
  func.func @transform_1(%arg0: i32) -> (i32, i32) {
    %c0_i32 = arith.constant 0 : i32
    %c0_i32_0 = arith.constant 0 : i32
    return %arg0, %c0_i32 : i32, i32
  }
  func.func @transform_2(%arg0: i32) -> (i32, i32) {
    %c0_i32 = arith.constant 0 : i32
    %c0_i32_0 = arith.constant 0 : i32
    return %arg0, %c0_i32 : i32, i32
  }
  func.func @transform_3(%arg0: i32) -> (i32, i32) {
    %c0_i32 = arith.constant 0 : i32
    %c0_i32_0 = arith.constant 0 : i32
    return %arg0, %c0_i32 : i32, i32
  }
  func.func @transform_4(%arg0: i32) -> (i32, i32) {
    %c0_i32 = arith.constant 0 : i32
    %c0_i32_0 = arith.constant 0 : i32
    %c0_i32_1 = arith.constant 0 : i32
    return %c0_i32, %c0_i32_0 : i32, i32
  }
  func.func @transform_5(%arg0: i32) -> (i32, i32) {
    %c0_i32 = arith.constant 0 : i32
    %c0_i32_0 = arith.constant 0 : i32
    return %arg0, %c0_i32 : i32, i32
  }
}

</mosaic_0001>

<sc_bundles>
// kernel: kernel.10.cloned.1.call-start
scs
__scs_entry_jumppad:
0x0: {  	(pc) =	sbr.rel $0x88, $3  }
0x1: {  	(tag) =	ssettag $0x0;
	lr =	simm.s32 $0x1  }
0x2: {  	[smem:$0x3F93] =	sst lr;
	_ =	strace $0xD0000000  }
0x3: {  	_ = 	snop  }
0x4: {  	_ = 	snop  }
0x5: {  	_ = 	snop  }
0x6: {  	_ = 	snop  }
0x7: {  	_ = 	snop  }
__scs_overlays_trampoline_lowered:
0x8: {  	[smem:$0x3FA2] =	sst s0  }
0x9: {  	[smem:$0x3FA3] =	sst s1  }
0xa: {  	[smem:$0x3FA4] =	sst s2  }
0xb: {  	[smem:$0x3FA5] =	sst s3  }
0xc: {  	[smem:$0x3FA6] =	sst s4  }
0xd: {  	[smem:$0x3FA7] =	sst s5  }
0xe: {  	[smem:$0x3FA8] =	sst s6  }
0xf: {  	[smem:$0x3FA9] =	sst s7  }
0x10: {  	[smem:$0x3FAA] =	sst s8  }
0x11: {  	[smem:$0x3FAB] =	sst s9;
	s0 =	simm.s32 @!p0 $0x0  }
0x12: {  	s1 =	sld [smem:$0x3F91];
	s0 =	simm.s32 @p0 $0x1  }
0x13: {  	[smem:$0x3FAC] =	sst s0;
	s0 =	simm.s32 @!p1 $0x0  }
0x14: {  	s2 =	sld [smem:$0x3F90];
	s0 =	simm.s32 @p1 $0x1  }
0x15: {  	[smem:$0x3FAD] =	sst s0;
	s0 =	simm.s32 @!p2 $0x0  }
0x16: {  	s3 =	sld [smem:$0x3FDB];
	s0 =	simm.s32 @p2 $0x1  }
0x17: {  	s4 =	simm.s32 $0x1BF5;
	[smem:$0x3FAF] =	sst s0  }
0x18: {  	s0 =	sld [smem:$0x3F92];
	_ =	swait.ge [sflag:s4], $0x0  }
0x19: {  	s7 =	sld [smem:$0x3F93]  }
0x1a: {  	s8 =	sadd.s32 $0xFFFFE003, lr  }
0x1b: {  	s9 =	sadd.s32 $0xFFFFFEF7, lr;
	s5 =	simm.s32 $0xFFFFFFFF;
	p2 =	slt.u32 s8, $0xFFFFF086  }
0x1c: {  	p1 =	slt.u32 s9, $0xF7A;
	s5 =	simm.s32 @!p2 $0x0  }
0x1d: {  	s5 =	simm.s32 @p1 $0x1;
	p0 =	seq.s32 s7, s2  }
0x1e: {  	s7 =	smul.u32 @!p0 $0xF7A, s2;
	p2 =	seq.s32 @!p0 s5, $0x0  }
0x1f: {  	s9 =	smul.u32 $0xF7A, s1;
	s8 =	simm.s32 @!p0 $0x1BF5;
	p2 =	por !p2, p0  }
0x20: {  	[sflag:s8] =	ssyncset.s32 @!p0 $0xFFFFF086;
	s6 =	sadd.s32 @!p0 s3, s7;
	s7 =	simm.s32 @!p0 $0x108  }
0x21: {  	s3 =	sadd.s32 s3, s9;
	s6 =	sadd.s32 @!p0 $0x88, s6;
	s7 =	simm.s32 @p2 $0x1082  }
0x22: {  	[simem:s7], [sflag:s8] =	dma.local @!p0 [hbm:s6], $0xF7A  }
0x23: {  	s9 =	sor.u32 $0xD0000000, s2;
	s6 =	simm.s32 $0x108;
	_ =	swait.ge @!p0 [sflag:s8], $0x0  }
0x24: {  	s3 =	sadd.s32 $0x88, s3;
	s6 =	simm.s32 @!p1 $0x1082;
	[sflag:s4] =	ssyncset.s32 $0xFFFFF086  }
0x25: {  	[simem:s6], [sflag:s4] =	dma.local [hbm:s3], $0xF7A  }
0x26: {  	[smem:$0x3F93] =	sst s1;
	(tag) =	ssettag s2;
	_ =	strace s9  }
0x27: {  	s1 =	sld [smem:$0x3FA3]  }
0x28: {  	s2 =	sld [smem:$0x3FA4]  }
0x29: {  	s4 =	sld [smem:$0x3FA6]  }
0x2a: {  	p0 =	seq.s32 s5, $0x0;
	s5 =	sld [smem:$0x3FA7]  }
0x2b: {  	s6 =	sld [smem:$0x3FA8]  }
0x2c: {  	s7 =	sld [smem:$0x3FA9]  }
0x2d: {  	s3 =	simm.s32 $0x108;
	s8 =	sld [smem:$0x3FAA]  }
0x2e: {  	s3 =	simm.s32 @!p0 $0x1082;
	s9 =	sld [smem:$0x3FAB]  }
0x2f: {  	lr =	sadd.s32 s0, s3;
	s0 =	sld [smem:$0x3FA2]  }
0x30: {  	s3 =	sld [smem:$0x3FA5]  }
0x31: {  	[smem:$0x3FAE] =	sst s10  }
0x32: {  	s10 =	sld [smem:$0x3FAC];
	_ =	sdelay $0x3  }
0x33: {  	p0 =	seq.s32 s10, $0x1;
	s10 =	sld [smem:$0x3FAE];
	_ =	sdelay $0x3  }
0x34: {  	[smem:$0x3FAE] =	sst s10  }
0x35: {  	s10 =	sld [smem:$0x3FAD];
	_ =	sdelay $0x3  }
0x36: {  	p1 =	seq.s32 s10, $0x1;
	s10 =	sld [smem:$0x3FAE];
	_ =	sdelay $0x3  }
0x37: {  	[smem:$0x3FAE] =	sst s10  }
0x38: {  	s10 =	sld [smem:$0x3FAF]  }
0x39: {  	_ = 	snop;
	(pc) =	sbr.ind lr, $3  }
0x3a: {  	_ = 	snop  }
0x3b: {  	_ = 	snop  }
0x3c: {  	p2 =	seq.s32 s10, $0x1;
	s10 =	sld [smem:$0x3FAE]  }
0x3d: {  	_ =	shalt  }
0x3e: {  	_ =	shalt  }
0x3f: {  	_ =	shalt  }
0x40: {  	_ =	shalt  }
0x41: {  	_ =	shalt  }
0x42: {  	_ =	shalt  }
0x43: {  	_ =	shalt  }
0x44: {  	_ =	shalt  }
0x45: {  	_ =	shalt  }
0x46: {  	_ =	shalt  }
0x47: {  	_ =	shalt  }
0x48: {  	_ =	shalt  }
0x49: {  	_ =	shalt  }
0x4a: {  	_ =	shalt  }
0x4b: {  	_ =	shalt  }
0x4c: {  	_ =	shalt  }
0x4d: {  	_ =	shalt  }
0x4e: {  	_ =	shalt  }
0x4f: {  	_ =	shalt  }
0x50: {  	_ =	shalt  }
0x51: {  	_ =	shalt  }
0x52: {  	_ =	shalt  }
0x53: {  	_ =	shalt  }
0x54: {  	_ =	shalt  }
0x55: {  	_ =	shalt  }
0x56: {  	_ =	shalt  }
0x57: {  	_ =	shalt  }
0x58: {  	_ =	shalt  }
0x59: {  	_ =	shalt  }
0x5a: {  	_ =	shalt  }
0x5b: {  	_ =	shalt  }
0x5c: {  	_ =	shalt  }
0x5d: {  	_ =	shalt  }
0x5e: {  	_ =	shalt  }
0x5f: {  	_ =	shalt  }
0x60: {  	_ =	shalt  }
0x61: {  	_ =	shalt  }
0x62: {  	_ =	shalt  }
0x63: {  	_ =	shalt  }
0x64: {  	_ =	shalt  }
0x65: {  	_ =	shalt  }
0x66: {  	_ =	shalt  }
0x67: {  	_ =	shalt  }
0x68: {  	_ =	shalt  }
0x69: {  	_ =	shalt  }
0x6a: {  	_ =	shalt  }
0x6b: {  	_ =	shalt  }
0x6c: {  	_ =	shalt  }
0x6d: {  	_ =	shalt  }
0x6e: {  	_ =	shalt  }
0x6f: {  	_ =	shalt  }
0x70: {  	_ =	shalt  }
0x71: {  	_ =	shalt  }
0x72: {  	_ =	shalt  }
0x73: {  	_ =	shalt  }
0x74: {  	_ =	shalt  }
0x75: {  	_ =	shalt  }
0x76: {  	_ =	shalt  }
0x77: {  	_ =	shalt  }
0x78: {  	_ =	shalt  }
0x79: {  	_ =	shalt  }
0x7a: {  	_ =	shalt  }
0x7b: {  	_ =	shalt  }
0x7c: {  	_ =	shalt  }
0x7d: {  	_ =	shalt  }
0x7e: {  	_ =	shalt  }
0x7f: {  	_ =	shalt  }
0x80: {  	_ =	shalt  }
0x81: {  	_ =	shalt  }
0x82: {  	_ =	shalt  }
0x83: {  	_ =	shalt  }
0x84: {  	_ =	shalt  }
0x85: {  	_ =	shalt  }
0x86: {  	_ =	shalt  }
0x87: {  	_ =	shalt  }
.Lfunc_end0:
.L_simem_size_0:
called_computation_lowered:
.L_overlay_start_0:
0x88: {  	s2 =	sld [smem:$0x3FD9]  }
0x89: {  	s3 =	sld [smem:$0x3FFE];
	_ =	sdelay $0x1  }
0x8a: {  	s1 =	srdreg.scid  }
0x8b: {  	s0 =	sand.u32 $0x1, s1  }
0x8c: {  	s17 =	sshll.u32 s0, $0xA;
	s2 =	sadd.s32 s3, s2  }
0x8d: {  	s2 =	sadd.s32 s2, s17  }
0x8e: {  	[smem:$0x3FBA] =	sst s2  }
0x8f: {  	_ = 	snop  }
0x90: {  	s2 =	sld [smem:$0x3FD0];
	(tm) =	ssettm $0x1  }
0x91: {  	s18 =	sld [smem:$0x3FFB];
	_ =	sdelay $0x3  }
0x92: {  	_ =	strace s18  }
0x93: {  	s3 =	sld [smem:$0x3FFC];
	_ =	sdelay $0x3  }
0x94: {  	_ =	strace s3  }
0x95: {  	s3 =	sld [smem:$0x3FFD];
	_ =	sdelay $0x3  }
0x96: {  	_ =	strace s3  }
0x97: {  	_ =	strace $0x8FFFFFFF  }
0x98: {  	s19 =	sld [smem:$0x3FDB];
	_ =	sdelay $0x1  }
0x99: {  	s4 =	simm.s32 $_scs_section_size  }
0x9a: {  	s5 =	simm.s32 $_size__tile_overlayer_lowered;
	s6 =	simm.s32 $_tile_overlayer_lowered  }
0x9b: {  	s22 =	simm.s32 $0x1BFF;
	s21 =	sshll.u32 s6, $0x1;
	s3 =	sadd.s32 s4, s19  }
0x9c: {  	s7 =	simm.s32 $0x0;
	s20 =	sshll.u32 s5, $0x1;
	s5 =	sadd.s32 s21, s3  }
0x9d: {  	[timem:s7], [sflag:s22] =	dma.local [hbm:s5], s20  }
0x9e: {  	_ =	swait.ge [sflag:s22], s20  }
0x9f: {  	s4 =	ssub.s32 $0x0, s20;
	[sflag:s22] =	ssyncset.done $0x0  }
0xa0: {  	[sflag:s22] =	ssyncadd.s32 s4;
	_ =	sdelay $0x1  }
0xa1: {  	s23 =	simm.s32 $0x1B8B  }
0xa2: {  	_ =	swait.ge [sflag:s23], $0x1  }
0xa3: {  	[sflag:s23] =	ssyncset.done $0x0  }
0xa4: {  	s25 =	simm.s32 $0x1B8E;
	s24 =	sld [smem:$0x3FFE];
	[sflag:s23] =	ssyncadd.s32 $0xFFFFFFFF  }
0xa5: {  	s26 =	simm.s32 $execute0_lowered;
	[smem:$0x3FD2] =	sst s25  }
0xa6: {  	s5 =	sshll.u32 s26, $0x1;
	_ =	strace $0x80000046;
	[dreg:$0x1] =	wrdreg $0xFFFFFFFF  }
0xa7: {  	s28 =	simm.s32 $_size_execute0_lowered;
	s3 =	sadd.s32 s3, s5;
	[dreg:$0x0] =	wrdreg $0x0  }
0xa8: {  	s5 =	sshll.u32 s28, $0x1;
	[dreg:$0x2] =	wrdreg s3  }
0xa9: {  	[dreg:$0x3] =	wrdreg s5  }
0xaa: {  	[dreg:$0x4] =	wrdreg $0xC0  }
0xab: {  	_ =	task [dreg:s7], $0x5FFFF  }
0xac: {  	[dreg:$0x1] =	wrdreg $0xFFFFFFFF  }
0xad: {  	[dreg:$0x0] =	wrdreg $0x60  }
0xae: {  	[dreg:$0x2] =	wrdreg s24  }
0xaf: {  	[dreg:$0x3] =	wrdreg s2  }
0xb0: {  	[dreg:$0x4] =	wrdreg $0x28800  }
0xb1: {  	[dreg:$0x5] =	wrdreg $0x9  }
0xb2: {  	_ =	task.clear_ibuf [dreg:s7], $0x6FFFF;
	_ =	strace $0x90000046  }
0xb3: {  	s29 =	simm.s32 $0x9;
	_ =	strace $0x80000048  }
0xb4: {  	_ =	swait.ge [sflag:s29], $0x1  }
0xb5: {  	[sflag:s29] =	ssyncadd.s32 $0xFFFFFFFF  }
0xb6: {  	_ =	strace $0x90000048  }
0xb7: {  	_ =	sfence  }
0xb8: {  	s30 =	sld [smem:$0x0];
	_ =	sdelay $0x2  }
0xb9: {  	s31 =	sshll.u32 s1, $0xD;
	s1 =	sshrl.u32 s1, $0x2  }
0xba: {  	s3 =	sand.u32 $0x4000, s31;
	s1 =	sadd.s32 s1, s30  }
0xbb: {  	s0 =	sor.u32 s3, s0;
	s1 =	sshll.u32 s1, $0x11  }
0xbc: {  	s0 =	sor.u32 s1, s0  }
0xbd: {  	s0 =	sadd.s32 $0x8F2B, s0  }
0xbe: {  	[sflag:s0] =	ssyncadd.remote.s32 $0x1  }
0xbf: {  	_ =	sfence.sel $0xFFFF  }
0xc0: {  	[dreg:$0x0] =	wrdreg $0xFFFFFFFF;
	(pc) =	sbr.abs _section_cstart, $3  }
0xc1: {  	[dreg:$0x1] =	wrdreg $0xFFFFFFFF  }
0xc2: {  	_ =	task.clear_ibuf [dreg:s7], $0x2FFFF;
	_ =	strace $0x9FFFFFFF  }
0xc3: {  	(tm) =	ssettm $0x7FFFFFFF  }
tec
execute0_lowered:
.L_overlay_start_1:
0x0: {  	(tag) =	ssettag $0x1  }
0x1: {  	s4 =	rddreg [dreg:$0x0]  }
0x2: {  	s7 =	rddreg [dreg:$0x1]  }
0x3: {  	s2 =	rddreg [dreg:$0x2]  }
0x4: {  	s0 =	rddreg [dreg:$0x3];
	s5 =	srdreg.scid  }
0x5: {  	s1 =	stileid.u32;
	s3 =	simm.s32 $0x0;
	s12 =	simm.s32 $0x2800  }
0x6: {  	s13 =	simm.s32 $0x0;
	s5 =	sand.u32 $0x1, s5;
	s6 =	sshll.u32 s1, $0x1  }
0x7: {  	[smem:$0x7FF] =	sst s3;
	s8 =	smul.u32 $0x280, s1;
	s31 =	sshll.u32 s1, $0x6  }
0x8: {  	s6 =	sor.u32 s5, s6;
	s10 =	ssub.s32 $0x2, s5;
	s5 =	smul.u32 $0x2800, s5  }
0x9: {  	_ =	strace $0x80000047;
	s6 =	smul.u32 $0x500, s6;
	s9 =	sshrl.u32 s8, $0x3  }
0xa: {  	s29 =	sshrl.u32 s10, $0x1;
	s30 =	sadd.s32 s8, s2;
	s5 =	sadd.s32 s8, s5  }
0xb: {  	s6 =	sadd.s32 s6, s4;
	s4 =	sadd.s32 s9, s4;
	s9 =	ssub.s32 s10, s29  }
0xc: {  	s11 =	sshrl.u32 s5, $0x3;
	s5 =	sor.u32 $0x1C01, s31;
	s10 =	simm.s32 $0x1  }
0xd: {  	s4 =	sadd.s32 $0x18600, s4;
	s6 =	sadd.s32 $0xE600, s6;
	s7 =	sadd.s32 s7, s11  }
0xe: {  	v0 =	vimm.f32 $1.000000000e+00;
	s8 =	smax.u32 s9, $0x1;
	s9 =	sshrl.u32 s30, $0x3;
	s11 =	simm.s32 $0x80  }
.LBB2_1:
0xf: {  	[tilespmem:$0x2800] =	vst v0  }
0x10: {  	[tilespmem:$0x2810] =	vst v0  }
0x11: {  	[tilespmem:$0x2820] =	vst v0  }
0x12: {  	[tilespmem:$0x2830] =	vst v0  }
0x13: {  	[tilespmem:$0x2840] =	vst v0  }
0x14: {  	[tilespmem:$0x2850] =	vst v0  }
0x15: {  	[tilespmem:$0x2860] =	vst v0  }
0x16: {  	[tilespmem:$0x2870] =	vst v0  }
0x17: {  	[spmem:s9], [sflag:s5] =	dma.local [hbm:s4], $0x50  }
0x18: {  	_ =	swait.ge [sflag:s10], $0x50  }
0x19: {  	[sflag:s10] =	ssyncset.done $0x0  }
0x1a: {  	[sflag:s10] =	ssyncadd.s32 $0xFFFFFFB0  }
0x1b: {  	[tilespmem:s3], [sflag:$0x1] =	stream.linear.gather [hbm4b:s6+s3], $0x2800, $0x38;
	[tilespmem:$0x2B00] =	vst v63  }
0x1c: {  	_ =	swait.ge [sflag:s10], $0x2800  }
0x1d: {  	[sflag:s10] =	ssyncset.done $0x0  }
0x1e: {  	[sflag:s10] =	ssyncadd.s32 $0xFFFFD800  }
0x1f: {  	s14 =	simm.s32 $0x0;
	[bflag:$0x0] =	sbarrier.arrive $0xFFFF  }
0x20: {  	[spmem:s2] =	stream.indirect.scatter.add.f32 [tilespmem:s12], [sflag:$0x1], $0x1, s14, s11, $0xb8;
	[tilespmem:$0x2B00] =	vst v63  }
0x21: {  	_ =	swait.ge [sflag:s10], $0x80  }
0x22: {  	s14 =	simm.s32 $0x200;
	[sflag:s10] =	ssyncset.done $0x0  }
.LBB2_2:
0x23: {  	s15 =	sshra.s32 s14, $0x2;
	[sflag:s10] =	ssyncadd.s32 $0xFFFFFF80;
	p0 =	sne.s32 s14, $0x9E00  }
0x24: {  	[spmem:s2] =	stream.indirect.scatter.add.f32 [tilespmem:s12], [sflag:$0x1], $0x1, s15, s11, $0xb8;
	[tilespmem:$0x2B00] =	vst v63  }
.Ltmp0:
0x25: {  	_ = 	snop;
	(pc) =	sbr.rel @p0 .LBB2_2-.Ltmp0, $4  }
0x26: {  	_ = 	snop  }
0x27: {  	s14 =	sadd.s32 $0x200, s14  }
0x28: {  	_ =	swait.ge [sflag:s10], $0x80  }
0x29: {  	[sflag:s10] =	ssyncset.done $0x0  }
0x2a: {  	s13 =	sadd.s32 $0x1, s13  }
0x2b: {  	[sflag:s10] =	ssyncadd.s32 $0xFFFFFF80;
	p0 =	sne.s32 s13, s8  }
.Ltmp1:
0x2c: {  	[bflag:$0x0] =	sbarrier.arrive $0xFFFF;
	(pc) =	sbr.rel @p0 .LBB2_1-.Ltmp1, $4  }
0x2d: {  	[hbm:s7], [sflag:s5] =	dma.local [spmem:s9], $0x50  }
0x2e: {  	_ =	swait.ge [sflag:s10], $0x50  }
0x2f: {  	[sflag:s10] =	ssyncset.done $0x0  }
0x30: {  	[sflag:s10] =	ssyncadd.s32 $0xFFFFFFB0  }
0x31: {  	_ =	sfence.sel $0x180000  }
0x32: {  	[bflag:$0x0] =	sbarrier.arrive $0xFFFF  }
0x33: {  	p0 =	sne.s32 s1, $0x0;
	_ =	strace $0x90000047  }
0x34: {  	s0 =	sadd.s32 @!p0 $0x100000, s0;
	[bflag:$0x2] =	sbarrier.arrive $0xFFFF  }
0x35: {  	[sflag:s0] =	ssyncadd.tile.s32 @!p0 $0x1;
	_ =	shalt  }
.Lfunc_end2:
_tile_overlayer_lowered:
.L_overlay_start_2:
0x36: {  	(tag) =	ssettag $0x2  }
0x37: {  	s0 =	rddreg [dreg:$0x0];
	s2 =	stileid.u32  }
0x38: {  	s1 =	rddreg [dreg:$0x1];
	p0 =	sne.s32 s2, $0x0  }
0x39: {  	s3 =	rddreg [dreg:$0x2];
	[bflag:$0x3] =	sbarrier.arrive $0xFFFF;
	s2 =	simm.s32 @!p0 $0x1C01  }
0x3a: {  	[timem:s3], [sflag:s2] =	dma.local @!p0 [hbm:s0], s1  }
0x3b: {  	s0 =	simm.s32 @!p0 $0x1  }
0x3c: {  	_ =	swait.ge @!p0 [sflag:s0], s1  }
0x3d: {  	s1 =	ssub.s32 @!p0 $0x0, s1;
	[sflag:s0] =	ssyncset.done @!p0 $0x0  }
0x3e: {  	[sflag:s0] =	ssyncadd.s32 @!p0 s1  }
0x3f: {  	[bflag:$0x3] =	sbarrier.arrive $0xFFFF  }
0x40: {  	_ =	shalt  }

// kernel: kernel.13.cloned.1.call-start
scs
__scs_entry_jumppad:
0x0: {  	(pc) =	sbr.rel $0x88, $3  }
0x1: {  	(tag) =	ssettag $0x0;
	lr =	simm.s32 $0x1  }
0x2: {  	[smem:$0x3F93] =	sst lr;
	_ =	strace $0xD0000000  }
0x3: {  	_ = 	snop  }
0x4: {  	_ = 	snop  }
0x5: {  	_ = 	snop  }
0x6: {  	_ = 	snop  }
0x7: {  	_ = 	snop  }
__scs_overlays_trampoline_lowered:
0x8: {  	[smem:$0x3FA2] =	sst s0  }
0x9: {  	[smem:$0x3FA3] =	sst s1  }
0xa: {  	[smem:$0x3FA4] =	sst s2  }
0xb: {  	[smem:$0x3FA5] =	sst s3  }
0xc: {  	[smem:$0x3FA6] =	sst s4  }
0xd: {  	[smem:$0x3FA7] =	sst s5  }
0xe: {  	[smem:$0x3FA8] =	sst s6  }
0xf: {  	[smem:$0x3FA9] =	sst s7  }
0x10: {  	[smem:$0x3FAA] =	sst s8  }
0x11: {  	[smem:$0x3FAB] =	sst s9;
	s0 =	simm.s32 @!p0 $0x0  }
0x12: {  	s1 =	sld [smem:$0x3F91];
	s0 =	simm.s32 @p0 $0x1  }
0x13: {  	[smem:$0x3FAC] =	sst s0;
	s0 =	simm.s32 @!p1 $0x0  }
0x14: {  	s2 =	sld [smem:$0x3F90];
	s0 =	simm.s32 @p1 $0x1  }
0x15: {  	[smem:$0x3FAD] =	sst s0;
	s0 =	simm.s32 @!p2 $0x0  }
0x16: {  	s3 =	sld [smem:$0x3FDB];
	s0 =	simm.s32 @p2 $0x1  }
0x17: {  	s4 =	simm.s32 $0x1BF5;
	[smem:$0x3FAF] =	sst s0  }
0x18: {  	s0 =	sld [smem:$0x3F92];
	_ =	swait.ge [sflag:s4], $0x0  }
0x19: {  	s7 =	sld [smem:$0x3F93]  }
0x1a: {  	s8 =	sadd.s32 $0xFFFFE003, lr  }
0x1b: {  	s9 =	sadd.s32 $0xFFFFFEF7, lr;
	s5 =	simm.s32 $0xFFFFFFFF;
	p2 =	slt.u32 s8, $0xFFFFF086  }
0x1c: {  	p1 =	slt.u32 s9, $0xF7A;
	s5 =	simm.s32 @!p2 $0x0  }
0x1d: {  	s5 =	simm.s32 @p1 $0x1;
	p0 =	seq.s32 s7, s2  }
0x1e: {  	s7 =	smul.u32 @!p0 $0xF7A, s2;
	p2 =	seq.s32 @!p0 s5, $0x0  }
0x1f: {  	s9 =	smul.u32 $0xF7A, s1;
	s8 =	simm.s32 @!p0 $0x1BF5;
	p2 =	por !p2, p0  }
0x20: {  	[sflag:s8] =	ssyncset.s32 @!p0 $0xFFFFF086;
	s6 =	sadd.s32 @!p0 s3, s7;
	s7 =	simm.s32 @!p0 $0x108  }
0x21: {  	s3 =	sadd.s32 s3, s9;
	s6 =	sadd.s32 @!p0 $0x88, s6;
	s7 =	simm.s32 @p2 $0x1082  }
0x22: {  	[simem:s7], [sflag:s8] =	dma.local @!p0 [hbm:s6], $0xF7A  }
0x23: {  	s9 =	sor.u32 $0xD0000000, s2;
	s6 =	simm.s32 $0x108;
	_ =	swait.ge @!p0 [sflag:s8], $0x0  }
0x24: {  	s3 =	sadd.s32 $0x88, s3;
	s6 =	simm.s32 @!p1 $0x1082;
	[sflag:s4] =	ssyncset.s32 $0xFFFFF086  }
0x25: {  	[simem:s6], [sflag:s4] =	dma.local [hbm:s3], $0xF7A  }
0x26: {  	[smem:$0x3F93] =	sst s1;
	(tag) =	ssettag s2;
	_ =	strace s9  }
0x27: {  	s1 =	sld [smem:$0x3FA3]  }
0x28: {  	s2 =	sld [smem:$0x3FA4]  }
0x29: {  	s4 =	sld [smem:$0x3FA6]  }
0x2a: {  	p0 =	seq.s32 s5, $0x0;
	s5 =	sld [smem:$0x3FA7]  }
0x2b: {  	s6 =	sld [smem:$0x3FA8]  }
0x2c: {  	s7 =	sld [smem:$0x3FA9]  }
0x2d: {  	s3 =	simm.s32 $0x108;
	s8 =	sld [smem:$0x3FAA]  }
0x2e: {  	s3 =	simm.s32 @!p0 $0x1082;
	s9 =	sld [smem:$0x3FAB]  }
0x2f: {  	lr =	sadd.s32 s0, s3;
	s0 =	sld [smem:$0x3FA2]  }
0x30: {  	s3 =	sld [smem:$0x3FA5]  }
0x31: {  	[smem:$0x3FAE] =	sst s10  }
0x32: {  	s10 =	sld [smem:$0x3FAC];
	_ =	sdelay $0x3  }
0x33: {  	p0 =	seq.s32 s10, $0x1;
	s10 =	sld [smem:$0x3FAE];
	_ =	sdelay $0x3  }
0x34: {  	[smem:$0x3FAE] =	sst s10  }
0x35: {  	s10 =	sld [smem:$0x3FAD];
	_ =	sdelay $0x3  }
0x36: {  	p1 =	seq.s32 s10, $0x1;
	s10 =	sld [smem:$0x3FAE];
	_ =	sdelay $0x3  }
0x37: {  	[smem:$0x3FAE] =	sst s10  }
0x38: {  	s10 =	sld [smem:$0x3FAF]  }
0x39: {  	_ = 	snop;
	(pc) =	sbr.ind lr, $3  }
0x3a: {  	_ = 	snop  }
0x3b: {  	_ = 	snop  }
0x3c: {  	p2 =	seq.s32 s10, $0x1;
	s10 =	sld [smem:$0x3FAE]  }
0x3d: {  	_ =	shalt  }
0x3e: {  	_ =	shalt  }
0x3f: {  	_ =	shalt  }
0x40: {  	_ =	shalt  }
0x41: {  	_ =	shalt  }
0x42: {  	_ =	shalt  }
0x43: {  	_ =	shalt  }
0x44: {  	_ =	shalt  }
0x45: {  	_ =	shalt  }
0x46: {  	_ =	shalt  }
0x47: {  	_ =	shalt  }
0x48: {  	_ =	shalt  }
0x49: {  	_ =	shalt  }
0x4a: {  	_ =	shalt  }
0x4b: {  	_ =	shalt  }
0x4c: {  	_ =	shalt  }
0x4d: {  	_ =	shalt  }
0x4e: {  	_ =	shalt  }
0x4f: {  	_ =	shalt  }
0x50: {  	_ =	shalt  }
0x51: {  	_ =	shalt  }
0x52: {  	_ =	shalt  }
0x53: {  	_ =	shalt  }
0x54: {  	_ =	shalt  }
0x55: {  	_ =	shalt  }
0x56: {  	_ =	shalt  }
0x57: {  	_ =	shalt  }
0x58: {  	_ =	shalt  }
0x59: {  	_ =	shalt  }
0x5a: {  	_ =	shalt  }
0x5b: {  	_ =	shalt  }
0x5c: {  	_ =	shalt  }
0x5d: {  	_ =	shalt  }
0x5e: {  	_ =	shalt  }
0x5f: {  	_ =	shalt  }
0x60: {  	_ =	shalt  }
0x61: {  	_ =	shalt  }
0x62: {  	_ =	shalt  }
0x63: {  	_ =	shalt  }
0x64: {  	_ =	shalt  }
0x65: {  	_ =	shalt  }
0x66: {  	_ =	shalt  }
0x67: {  	_ =	shalt  }
0x68: {  	_ =	shalt  }
0x69: {  	_ =	shalt  }
0x6a: {  	_ =	shalt  }
0x6b: {  	_ =	shalt  }
0x6c: {  	_ =	shalt  }
0x6d: {  	_ =	shalt  }
0x6e: {  	_ =	shalt  }
0x6f: {  	_ =	shalt  }
0x70: {  	_ =	shalt  }
0x71: {  	_ =	shalt  }
0x72: {  	_ =	shalt  }
0x73: {  	_ =	shalt  }
0x74: {  	_ =	shalt  }
0x75: {  	_ =	shalt  }
0x76: {  	_ =	shalt  }
0x77: {  	_ =	shalt  }
0x78: {  	_ =	shalt  }
0x79: {  	_ =	shalt  }
0x7a: {  	_ =	shalt  }
0x7b: {  	_ =	shalt  }
0x7c: {  	_ =	shalt  }
0x7d: {  	_ =	shalt  }
0x7e: {  	_ =	shalt  }
0x7f: {  	_ =	shalt  }
0x80: {  	_ =	shalt  }
0x81: {  	_ =	shalt  }
0x82: {  	_ =	shalt  }
0x83: {  	_ =	shalt  }
0x84: {  	_ =	shalt  }
0x85: {  	_ =	shalt  }
0x86: {  	_ =	shalt  }
0x87: {  	_ =	shalt  }
.Lfunc_end0:
.L_simem_size_0:
called_computation.1_lowered:
.L_overlay_start_0:
0x88: {  	s2 =	sld [smem:$0x3FD9]  }
0x89: {  	s3 =	sld [smem:$0x3FFE];
	_ =	sdelay $0x1  }
0x8a: {  	s1 =	srdreg.scid  }
0x8b: {  	s0 =	sand.u32 $0x1, s1  }
0x8c: {  	s16 =	sshll.u32 s0, $0xA;
	s2 =	sadd.s32 s3, s2  }
0x8d: {  	s2 =	sadd.s32 s2, s16  }
0x8e: {  	[smem:$0x3FBA] =	sst s2  }
0x8f: {  	_ = 	snop  }
0x90: {  	(tm) =	ssettm $0x1  }
0x91: {  	s17 =	sld [smem:$0x3FFB];
	_ =	sdelay $0x3  }
0x92: {  	_ =	strace s17  }
0x93: {  	s2 =	sld [smem:$0x3FFC];
	_ =	sdelay $0x3  }
0x94: {  	_ =	strace s2  }
0x95: {  	s2 =	sld [smem:$0x3FFD];
	_ =	sdelay $0x3  }
0x96: {  	_ =	strace s2  }
0x97: {  	_ =	strace $0x8FFFFFFF  }
0x98: {  	s18 =	sld [smem:$0x3FDB];
	_ =	sdelay $0x1  }
0x99: {  	s19 =	simm.s32 $_scs_section_size  }
0x9a: {  	s4 =	simm.s32 $_size__tile_overlayer_lowered;
	s5 =	simm.s32 $_tile_overlayer_lowered  }
0x9b: {  	s22 =	simm.s32 $0x1BFF;
	s21 =	sshll.u32 s5, $0x1;
	s2 =	sadd.s32 s19, s18  }
0x9c: {  	s6 =	simm.s32 $0x0;
	s20 =	sshll.u32 s4, $0x1;
	s4 =	sadd.s32 s21, s2  }
0x9d: {  	[timem:s6], [sflag:s22] =	dma.local [hbm:s4], s20  }
0x9e: {  	_ =	swait.ge [sflag:s22], s20  }
0x9f: {  	s3 =	ssub.s32 $0x0, s20;
	[sflag:s22] =	ssyncset.done $0x0  }
0xa0: {  	[sflag:s22] =	ssyncadd.s32 s3;
	_ =	sdelay $0x1  }
0xa1: {  	s23 =	simm.s32 $0x1B8B  }
0xa2: {  	_ =	swait.ge [sflag:s23], $0x1  }
0xa3: {  	[sflag:s23] =	ssyncset.done $0x0  }
0xa4: {  	s25 =	simm.s32 $0x1B8E;
	s24 =	sld [smem:$0x3FFE];
	[sflag:s23] =	ssyncadd.s32 $0xFFFFFFFF  }
0xa5: {  	s26 =	simm.s32 $execute0_lowered;
	[smem:$0x3FD2] =	sst s25  }
0xa6: {  	s4 =	sshll.u32 s26, $0x1;
	_ =	strace $0x80000049;
	[dreg:$0x1] =	wrdreg $0xFFFFFFFF  }
0xa7: {  	s28 =	simm.s32 $_size_execute0_lowered;
	s2 =	sadd.s32 s2, s4;
	[dreg:$0x0] =	wrdreg $0x0  }
0xa8: {  	s4 =	sshll.u32 s28, $0x1;
	[dreg:$0x2] =	wrdreg s2  }
0xa9: {  	[dreg:$0x3] =	wrdreg s4  }
0xaa: {  	[dreg:$0x4] =	wrdreg $0xC0  }
0xab: {  	_ =	task [dreg:s6], $0x5FFFF  }
0xac: {  	[dreg:$0x1] =	wrdreg $0xFFFFFFFF  }
0xad: {  	[dreg:$0x0] =	wrdreg $0x60  }
0xae: {  	[dreg:$0x2] =	wrdreg s24  }
0xaf: {  	[dreg:$0x3] =	wrdreg $0xD0000  }
0xb0: {  	[dreg:$0x4] =	wrdreg $0x9  }
0xb1: {  	_ =	task.clear_ibuf [dreg:s6], $0x5FFFF;
	_ =	strace $0x90000049  }
0xb2: {  	s29 =	simm.s32 $0x9;
	_ =	strace $0x8000004B  }
0xb3: {  	_ =	swait.ge [sflag:s29], $0x1  }
0xb4: {  	[sflag:s29] =	ssyncadd.s32 $0xFFFFFFFF  }
0xb5: {  	_ =	strace $0x9000004B  }
0xb6: {  	_ =	sfence  }
0xb7: {  	s30 =	sld [smem:$0x0];
	_ =	sdelay $0x2  }
0xb8: {  	s31 =	sshll.u32 s1, $0xD;
	s1 =	sshrl.u32 s1, $0x2  }
0xb9: {  	s3 =	sand.u32 $0x4000, s31;
	s1 =	sadd.s32 s1, s30  }
0xba: {  	s0 =	sor.u32 s3, s0;
	s1 =	sshll.u32 s1, $0x11  }
0xbb: {  	s0 =	sor.u32 s1, s0  }
0xbc: {  	s0 =	sadd.s32 $0x8F2B, s0  }
0xbd: {  	[sflag:s0] =	ssyncadd.remote.s32 $0x1  }
0xbe: {  	_ =	sfence.sel $0xFFFF  }
0xbf: {  	[dreg:$0x0] =	wrdreg $0xFFFFFFFF;
	(pc) =	sbr.abs _section_cstart, $3  }
0xc0: {  	[dreg:$0x1] =	wrdreg $0xFFFFFFFF  }
0xc1: {  	_ =	task.clear_ibuf [dreg:s6], $0x2FFFF;
	_ =	strace $0x9FFFFFFF  }
0xc2: {  	(tm) =	ssettm $0x7FFFFFFF  }
0xc3: {  	_ =	shalt  }
tec
execute0_lowered:
.L_overlay_start_1:
0x0: {  	(tag) =	ssettag $0x1  }
0x1: {  	s0 =	rddreg [dreg:$0x0]  }
0x2: {  	s2 =	rddreg [dreg:$0x1];
	s3 =	simm.s32 $0x0;
	s1 =	srdreg.scid  }
0x3: {  	s9 =	stileid.u32;
	s12 =	simm.s32 $0x9;
	s13 =	simm.s32 $0x2800  }
0x4: {  	s14 =	simm.s32 $0x80;
	s15 =	simm.s32 $0x5000;
	s16 =	simm.s32 $0x7000  }
0x5: {  	s18 =	simm.s32 $0x9000;
	s19 =	simm.s32 $0x1;
	s21 =	simm.s32 $0xB000  }
0x6: {  	s22 =	simm.s32 $0x2;
	s24 =	simm.s32 $0x5;
	s29 =	simm.s32 $0x6  }
0x7: {  	s31 =	simm.s32 $0x4;
	s20 =	simm.s32 $0x8;
	s23 =	simm.s32 $0x0  }
0x8: {  	s1 =	sand.u32 $0x1, s1;
	s4 =	sshll.u32 s9, $0x1;
	s5 =	smul.u32 $0xA000, s9  }
0x9: {  	[smem:$0x7FF] =	sst s3;
	s30 =	sshll.u32 s9, $0x6;
	s4 =	sor.u32 s1, s4  }
0xa: {  	s6 =	smul.u32 $0xA0000, s1;
	_ =	strace $0x8000004A;
	s1 =	ssub.s32 $0x2, s1  }
0xb: {  	s7 =	smul.u32 $0x500, s4;
	s4 =	sadd.s32 $0x68600, s0;
	s25 =	sshrl.u32 s1, $0x1  }
0xc: {  	s26 =	sshrl.u32 s5, $0x3;
	s11 =	sadd.s32 s5, s2;
	s6 =	sadd.s32 s5, s6  }
.Ltmp0:
0xd: {  	s1 =	ssub.s32 s1, s25;
	s28 =	sadd.s32 s4, s26;
	(pc) =	sbr.rel .LBB2_1-.Ltmp0, $4  }
0xe: {  	s11 =	sshrl.u32 s11, $0x3;
	s26 =	simm.s32 $0x3;
	s8 =	sadd.s32 s7, s0  }
0xf: {  	s6 =	sshrl.u32 s6, $0x3;
	[dreg:$0x3] =	wrdreg s28;
	s10 =	smax.u32 s1, $0x1  }
0x10: {  	s1 =	simm.s32 $0x7;
	s0 =	sadd.s32 s6, s0;
	s6 =	sor.u32 $0x1C09, s30  }
0x11: {  	s7 =	sadd.s32 $0x4600, s8;
	s8 =	sadd.s32 $0xE600, s8;
	s9 =	sadd.s32 $0x7C600, s0  }
.LBB2_4:
0x12: {  	_ =	swait.ge [sflag:s20], $0x2000  }
0x13: {  	s23 =	sadd.s32 $0x1, s23;
	[sflag:s20] =	ssyncset.done $0x0  }
0x14: {  	p0 =	sne.s32 s23, s10;
	[sflag:s20] =	ssyncadd.s32 $0xFFFFE000  }
.Ltmp1:
0x15: {  	[bflag:$0x0] =	sbarrier.arrive $0xFFFF;
	(pc) =	sbr.rel @!p0 .LBB2_5-.Ltmp1, $4  }
0x16: {  	[hbm:s9], [sflag:s6] =	dma.local [spmem:s11], $0x1400  }
0x17: {  	_ =	swait.ge [sflag:s12], $0x1400  }
0x18: {  	[sflag:s12] =	ssyncset.done $0x0  }
0x19: {  	[sflag:s12] =	ssyncadd.s32 $0xFFFFEC00  }
.LBB2_1:
0x1a: {  	s0 =	rddreg [dreg:$0x3]  }
0x1b: {  	[spmem:s11], [sflag:s6] =	dma.local [hbm:s0], $0x1400  }
0x1c: {  	_ =	swait.ge [sflag:s12], $0x1400  }
0x1d: {  	[sflag:s12] =	ssyncset.done $0x0  }
0x1e: {  	[sflag:s12] =	ssyncadd.s32 $0xFFFFEC00  }
0x1f: {  	[tilespmem:s3], [sflag:$0x9] =	stream.linear.gather [hbm4b:s7+s3], $0x2800, $0x38;
	[tilespmem:$0x17000] =	vst v63  }
0x20: {  	_ =	swait.ge [sflag:s12], $0x2800  }
0x21: {  	[sflag:s12] =	ssyncset.done $0x0  }
0x22: {  	[sflag:s12] =	ssyncadd.s32 $0xFFFFD800  }
0x23: {  	[tilespmem:s13], [sflag:$0x9] =	stream.linear.gather [hbm4b:s8+s3], $0x2800, $0x38;
	[tilespmem:$0x17000] =	vst v63  }
0x24: {  	_ =	swait.ge [sflag:s12], $0x2800  }
0x25: {  	[sflag:s12] =	ssyncset.done $0x0  }
0x26: {  	[sflag:s12] =	ssyncadd.s32 $0xFFFFD800  }
0x27: {  	[bflag:$0x0] =	sbarrier.arrive $0xFFFF  }
0x28: {  	[tilespmem:s15], [sflag:$0x1] =	stream.indirect.gather [hbm4b:s4+s14], $0x40, s3, s14, $0xb8;
	[tilespmem:$0x17000] =	vst v63  }
0x29: {  	_ = 	snop  }
0x2a: {  	[tilespmem:s16], [sflag:$0x2] =	stream.indirect.gather [hbm4b:s4+s14], $0x40, s14, s14, $0xb8;
	[tilespmem:$0x17000] =	vst v63  }
0x2b: {  	s25 =	simm.s32 $0x100  }
0x2c: {  	[tilespmem:s18], [sflag:$0x3] =	stream.indirect.gather [hbm4b:s4+s14], $0x40, s25, s14, $0xb8;
	[tilespmem:$0x17000] =	vst v63  }
0x2d: {  	_ =	swait.ge [sflag:s19], $0x2000  }
0x2e: {  	[sflag:s19] =	ssyncset.done $0x0  }
0x2f: {  	[sflag:s19] =	ssyncadd.s32 $0xFFFFE000  }
0x30: {  	[spmem:s2] =	stream.indirect.scatter.add.f32 [tilespmem:s15], [sflag:$0x5], $0x40, s13, s14, $0xb8;
	[tilespmem:$0x17000] =	vst v63  }
0x31: {  	s28 =	simm.s32 $0x180  }
0x32: {  	[tilespmem:s21], [sflag:$0x4] =	stream.indirect.gather [hbm4b:s4+s14], $0x40, s28, s14, $0xb8;
	[tilespmem:$0x17000] =	vst v63  }
0x33: {  	_ =	swait.ge [sflag:s22], $0x2000  }
0x34: {  	[sflag:s22] =	ssyncset.done $0x0  }
0x35: {  	s30 =	simm.s32 $0x2880;
	[sflag:s22] =	ssyncadd.s32 $0xFFFFE000  }
0x36: {  	[spmem:s2] =	stream.indirect.scatter.add.f32 [tilespmem:s16], [sflag:$0x6], $0x40, s30, s14, $0xb8;
	[tilespmem:$0x17000] =	vst v63  }
0x37: {  	_ =	swait.ge [sflag:s24], $0x2000  }
0x38: {  	[sflag:s24] =	ssyncset.done $0x0  }
0x39: {  	s5 =	simm.s32 $0x200;
	[sflag:s24] =	ssyncadd.s32 $0xFFFFE000  }
0x3a: {  	[tilespmem:s15], [sflag:$0x1] =	stream.indirect.gather [hbm4b:s4+s14], $0x40, s5, s14, $0xb8;
	[tilespmem:$0x17000] =	vst v63  }
0x3b: {  	_ =	swait.ge [sflag:s26], $0x2000  }
0x3c: {  	[sflag:s26] =	ssyncset.done $0x0  }
0x3d: {  	s17 =	simm.s32 $0x2900;
	[sflag:s26] =	ssyncadd.s32 $0xFFFFE000  }
0x3e: {  	[spmem:s2] =	stream.indirect.scatter.add.f32 [tilespmem:s18], [sflag:$0x7], $0x40, s17, s14, $0xb8;
	[tilespmem:$0x17000] =	vst v63  }
0x3f: {  	_ =	swait.ge [sflag:s29], $0x2000  }
0x40: {  	[sflag:s29] =	ssyncset.done $0x0  }
0x41: {  	s25 =	simm.s32 $0x280;
	[sflag:s29] =	ssyncadd.s32 $0xFFFFE000  }
0x42: {  	[tilespmem:s16], [sflag:$0x2] =	stream.indirect.gather [hbm4b:s4+s14], $0x40, s25, s14, $0xb8;
	[tilespmem:$0x17000] =	vst v63  }
0x43: {  	_ =	swait.ge [sflag:s31], $0x2000  }
0x44: {  	[sflag:s31] =	ssyncset.done $0x0  }
0x45: {  	s28 =	simm.s32 $0x2980;
	[sflag:s31] =	ssyncadd.s32 $0xFFFFE000  }
0x46: {  	[spmem:s2] =	stream.indirect.scatter.add.f32 [tilespmem:s21], [sflag:$0x8], $0x40, s28, s14, $0xb8;
	[tilespmem:$0x17000] =	vst v63  }
0x47: {  	_ =	swait.ge [sflag:s1], $0x2000  }
0x48: {  	[sflag:s1] =	ssyncset.done $0x0  }
0x49: {  	s30 =	simm.s32 $0x300;
	s25 =	simm.s32 $0x0;
	[sflag:s1] =	ssyncadd.s32 $0xFFFFE000  }
0x4a: {  	[tilespmem:s18], [sflag:$0x3] =	stream.indirect.gather [hbm4b:s4+s14], $0x40, s30, s14, $0xb8;
	[tilespmem:$0x17000] =	vst v63  }
.LBB2_2:
0x4b: {  	_ =	swait.ge [sflag:s19], $0x2000  }
0x4c: {  	s28 =	sshra.s32 s25, $0x2;
	[sflag:s19] =	ssyncset.done $0x0  }
0x4d: {  	s30 =	sadd.s32 $0x2A00, s28;
	[sflag:s19] =	ssyncadd.s32 $0xFFFFE000  }
0x4e: {  	[spmem:s2] =	stream.indirect.scatter.add.f32 [tilespmem:s15], [sflag:$0x5], $0x40, s30, s14, $0xb8;
	[tilespmem:$0x17000] =	vst v63  }
0x4f: {  	_ =	swait.ge [sflag:s20], $0x2000  }
0x50: {  	[sflag:s20] =	ssyncset.done $0x0  }
0x51: {  	s5 =	sadd.s32 $0x380, s28;
	[sflag:s20] =	ssyncadd.s32 $0xFFFFE000  }
0x52: {  	[tilespmem:s21], [sflag:$0x4] =	stream.indirect.gather [hbm4b:s4+s14], $0x40, s5, s14, $0xb8;
	[tilespmem:$0x17000] =	vst v63  }
0x53: {  	_ =	swait.ge [sflag:s22], $0x2000  }
0x54: {  	[sflag:s22] =	ssyncset.done $0x0  }
0x55: {  	s17 =	sadd.s32 $0x2A80, s28;
	[sflag:s22] =	ssyncadd.s32 $0xFFFFE000  }
0x56: {  	[spmem:s2] =	stream.indirect.scatter.add.f32 [tilespmem:s16], [sflag:$0x6], $0x40, s17, s14, $0xb8;
	[tilespmem:$0x17000] =	vst v63  }
0x57: {  	_ =	swait.ge [sflag:s24], $0x2000  }
0x58: {  	p0 =	seq.s32 s25, $0x9000;
	[sflag:s24] =	ssyncset.done $0x0  }
0x59: {  	s30 =	simm.s32 @p0 $0x3;
	[sflag:s24] =	ssyncadd.s32 $0xFFFFE000  }
0x5a: {  	_ =	swait.ge @p0 [sflag:s30], $0x2000  }
0x5b: {  	[sflag:s30] =	ssyncset.done @p0 $0x0  }
0x5c: {  	[sflag:s30] =	ssyncadd.s32 @p0 $0xFFFFE000;
	s30 =	sshra.s32 @p0 s25, $0x2  }
0x5d: {  	s0 =	simm.s32 @p0 $0x80;
	s17 =	simm.s32 @p0 $0x9000;
	s30 =	sadd.s32 @p0 $0x2B00, s30  }
0x5e: {  	[spmem:s2] =	stream.indirect.scatter.add.f32 @p0 [tilespmem:s17], [sflag:$0x7], $0x40, s30, s0, $0xb8;
	[tilespmem:$0x17000] =	vst v63  }
0x5f: {  	s0 =	simm.s32 @p0 $0x6  }
0x60: {  	_ =	swait.ge @p0 [sflag:s0], $0x2000  }
0x61: {  	[sflag:s0] =	ssyncset.done @p0 $0x0  }
0x62: {  	[sflag:s0] =	ssyncadd.s32 @p0 $0xFFFFE000;
	s0 =	sshra.s32 @!p0 s25, $0x2  }
0x63: {  	s5 =	simm.s32 @!p0 $0x5000;
	s30 =	simm.s32 @!p0 $0x80;
	s17 =	sadd.s32 @!p0 $0x400, s0  }
0x64: {  	[tilespmem:s5], [sflag:$0x1] =	stream.indirect.gather @!p0 [hbm4b:s4+s30], $0x40, s17, s30, $0xb8;
	[tilespmem:$0x17000] =	vst v63  }
0x65: {  	s5 =	simm.s32 @!p0 $0x3  }
0x66: {  	_ =	swait.ge @!p0 [sflag:s5], $0x2000  }
0x67: {  	[sflag:s5] =	ssyncset.done @!p0 $0x0  }
0x68: {  	s17 =	simm.s32 @!p0 $0x9000;
	[sflag:s5] =	ssyncadd.s32 @!p0 $0xFFFFE000;
	s5 =	sadd.s32 @!p0 $0x2B00, s0  }
0x69: {  	[spmem:s2] =	stream.indirect.scatter.add.f32 @!p0 [tilespmem:s17], [sflag:$0x7], $0x40, s5, s30, $0xb8;
	[tilespmem:$0x17000] =	vst v63  }
0x6a: {  	s5 =	simm.s32 @!p0 $0x6  }
0x6b: {  	_ =	swait.ge @!p0 [sflag:s5], $0x2000  }
0x6c: {  	[sflag:s5] =	ssyncset.done @!p0 $0x0  }
0x6d: {  	s0 =	sadd.s32 @!p0 $0x480, s0;
	[sflag:s5] =	ssyncadd.s32 @!p0 $0xFFFFE000;
	s5 =	simm.s32 @!p0 $0x7000  }
0x6e: {  	[tilespmem:s5], [sflag:$0x2] =	stream.indirect.gather @!p0 [hbm4b:s4+s30], $0x40, s0, s30, $0xb8;
	[tilespmem:$0x17000] =	vst v63  }
0x6f: {  	_ =	swait.ge [sflag:s31], $0x2000  }
0x70: {  	[sflag:s31] =	ssyncset.done $0x0  }
.Ltmp2:
0x71: {  	s30 =	sadd.s32 $0x2B80, s28;
	[sflag:s31] =	ssyncadd.s32 $0xFFFFE000;
	(pc) =	sbr.rel @p0 .LBB2_4-.Ltmp2, $4  }
0x72: {  	[spmem:s2] =	stream.indirect.scatter.add.f32 [tilespmem:s21], [sflag:$0x8], $0x40, s30, s14, $0xb8;
	[tilespmem:$0x17000] =	vst v63  }
0x73: {  	_ =	swait.ge [sflag:s1], $0x2000  }
0x74: {  	[sflag:s1] =	ssyncset.done $0x0  }
0x75: {  	[sflag:s1] =	ssyncadd.s32 $0xFFFFE000  }
.Ltmp3:
0x76: {  	(pc) =	sbr.rel .LBB2_2-.Ltmp3, $3  }
0x77: {  	_ =	sdelay $0x1  }
0x78: {  	s0 =	sadd.s32 $0x500, s28;
	s25 =	sadd.s32 $0x800, s25  }
0x79: {  	[tilespmem:s18], [sflag:$0x3] =	stream.indirect.gather [hbm4b:s4+s14], $0x40, s0, s14, $0xb8;
	[tilespmem:$0x17000] =	vst v63  }
.LBB2_5:
0x7a: {  	_ =	sfence.sel $0x180000  }
0x7b: {  	[bflag:$0x0] =	sbarrier.arrive $0xFFFF  }
0x7c: {  	_ =	strace $0x9000004A  }
0x7d: {  	s0 =	stileid.u32;
	[bflag:$0x2] =	sbarrier.arrive $0xFFFF  }
0x7e: {  	p0 =	sne.s32 s0, $0x0;
	s0 =	rddreg [dreg:$0x2]  }
0x7f: {  	s0 =	sadd.s32 @!p0 $0x100000, s0  }
0x80: {  	[sflag:s0] =	ssyncadd.tile.s32 @!p0 $0x1;
	_ =	shalt  }
.Lfunc_end2:
_tile_overlayer_lowered:
.L_overlay_start_2:
0x81: {  	(tag) =	ssettag $0x2  }
0x82: {  	s0 =	rddreg [dreg:$0x0];
	s2 =	stileid.u32  }
0x83: {  	s1 =	rddreg [dreg:$0x1];
	p0 =	sne.s32 s2, $0x0  }
0x84: {  	s3 =	rddreg [dreg:$0x2];
	[bflag:$0x3] =	sbarrier.arrive $0xFFFF;
	s2 =	simm.s32 @!p0 $0x1C09  }
0x85: {  	[timem:s3], [sflag:s2] =	dma.local @!p0 [hbm:s0], s1  }
0x86: {  	s0 =	simm.s32 @!p0 $0x9  }
0x87: {  	_ =	swait.ge @!p0 [sflag:s0], s1  }
0x88: {  	s1 =	ssub.s32 @!p0 $0x0, s1;
	[sflag:s0] =	ssyncset.done @!p0 $0x0  }
0x89: {  	[sflag:s0] =	ssyncadd.s32 @!p0 s1  }
0x8a: {  	[bflag:$0x3] =	sbarrier.arrive $0xFFFF  }
0x8b: {  	_ =	shalt  }

// kernel: kernel.16.cloned.1.call-start
scs
__scs_entry_jumppad:
0x0: {  	(pc) =	sbr.rel $0x88, $3  }
0x1: {  	(tag) =	ssettag $0x0;
	lr =	simm.s32 $0x1  }
0x2: {  	[smem:$0x3F93] =	sst lr;
	_ =	strace $0xD0000000  }
0x3: {  	_ = 	snop  }
0x4: {  	_ = 	snop  }
0x5: {  	_ = 	snop  }
0x6: {  	_ = 	snop  }
0x7: {  	_ = 	snop  }
__scs_overlays_trampoline_lowered:
0x8: {  	[smem:$0x3FA2] =	sst s0  }
0x9: {  	[smem:$0x3FA3] =	sst s1  }
0xa: {  	[smem:$0x3FA4] =	sst s2  }
0xb: {  	[smem:$0x3FA5] =	sst s3  }
0xc: {  	[smem:$0x3FA6] =	sst s4  }
0xd: {  	[smem:$0x3FA7] =	sst s5  }
0xe: {  	[smem:$0x3FA8] =	sst s6  }
0xf: {  	[smem:$0x3FA9] =	sst s7  }
0x10: {  	[smem:$0x3FAA] =	sst s8  }
0x11: {  	[smem:$0x3FAB] =	sst s9;
	s0 =	simm.s32 @!p0 $0x0  }
0x12: {  	s1 =	sld [smem:$0x3F91];
	s0 =	simm.s32 @p0 $0x1  }
0x13: {  	[smem:$0x3FAC] =	sst s0;
	s0 =	simm.s32 @!p1 $0x0  }
0x14: {  	s2 =	sld [smem:$0x3F90];
	s0 =	simm.s32 @p1 $0x1  }
0x15: {  	[smem:$0x3FAD] =	sst s0;
	s0 =	simm.s32 @!p2 $0x0  }
0x16: {  	s3 =	sld [smem:$0x3FDB];
	s0 =	simm.s32 @p2 $0x1  }
0x17: {  	s4 =	simm.s32 $0x1BF5;
	[smem:$0x3FAF] =	sst s0  }
0x18: {  	s0 =	sld [smem:$0x3F92];
	_ =	swait.ge [sflag:s4], $0x0  }
0x19: {  	s7 =	sld [smem:$0x3F93]  }
0x1a: {  	s8 =	sadd.s32 $0xFFFFE003, lr  }
0x1b: {  	s9 =	sadd.s32 $0xFFFFFEF7, lr;
	s5 =	simm.s32 $0xFFFFFFFF;
	p2 =	slt.u32 s8, $0xFFFFF086  }
0x1c: {  	p1 =	slt.u32 s9, $0xF7A;
	s5 =	simm.s32 @!p2 $0x0  }
0x1d: {  	s5 =	simm.s32 @p1 $0x1;
	p0 =	seq.s32 s7, s2  }
0x1e: {  	s7 =	smul.u32 @!p0 $0xF7A, s2;
	p2 =	seq.s32 @!p0 s5, $0x0  }
0x1f: {  	s9 =	smul.u32 $0xF7A, s1;
	s8 =	simm.s32 @!p0 $0x1BF5;
	p2 =	por !p2, p0  }
0x20: {  	[sflag:s8] =	ssyncset.s32 @!p0 $0xFFFFF086;
	s6 =	sadd.s32 @!p0 s3, s7;
	s7 =	simm.s32 @!p0 $0x108  }
0x21: {  	s3 =	sadd.s32 s3, s9;
	s6 =	sadd.s32 @!p0 $0x88, s6;
	s7 =	simm.s32 @p2 $0x1082  }
0x22: {  	[simem:s7], [sflag:s8] =	dma.local @!p0 [hbm:s6], $0xF7A  }
0x23: {  	s9 =	sor.u32 $0xD0000000, s2;
	s6 =	simm.s32 $0x108;
	_ =	swait.ge @!p0 [sflag:s8], $0x0  }
0x24: {  	s3 =	sadd.s32 $0x88, s3;
	s6 =	simm.s32 @!p1 $0x1082;
	[sflag:s4] =	ssyncset.s32 $0xFFFFF086  }
0x25: {  	[simem:s6], [sflag:s4] =	dma.local [hbm:s3], $0xF7A  }
0x26: {  	[smem:$0x3F93] =	sst s1;
	(tag) =	ssettag s2;
	_ =	strace s9  }
0x27: {  	s1 =	sld [smem:$0x3FA3]  }
0x28: {  	s2 =	sld [smem:$0x3FA4]  }
0x29: {  	s4 =	sld [smem:$0x3FA6]  }
0x2a: {  	p0 =	seq.s32 s5, $0x0;
	s5 =	sld [smem:$0x3FA7]  }
0x2b: {  	s6 =	sld [smem:$0x3FA8]  }
0x2c: {  	s7 =	sld [smem:$0x3FA9]  }
0x2d: {  	s3 =	simm.s32 $0x108;
	s8 =	sld [smem:$0x3FAA]  }
0x2e: {  	s3 =	simm.s32 @!p0 $0x1082;
	s9 =	sld [smem:$0x3FAB]  }
0x2f: {  	lr =	sadd.s32 s0, s3;
	s0 =	sld [smem:$0x3FA2]  }
0x30: {  	s3 =	sld [smem:$0x3FA5]  }
0x31: {  	[smem:$0x3FAE] =	sst s10  }
0x32: {  	s10 =	sld [smem:$0x3FAC];
	_ =	sdelay $0x3  }
0x33: {  	p0 =	seq.s32 s10, $0x1;
	s10 =	sld [smem:$0x3FAE];
	_ =	sdelay $0x3  }
0x34: {  	[smem:$0x3FAE] =	sst s10  }
0x35: {  	s10 =	sld [smem:$0x3FAD];
	_ =	sdelay $0x3  }
0x36: {  	p1 =	seq.s32 s10, $0x1;
	s10 =	sld [smem:$0x3FAE];
	_ =	sdelay $0x3  }
0x37: {  	[smem:$0x3FAE] =	sst s10  }
0x38: {  	s10 =	sld [smem:$0x3FAF]  }
0x39: {  	_ = 	snop;
	(pc) =	sbr.ind lr, $3  }
0x3a: {  	_ = 	snop  }
0x3b: {  	_ = 	snop  }
0x3c: {  	p2 =	seq.s32 s10, $0x1;
	s10 =	sld [smem:$0x3FAE]  }
0x3d: {  	_ =	shalt  }
0x3e: {  	_ =	shalt  }
0x3f: {  	_ =	shalt  }
0x40: {  	_ =	shalt  }
0x41: {  	_ =	shalt  }
0x42: {  	_ =	shalt  }
0x43: {  	_ =	shalt  }
0x44: {  	_ =	shalt  }
0x45: {  	_ =	shalt  }
0x46: {  	_ =	shalt  }
0x47: {  	_ =	shalt  }
0x48: {  	_ =	shalt  }
0x49: {  	_ =	shalt  }
0x4a: {  	_ =	shalt  }
0x4b: {  	_ =	shalt  }
0x4c: {  	_ =	shalt  }
0x4d: {  	_ =	shalt  }
0x4e: {  	_ =	shalt  }
0x4f: {  	_ =	shalt  }
0x50: {  	_ =	shalt  }
0x51: {  	_ =	shalt  }
0x52: {  	_ =	shalt  }
0x53: {  	_ =	shalt  }
0x54: {  	_ =	shalt  }
0x55: {  	_ =	shalt  }
0x56: {  	_ =	shalt  }
0x57: {  	_ =	shalt  }
0x58: {  	_ =	shalt  }
0x59: {  	_ =	shalt  }
0x5a: {  	_ =	shalt  }
0x5b: {  	_ =	shalt  }
0x5c: {  	_ =	shalt  }
0x5d: {  	_ =	shalt  }
0x5e: {  	_ =	shalt  }
0x5f: {  	_ =	shalt  }
0x60: {  	_ =	shalt  }
0x61: {  	_ =	shalt  }
0x62: {  	_ =	shalt  }
0x63: {  	_ =	shalt  }
0x64: {  	_ =	shalt  }
0x65: {  	_ =	shalt  }
0x66: {  	_ =	shalt  }
0x67: {  	_ =	shalt  }
0x68: {  	_ =	shalt  }
0x69: {  	_ =	shalt  }
0x6a: {  	_ =	shalt  }
0x6b: {  	_ =	shalt  }
0x6c: {  	_ =	shalt  }
0x6d: {  	_ =	shalt  }
0x6e: {  	_ =	shalt  }
0x6f: {  	_ =	shalt  }
0x70: {  	_ =	shalt  }
0x71: {  	_ =	shalt  }
0x72: {  	_ =	shalt  }
0x73: {  	_ =	shalt  }
0x74: {  	_ =	shalt  }
0x75: {  	_ =	shalt  }
0x76: {  	_ =	shalt  }
0x77: {  	_ =	shalt  }
0x78: {  	_ =	shalt  }
0x79: {  	_ =	shalt  }
0x7a: {  	_ =	shalt  }
0x7b: {  	_ =	shalt  }
0x7c: {  	_ =	shalt  }
0x7d: {  	_ =	shalt  }
0x7e: {  	_ =	shalt  }
0x7f: {  	_ =	shalt  }
0x80: {  	_ =	shalt  }
0x81: {  	_ =	shalt  }
0x82: {  	_ =	shalt  }
0x83: {  	_ =	shalt  }
0x84: {  	_ =	shalt  }
0x85: {  	_ =	shalt  }
0x86: {  	_ =	shalt  }
0x87: {  	_ =	shalt  }
.Lfunc_end0:
.L_simem_size_0:
called_computation.2_lowered:
.L_overlay_start_0:
0x88: {  	s2 =	sld [smem:$0x3FD9]  }
0x89: {  	s3 =	sld [smem:$0x3FFE];
	_ =	sdelay $0x1  }
0x8a: {  	s1 =	srdreg.scid  }
0x8b: {  	s0 =	sand.u32 $0x1, s1  }
0x8c: {  	s17 =	sshll.u32 s0, $0xA;
	s2 =	sadd.s32 s3, s2  }
0x8d: {  	s2 =	sadd.s32 s2, s17  }
0x8e: {  	[smem:$0x3FBA] =	sst s2  }
0x8f: {  	_ = 	snop  }
0x90: {  	s2 =	sld [smem:$0x3FD0];
	(tm) =	ssettm $0x1  }
0x91: {  	s18 =	sld [smem:$0x3FFB];
	_ =	sdelay $0x3  }
0x92: {  	_ =	strace s18  }
0x93: {  	s3 =	sld [smem:$0x3FFC];
	_ =	sdelay $0x3  }
0x94: {  	_ =	strace s3  }
0x95: {  	s3 =	sld [smem:$0x3FFD];
	_ =	sdelay $0x3  }
0x96: {  	_ =	strace s3  }
0x97: {  	_ =	strace $0x8FFFFFFF  }
0x98: {  	s19 =	sld [smem:$0x3FDB];
	_ =	sdelay $0x1  }
0x99: {  	s4 =	simm.s32 $_scs_section_size  }
0x9a: {  	s5 =	simm.s32 $_size__tile_overlayer_lowered;
	s6 =	simm.s32 $_tile_overlayer_lowered  }
0x9b: {  	s22 =	simm.s32 $0x1BFF;
	s21 =	sshll.u32 s6, $0x1;
	s3 =	sadd.s32 s4, s19  }
0x9c: {  	s7 =	simm.s32 $0x0;
	s20 =	sshll.u32 s5, $0x1;
	s5 =	sadd.s32 s21, s3  }
0x9d: {  	[timem:s7], [sflag:s22] =	dma.local [hbm:s5], s20  }
0x9e: {  	_ =	swait.ge [sflag:s22], s20  }
0x9f: {  	s4 =	ssub.s32 $0x0, s20;
	[sflag:s22] =	ssyncset.done $0x0  }
0xa0: {  	[sflag:s22] =	ssyncadd.s32 s4;
	_ =	sdelay $0x1  }
0xa1: {  	s23 =	simm.s32 $0x1B8B  }
0xa2: {  	_ =	swait.ge [sflag:s23], $0x1  }
0xa3: {  	[sflag:s23] =	ssyncset.done $0x0  }
0xa4: {  	s25 =	simm.s32 $0x1B8E;
	s24 =	sld [smem:$0x3FFE];
	[sflag:s23] =	ssyncadd.s32 $0xFFFFFFFF  }
0xa5: {  	s26 =	simm.s32 $execute0_lowered;
	[smem:$0x3FD2] =	sst s25  }
0xa6: {  	s5 =	sshll.u32 s26, $0x1;
	_ =	strace $0x8000004C;
	[dreg:$0x1] =	wrdreg $0xFFFFFFFF  }
0xa7: {  	s28 =	simm.s32 $_size_execute0_lowered;
	s3 =	sadd.s32 s3, s5;
	[dreg:$0x0] =	wrdreg $0x0  }
0xa8: {  	s5 =	sshll.u32 s28, $0x1;
	[dreg:$0x2] =	wrdreg s3  }
0xa9: {  	[dreg:$0x3] =	wrdreg s5  }
0xaa: {  	[dreg:$0x4] =	wrdreg $0xC0  }
0xab: {  	_ =	task [dreg:s7], $0x5FFFF  }
0xac: {  	[dreg:$0x1] =	wrdreg $0xFFFFFFFF  }
0xad: {  	[dreg:$0x0] =	wrdreg $0x60  }
0xae: {  	[dreg:$0x2] =	wrdreg s24  }
0xaf: {  	[dreg:$0x3] =	wrdreg s2  }
0xb0: {  	[dreg:$0x4] =	wrdreg $0xD0000  }
0xb1: {  	[dreg:$0x5] =	wrdreg $0x9  }
0xb2: {  	_ =	task.clear_ibuf [dreg:s7], $0x6FFFF;
	_ =	strace $0x9000004C  }
0xb3: {  	s29 =	simm.s32 $0x9;
	_ =	strace $0x8000004E  }
0xb4: {  	_ =	swait.ge [sflag:s29], $0x1  }
0xb5: {  	[sflag:s29] =	ssyncadd.s32 $0xFFFFFFFF  }
0xb6: {  	_ =	strace $0x9000004E  }
0xb7: {  	_ =	sfence  }
0xb8: {  	s30 =	sld [smem:$0x0];
	_ =	sdelay $0x2  }
0xb9: {  	s31 =	sshll.u32 s1, $0xD;
	s1 =	sshrl.u32 s1, $0x2  }
0xba: {  	s3 =	sand.u32 $0x4000, s31;
	s1 =	sadd.s32 s1, s30  }
0xbb: {  	s0 =	sor.u32 s3, s0;
	s1 =	sshll.u32 s1, $0x11  }
0xbc: {  	s0 =	sor.u32 s1, s0  }
0xbd: {  	s0 =	sadd.s32 $0x8F2B, s0  }
0xbe: {  	[sflag:s0] =	ssyncadd.remote.s32 $0x1  }
0xbf: {  	_ =	sfence.sel $0xFFFF  }
0xc0: {  	[dreg:$0x0] =	wrdreg $0xFFFFFFFF;
	(pc) =	sbr.abs _section_cstart, $3  }
0xc1: {  	[dreg:$0x1] =	wrdreg $0xFFFFFFFF  }
0xc2: {  	_ =	task.clear_ibuf [dreg:s7], $0x2FFFF;
	_ =	strace $0x9FFFFFFF  }
0xc3: {  	(tm) =	ssettm $0x7FFFFFFF  }
tec
execute0_lowered:
.L_overlay_start_1:
0x0: {  	(tag) =	ssettag $0x1  }
0x1: {  	s0 =	rddreg [dreg:$0x0]  }
0x2: {  	s1 =	rddreg [dreg:$0x1]  }
0x3: {  	s2 =	rddreg [dreg:$0x2];
	s4 =	srdreg.scid  }
0x4: {  	s12 =	stileid.u32;
	s3 =	simm.s32 $0x0;
	s13 =	simm.s32 $0x2800  }
0x5: {  	s14 =	simm.s32 $0x80;
	s15 =	simm.s32 $0x5000;
	s16 =	simm.s32 $0x7000  }
0x6: {  	s18 =	simm.s32 $0x9000;
	s19 =	simm.s32 $0x1;
	s21 =	simm.s32 $0xB000  }
0x7: {  	s22 =	simm.s32 $0x2;
	s29 =	simm.s32 $0x6;
	s31 =	simm.s32 $0x4  }
0x8: {  	s20 =	simm.s32 $0x8;
	s23 =	simm.s32 $0x0;
	s5 =	sand.u32 $0x1, s4  }
0x9: {  	s24 =	sshll.u32 s12, $0x1;
	[smem:$0x7FF] =	sst s3;
	s9 =	smul.u32 $0xA000, s12  }
0xa: {  	s28 =	sshll.u32 s12, $0x6;
	s12 =	simm.s32 $0x9;
	s4 =	sor.u32 s5, s24  }
0xb: {  	_ =	strace $0x8000004D;
	s7 =	ssub.s32 $0x2, s5;
	s25 =	smul.u32 $0xA0000, s5  }
0xc: {  	s24 =	simm.s32 $0x5;
	s6 =	smul.u32 $0x500, s4;
	s4 =	sadd.s32 $0x68600, s0  }
0xd: {  	s8 =	sshrl.u32 s7, $0x1;
	s11 =	sadd.s32 s9, s2;
	s26 =	sshrl.u32 s9, $0x3  }
.Ltmp0:
0xe: {  	s10 =	ssub.s32 s7, s8;
	s5 =	sadd.s32 s4, s26;
	(pc) =	sbr.rel .LBB2_1-.Ltmp0, $4  }
0xf: {  	s9 =	sadd.s32 s9, s25;
	s11 =	sshrl.u32 s11, $0x3;
	s26 =	simm.s32 $0x3  }
0x10: {  	s0 =	sadd.s32 s6, s0;
	[dreg:$0x4] =	wrdreg s5;
	s6 =	sor.u32 $0x1C09, s28  }
0x11: {  	s30 =	sshrl.u32 s9, $0x3;
	s10 =	smax.u32 s10, $0x1;
	s7 =	sadd.s32 $0x4600, s0  }
0x12: {  	s8 =	sadd.s32 $0xE600, s0;
	s9 =	sadd.s32 s1, s30;
	s1 =	simm.s32 $0x7  }
.LBB2_4:
0x13: {  	_ =	swait.ge [sflag:s20], $0x2000  }
0x14: {  	s23 =	sadd.s32 $0x1, s23;
	[sflag:s20] =	ssyncset.done $0x0  }
0x15: {  	p0 =	sne.s32 s23, s10;
	[sflag:s20] =	ssyncadd.s32 $0xFFFFE000  }
.Ltmp1:
0x16: {  	[bflag:$0x0] =	sbarrier.arrive $0xFFFF;
	(pc) =	sbr.rel @!p0 .LBB2_5-.Ltmp1, $4  }
0x17: {  	[hbm:s9], [sflag:s6] =	dma.local [spmem:s11], $0x1400  }
0x18: {  	_ =	swait.ge [sflag:s12], $0x1400  }
0x19: {  	[sflag:s12] =	ssyncset.done $0x0  }
0x1a: {  	[sflag:s12] =	ssyncadd.s32 $0xFFFFEC00  }
.LBB2_1:
0x1b: {  	s0 =	rddreg [dreg:$0x4]  }
0x1c: {  	[spmem:s11], [sflag:s6] =	dma.local [hbm:s0], $0x1400  }
0x1d: {  	_ =	swait.ge [sflag:s12], $0x1400  }
0x1e: {  	[sflag:s12] =	ssyncset.done $0x0  }
0x1f: {  	[sflag:s12] =	ssyncadd.s32 $0xFFFFEC00  }
0x20: {  	[tilespmem:s3], [sflag:$0x9] =	stream.linear.gather [hbm4b:s7+s3], $0x2800, $0x38;
	[tilespmem:$0x17000] =	vst v63  }
0x21: {  	_ =	swait.ge [sflag:s12], $0x2800  }
0x22: {  	[sflag:s12] =	ssyncset.done $0x0  }
0x23: {  	[sflag:s12] =	ssyncadd.s32 $0xFFFFD800  }
0x24: {  	[tilespmem:s13], [sflag:$0x9] =	stream.linear.gather [hbm4b:s8+s3], $0x2800, $0x38;
	[tilespmem:$0x17000] =	vst v63  }
0x25: {  	_ =	swait.ge [sflag:s12], $0x2800  }
0x26: {  	[sflag:s12] =	ssyncset.done $0x0  }
0x27: {  	[sflag:s12] =	ssyncadd.s32 $0xFFFFD800  }
0x28: {  	[bflag:$0x0] =	sbarrier.arrive $0xFFFF  }
0x29: {  	[tilespmem:s15], [sflag:$0x1] =	stream.indirect.gather [hbm4b:s4+s14], $0x40, s3, s14, $0xb8;
	[tilespmem:$0x17000] =	vst v63  }
0x2a: {  	_ = 	snop  }
0x2b: {  	[tilespmem:s16], [sflag:$0x2] =	stream.indirect.gather [hbm4b:s4+s14], $0x40, s14, s14, $0xb8;
	[tilespmem:$0x17000] =	vst v63  }
0x2c: {  	s25 =	simm.s32 $0x100  }
0x2d: {  	[tilespmem:s18], [sflag:$0x3] =	stream.indirect.gather [hbm4b:s4+s14], $0x40, s25, s14, $0xb8;
	[tilespmem:$0x17000] =	vst v63  }
0x2e: {  	_ =	swait.ge [sflag:s19], $0x2000  }
0x2f: {  	[sflag:s19] =	ssyncset.done $0x0  }
0x30: {  	[sflag:s19] =	ssyncadd.s32 $0xFFFFE000  }
0x31: {  	[spmem:s2] =	stream.indirect.scatter.add.f32 [tilespmem:s15], [sflag:$0x5], $0x40, s13, s14, $0xb8;
	[tilespmem:$0x17000] =	vst v63  }
0x32: {  	s28 =	simm.s32 $0x180  }
0x33: {  	[tilespmem:s21], [sflag:$0x4] =	stream.indirect.gather [hbm4b:s4+s14], $0x40, s28, s14, $0xb8;
	[tilespmem:$0x17000] =	vst v63  }
0x34: {  	_ =	swait.ge [sflag:s22], $0x2000  }
0x35: {  	[sflag:s22] =	ssyncset.done $0x0  }
0x36: {  	s30 =	simm.s32 $0x2880;
	[sflag:s22] =	ssyncadd.s32 $0xFFFFE000  }
0x37: {  	[spmem:s2] =	stream.indirect.scatter.add.f32 [tilespmem:s16], [sflag:$0x6], $0x40, s30, s14, $0xb8;
	[tilespmem:$0x17000] =	vst v63  }
0x38: {  	_ =	swait.ge [sflag:s24], $0x2000  }
0x39: {  	[sflag:s24] =	ssyncset.done $0x0  }
0x3a: {  	s5 =	simm.s32 $0x200;
	[sflag:s24] =	ssyncadd.s32 $0xFFFFE000  }
0x3b: {  	[tilespmem:s15], [sflag:$0x1] =	stream.indirect.gather [hbm4b:s4+s14], $0x40, s5, s14, $0xb8;
	[tilespmem:$0x17000] =	vst v63  }
0x3c: {  	_ =	swait.ge [sflag:s26], $0x2000  }
0x3d: {  	[sflag:s26] =	ssyncset.done $0x0  }
0x3e: {  	s17 =	simm.s32 $0x2900;
	[sflag:s26] =	ssyncadd.s32 $0xFFFFE000  }
0x3f: {  	[spmem:s2] =	stream.indirect.scatter.add.f32 [tilespmem:s18], [sflag:$0x7], $0x40, s17, s14, $0xb8;
	[tilespmem:$0x17000] =	vst v63  }
0x40: {  	_ =	swait.ge [sflag:s29], $0x2000  }
0x41: {  	[sflag:s29] =	ssyncset.done $0x0  }
0x42: {  	s25 =	simm.s32 $0x280;
	[sflag:s29] =	ssyncadd.s32 $0xFFFFE000  }
0x43: {  	[tilespmem:s16], [sflag:$0x2] =	stream.indirect.gather [hbm4b:s4+s14], $0x40, s25, s14, $0xb8;
	[tilespmem:$0x17000] =	vst v63  }
0x44: {  	_ =	swait.ge [sflag:s31], $0x2000  }
0x45: {  	[sflag:s31] =	ssyncset.done $0x0  }
0x46: {  	s28 =	simm.s32 $0x2980;
	[sflag:s31] =	ssyncadd.s32 $0xFFFFE000  }
0x47: {  	[spmem:s2] =	stream.indirect.scatter.add.f32 [tilespmem:s21], [sflag:$0x8], $0x40, s28, s14, $0xb8;
	[tilespmem:$0x17000] =	vst v63  }
0x48: {  	_ =	swait.ge [sflag:s1], $0x2000  }
0x49: {  	[sflag:s1] =	ssyncset.done $0x0  }
0x4a: {  	s30 =	simm.s32 $0x300;
	s25 =	simm.s32 $0x0;
	[sflag:s1] =	ssyncadd.s32 $0xFFFFE000  }
0x4b: {  	[tilespmem:s18], [sflag:$0x3] =	stream.indirect.gather [hbm4b:s4+s14], $0x40, s30, s14, $0xb8;
	[tilespmem:$0x17000] =	vst v63  }
.LBB2_2:
0x4c: {  	_ =	swait.ge [sflag:s19], $0x2000  }
0x4d: {  	s28 =	sshra.s32 s25, $0x2;
	[sflag:s19] =	ssyncset.done $0x0  }
0x4e: {  	s30 =	sadd.s32 $0x2A00, s28;
	[sflag:s19] =	ssyncadd.s32 $0xFFFFE000  }
0x4f: {  	[spmem:s2] =	stream.indirect.scatter.add.f32 [tilespmem:s15], [sflag:$0x5], $0x40, s30, s14, $0xb8;
	[tilespmem:$0x17000] =	vst v63  }
0x50: {  	_ =	swait.ge [sflag:s20], $0x2000  }
0x51: {  	[sflag:s20] =	ssyncset.done $0x0  }
0x52: {  	s5 =	sadd.s32 $0x380, s28;
	[sflag:s20] =	ssyncadd.s32 $0xFFFFE000  }
0x53: {  	[tilespmem:s21], [sflag:$0x4] =	stream.indirect.gather [hbm4b:s4+s14], $0x40, s5, s14, $0xb8;
	[tilespmem:$0x17000] =	vst v63  }
0x54: {  	_ =	swait.ge [sflag:s22], $0x2000  }
0x55: {  	[sflag:s22] =	ssyncset.done $0x0  }
0x56: {  	s17 =	sadd.s32 $0x2A80, s28;
	[sflag:s22] =	ssyncadd.s32 $0xFFFFE000  }
0x57: {  	[spmem:s2] =	stream.indirect.scatter.add.f32 [tilespmem:s16], [sflag:$0x6], $0x40, s17, s14, $0xb8;
	[tilespmem:$0x17000] =	vst v63  }
0x58: {  	_ =	swait.ge [sflag:s24], $0x2000  }
0x59: {  	p0 =	seq.s32 s25, $0x9000;
	[sflag:s24] =	ssyncset.done $0x0  }
0x5a: {  	s30 =	simm.s32 @p0 $0x3;
	[sflag:s24] =	ssyncadd.s32 $0xFFFFE000  }
0x5b: {  	_ =	swait.ge @p0 [sflag:s30], $0x2000  }
0x5c: {  	[sflag:s30] =	ssyncset.done @p0 $0x0  }
0x5d: {  	[sflag:s30] =	ssyncadd.s32 @p0 $0xFFFFE000;
	s30 =	sshra.s32 @p0 s25, $0x2  }
0x5e: {  	s0 =	simm.s32 @p0 $0x80;
	s17 =	simm.s32 @p0 $0x9000;
	s30 =	sadd.s32 @p0 $0x2B00, s30  }
0x5f: {  	[spmem:s2] =	stream.indirect.scatter.add.f32 @p0 [tilespmem:s17], [sflag:$0x7], $0x40, s30, s0, $0xb8;
	[tilespmem:$0x17000] =	vst v63  }
0x60: {  	s0 =	simm.s32 @p0 $0x6  }
0x61: {  	_ =	swait.ge @p0 [sflag:s0], $0x2000  }
0x62: {  	[sflag:s0] =	ssyncset.done @p0 $0x0  }
0x63: {  	[sflag:s0] =	ssyncadd.s32 @p0 $0xFFFFE000;
	s0 =	sshra.s32 @!p0 s25, $0x2  }
0x64: {  	s5 =	simm.s32 @!p0 $0x5000;
	s30 =	simm.s32 @!p0 $0x80;
	s17 =	sadd.s32 @!p0 $0x400, s0  }
0x65: {  	[tilespmem:s5], [sflag:$0x1] =	stream.indirect.gather @!p0 [hbm4b:s4+s30], $0x40, s17, s30, $0xb8;
	[tilespmem:$0x17000] =	vst v63  }
0x66: {  	s5 =	simm.s32 @!p0 $0x3  }
0x67: {  	_ =	swait.ge @!p0 [sflag:s5], $0x2000  }
0x68: {  	[sflag:s5] =	ssyncset.done @!p0 $0x0  }
0x69: {  	s17 =	simm.s32 @!p0 $0x9000;
	[sflag:s5] =	ssyncadd.s32 @!p0 $0xFFFFE000;
	s5 =	sadd.s32 @!p0 $0x2B00, s0  }
0x6a: {  	[spmem:s2] =	stream.indirect.scatter.add.f32 @!p0 [tilespmem:s17], [sflag:$0x7], $0x40, s5, s30, $0xb8;
	[tilespmem:$0x17000] =	vst v63  }
0x6b: {  	s5 =	simm.s32 @!p0 $0x6  }
0x6c: {  	_ =	swait.ge @!p0 [sflag:s5], $0x2000  }
0x6d: {  	[sflag:s5] =	ssyncset.done @!p0 $0x0  }
0x6e: {  	s0 =	sadd.s32 @!p0 $0x480, s0;
	[sflag:s5] =	ssyncadd.s32 @!p0 $0xFFFFE000;
	s5 =	simm.s32 @!p0 $0x7000  }
0x6f: {  	[tilespmem:s5], [sflag:$0x2] =	stream.indirect.gather @!p0 [hbm4b:s4+s30], $0x40, s0, s30, $0xb8;
	[tilespmem:$0x17000] =	vst v63  }
0x70: {  	_ =	swait.ge [sflag:s31], $0x2000  }
0x71: {  	[sflag:s31] =	ssyncset.done $0x0  }
.Ltmp2:
0x72: {  	s30 =	sadd.s32 $0x2B80, s28;
	[sflag:s31] =	ssyncadd.s32 $0xFFFFE000;
	(pc) =	sbr.rel @p0 .LBB2_4-.Ltmp2, $4  }
0x73: {  	[spmem:s2] =	stream.indirect.scatter.add.f32 [tilespmem:s21], [sflag:$0x8], $0x40, s30, s14, $0xb8;
	[tilespmem:$0x17000] =	vst v63  }
0x74: {  	_ =	swait.ge [sflag:s1], $0x2000  }
0x75: {  	[sflag:s1] =	ssyncset.done $0x0  }
0x76: {  	[sflag:s1] =	ssyncadd.s32 $0xFFFFE000  }
.Ltmp3:
0x77: {  	(pc) =	sbr.rel .LBB2_2-.Ltmp3, $3  }
0x78: {  	_ =	sdelay $0x1  }
0x79: {  	s0 =	sadd.s32 $0x500, s28;
	s25 =	sadd.s32 $0x800, s25  }
0x7a: {  	[tilespmem:s18], [sflag:$0x3] =	stream.indirect.gather [hbm4b:s4+s14], $0x40, s0, s14, $0xb8;
	[tilespmem:$0x17000] =	vst v63  }
.LBB2_5:
0x7b: {  	_ =	sfence.sel $0x180000  }
0x7c: {  	[bflag:$0x0] =	sbarrier.arrive $0xFFFF  }
0x7d: {  	_ =	strace $0x9000004D  }
0x7e: {  	s0 =	stileid.u32;
	[bflag:$0x2] =	sbarrier.arrive $0xFFFF  }
0x7f: {  	p0 =	sne.s32 s0, $0x0;
	s0 =	rddreg [dreg:$0x3]  }
0x80: {  	s0 =	sadd.s32 @!p0 $0x100000, s0  }
0x81: {  	[sflag:s0] =	ssyncadd.tile.s32 @!p0 $0x1;
	_ =	shalt  }
.Lfunc_end2:
_tile_overlayer_lowered:
.L_overlay_start_2:
0x82: {  	(tag) =	ssettag $0x2  }
0x83: {  	s0 =	rddreg [dreg:$0x0];
	s2 =	stileid.u32  }
0x84: {  	s1 =	rddreg [dreg:$0x1];
	p0 =	sne.s32 s2, $0x0  }
0x85: {  	s3 =	rddreg [dreg:$0x2];
	[bflag:$0x3] =	sbarrier.arrive $0xFFFF;
	s2 =	simm.s32 @!p0 $0x1C09  }
0x86: {  	[timem:s3], [sflag:s2] =	dma.local @!p0 [hbm:s0], s1  }
0x87: {  	s0 =	simm.s32 @!p0 $0x9  }
0x88: {  	_ =	swait.ge @!p0 [sflag:s0], s1  }
0x89: {  	s1 =	ssub.s32 @!p0 $0x0, s1;
	[sflag:s0] =	ssyncset.done @!p0 $0x0  }
0x8a: {  	[sflag:s0] =	ssyncadd.s32 @!p0 s1  }
0x8b: {  	[bflag:$0x3] =	sbarrier.arrive $0xFFFF  }
0x8c: {  	_ =	shalt  }

// kernel: kernel.19.cloned.1.call-start
scs
__scs_entry_jumppad:
0x0: {  	(pc) =	sbr.rel $0x88, $3  }
0x1: {  	(tag) =	ssettag $0x0;
	lr =	simm.s32 $0x1  }
0x2: {  	[smem:$0x3F93] =	sst lr;
	_ =	strace $0xD0000000  }
0x3: {  	_ = 	snop  }
0x4: {  	_ = 	snop  }
0x5: {  	_ = 	snop  }
0x6: {  	_ = 	snop  }
0x7: {  	_ = 	snop  }
__scs_overlays_trampoline_lowered:
0x8: {  	[smem:$0x3FA2] =	sst s0  }
0x9: {  	[smem:$0x3FA3] =	sst s1  }
0xa: {  	[smem:$0x3FA4] =	sst s2  }
0xb: {  	[smem:$0x3FA5] =	sst s3  }
0xc: {  	[smem:$0x3FA6] =	sst s4  }
0xd: {  	[smem:$0x3FA7] =	sst s5  }
0xe: {  	[smem:$0x3FA8] =	sst s6  }
0xf: {  	[smem:$0x3FA9] =	sst s7  }
0x10: {  	[smem:$0x3FAA] =	sst s8  }
0x11: {  	[smem:$0x3FAB] =	sst s9;
	s0 =	simm.s32 @!p0 $0x0  }
0x12: {  	s1 =	sld [smem:$0x3F91];
	s0 =	simm.s32 @p0 $0x1  }
0x13: {  	[smem:$0x3FAC] =	sst s0;
	s0 =	simm.s32 @!p1 $0x0  }
0x14: {  	s2 =	sld [smem:$0x3F90];
	s0 =	simm.s32 @p1 $0x1  }
0x15: {  	[smem:$0x3FAD] =	sst s0;
	s0 =	simm.s32 @!p2 $0x0  }
0x16: {  	s3 =	sld [smem:$0x3FDB];
	s0 =	simm.s32 @p2 $0x1  }
0x17: {  	s4 =	simm.s32 $0x1BF5;
	[smem:$0x3FAF] =	sst s0  }
0x18: {  	s0 =	sld [smem:$0x3F92];
	_ =	swait.ge [sflag:s4], $0x0  }
0x19: {  	s7 =	sld [smem:$0x3F93]  }
0x1a: {  	s8 =	sadd.s32 $0xFFFFE003, lr  }
0x1b: {  	s9 =	sadd.s32 $0xFFFFFEF7, lr;
	s5 =	simm.s32 $0xFFFFFFFF;
	p2 =	slt.u32 s8, $0xFFFFF086  }
0x1c: {  	p1 =	slt.u32 s9, $0xF7A;
	s5 =	simm.s32 @!p2 $0x0  }
0x1d: {  	s5 =	simm.s32 @p1 $0x1;
	p0 =	seq.s32 s7, s2  }
0x1e: {  	s7 =	smul.u32 @!p0 $0xF7A, s2;
	p2 =	seq.s32 @!p0 s5, $0x0  }
0x1f: {  	s9 =	smul.u32 $0xF7A, s1;
	s8 =	simm.s32 @!p0 $0x1BF5;
	p2 =	por !p2, p0  }
0x20: {  	[sflag:s8] =	ssyncset.s32 @!p0 $0xFFFFF086;
	s6 =	sadd.s32 @!p0 s3, s7;
	s7 =	simm.s32 @!p0 $0x108  }
0x21: {  	s3 =	sadd.s32 s3, s9;
	s6 =	sadd.s32 @!p0 $0x88, s6;
	s7 =	simm.s32 @p2 $0x1082  }
0x22: {  	[simem:s7], [sflag:s8] =	dma.local @!p0 [hbm:s6], $0xF7A  }
0x23: {  	s9 =	sor.u32 $0xD0000000, s2;
	s6 =	simm.s32 $0x108;
	_ =	swait.ge @!p0 [sflag:s8], $0x0  }
0x24: {  	s3 =	sadd.s32 $0x88, s3;
	s6 =	simm.s32 @!p1 $0x1082;
	[sflag:s4] =	ssyncset.s32 $0xFFFFF086  }
0x25: {  	[simem:s6], [sflag:s4] =	dma.local [hbm:s3], $0xF7A  }
0x26: {  	[smem:$0x3F93] =	sst s1;
	(tag) =	ssettag s2;
	_ =	strace s9  }
0x27: {  	s1 =	sld [smem:$0x3FA3]  }
0x28: {  	s2 =	sld [smem:$0x3FA4]  }
0x29: {  	s4 =	sld [smem:$0x3FA6]  }
0x2a: {  	p0 =	seq.s32 s5, $0x0;
	s5 =	sld [smem:$0x3FA7]  }
0x2b: {  	s6 =	sld [smem:$0x3FA8]  }
0x2c: {  	s7 =	sld [smem:$0x3FA9]  }
0x2d: {  	s3 =	simm.s32 $0x108;
	s8 =	sld [smem:$0x3FAA]  }
0x2e: {  	s3 =	simm.s32 @!p0 $0x1082;
	s9 =	sld [smem:$0x3FAB]  }
0x2f: {  	lr =	sadd.s32 s0, s3;
	s0 =	sld [smem:$0x3FA2]  }
0x30: {  	s3 =	sld [smem:$0x3FA5]  }
0x31: {  	[smem:$0x3FAE] =	sst s10  }
0x32: {  	s10 =	sld [smem:$0x3FAC];
	_ =	sdelay $0x3  }
0x33: {  	p0 =	seq.s32 s10, $0x1;
	s10 =	sld [smem:$0x3FAE];
	_ =	sdelay $0x3  }
0x34: {  	[smem:$0x3FAE] =	sst s10  }
0x35: {  	s10 =	sld [smem:$0x3FAD];
	_ =	sdelay $0x3  }
0x36: {  	p1 =	seq.s32 s10, $0x1;
	s10 =	sld [smem:$0x3FAE];
	_ =	sdelay $0x3  }
0x37: {  	[smem:$0x3FAE] =	sst s10  }
0x38: {  	s10 =	sld [smem:$0x3FAF]  }
0x39: {  	_ = 	snop;
	(pc) =	sbr.ind lr, $3  }
0x3a: {  	_ = 	snop  }
0x3b: {  	_ = 	snop  }
0x3c: {  	p2 =	seq.s32 s10, $0x1;
	s10 =	sld [smem:$0x3FAE]  }
0x3d: {  	_ =	shalt  }
0x3e: {  	_ =	shalt  }
0x3f: {  	_ =	shalt  }
0x40: {  	_ =	shalt  }
0x41: {  	_ =	shalt  }
0x42: {  	_ =	shalt  }
0x43: {  	_ =	shalt  }
0x44: {  	_ =	shalt  }
0x45: {  	_ =	shalt  }
0x46: {  	_ =	shalt  }
0x47: {  	_ =	shalt  }
0x48: {  	_ =	shalt  }
0x49: {  	_ =	shalt  }
0x4a: {  	_ =	shalt  }
0x4b: {  	_ =	shalt  }
0x4c: {  	_ =	shalt  }
0x4d: {  	_ =	shalt  }
0x4e: {  	_ =	shalt  }
0x4f: {  	_ =	shalt  }
0x50: {  	_ =	shalt  }
0x51: {  	_ =	shalt  }
0x52: {  	_ =	shalt  }
0x53: {  	_ =	shalt  }
0x54: {  	_ =	shalt  }
0x55: {  	_ =	shalt  }
0x56: {  	_ =	shalt  }
0x57: {  	_ =	shalt  }
0x58: {  	_ =	shalt  }
0x59: {  	_ =	shalt  }
0x5a: {  	_ =	shalt  }
0x5b: {  	_ =	shalt  }
0x5c: {  	_ =	shalt  }
0x5d: {  	_ =	shalt  }
0x5e: {  	_ =	shalt  }
0x5f: {  	_ =	shalt  }
0x60: {  	_ =	shalt  }
0x61: {  	_ =	shalt  }
0x62: {  	_ =	shalt  }
0x63: {  	_ =	shalt  }
0x64: {  	_ =	shalt  }
0x65: {  	_ =	shalt  }
0x66: {  	_ =	shalt  }
0x67: {  	_ =	shalt  }
0x68: {  	_ =	shalt  }
0x69: {  	_ =	shalt  }
0x6a: {  	_ =	shalt  }
0x6b: {  	_ =	shalt  }
0x6c: {  	_ =	shalt  }
0x6d: {  	_ =	shalt  }
0x6e: {  	_ =	shalt  }
0x6f: {  	_ =	shalt  }
0x70: {  	_ =	shalt  }
0x71: {  	_ =	shalt  }
0x72: {  	_ =	shalt  }
0x73: {  	_ =	shalt  }
0x74: {  	_ =	shalt  }
0x75: {  	_ =	shalt  }
0x76: {  	_ =	shalt  }
0x77: {  	_ =	shalt  }
0x78: {  	_ =	shalt  }
0x79: {  	_ =	shalt  }
0x7a: {  	_ =	shalt  }
0x7b: {  	_ =	shalt  }
0x7c: {  	_ =	shalt  }
0x7d: {  	_ =	shalt  }
0x7e: {  	_ =	shalt  }
0x7f: {  	_ =	shalt  }
0x80: {  	_ =	shalt  }
0x81: {  	_ =	shalt  }
0x82: {  	_ =	shalt  }
0x83: {  	_ =	shalt  }
0x84: {  	_ =	shalt  }
0x85: {  	_ =	shalt  }
0x86: {  	_ =	shalt  }
0x87: {  	_ =	shalt  }
.Lfunc_end0:
.L_simem_size_0:
called_computation.3_lowered:
.L_overlay_start_0:
0x88: {  	s2 =	sld [smem:$0x3FD9]  }
0x89: {  	s3 =	sld [smem:$0x3FFE];
	_ =	sdelay $0x1  }
0x8a: {  	s1 =	srdreg.scid  }
0x8b: {  	s0 =	sand.u32 $0x1, s1  }
0x8c: {  	s16 =	sshll.u32 s0, $0xA;
	s2 =	sadd.s32 s3, s2  }
0x8d: {  	s2 =	sadd.s32 s2, s16  }
0x8e: {  	[smem:$0x3FBA] =	sst s2  }
0x8f: {  	_ = 	snop  }
0x90: {  	(tm) =	ssettm $0x1  }
0x91: {  	s17 =	sld [smem:$0x3FFB];
	_ =	sdelay $0x3  }
0x92: {  	_ =	strace s17  }
0x93: {  	s2 =	sld [smem:$0x3FFC];
	_ =	sdelay $0x3  }
0x94: {  	_ =	strace s2  }
0x95: {  	s2 =	sld [smem:$0x3FFD];
	_ =	sdelay $0x3  }
0x96: {  	_ =	strace s2  }
0x97: {  	_ =	strace $0x8FFFFFFF  }
0x98: {  	s18 =	sld [smem:$0x3FDB];
	_ =	sdelay $0x1  }
0x99: {  	s19 =	simm.s32 $_scs_section_size  }
0x9a: {  	s4 =	simm.s32 $_size__tile_overlayer_lowered;
	s5 =	simm.s32 $_tile_overlayer_lowered  }
0x9b: {  	s22 =	simm.s32 $0x1BFF;
	s21 =	sshll.u32 s5, $0x1;
	s2 =	sadd.s32 s19, s18  }
0x9c: {  	s6 =	simm.s32 $0x0;
	s20 =	sshll.u32 s4, $0x1;
	s4 =	sadd.s32 s21, s2  }
0x9d: {  	[timem:s6], [sflag:s22] =	dma.local [hbm:s4], s20  }
0x9e: {  	_ =	swait.ge [sflag:s22], s20  }
0x9f: {  	s3 =	ssub.s32 $0x0, s20;
	[sflag:s22] =	ssyncset.done $0x0  }
0xa0: {  	[sflag:s22] =	ssyncadd.s32 s3;
	_ =	sdelay $0x1  }
0xa1: {  	s23 =	simm.s32 $0x1B8B  }
0xa2: {  	_ =	swait.ge [sflag:s23], $0x1  }
0xa3: {  	[sflag:s23] =	ssyncset.done $0x0  }
0xa4: {  	s25 =	simm.s32 $0x1B8E;
	s24 =	sld [smem:$0x3FFE];
	[sflag:s23] =	ssyncadd.s32 $0xFFFFFFFF  }
0xa5: {  	s26 =	simm.s32 $execute0_lowered;
	[smem:$0x3FD2] =	sst s25  }
0xa6: {  	s4 =	sshll.u32 s26, $0x1;
	_ =	strace $0x8000004F;
	[dreg:$0x1] =	wrdreg $0xFFFFFFFF  }
0xa7: {  	s28 =	simm.s32 $_size_execute0_lowered;
	s2 =	sadd.s32 s2, s4;
	[dreg:$0x0] =	wrdreg $0x0  }
0xa8: {  	s4 =	sshll.u32 s28, $0x1;
	[dreg:$0x2] =	wrdreg s2  }
0xa9: {  	[dreg:$0x3] =	wrdreg s4  }
0xaa: {  	[dreg:$0x4] =	wrdreg $0xC0  }
0xab: {  	_ =	task [dreg:s6], $0x5FFFF  }
0xac: {  	[dreg:$0x1] =	wrdreg $0xFFFFFFFF  }
0xad: {  	[dreg:$0x0] =	wrdreg $0x60  }
0xae: {  	[dreg:$0x2] =	wrdreg s24  }
0xaf: {  	[dreg:$0x3] =	wrdreg $0x110000  }
0xb0: {  	[dreg:$0x4] =	wrdreg $0x9  }
0xb1: {  	_ =	task.clear_ibuf [dreg:s6], $0x5FFFF;
	_ =	strace $0x9000004F  }
0xb2: {  	s29 =	simm.s32 $0x9;
	_ =	strace $0x80000051  }
0xb3: {  	_ =	swait.ge [sflag:s29], $0x1  }
0xb4: {  	[sflag:s29] =	ssyncadd.s32 $0xFFFFFFFF  }
0xb5: {  	_ =	strace $0x90000051  }
0xb6: {  	_ =	sfence  }
0xb7: {  	s30 =	sld [smem:$0x0];
	_ =	sdelay $0x2  }
0xb8: {  	s31 =	sshll.u32 s1, $0xD;
	s1 =	sshrl.u32 s1, $0x2  }
0xb9: {  	s3 =	sand.u32 $0x4000, s31;
	s1 =	sadd.s32 s1, s30  }
0xba: {  	s0 =	sor.u32 s3, s0;
	s1 =	sshll.u32 s1, $0x11  }
0xbb: {  	s0 =	sor.u32 s1, s0  }
0xbc: {  	s0 =	sadd.s32 $0x8F2B, s0  }
0xbd: {  	[sflag:s0] =	ssyncadd.remote.s32 $0x1  }
0xbe: {  	_ =	sfence.sel $0xFFFF  }
0xbf: {  	[dreg:$0x0] =	wrdreg $0xFFFFFFFF;
	(pc) =	sbr.abs _section_cstart, $3  }
0xc0: {  	[dreg:$0x1] =	wrdreg $0xFFFFFFFF  }
0xc1: {  	_ =	task.clear_ibuf [dreg:s6], $0x2FFFF;
	_ =	strace $0x9FFFFFFF  }
0xc2: {  	(tm) =	ssettm $0x7FFFFFFF  }
0xc3: {  	_ =	shalt  }
tec
execute0_lowered:
.L_overlay_start_1:
0x0: {  	(tag) =	ssettag $0x1  }
0x1: {  	s0 =	rddreg [dreg:$0x0];
	s2 =	srdreg.scid  }
0x2: {  	s1 =	rddreg [dreg:$0x1];
	s3 =	simm.s32 $0x0;
	s13 =	stileid.u32  }
0x3: {  	s12 =	simm.s32 $0xA;
	s17 =	simm.s32 $0x80;
	s18 =	simm.s32 $0x5000  }
0x4: {  	s19 =	simm.s32 $0x8000;
	s21 =	simm.s32 $0xB000;
	s28 =	simm.s32 $0x6  }
0x5: {  	s29 =	simm.s32 $0x4;
	s30 =	simm.s32 $0x7;
	s8 =	smul.u32 $0xF000, s13  }
0x6: {  	s2 =	sand.u32 $0x1, s2;
	[smem:$0x7FF] =	sst s3;
	s5 =	smul.u32 $0x5000, s13  }
0x7: {  	s6 =	sadd.s32 $0xE600, s0;
	s26 =	sshll.u32 s13, $0x6;
	s7 =	smul.u32 $0xF0000, s2  }
0x8: {  	_ =	strace $0x80000050;
	s2 =	ssub.s32 $0x2, s2;
	s15 =	sor.u32 $0x1C0A, s26  }
0x9: {  	s26 =	simm.s32 $0x3;
	s10 =	sshrl.u32 s2, $0x1;
	s11 =	sshrl.u32 s5, $0x3  }
0xa: {  	s24 =	sadd.s32 s8, s1;
	s4 =	sshrl.u32 s7, $0x3;
	s7 =	sadd.s32 s8, s7  }
0xb: {  	s2 =	ssub.s32 s2, s10;
	s23 =	sadd.s32 s6, s11;
	s8 =	sshrl.u32 s8, $0x3  }
0xc: {  	s16 =	sshrl.u32 s24, $0x3;
	s24 =	simm.s32 $0x2;
	s9 =	sadd.s32 s4, s0  }
0xd: {  	s4 =	sadd.s32 $0x4600, s0;
	s7 =	sshrl.u32 s7, $0x3;
	[dreg:$0x4] =	wrdreg s23  }
.Ltmp0:
0xe: {  	s25 =	smax.u32 s2, $0x1;
	s23 =	simm.s32 $0xE000;
	(pc) =	sbr.rel .LBB2_1-.Ltmp0, $4  }
0xf: {  	s0 =	sadd.s32 s7, s0;
	s22 =	sadd.s32 s4, s11;
	[dreg:$0x6] =	wrdreg s25  }
0x10: {  	s9 =	sadd.s32 $0x40600, s9;
	[dreg:$0x3] =	wrdreg s22;
	s0 =	sadd.s32 $0x7C600, s0  }
0x11: {  	s25 =	simm.s32 $0x5;
	s31 =	sadd.s32 s8, s9;
	[dreg:$0x5] =	wrdreg s0  }
0x12: {  	s22 =	simm.s32 $0x1;
	[dreg:$0x7] =	wrdreg s31;
	s0 =	simm.s32 $0x0  }
.LBB2_7:
0x13: {  	_ =	swait.ge [sflag:s29], $0x3000  }
0x14: {  	[sflag:s29] =	ssyncset.done $0x0  }
0x15: {  	[sflag:s29] =	ssyncadd.s32 $0xFFFFD000  }
0x16: {  	[spmem:s1] =	stream.indirect.scatter.add.f32 [tilespmem:s23], [sflag:$0x8], $0x60, s7, s17, $0xb8;
	v63 =	vld [tilespmem:$0x0]  }
0x17: {  	_ =	swait.ge [sflag:s30], $0x3000  }
0x18: {  	[sflag:s30] =	ssyncset.done $0x0  }
0x19: {  	s2 =	simm.s32 $0x8;
	[sflag:s30] =	ssyncadd.s32 $0xFFFFD000  }
0x1a: {  	_ =	swait.ge [sflag:s2], $0x3000  }
0x1b: {  	[sflag:s2] =	ssyncset.done $0x0  }
0x1c: {  	[sflag:s2] =	ssyncadd.s32 $0xFFFFD000  }
0x1d: {  	[bflag:$0x0] =	sbarrier.arrive $0xFFFF  }
0x1e: {  	s20 =	rddreg [dreg:$0x5]  }
0x1f: {  	[hbm:s20], [sflag:s15] =	dma.local [spmem:s16], $0x1E00  }
0x20: {  	_ =	swait.ge [sflag:s12], $0x1E00  }
0x21: {  	s0 =	sadd.s32 $0x1, s0;
	s31 =	rddreg [dreg:$0x6]  }
0x22: {  	p0 =	sne.s32 s0, s31  }
.Ltmp1:
0x23: {  	_ = 	snop;
	(pc) =	sbr.rel @!p0 .LBB2_8-.Ltmp1, $3  }
0x24: {  	_ =	sdelay $0x1  }
0x25: {  	[sflag:s12] =	ssyncset.done $0x0  }
0x26: {  	[sflag:s12] =	ssyncadd.s32 $0xFFFFE200  }
.LBB2_1:
0x27: {  	s2 =	rddreg [dreg:$0x3]  }
0x28: {  	[tilespmem:s3], [sflag:$0xA] =	stream.linear.gather [hbm4b:s2+s3], $0x1400, $0x38;
	v63 =	vld [tilespmem:$0x0]  }
0x29: {  	_ =	swait.ge [sflag:s12], $0x1400  }
0x2a: {  	[sflag:s12] =	ssyncset.done $0x0  }
0x2b: {  	s7 =	simm.s32 $0x2800;
	s14 =	rddreg [dreg:$0x4];
	[sflag:s12] =	ssyncadd.s32 $0xFFFFEC00  }
0x2c: {  	[tilespmem:s7], [sflag:$0xA] =	stream.linear.gather [hbm4b:s14+s3], $0x1400, $0x38;
	v63 =	vld [tilespmem:$0x0]  }
0x2d: {  	_ =	swait.ge [sflag:s12], $0x1400  }
0x2e: {  	[sflag:s12] =	ssyncset.done $0x0  }
0x2f: {  	s20 =	rddreg [dreg:$0x7];
	[sflag:s12] =	ssyncadd.s32 $0xFFFFEC00  }
0x30: {  	[spmem:s16], [sflag:s15] =	dma.local [hbm:s20], $0x1E00  }
0x31: {  	_ =	swait.ge [sflag:s12], $0x1E00  }
0x32: {  	[sflag:s12] =	ssyncset.done $0x0  }
0x33: {  	[sflag:s12] =	ssyncadd.s32 $0xFFFFE200  }
0x34: {  	[bflag:$0x0] =	sbarrier.arrive $0xFFFF  }
0x35: {  	[tilespmem:s18], [sflag:$0x1] =	stream.indirect.gather [hbm4b:s9+s17], $0x60, s3, s17, $0xb8;
	v63 =	vld [tilespmem:$0x0]  }
0x36: {  	_ = 	snop  }
0x37: {  	[tilespmem:s19], [sflag:$0x2] =	stream.indirect.gather [hbm4b:s9+s17], $0x60, s17, s17, $0xb8;
	v63 =	vld [tilespmem:$0x0]  }
0x38: {  	s31 =	simm.s32 $0x100;
	s13 =	simm.s32 $0x0;
	s2 =	simm.s32 $0x0  }
0x39: {  	[tilespmem:s21], [sflag:$0x3] =	stream.indirect.gather [hbm4b:s9+s17], $0x60, s31, s17, $0xb8;
	v63 =	vld [tilespmem:$0x0]  }
.LBB2_2:
0x3a: {  	s7 =	sand.u32 $0xFF, s2;
	s8 =	smul.u32 $0xCD, s13  }
0x3b: {  	s7 =	smul.u32 $0xCD, s7  }
0x3c: {  	s10 =	smulhi.u32 $0xCCCCCCCD, s13  }
0x3d: {  	_ =	swait.ge [sflag:s22], $0x3000;
	s7 =	sshrl.u32 s7, $0xD  }
0x3e: {  	s8 =	sshrl.u32 s8, $0xB;
	s10 =	sshrl.u32 s10, $0x3;
	s7 =	smul.u32 $0x28, s7  }
0x3f: {  	p1 =	sgt.u32 s13, $0x1D;
	s20 =	sand.u32 $0x1, s8;
	s10 =	smul.u32 $0x28, s10  }
0x40: {  	p0 =	seq.s32 s20, $0x1;
	s11 =	ssub.s32 s2, s7;
	s7 =	simm.s32 $0x1400  }
0x41: {  	[sflag:s22] =	ssyncset.done $0x0;
	s11 =	sand.u32 $0xFF, s11;
	s7 =	simm.s32 @!p0 $0x0  }
0x42: {  	p2 =	sne.s32 @!p1 s10, s2;
	s20 =	sor.u32 $0x2800, s7;
	s11 =	sshll.u32 s11, $0x7  }
0x43: {  	[sflag:s22] =	ssyncadd.s32 $0xFFFFD000;
	p1 =	por p1, p2;
	s11 =	sadd.s32 s11, s20  }
0x44: {  	[spmem:s1] =	stream.indirect.scatter.add.f32 [tilespmem:s18], [sflag:$0x5], $0x60, s11, s17, $0xb8;
	v63 =	vld [tilespmem:$0x0]  }
.Ltmp2:
0x45: {  	p0 =	seq.s32 s2, $0x0;
	(pc) =	sbr.rel @p1 .LBB2_4-.Ltmp2, $4  }
0x46: {  	s11 =	simm.s32 @!p0 $0x8  }
0x47: {  	_ =	swait.ge @!p0 [sflag:s11], $0x3000  }
0x48: {  	[sflag:s11] =	ssyncset.done @!p0 $0x0  }
0x49: {  	[sflag:s11] =	ssyncadd.s32 @!p0 $0xFFFFD000  }
0x4a: {  	s8 =	sand.u32 $0x1F, s8  }
0x4b: {  	s8 =	sadd.s32 $0x1, s8  }
0x4c: {  	s10 =	smul.u32 $0x1400, s8  }
0x4d: {  	s8 =	sand.u32 $0x1, s8  }
0x4e: {  	p0 =	seq.s32 s8, $0x1;
	s10 =	sadd.s32 s5, s10  }
.Ltmp3:
0x4f: {  	s8 =	simm.s32 $0x1400;
	s10 =	sshrl.u32 s10, $0x3;
	(pc) =	sbr.rel .LBB2_5-.Ltmp3, $4  }
0x50: {  	s8 =	simm.s32 @!p0 $0x0;
	s11 =	sadd.s32 s4, s10  }
0x51: {  	[tilespmem:s8], [sflag:$0x9] =	stream.linear.gather [hbm4b:s11+s3], $0x1400, $0x38;
	v63 =	vld [tilespmem:$0x0]  }
0x52: {  	p0 =	por $0x1, $0x1;
	s10 =	sadd.s32 s6, s10;
	s8 =	sor.u32 $0x2800, s8  }
0x53: {  	[tilespmem:s8], [sflag:$0x9] =	stream.linear.gather [hbm4b:s10+s3], $0x1400, $0x38;
	v63 =	vld [tilespmem:$0x0]  }
.LBB2_4:
0x54: {  	s8 =	sadd.s32 $0x24, s10;
	p1 =	seq.s32 s2, $0x9C  }
0x55: {  	p2 =	sne.s32 @!p1 s8, s2  }
0x56: {  	p3 =	por p2, p1  }
0x57: {  	s8 =	simm.s32 @!p3 $0x9  }
0x58: {  	_ =	swait.ge @!p3 [sflag:s8], $0x1400  }
0x59: {  	[sflag:s8] =	ssyncset.done @!p3 $0x0  }
0x5a: {  	p0 =	sne.s32 s2, $0x9C;
	[sflag:s8] =	ssyncadd.s32 @!p3 $0xFFFFEC00  }
0x5b: {  	p2 =	por !p2, p1;
	p4 =	por @!p3 $0x1, $0x1;
	_ =	swait.ge @!p3 [sflag:s8], $0x1400  }
0x5c: {  	p4 =	por @!p2 p0, p0;
	[sflag:s8] =	ssyncset.done @!p3 $0x0  }
0x5d: {  	p0 =	por @!p1 p4, p4;
	[sflag:s8] =	ssyncadd.s32 @!p3 $0xFFFFEC00  }
.LBB2_5:
0x5e: {  	s8 =	sor.u32 $0x3, s2  }
0x5f: {  	s10 =	sand.u32 $0xFF, s8  }
0x60: {  	s10 =	smul.u32 $0xCD, s10;
	_ =	sdelay $0x1  }
0x61: {  	s10 =	sshrl.u32 s10, $0xD  }
0x62: {  	s10 =	smul.u32 $0x28, s10  }
0x63: {  	s11 =	sor.u32 $0x1, s2  }
0x64: {  	s31 =	sand.u32 $0xFF, s11;
	s8 =	ssub.s32 s8, s10  }
0x65: {  	s10 =	smul.u32 $0xCD, s31;
	s8 =	sand.u32 $0xFF, s8  }
0x66: {  	s8 =	sshll.u32 s8, $0x9  }
0x67: {  	s10 =	sshrl.u32 s10, $0xD;
	s8 =	sshrl.u32 s8, $0x2  }
0x68: {  	s10 =	smul.u32 $0x28, s10;
	s7 =	sadd.s32 s8, s7  }
0x69: {  	[tilespmem:s23], [sflag:$0x4] =	stream.indirect.gather [hbm4b:s9+s17], $0x60, s7, s17, $0xb8;
	v63 =	vld [tilespmem:$0x0]  }
0x6a: {  	s14 =	ssub.s32 s11, s10  }
0x6b: {  	s10 =	sadd.s32 @p0 $0x4, s2;
	s7 =	sand.u32 $0xFF, s14;
	_ =	swait.ge [sflag:s24], $0x3000  }
0x6c: {  	s11 =	sand.u32 @p0 $0xFF, s10;
	[sflag:s24] =	ssyncset.done $0x0;
	s7 =	sshll.u32 s7, $0x7  }
0x6d: {  	s11 =	smul.u32 @p0 $0xCD, s11;
	[sflag:s24] =	ssyncadd.s32 $0xFFFFD000;
	s7 =	sadd.s32 s7, s20  }
0x6e: {  	[spmem:s1] =	stream.indirect.scatter.add.f32 [tilespmem:s19], [sflag:$0x6], $0x60, s7, s17, $0xb8;
	v63 =	vld [tilespmem:$0x0]  }
0x6f: {  	s7 =	sshrl.u32 @p0 s11, $0xD  }
0x70: {  	s11 =	smul.u32 @p0 $0x28, s7  }
0x71: {  	s14 =	simm.s32 @p0 $0x1400  }
0x72: {  	s7 =	sand.u32 @p0 $0x1, s7;
	s10 =	ssub.s32 @p0 s10, s11;
	s11 =	sor.u32 $0x2, s2  }
0x73: {  	_ =	swait.ge [sflag:s25], $0x3000;
	p1 =	seq.s32 @p0 s7, $0x1;
	s31 =	sand.u32 $0xFF, s11  }
0x74: {  	[sflag:s25] =	ssyncset.done $0x0;
	p1 =	por !p1, !p0;
	s7 =	smul.u32 $0xCD, s31  }
0x75: {  	[sflag:s25] =	ssyncadd.s32 $0xFFFFD000;
	s10 =	sand.u32 @p0 $0xFF, s10;
	s14 =	simm.s32 @p1 $0x0  }
0x76: {  	s10 =	sshll.u32 @p0 s10, $0x7;
	s31 =	simm.s32 @p0 $0x5000;
	s7 =	sshrl.u32 s7, $0xD  }
0x77: {  	s10 =	sadd.s32 @p0 s10, s14;
	s14 =	simm.s32 @p0 $0x80;
	s7 =	smul.u32 $0x28, s7  }
0x78: {  	[tilespmem:s31], [sflag:$0x1] =	stream.indirect.gather @p0 [hbm4b:s9+s14], $0x60, s10, s14, $0xb8;
	v63 =	vld [tilespmem:$0x0]  }
0x79: {  	s7 =	ssub.s32 s11, s7  }
0x7a: {  	_ =	swait.ge [sflag:s26], $0x3000;
	s7 =	sand.u32 $0xFF, s7  }
0x7b: {  	p0 =	seq.s32 s2, $0x9C;
	[sflag:s26] =	ssyncset.done $0x0;
	s7 =	sshll.u32 s7, $0x7  }
.Ltmp4:
0x7c: {  	[sflag:s26] =	ssyncadd.s32 $0xFFFFD000;
	s7 =	sadd.s32 s7, s20;
	(pc) =	sbr.rel @p0 .LBB2_7-.Ltmp4, $4  }
0x7d: {  	[spmem:s1] =	stream.indirect.scatter.add.f32 [tilespmem:s21], [sflag:$0x7], $0x60, s7, s17, $0xb8;
	v63 =	vld [tilespmem:$0x0]  }
0x7e: {  	_ =	swait.ge [sflag:s28], $0x3000  }
0x7f: {  	[sflag:s28] =	ssyncset.done $0x0  }
0x80: {  	s7 =	sadd.s32 s8, s20;
	[sflag:s28] =	ssyncadd.s32 $0xFFFFD000  }
0x81: {  	s8 =	sadd.s32 $0x5, s2  }
0x82: {  	s10 =	sand.u32 $0xFF, s8  }
0x83: {  	s10 =	smul.u32 $0xCD, s10;
	_ =	sdelay $0x1  }
0x84: {  	s10 =	sshrl.u32 s10, $0xD  }
0x85: {  	s11 =	smul.u32 $0x28, s10;
	_ =	sdelay $0x1  }
0x86: {  	s31 =	sadd.s32 $0x6, s2;
	s10 =	sand.u32 $0x1, s10;
	s8 =	ssub.s32 s8, s11  }
0x87: {  	p0 =	seq.s32 s10, $0x1;
	s10 =	simm.s32 $0x1400;
	s8 =	sand.u32 $0xFF, s8  }
0x88: {  	s10 =	simm.s32 @!p0 $0x0;
	s11 =	sand.u32 $0xFF, s31;
	s8 =	sshll.u32 s8, $0x7  }
0x89: {  	s8 =	sadd.s32 s8, s10;
	s10 =	smul.u32 $0xCD, s11  }
0x8a: {  	[tilespmem:s19], [sflag:$0x2] =	stream.indirect.gather [hbm4b:s9+s17], $0x60, s8, s17, $0xb8;
	v63 =	vld [tilespmem:$0x0]  }
0x8b: {  	_ =	swait.ge [sflag:s29], $0x3000  }
0x8c: {  	s13 =	sadd.s32 $0x1, s13;
	s10 =	sshrl.u32 s10, $0xD;
	[sflag:s29] =	ssyncset.done $0x0  }
0x8d: {  	s8 =	simm.s32 $0x1400;
	s14 =	smul.u32 $0x28, s10;
	[sflag:s29] =	ssyncadd.s32 $0xFFFFD000  }
0x8e: {  	[spmem:s1] =	stream.indirect.scatter.add.f32 [tilespmem:s23], [sflag:$0x8], $0x60, s7, s17, $0xb8;
	v63 =	vld [tilespmem:$0x0]  }
.Ltmp5:
0x8f: {  	s20 =	ssub.s32 s31, s14;
	s31 =	sand.u32 $0x1, s10;
	(pc) =	sbr.rel .LBB2_2-.Ltmp5, $4  }
0x90: {  	_ =	swait.ge [sflag:s30], $0x3000;
	s7 =	sand.u32 $0xFF, s20;
	p0 =	seq.s32 s31, $0x1  }
0x91: {  	[sflag:s30] =	ssyncset.done $0x0;
	s8 =	simm.s32 @!p0 $0x0;
	s7 =	sshll.u32 s7, $0x7  }
0x92: {  	s2 =	sadd.s32 $0x4, s2;
	[sflag:s30] =	ssyncadd.s32 $0xFFFFD000;
	s7 =	sadd.s32 s7, s8  }
0x93: {  	[tilespmem:s21], [sflag:$0x3] =	stream.indirect.gather [hbm4b:s9+s17], $0x60, s7, s17, $0xb8;
	v63 =	vld [tilespmem:$0x0]  }
.LBB2_8:
0x94: {  	_ =	sfence.sel $0x180000  }
0x95: {  	[bflag:$0x0] =	sbarrier.arrive $0xFFFF  }
0x96: {  	_ =	strace $0x90000050  }
0x97: {  	s0 =	stileid.u32;
	[bflag:$0x2] =	sbarrier.arrive $0xFFFF  }
0x98: {  	p0 =	sne.s32 s0, $0x0;
	s0 =	rddreg [dreg:$0x2]  }
0x99: {  	s0 =	sadd.s32 @!p0 $0x100000, s0  }
0x9a: {  	[sflag:s0] =	ssyncadd.tile.s32 @!p0 $0x1;
	_ =	shalt  }
.Lfunc_end2:
_tile_overlayer_lowered:
.L_overlay_start_2:
0x9b: {  	(tag) =	ssettag $0x2  }
0x9c: {  	s0 =	rddreg [dreg:$0x0];
	s2 =	stileid.u32  }
0x9d: {  	s1 =	rddreg [dreg:$0x1];
	p0 =	sne.s32 s2, $0x0  }
0x9e: {  	s3 =	rddreg [dreg:$0x2];
	[bflag:$0x3] =	sbarrier.arrive $0xFFFF;
	s2 =	simm.s32 @!p0 $0x1C0A  }
0x9f: {  	[timem:s3], [sflag:s2] =	dma.local @!p0 [hbm:s0], s1  }
0xa0: {  	s0 =	simm.s32 @!p0 $0xA  }
0xa1: {  	_ =	swait.ge @!p0 [sflag:s0], s1  }
0xa2: {  	s1 =	ssub.s32 @!p0 $0x0, s1;
	[sflag:s0] =	ssyncset.done @!p0 $0x0  }
0xa3: {  	[sflag:s0] =	ssyncadd.s32 @!p0 s1  }
0xa4: {  	[bflag:$0x3] =	sbarrier.arrive $0xFFFF  }
0xa5: {  	_ =	shalt  }

</sc_bundles>
